<compile_context>
chip_gen: v7x
topology: tpu7x:2x2x1
jax: 0.10.2.dev20260603
libtpu: 0.0.44.dev20260713+nightly
codegen_flags: <defaults>
</compile_context>

<pallas_src>
import numpy as np
import jax
import jax.numpy as jnp
from jax import lax
from jax.experimental import pallas as pl
from jax.experimental.pallas import tpu as pltpu
from jax.experimental.pallas import tpu_sc as plsc

N = 10000
E = 160000
D = 256
G = 64
EPS = 1e-5

NC = 2
NS = 16
HALF = D // NC
W = 128
WD = 256
NWIN = E // W
NWIND = E // WD
NP = 10240
STRIPE = NP // NS

BLK = 400
NBLK = N // BLK

_mesh = plsc.VectorSubcoreMesh(
    core_axis_name="c", subcore_axis_name="s", num_cores=NC, num_subcores=NS
)

_CHUNKS = [(o, min(128, STRIPE - o)) for o in range(0, STRIPE, 128)]


def _fill_f32(ref, rows, cols, val):
    @pl.loop(0, rows)
    def _(i):
        for j in range(cols // 16):
            ref[i, pl.ds(j * 16, 16)] = jnp.full((16,), val, jnp.float32)


def _wait_dma(hbm_ref, vmem_ref, sem):
    pltpu.make_async_copy(hbm_ref.at[pl.ds(0, W)], vmem_ref, sem).wait()


def _segsum_body(t_hbm, src_hbm, dst_hbm, out_hbm, idx_s, idx_d, idx_s1,
                 idx_d1, rows, rows1, acc, g0, g1, a0, a1, a2, a3):
    c = lax.axis_index("c")
    s = lax.axis_index("s")
    base = s * STRIPE

    _fill_f32(rows, W, HALF, 0.0)
    for o, sz in _CHUNKS:
        pltpu.sync_copy(rows.at[pl.ds(0, sz)], acc.at[pl.ds(base + o, sz)])
    plsc.subcore_barrier()

    row_off = c * NP

    def adjust(ref):
        for j in range(W // 16):
            sl = pl.ds(j * 16, 16)
            ref[sl] = ref[sl] + row_off

    @pl.loop(0, NWIN // (2 * NS))
    def _(i):
        w0 = s + 2 * NS * i
        w1 = w0 + NS
        ds0 = pltpu.async_copy(src_hbm.at[pl.ds(w0 * W, W)], idx_s, a0)
        dd0 = pltpu.async_copy(dst_hbm.at[pl.ds(w0 * W, W)], idx_d, a1)
        ds1 = pltpu.async_copy(src_hbm.at[pl.ds(w1 * W, W)], idx_s1, a2)
        dd1 = pltpu.async_copy(dst_hbm.at[pl.ds(w1 * W, W)], idx_d1, a3)
        ds0.wait()
        adjust(idx_s)
        gd0 = pltpu.async_copy(t_hbm.at[idx_s], rows, g0)
        ds1.wait()
        adjust(idx_s1)
        gd0.wait()
        gd1 = pltpu.async_copy(t_hbm.at[idx_s1], rows1, g1)
        dd0.wait()
        pltpu.sync_copy(rows, acc.at[idx_d], add=True)
        gd1.wait()
        dd1.wait()
        pltpu.sync_copy(rows1, acc.at[idx_d1], add=True)

    for w in ((NWIN // (2 * NS)) * 2 * NS + s,):
        @pl.when(w < NWIN)
        def _():
            ds0 = pltpu.async_copy(src_hbm.at[pl.ds(w * W, W)], idx_s, a0)
            dd0 = pltpu.async_copy(dst_hbm.at[pl.ds(w * W, W)], idx_d, a1)
            ds0.wait()
            dd0.wait()
            adjust(idx_s)
            pltpu.async_copy(t_hbm.at[idx_s], rows, g0).wait()
            pltpu.sync_copy(rows, acc.at[idx_d], add=True)

    plsc.subcore_barrier()
    for o, sz in _CHUNKS:
        pltpu.sync_copy(
            acc.at[pl.ds(base + o, sz)],
            out_hbm.at[pl.ds(c * NP + base + o, sz)],
        )


_segsum = pl.kernel(
    _segsum_body,
    out_type=jax.ShapeDtypeStruct((NC * NP, HALF), jnp.float32),
    mesh=_mesh,
    scratch_types=[
        pltpu.VMEM((W,), jnp.int32),
        pltpu.VMEM((W,), jnp.int32),
        pltpu.VMEM((W,), jnp.int32),
        pltpu.VMEM((W,), jnp.int32),
        pltpu.VMEM((W, HALF), jnp.float32),
        pltpu.VMEM((W, HALF), jnp.float32),
        pltpu.VMEM_SHARED((NP, HALF), jnp.float32),
        pltpu.SemaphoreType.DMA,
        pltpu.SemaphoreType.DMA,
        pltpu.SemaphoreType.DMA,
        pltpu.SemaphoreType.DMA,
        pltpu.SemaphoreType.DMA,
        pltpu.SemaphoreType.DMA,
    ],
)


def _deg_body(dst_hbm, out_hbm, idx_d, ones, accd):
    c = lax.axis_index("c")
    s = lax.axis_index("s")
    base = s * STRIPE

    _fill_f32(ones, WD, HALF, 0.0)
    for o, sz in _CHUNKS:
        pltpu.sync_copy(ones.at[pl.ds(0, sz)], accd.at[pl.ds(base + o, sz)])
    _fill_f32(ones, WD, HALF, 1.0)
    plsc.subcore_barrier()

    wk = c * NS + s

    @pl.loop(0, (NWIND + NC * NS - 1) // (NC * NS))
    def _(i):
        w = wk + i * NC * NS

        @pl.when(w < NWIND)
        def _():
            pltpu.sync_copy(dst_hbm.at[pl.ds(w * WD, WD)], idx_d)
            pltpu.sync_copy(ones, accd.at[idx_d], add=True)

    plsc.subcore_barrier()
    for o, sz in _CHUNKS:
        pltpu.sync_copy(
            accd.at[pl.ds(base + o, sz)],
            out_hbm.at[pl.ds(c * NP + base + o, sz)],
        )


_deg = pl.kernel(
    _deg_body,
    out_type=jax.ShapeDtypeStruct((NC * NP, HALF), jnp.float32),
    mesh=_mesh,
    scratch_types=[
        pltpu.VMEM((WD,), jnp.int32),
        pltpu.VMEM((WD, HALF), jnp.float32),
        pltpu.VMEM_SHARED((NP, HALF), jnp.float32),
    ],
)


def _mm0_body(x_ref, wl_ref, wr_ref, t_ref, u_ref):
    xb = x_ref[...]
    t = jnp.dot(xb, wl_ref[...], preferred_element_type=jnp.float32)
    t_ref[0] = t[:, :HALF]
    t_ref[1] = t[:, HALF:]
    u_ref[...] = jnp.dot(xb, wr_ref[...], preferred_element_type=jnp.float32)


def _mm0(x, wl, wr):
    return pl.pallas_call(
        _mm0_body,
        grid=(NBLK,),
        in_specs=[
            pl.BlockSpec((BLK, D), lambda i: (i, 0)),
            pl.BlockSpec((D, D), lambda i: (0, 0)),
            pl.BlockSpec((D, D), lambda i: (0, 0)),
        ],
        out_specs=[
            pl.BlockSpec((NC, BLK, HALF), lambda i: (0, i, 0)),
            pl.BlockSpec((BLK, D), lambda i: (i, 0)),
        ],
        out_shape=[
            jax.ShapeDtypeStruct((NC, NP, HALF), jnp.float32),
            jax.ShapeDtypeStruct((N, D), jnp.float32),
        ],
    )(x, wl, wr)


def _act(s_ref, u_ref, deg_ref, b_ref, g_ref, be_ref):
    sfull = jnp.concatenate([s_ref[0], s_ref[1]], axis=1)
    deg = deg_ref[0, :, 0:1] + deg_ref[1, :, 0:1]
    agg = sfull / jnp.maximum(deg, 1.0)
    h = agg + u_ref[...] + b_ref[...]
    h = g_ref[...] * (h * (1.0 / np.sqrt(1.0 + EPS))) + be_ref[...]
    return jnp.maximum(h, 0.0)


def _mid_body(s_ref, u_ref, deg_ref, b_ref, g_ref, be_ref, wl_ref, wr_ref,
              t_ref, u2_ref):
    h = _act(s_ref, u_ref, deg_ref, b_ref, g_ref, be_ref)
    t = jnp.dot(h, wl_ref[...], preferred_element_type=jnp.float32)
    t_ref[0] = t[:, :HALF]
    t_ref[1] = t[:, HALF:]
    u2_ref[...] = jnp.dot(h, wr_ref[...], preferred_element_type=jnp.float32)


def _mid(s_, u, deg2, b, g, be, wl, wr):
    return pl.pallas_call(
        _mid_body,
        grid=(NBLK,),
        in_specs=[
            pl.BlockSpec((NC, BLK, HALF), lambda i: (0, i, 0)),
            pl.BlockSpec((BLK, D), lambda i: (i, 0)),
            pl.BlockSpec((NC, BLK, HALF), lambda i: (0, i, 0)),
            pl.BlockSpec((1, D), lambda i: (0, 0)),
            pl.BlockSpec((1, D), lambda i: (0, 0)),
            pl.BlockSpec((1, D), lambda i: (0, 0)),
            pl.BlockSpec((D, D), lambda i: (0, 0)),
            pl.BlockSpec((D, D), lambda i: (0, 0)),
        ],
        out_specs=[
            pl.BlockSpec((NC, BLK, HALF), lambda i: (0, i, 0)),
            pl.BlockSpec((BLK, D), lambda i: (i, 0)),
        ],
        out_shape=[
            jax.ShapeDtypeStruct((NC, NP, HALF), jnp.float32),
            jax.ShapeDtypeStruct((N, D), jnp.float32),
        ],
    )(s_, u, deg2, b, g, be, wl, wr)


def _final_body(s_ref, u_ref, deg_ref, b_ref, g_ref, be_ref, batch_ref,
                out_ref, acc_ref, cnt_ref):
    i = pl.program_id(0)

    @pl.when(i == 0)
    def _():
        acc_ref[...] = jnp.zeros((G, D), jnp.float32)
        cnt_ref[...] = jnp.zeros((G, 1), jnp.float32)

    h = _act(s_ref, u_ref, deg_ref, b_ref, g_ref, be_ref)
    bt = batch_ref[0, 0, :]
    onehot = (bt[None, :] == lax.broadcasted_iota(jnp.int32, (G, BLK), 0))
    onehot = onehot.astype(jnp.float32)
    acc_ref[...] += jnp.dot(onehot, h, preferred_element_type=jnp.float32)
    cnt_ref[...] += jnp.sum(onehot, axis=1, keepdims=True)

    @pl.when(i == NBLK - 1)
    def _():
        out_ref[...] = acc_ref[...] / jnp.maximum(cnt_ref[...], 1.0)


def _final(s_, u, deg2, b, g, be, batch3):
    return pl.pallas_call(
        _final_body,
        grid=(NBLK,),
        in_specs=[
            pl.BlockSpec((NC, BLK, HALF), lambda i: (0, i, 0)),
            pl.BlockSpec((BLK, D), lambda i: (i, 0)),
            pl.BlockSpec((NC, BLK, HALF), lambda i: (0, i, 0)),
            pl.BlockSpec((1, D), lambda i: (0, 0)),
            pl.BlockSpec((1, D), lambda i: (0, 0)),
            pl.BlockSpec((1, D), lambda i: (0, 0)),
            pl.BlockSpec((1, 1, BLK), lambda i: (i, 0, 0)),
        ],
        out_specs=pl.BlockSpec((G, D), lambda i: (0, 0)),
        out_shape=jax.ShapeDtypeStruct((G, D), jnp.float32),
        scratch_shapes=[
            pltpu.VMEM((G, D), jnp.float32),
            pltpu.VMEM((G, 1), jnp.float32),
        ],
    )(s_, u, deg2, b, g, be, batch3)


def kernel(x, edge_index, batch, Wl0, Wr0, b0, gamma0, beta0,
           Wl1, Wr1, b1, gamma1, beta1, Wl2, Wr2, b2, gamma2, beta2):
    src = edge_index[0]
    dst = edge_index[1]
    batch3 = batch.reshape(NBLK, 1, BLK)
    params = [
        (b0.reshape(1, D), gamma0.reshape(1, D), beta0.reshape(1, D), Wl1, Wr1),
        (b1.reshape(1, D), gamma1.reshape(1, D), beta1.reshape(1, D), Wl2, Wr2),
        (b2.reshape(1, D), gamma2.reshape(1, D), beta2.reshape(1, D), None, None),
    ]

    deg2 = _deg(dst).reshape(NC, NP, HALF)
    t, u = _mm0(x, Wl0, Wr0)
    for li in range(3):
        s_ = _segsum(t.reshape(NC * NP, HALF), src, dst).reshape(NC, NP, HALF)
        b, g, be, wl, wr = params[li]
        if li < 2:
            t, u = _mid(s_, u, deg2, b, g, be, wl, wr)
        else:
            return _final(s_, u, deg2, b, g, be, batch3)

# --- scband reference (transcript-rebuilt; emitter-appended) ---
"""Pipeline reference for scband-sageencoder-81449759801843 (READ-ONLY COPY).

The authoritative reference and input builder live on the scoring server;
editing this copy changes nothing except your own understanding.
"""

import jax, jax.numpy as jnp
import numpy as np

N = 10000
E = 160000
D = 256
H = 256
G = 64
EPS = 1e-5


def _glorot(key, shape):
    fan_in = shape[0]
    return jax.random.normal(key, shape, dtype=jnp.float32) * (1.0 / np.sqrt(fan_in))


def setup_inputs(seed: int = 0) -> dict:
    key = jax.random.key(seed)
    ks = jax.random.split(key, 32)
    inp = {}
    inp['x'] = jax.random.normal(ks[0], (N, D), dtype=jnp.float32)
    inp['edge_index'] = jax.random.randint(ks[1], (2, E), 0, N, dtype=jnp.int32)
    inp['batch'] = jnp.sort(jax.random.randint(ks[2], (N,), 0, G, dtype=jnp.int32))
    dims = [D, H, H, H]
    for i in range(3):
        inp[f'Wl{i}'] = _glorot(ks[3 + 5 * i], (dims[i], dims[i + 1]))
        inp[f'Wr{i}'] = _glorot(ks[4 + 5 * i], (dims[i], dims[i + 1]))
        inp[f'b{i}'] = jnp.zeros((dims[i + 1],), dtype=jnp.float32)
        inp[f'gamma{i}'] = jnp.ones((dims[i + 1],), dtype=jnp.float32)
        inp[f'beta{i}'] = jnp.zeros((dims[i + 1],), dtype=jnp.float32)
    return inp


def _sage_layer(x, src, dst, Wl, Wr, b, gamma, beta):
    # SAGEConv with mean aggregation: out = lin_l(mean_{j in N(i)} x_j) + lin_r(x_i)
    msgs = x[src]
    agg = jax.ops.segment_sum(msgs, dst, num_segments=N)
    deg = jax.ops.segment_sum(jnp.ones((src.shape[0],), x.dtype), dst, num_segments=N)
    agg = agg / jnp.clip(deg, 1.0, None)[:, None]
    h = agg @ Wl + b + x @ Wr
    # BatchNorm1d in eval mode (running_mean=0, running_var=1 at init)
    h = gamma * (h / jnp.sqrt(1.0 + EPS)) + beta
    return jax.nn.relu(h)


def reference(x, edge_index, batch, Wl0, Wr0, b0, gamma0, beta0, Wl1, Wr1, b1, gamma1, beta1, Wl2, Wr2, b2, gamma2, beta2):
    src = edge_index[0]
    dst = edge_index[1]
    params = [(Wl0, Wr0, b0, gamma0, beta0), (Wl1, Wr1, b1, gamma1, beta1), (Wl2, Wr2, b2, gamma2, beta2)]
    h = x
    for (Wl, Wr, b, g, be) in params:
        h = _sage_layer(h, src, dst, Wl, Wr, b, g, be)
        # dropout is identity in eval mode
    # global_mean_pool
    s = jax.ops.segment_sum(h, batch, num_segments=G)
    cnt = jax.ops.segment_sum(jnp.ones((h.shape[0],), h.dtype), batch, num_segments=G)
    return s / jnp.clip(cnt, 1.0, None)[:, None]

if __name__ == "__main__":
    import jax
    _d = setup_inputs()
    print(jax.jit(kernel)(*tuple(_d.values())))

</pallas_src>

<mosaic_0001>
#map = affine_map<(d0, d1) -> (0, 0)>
#map1 = affine_map<(d0, d1) -> (0)>
module attributes {stable_mosaic.version = 14 : i64} {
  func.func @_segsum_body(%arg0: i32, %arg1: i32, %arg2: memref<20480x128xf32, #tpu.memory_space<hbm>>, %arg3: memref<160000xi32, #tpu.memory_space<hbm>>, %arg4: memref<160000xi32, #tpu.memory_space<hbm>>, %arg5: memref<20480x128xf32, #tpu.memory_space<hbm>>, %arg6: memref<128xi32, #tpu.memory_space<vmem>>, %arg7: memref<128xi32, #tpu.memory_space<vmem>>, %arg8: memref<128xi32, #tpu.memory_space<vmem>>, %arg9: memref<128xi32, #tpu.memory_space<vmem>>, %arg10: memref<128x128xf32, #tpu.memory_space<vmem>>, %arg11: memref<128x128xf32, #tpu.memory_space<vmem>>, %arg12: memref<10240x128xf32, #tpu.memory_space<vmem_shared>>, %arg13: memref<!tpu.dma_semaphore, #tpu.memory_space<semaphore_mem>>, %arg14: memref<!tpu.dma_semaphore, #tpu.memory_space<semaphore_mem>>, %arg15: memref<!tpu.dma_semaphore, #tpu.memory_space<semaphore_mem>>, %arg16: memref<!tpu.dma_semaphore, #tpu.memory_space<semaphore_mem>>, %arg17: memref<!tpu.dma_semaphore, #tpu.memory_space<semaphore_mem>>, %arg18: memref<!tpu.dma_semaphore, #tpu.memory_space<semaphore_mem>>) attributes {dimension_semantics = [#tpu.dimension_semantics<core_parallel>, #tpu.dimension_semantics<subcore_parallel>], iteration_bounds = array<i64: 2, 16>, scalar_prefetch = 0 : i64, scratch_operands = 13 : i64, tpu.core_type = #tpu.core_type<sc_vector_subcore>, window_params = [{transform_indices = #map}, {transform_indices = #map1}, {transform_indices = #map1}, {transform_indices = #map}]} {
    %mul3A = arith.constant 640 : i32
    %mul3A_0 = arith.muli %arg1, %mul3A : i32
    %scan3A = arith.constant 0 : i32
    %scan3A_1 = arith.constant 128 : i32
    %scan3A_2 = arith.addi %scan3A, %scan3A_1 : i32
    %scan3A_3 = arith.constant 1 : i32
    scf.for %scan3A_61 = %scan3A to %scan3A_2 step %scan3A_3  : i32 {
      %mul3A_62 = arith.constant 1 : i32
      %mul3A_63 = arith.muli %scan3A_61, %mul3A_62 : i32
      %add3A_64 = arith.constant 0 : i32
      %add3A_65 = arith.addi %add3A_64, %mul3A_63 : i32
      %broadcast_in_dim3A = arith.constant 0.000000e+00 : f32
      %broadcast_in_dim3A_66 = vector.broadcast %broadcast_in_dim3A : f32 to vector<16xf32>
      %swap3A = arith.index_cast %add3A_65 : i32 to index
      %swap3A_67 = arith.constant 0 : index
      %swap3A_68 = tpu.vector_load %arg10[%swap3A, %swap3A_67] {strides = array<i32>} : memref<128x128xf32, #tpu.memory_space<vmem>>, vector<1x16xf32>,
      %swap3A_69 = vector.shape_cast %swap3A_68 : vector<1x16xf32> to vector<16xf32>
      %swap3A_70 = vector.shape_cast %broadcast_in_dim3A_66 : vector<16xf32> to vector<1x16xf32>
      tpu.vector_store %arg10[%swap3A, %swap3A_67], %swap3A_70 {strides = array<i32>} : memref<128x128xf32, #tpu.memory_space<vmem>>, vector<1x16xf32>,
      %broadcast_in_dim3A_71 = arith.constant 0.000000e+00 : f32
      %broadcast_in_dim3A_72 = vector.broadcast %broadcast_in_dim3A_71 : f32 to vector<16xf32>
      %swap3A_73 = arith.index_cast %add3A_65 : i32 to index
      %swap3A_74 = arith.constant 16 : index
      %swap3A_75 = tpu.vector_load %arg10[%swap3A_73, %swap3A_74] {strides = array<i32>} : memref<128x128xf32, #tpu.memory_space<vmem>>, vector<1x16xf32>,
      %swap3A_76 = vector.shape_cast %swap3A_75 : vector<1x16xf32> to vector<16xf32>
      %swap3A_77 = vector.shape_cast %broadcast_in_dim3A_72 : vector<16xf32> to vector<1x16xf32>
      tpu.vector_store %arg10[%swap3A_73, %swap3A_74], %swap3A_77 {strides = array<i32>} : memref<128x128xf32, #tpu.memory_space<vmem>>, vector<1x16xf32>,
      %broadcast_in_dim3A_78 = arith.constant 0.000000e+00 : f32
      %broadcast_in_dim3A_79 = vector.broadcast %broadcast_in_dim3A_78 : f32 to vector<16xf32>
      %swap3A_80 = arith.index_cast %add3A_65 : i32 to index
      %swap3A_81 = arith.constant 32 : index
      %swap3A_82 = tpu.vector_load %arg10[%swap3A_80, %swap3A_81] {strides = array<i32>} : memref<128x128xf32, #tpu.memory_space<vmem>>, vector<1x16xf32>,
      %swap3A_83 = vector.shape_cast %swap3A_82 : vector<1x16xf32> to vector<16xf32>
      %swap3A_84 = vector.shape_cast %broadcast_in_dim3A_79 : vector<16xf32> to vector<1x16xf32>
      tpu.vector_store %arg10[%swap3A_80, %swap3A_81], %swap3A_84 {strides = array<i32>} : memref<128x128xf32, #tpu.memory_space<vmem>>, vector<1x16xf32>,
      %broadcast_in_dim3A_85 = arith.constant 0.000000e+00 : f32
      %broadcast_in_dim3A_86 = vector.broadcast %broadcast_in_dim3A_85 : f32 to vector<16xf32>
      %swap3A_87 = arith.index_cast %add3A_65 : i32 to index
      %swap3A_88 = arith.constant 48 : index
      %swap3A_89 = tpu.vector_load %arg10[%swap3A_87, %swap3A_88] {strides = array<i32>} : memref<128x128xf32, #tpu.memory_space<vmem>>, vector<1x16xf32>,
      %swap3A_90 = vector.shape_cast %swap3A_89 : vector<1x16xf32> to vector<16xf32>
      %swap3A_91 = vector.shape_cast %broadcast_in_dim3A_86 : vector<16xf32> to vector<1x16xf32>
      tpu.vector_store %arg10[%swap3A_87, %swap3A_88], %swap3A_91 {strides = array<i32>} : memref<128x128xf32, #tpu.memory_space<vmem>>, vector<1x16xf32>,
      %broadcast_in_dim3A_92 = arith.constant 0.000000e+00 : f32
      %broadcast_in_dim3A_93 = vector.broadcast %broadcast_in_dim3A_92 : f32 to vector<16xf32>
      %swap3A_94 = arith.index_cast %add3A_65 : i32 to index
      %swap3A_95 = arith.constant 64 : index
      %swap3A_96 = tpu.vector_load %arg10[%swap3A_94, %swap3A_95] {strides = array<i32>} : memref<128x128xf32, #tpu.memory_space<vmem>>, vector<1x16xf32>,
      %swap3A_97 = vector.shape_cast %swap3A_96 : vector<1x16xf32> to vector<16xf32>
      %swap3A_98 = vector.shape_cast %broadcast_in_dim3A_93 : vector<16xf32> to vector<1x16xf32>
      tpu.vector_store %arg10[%swap3A_94, %swap3A_95], %swap3A_98 {strides = array<i32>} : memref<128x128xf32, #tpu.memory_space<vmem>>, vector<1x16xf32>,
      %broadcast_in_dim3A_99 = arith.constant 0.000000e+00 : f32
      %broadcast_in_dim3A_100 = vector.broadcast %broadcast_in_dim3A_99 : f32 to vector<16xf32>
      %swap3A_101 = arith.index_cast %add3A_65 : i32 to index
      %swap3A_102 = arith.constant 80 : index
      %swap3A_103 = tpu.vector_load %arg10[%swap3A_101, %swap3A_102] {strides = array<i32>} : memref<128x128xf32, #tpu.memory_space<vmem>>, vector<1x16xf32>,
      %swap3A_104 = vector.shape_cast %swap3A_103 : vector<1x16xf32> to vector<16xf32>
      %swap3A_105 = vector.shape_cast %broadcast_in_dim3A_100 : vector<16xf32> to vector<1x16xf32>
      tpu.vector_store %arg10[%swap3A_101, %swap3A_102], %swap3A_105 {strides = array<i32>} : memref<128x128xf32, #tpu.memory_space<vmem>>, vector<1x16xf32>,
      %broadcast_in_dim3A_106 = arith.constant 0.000000e+00 : f32
      %broadcast_in_dim3A_107 = vector.broadcast %broadcast_in_dim3A_106 : f32 to vector<16xf32>
      %swap3A_108 = arith.index_cast %add3A_65 : i32 to index
      %swap3A_109 = arith.constant 96 : index
      %swap3A_110 = tpu.vector_load %arg10[%swap3A_108, %swap3A_109] {strides = array<i32>} : memref<128x128xf32, #tpu.memory_space<vmem>>, vector<1x16xf32>,
      %swap3A_111 = vector.shape_cast %swap3A_110 : vector<1x16xf32> to vector<16xf32>
      %swap3A_112 = vector.shape_cast %broadcast_in_dim3A_107 : vector<16xf32> to vector<1x16xf32>
      tpu.vector_store %arg10[%swap3A_108, %swap3A_109], %swap3A_112 {strides = array<i32>} : memref<128x128xf32, #tpu.memory_space<vmem>>, vector<1x16xf32>,
      %broadcast_in_dim3A_113 = arith.constant 0.000000e+00 : f32
      %broadcast_in_dim3A_114 = vector.broadcast %broadcast_in_dim3A_113 : f32 to vector<16xf32>
      %swap3A_115 = arith.index_cast %add3A_65 : i32 to index
      %swap3A_116 = arith.constant 112 : index
      %swap3A_117 = tpu.vector_load %arg10[%swap3A_115, %swap3A_116] {strides = array<i32>} : memref<128x128xf32, #tpu.memory_space<vmem>>, vector<1x16xf32>,
      %swap3A_118 = vector.shape_cast %swap3A_117 : vector<1x16xf32> to vector<16xf32>
      %swap3A_119 = vector.shape_cast %broadcast_in_dim3A_114 : vector<16xf32> to vector<1x16xf32>
      tpu.vector_store %arg10[%swap3A_115, %swap3A_116], %swap3A_119 {strides = array<i32>} : memref<128x128xf32, #tpu.memory_space<vmem>>, vector<1x16xf32>,
    }
    %scan3A_4 = arith.constant 128 : i32
    %add3A = arith.constant 0 : i32
    %add3A_5 = arith.addi %mul3A_0, %add3A : i32
    "tpu.region"() ({
      %run_scoped3A = tpu.sem_alloc : memref<!tpu.dma_semaphore, #tpu.memory_space<semaphore_mem>>
      %dma_start3A = arith.constant 0 : i32
      %dma_start3A_61 = arith.constant 0 : i32
      %dma_start3A_62 = tpu.memref_slice %arg10[%dma_start3A, %dma_start3A_61] : memref<128x128xf32, #tpu.memory_space<vmem>> -> memref<128x128xf32, #tpu.memory_space<vmem>>
      %dma_start3A_63 = arith.constant 0 : i32
      %dma_start3A_64 = tpu.memref_slice %arg12[%add3A_5, %dma_start3A_63] : memref<10240x128xf32, #tpu.memory_space<vmem_shared>> -> memref<128x128xf32, #tpu.memory_space<vmem_shared>>
      %dma_start3A_65 = arith.constant 0 : i32
      %dma_start3A_66 = tpu.memref_slice %arg12[%add3A_5, %dma_start3A_65] : memref<10240x128xf32, #tpu.memory_space<vmem_shared>> -> memref<128x128xf32, #tpu.memory_space<vmem_shared>>
      %dma_start3A_67 = arith.constant 0 : i32
      %dma_start3A_68 = arith.constant 0 : i32
      %dma_start3A_69 = tpu.memref_slice %arg10[%dma_start3A_67, %dma_start3A_68] : memref<128x128xf32, #tpu.memory_space<vmem>> -> memref<128x128xf32, #tpu.memory_space<vmem>>
      tpu.enqueue_dma source(%dma_start3A_69 : memref<128x128xf32, #tpu.memory_space<vmem>>) target(%dma_start3A_66 : memref<128x128xf32, #tpu.memory_space<vmem_shared>>) target_semaphore(%run_scoped3A : memref<!tpu.dma_semaphore, #tpu.memory_space<semaphore_mem>>)
      %dma_wait3A = arith.constant 0 : i32
      %dma_wait3A_70 = arith.constant 0 : i32
      %dma_wait3A_71 = tpu.memref_slice %arg10[%dma_wait3A, %dma_wait3A_70] : memref<128x128xf32, #tpu.memory_space<vmem>> -> memref<128x128xf32, #tpu.memory_space<vmem>>
      %dma_wait3A_72 = arith.constant 0 : i32
      %dma_wait3A_73 = tpu.memref_slice %arg12[%add3A_5, %dma_wait3A_72] : memref<10240x128xf32, #tpu.memory_space<vmem_shared>> -> memref<128x128xf32, #tpu.memory_space<vmem_shared>>
      %dma_wait3A_74 = arith.constant 0 : i32
      %dma_wait3A_75 = tpu.memref_slice %arg12[%add3A_5, %dma_wait3A_74] : memref<10240x128xf32, #tpu.memory_space<vmem_shared>> -> memref<128x128xf32, #tpu.memory_space<vmem_shared>>
      %dma_wait3A_76 = arith.constant 0 : i32
      %dma_wait3A_77 = arith.constant 0 : i32
      %dma_wait3A_78 = tpu.memref_slice %arg10[%dma_wait3A_76, %dma_wait3A_77] : memref<128x128xf32, #tpu.memory_space<vmem>> -> memref<128x128xf32, #tpu.memory_space<vmem>>
      tpu.wait_dma2 semaphore(%run_scoped3A : memref<!tpu.dma_semaphore, #tpu.memory_space<semaphore_mem>>) src(%dma_wait3A_78 : memref<128x128xf32, #tpu.memory_space<vmem>>) dst(%dma_wait3A_75 : memref<128x128xf32, #tpu.memory_space<vmem_shared>>)
      tpu.yield
    }) : () -> ()
    %add3A_6 = arith.constant 128 : i32
    %add3A_7 = arith.addi %mul3A_0, %add3A_6 : i32
    "tpu.region"() ({
      %run_scoped3A = tpu.sem_alloc : memref<!tpu.dma_semaphore, #tpu.memory_space<semaphore_mem>>
      %dma_start3A = arith.constant 0 : i32
      %dma_start3A_61 = arith.constant 0 : i32
      %dma_start3A_62 = tpu.memref_slice %arg10[%dma_start3A, %dma_start3A_61] : memref<128x128xf32, #tpu.memory_space<vmem>> -> memref<128x128xf32, #tpu.memory_space<vmem>>
      %dma_start3A_63 = arith.constant 0 : i32
      %dma_start3A_64 = tpu.memref_slice %arg12[%add3A_7, %dma_start3A_63] : memref<10240x128xf32, #tpu.memory_space<vmem_shared>> -> memref<128x128xf32, #tpu.memory_space<vmem_shared>>
      %dma_start3A_65 = arith.constant 0 : i32
      %dma_start3A_66 = tpu.memref_slice %arg12[%add3A_7, %dma_start3A_65] : memref<10240x128xf32, #tpu.memory_space<vmem_shared>> -> memref<128x128xf32, #tpu.memory_space<vmem_shared>>
      %dma_start3A_67 = arith.constant 0 : i32
      %dma_start3A_68 = arith.constant 0 : i32
      %dma_start3A_69 = tpu.memref_slice %arg10[%dma_start3A_67, %dma_start3A_68] : memref<128x128xf32, #tpu.memory_space<vmem>> -> memref<128x128xf32, #tpu.memory_space<vmem>>
      tpu.enqueue_dma source(%dma_start3A_69 : memref<128x128xf32, #tpu.memory_space<vmem>>) target(%dma_start3A_66 : memref<128x128xf32, #tpu.memory_space<vmem_shared>>) target_semaphore(%run_scoped3A : memref<!tpu.dma_semaphore, #tpu.memory_space<semaphore_mem>>)
      %dma_wait3A = arith.constant 0 : i32
      %dma_wait3A_70 = arith.constant 0 : i32
      %dma_wait3A_71 = tpu.memref_slice %arg10[%dma_wait3A, %dma_wait3A_70] : memref<128x128xf32, #tpu.memory_space<vmem>> -> memref<128x128xf32, #tpu.memory_space<vmem>>
      %dma_wait3A_72 = arith.constant 0 : i32
      %dma_wait3A_73 = tpu.memref_slice %arg12[%add3A_7, %dma_wait3A_72] : memref<10240x128xf32, #tpu.memory_space<vmem_shared>> -> memref<128x128xf32, #tpu.memory_space<vmem_shared>>
      %dma_wait3A_74 = arith.constant 0 : i32
      %dma_wait3A_75 = tpu.memref_slice %arg12[%add3A_7, %dma_wait3A_74] : memref<10240x128xf32, #tpu.memory_space<vmem_shared>> -> memref<128x128xf32, #tpu.memory_space<vmem_shared>>
      %dma_wait3A_76 = arith.constant 0 : i32
      %dma_wait3A_77 = arith.constant 0 : i32
      %dma_wait3A_78 = tpu.memref_slice %arg10[%dma_wait3A_76, %dma_wait3A_77] : memref<128x128xf32, #tpu.memory_space<vmem>> -> memref<128x128xf32, #tpu.memory_space<vmem>>
      tpu.wait_dma2 semaphore(%run_scoped3A : memref<!tpu.dma_semaphore, #tpu.memory_space<semaphore_mem>>) src(%dma_wait3A_78 : memref<128x128xf32, #tpu.memory_space<vmem>>) dst(%dma_wait3A_75 : memref<128x128xf32, #tpu.memory_space<vmem_shared>>)
      tpu.yield
    }) : () -> ()
    %add3A_8 = arith.constant 256 : i32
    %add3A_9 = arith.addi %mul3A_0, %add3A_8 : i32
    "tpu.region"() ({
      %run_scoped3A = tpu.sem_alloc : memref<!tpu.dma_semaphore, #tpu.memory_space<semaphore_mem>>
      %dma_start3A = arith.constant 0 : i32
      %dma_start3A_61 = arith.constant 0 : i32
      %dma_start3A_62 = tpu.memref_slice %arg10[%dma_start3A, %dma_start3A_61] : memref<128x128xf32, #tpu.memory_space<vmem>> -> memref<128x128xf32, #tpu.memory_space<vmem>>
      %dma_start3A_63 = arith.constant 0 : i32
      %dma_start3A_64 = tpu.memref_slice %arg12[%add3A_9, %dma_start3A_63] : memref<10240x128xf32, #tpu.memory_space<vmem_shared>> -> memref<128x128xf32, #tpu.memory_space<vmem_shared>>
      %dma_start3A_65 = arith.constant 0 : i32
      %dma_start3A_66 = tpu.memref_slice %arg12[%add3A_9, %dma_start3A_65] : memref<10240x128xf32, #tpu.memory_space<vmem_shared>> -> memref<128x128xf32, #tpu.memory_space<vmem_shared>>
      %dma_start3A_67 = arith.constant 0 : i32
      %dma_start3A_68 = arith.constant 0 : i32
      %dma_start3A_69 = tpu.memref_slice %arg10[%dma_start3A_67, %dma_start3A_68] : memref<128x128xf32, #tpu.memory_space<vmem>> -> memref<128x128xf32, #tpu.memory_space<vmem>>
      tpu.enqueue_dma source(%dma_start3A_69 : memref<128x128xf32, #tpu.memory_space<vmem>>) target(%dma_start3A_66 : memref<128x128xf32, #tpu.memory_space<vmem_shared>>) target_semaphore(%run_scoped3A : memref<!tpu.dma_semaphore, #tpu.memory_space<semaphore_mem>>)
      %dma_wait3A = arith.constant 0 : i32
      %dma_wait3A_70 = arith.constant 0 : i32
      %dma_wait3A_71 = tpu.memref_slice %arg10[%dma_wait3A, %dma_wait3A_70] : memref<128x128xf32, #tpu.memory_space<vmem>> -> memref<128x128xf32, #tpu.memory_space<vmem>>
      %dma_wait3A_72 = arith.constant 0 : i32
      %dma_wait3A_73 = tpu.memref_slice %arg12[%add3A_9, %dma_wait3A_72] : memref<10240x128xf32, #tpu.memory_space<vmem_shared>> -> memref<128x128xf32, #tpu.memory_space<vmem_shared>>
      %dma_wait3A_74 = arith.constant 0 : i32
      %dma_wait3A_75 = tpu.memref_slice %arg12[%add3A_9, %dma_wait3A_74] : memref<10240x128xf32, #tpu.memory_space<vmem_shared>> -> memref<128x128xf32, #tpu.memory_space<vmem_shared>>
      %dma_wait3A_76 = arith.constant 0 : i32
      %dma_wait3A_77 = arith.constant 0 : i32
      %dma_wait3A_78 = tpu.memref_slice %arg10[%dma_wait3A_76, %dma_wait3A_77] : memref<128x128xf32, #tpu.memory_space<vmem>> -> memref<128x128xf32, #tpu.memory_space<vmem>>
      tpu.wait_dma2 semaphore(%run_scoped3A : memref<!tpu.dma_semaphore, #tpu.memory_space<semaphore_mem>>) src(%dma_wait3A_78 : memref<128x128xf32, #tpu.memory_space<vmem>>) dst(%dma_wait3A_75 : memref<128x128xf32, #tpu.memory_space<vmem_shared>>)
      tpu.yield
    }) : () -> ()
    %add3A_10 = arith.constant 384 : i32
    %add3A_11 = arith.addi %mul3A_0, %add3A_10 : i32
    "tpu.region"() ({
      %run_scoped3A = tpu.sem_alloc : memref<!tpu.dma_semaphore, #tpu.memory_space<semaphore_mem>>
      %dma_start3A = arith.constant 0 : i32
      %dma_start3A_61 = arith.constant 0 : i32
      %dma_start3A_62 = tpu.memref_slice %arg10[%dma_start3A, %dma_start3A_61] : memref<128x128xf32, #tpu.memory_space<vmem>> -> memref<128x128xf32, #tpu.memory_space<vmem>>
      %dma_start3A_63 = arith.constant 0 : i32
      %dma_start3A_64 = tpu.memref_slice %arg12[%add3A_11, %dma_start3A_63] : memref<10240x128xf32, #tpu.memory_space<vmem_shared>> -> memref<128x128xf32, #tpu.memory_space<vmem_shared>>
      %dma_start3A_65 = arith.constant 0 : i32
      %dma_start3A_66 = tpu.memref_slice %arg12[%add3A_11, %dma_start3A_65] : memref<10240x128xf32, #tpu.memory_space<vmem_shared>> -> memref<128x128xf32, #tpu.memory_space<vmem_shared>>
      %dma_start3A_67 = arith.constant 0 : i32
      %dma_start3A_68 = arith.constant 0 : i32
      %dma_start3A_69 = tpu.memref_slice %arg10[%dma_start3A_67, %dma_start3A_68] : memref<128x128xf32, #tpu.memory_space<vmem>> -> memref<128x128xf32, #tpu.memory_space<vmem>>
      tpu.enqueue_dma source(%dma_start3A_69 : memref<128x128xf32, #tpu.memory_space<vmem>>) target(%dma_start3A_66 : memref<128x128xf32, #tpu.memory_space<vmem_shared>>) target_semaphore(%run_scoped3A : memref<!tpu.dma_semaphore, #tpu.memory_space<semaphore_mem>>)
      %dma_wait3A = arith.constant 0 : i32
      %dma_wait3A_70 = arith.constant 0 : i32
      %dma_wait3A_71 = tpu.memref_slice %arg10[%dma_wait3A, %dma_wait3A_70] : memref<128x128xf32, #tpu.memory_space<vmem>> -> memref<128x128xf32, #tpu.memory_space<vmem>>
      %dma_wait3A_72 = arith.constant 0 : i32
      %dma_wait3A_73 = tpu.memref_slice %arg12[%add3A_11, %dma_wait3A_72] : memref<10240x128xf32, #tpu.memory_space<vmem_shared>> -> memref<128x128xf32, #tpu.memory_space<vmem_shared>>
      %dma_wait3A_74 = arith.constant 0 : i32
      %dma_wait3A_75 = tpu.memref_slice %arg12[%add3A_11, %dma_wait3A_74] : memref<10240x128xf32, #tpu.memory_space<vmem_shared>> -> memref<128x128xf32, #tpu.memory_space<vmem_shared>>
      %dma_wait3A_76 = arith.constant 0 : i32
      %dma_wait3A_77 = arith.constant 0 : i32
      %dma_wait3A_78 = tpu.memref_slice %arg10[%dma_wait3A_76, %dma_wait3A_77] : memref<128x128xf32, #tpu.memory_space<vmem>> -> memref<128x128xf32, #tpu.memory_space<vmem>>
      tpu.wait_dma2 semaphore(%run_scoped3A : memref<!tpu.dma_semaphore, #tpu.memory_space<semaphore_mem>>) src(%dma_wait3A_78 : memref<128x128xf32, #tpu.memory_space<vmem>>) dst(%dma_wait3A_75 : memref<128x128xf32, #tpu.memory_space<vmem_shared>>)
      tpu.yield
    }) : () -> ()
    %add3A_12 = arith.constant 512 : i32
    %add3A_13 = arith.addi %mul3A_0, %add3A_12 : i32
    "tpu.region"() ({
      %run_scoped3A = tpu.sem_alloc : memref<!tpu.dma_semaphore, #tpu.memory_space<semaphore_mem>>
      %dma_start3A = arith.constant 0 : i32
      %dma_start3A_61 = arith.constant 0 : i32
      %dma_start3A_62 = tpu.memref_slice %arg10[%dma_start3A, %dma_start3A_61] : memref<128x128xf32, #tpu.memory_space<vmem>> -> memref<128x128xf32, #tpu.memory_space<vmem>>
      %dma_start3A_63 = arith.constant 0 : i32
      %dma_start3A_64 = tpu.memref_slice %arg12[%add3A_13, %dma_start3A_63] : memref<10240x128xf32, #tpu.memory_space<vmem_shared>> -> memref<128x128xf32, #tpu.memory_space<vmem_shared>>
      %dma_start3A_65 = arith.constant 0 : i32
      %dma_start3A_66 = tpu.memref_slice %arg12[%add3A_13, %dma_start3A_65] : memref<10240x128xf32, #tpu.memory_space<vmem_shared>> -> memref<128x128xf32, #tpu.memory_space<vmem_shared>>
      %dma_start3A_67 = arith.constant 0 : i32
      %dma_start3A_68 = arith.constant 0 : i32
      %dma_start3A_69 = tpu.memref_slice %arg10[%dma_start3A_67, %dma_start3A_68] : memref<128x128xf32, #tpu.memory_space<vmem>> -> memref<128x128xf32, #tpu.memory_space<vmem>>
      tpu.enqueue_dma source(%dma_start3A_69 : memref<128x128xf32, #tpu.memory_space<vmem>>) target(%dma_start3A_66 : memref<128x128xf32, #tpu.memory_space<vmem_shared>>) target_semaphore(%run_scoped3A : memref<!tpu.dma_semaphore, #tpu.memory_space<semaphore_mem>>)
      %dma_wait3A = arith.constant 0 : i32
      %dma_wait3A_70 = arith.constant 0 : i32
      %dma_wait3A_71 = tpu.memref_slice %arg10[%dma_wait3A, %dma_wait3A_70] : memref<128x128xf32, #tpu.memory_space<vmem>> -> memref<128x128xf32, #tpu.memory_space<vmem>>
      %dma_wait3A_72 = arith.constant 0 : i32
      %dma_wait3A_73 = tpu.memref_slice %arg12[%add3A_13, %dma_wait3A_72] : memref<10240x128xf32, #tpu.memory_space<vmem_shared>> -> memref<128x128xf32, #tpu.memory_space<vmem_shared>>
      %dma_wait3A_74 = arith.constant 0 : i32
      %dma_wait3A_75 = tpu.memref_slice %arg12[%add3A_13, %dma_wait3A_74] : memref<10240x128xf32, #tpu.memory_space<vmem_shared>> -> memref<128x128xf32, #tpu.memory_space<vmem_shared>>
      %dma_wait3A_76 = arith.constant 0 : i32
      %dma_wait3A_77 = arith.constant 0 : i32
      %dma_wait3A_78 = tpu.memref_slice %arg10[%dma_wait3A_76, %dma_wait3A_77] : memref<128x128xf32, #tpu.memory_space<vmem>> -> memref<128x128xf32, #tpu.memory_space<vmem>>
      tpu.wait_dma2 semaphore(%run_scoped3A : memref<!tpu.dma_semaphore, #tpu.memory_space<semaphore_mem>>) src(%dma_wait3A_78 : memref<128x128xf32, #tpu.memory_space<vmem>>) dst(%dma_wait3A_75 : memref<128x128xf32, #tpu.memory_space<vmem_shared>>)
      tpu.yield
    }) : () -> ()
    %barrier3A = arith.constant 0 : index
    tpu.barrier barrier_id(%barrier3A)
    %mul3A_14 = arith.constant 10240 : i32
    %mul3A_15 = arith.muli %arg0, %mul3A_14 : i32
    %scan3A_16 = arith.constant 0 : i32
    %scan3A_17 = arith.constant 39 : i32
    %scan3A_18 = arith.addi %scan3A_16, %scan3A_17 : i32
    %scan3A_19 = arith.constant 1 : i32
    scf.for %scan3A_61 = %scan3A_16 to %scan3A_18 step %scan3A_19  : i32 {
      %mul3A_62 = arith.constant 1 : i32
      %mul3A_63 = arith.muli %scan3A_61, %mul3A_62 : i32
      %add3A_64 = arith.constant 0 : i32
      %add3A_65 = arith.addi %add3A_64, %mul3A_63 : i32
      %mul3A_66 = arith.constant 32 : i32
      %mul3A_67 = arith.muli %mul3A_66, %add3A_65 : i32
      %add3A_68 = arith.addi %arg1, %mul3A_67 : i32
      %add3A_69 = arith.constant 16 : i32
      %add3A_70 = arith.addi %add3A_68, %add3A_69 : i32
      %mul3A_71 = arith.constant 128 : i32
      %mul3A_72 = arith.muli %add3A_68, %mul3A_71 : i32
      %dma_start3A = tpu.memref_slice %arg3[%mul3A_72] : memref<160000xi32, #tpu.memory_space<hbm>> -> memref<128xi32, #tpu.memory_space<hbm>>
      %dma_start3A_73 = tpu.memref_slice %arg3[%mul3A_72] : memref<160000xi32, #tpu.memory_space<hbm>> -> memref<128xi32, #tpu.memory_space<hbm>>
      tpu.enqueue_dma source(%dma_start3A_73 : memref<128xi32, #tpu.memory_space<hbm>>) target(%arg6 : memref<128xi32, #tpu.memory_space<vmem>>) target_semaphore(%arg15 : memref<!tpu.dma_semaphore, #tpu.memory_space<semaphore_mem>>)
      %mul3A_74 = arith.constant 128 : i32
      %mul3A_75 = arith.muli %add3A_68, %mul3A_74 : i32
      %dma_start3A_76 = tpu.memref_slice %arg4[%mul3A_75] : memref<160000xi32, #tpu.memory_space<hbm>> -> memref<128xi32, #tpu.memory_space<hbm>>
      %dma_start3A_77 = tpu.memref_slice %arg4[%mul3A_75] : memref<160000xi32, #tpu.memory_space<hbm>> -> memref<128xi32, #tpu.memory_space<hbm>>
      tpu.enqueue_dma source(%dma_start3A_77 : memref<128xi32, #tpu.memory_space<hbm>>) target(%arg7 : memref<128xi32, #tpu.memory_space<vmem>>) target_semaphore(%arg16 : memref<!tpu.dma_semaphore, #tpu.memory_space<semaphore_mem>>)
      %mul3A_78 = arith.constant 128 : i32
      %mul3A_79 = arith.muli %add3A_70, %mul3A_78 : i32
      %dma_start3A_80 = tpu.memref_slice %arg3[%mul3A_79] : memref<160000xi32, #tpu.memory_space<hbm>> -> memref<128xi32, #tpu.memory_space<hbm>>
      %dma_start3A_81 = tpu.memref_slice %arg3[%mul3A_79] : memref<160000xi32, #tpu.memory_space<hbm>> -> memref<128xi32, #tpu.memory_space<hbm>>
      tpu.enqueue_dma source(%dma_start3A_81 : memref<128xi32, #tpu.memory_space<hbm>>) target(%arg8 : memref<128xi32, #tpu.memory_space<vmem>>) target_semaphore(%arg17 : memref<!tpu.dma_semaphore, #tpu.memory_space<semaphore_mem>>)
      %mul3A_82 = arith.constant 128 : i32
      %mul3A_83 = arith.muli %add3A_70, %mul3A_82 : i32
      %dma_start3A_84 = tpu.memref_slice %arg4[%mul3A_83] : memref<160000xi32, #tpu.memory_space<hbm>> -> memref<128xi32, #tpu.memory_space<hbm>>
      %dma_start3A_85 = tpu.memref_slice %arg4[%mul3A_83] : memref<160000xi32, #tpu.memory_space<hbm>> -> memref<128xi32, #tpu.memory_space<hbm>>
      tpu.enqueue_dma source(%dma_start3A_85 : memref<128xi32, #tpu.memory_space<hbm>>) target(%arg9 : memref<128xi32, #tpu.memory_space<vmem>>) target_semaphore(%arg18 : memref<!tpu.dma_semaphore, #tpu.memory_space<semaphore_mem>>)
      %dma_wait3A = tpu.memref_slice %arg3[%mul3A_72] : memref<160000xi32, #tpu.memory_space<hbm>> -> memref<128xi32, #tpu.memory_space<hbm>>
      %dma_wait3A_86 = tpu.memref_slice %arg3[%mul3A_72] : memref<160000xi32, #tpu.memory_space<hbm>> -> memref<128xi32, #tpu.memory_space<hbm>>
      tpu.wait_dma2 semaphore(%arg15 : memref<!tpu.dma_semaphore, #tpu.memory_space<semaphore_mem>>) src(%dma_wait3A_86 : memref<128xi32, #tpu.memory_space<hbm>>) dst(%arg6 : memref<128xi32, #tpu.memory_space<vmem>>)
      %get3A = arith.constant 0 : index
      %get3A_87 = tpu.vector_load %arg6[%get3A] {strides = array<i32>} : memref<128xi32, #tpu.memory_space<vmem>>, vector<16xi32>,
      %get3A_88 = vector.shape_cast %get3A_87 : vector<16xi32> to vector<16xi32>
      %add3A_89 = vector.broadcast %mul3A_15 : i32 to vector<16xi32>
      %add3A_90 = arith.addi %get3A_88, %add3A_89 : vector<16xi32>
      %swap3A = arith.constant 0 : index
      %swap3A_91 = tpu.vector_load %arg6[%swap3A] {strides = array<i32>} : memref<128xi32, #tpu.memory_space<vmem>>, vector<16xi32>,
      %swap3A_92 = vector.shape_cast %swap3A_91 : vector<16xi32> to vector<16xi32>
      %swap3A_93 = vector.shape_cast %add3A_90 : vector<16xi32> to vector<16xi32>
      tpu.vector_store %arg6[%swap3A], %swap3A_93 {strides = array<i32>} : memref<128xi32, #tpu.memory_space<vmem>>, vector<16xi32>,
      %get3A_94 = arith.constant 16 : index
      %get3A_95 = tpu.vector_load %arg6[%get3A_94] {strides = array<i32>} : memref<128xi32, #tpu.memory_space<vmem>>, vector<16xi32>,
      %get3A_96 = vector.shape_cast %get3A_95 : vector<16xi32> to vector<16xi32>
      %add3A_97 = vector.broadcast %mul3A_15 : i32 to vector<16xi32>
      %add3A_98 = arith.addi %get3A_96, %add3A_97 : vector<16xi32>
      %swap3A_99 = arith.constant 16 : index
      %swap3A_100 = tpu.vector_load %arg6[%swap3A_99] {strides = array<i32>} : memref<128xi32, #tpu.memory_space<vmem>>, vector<16xi32>,
      %swap3A_101 = vector.shape_cast %swap3A_100 : vector<16xi32> to vector<16xi32>
      %swap3A_102 = vector.shape_cast %add3A_98 : vector<16xi32> to vector<16xi32>
      tpu.vector_store %arg6[%swap3A_99], %swap3A_102 {strides = array<i32>} : memref<128xi32, #tpu.memory_space<vmem>>, vector<16xi32>,
      %get3A_103 = arith.constant 32 : index
      %get3A_104 = tpu.vector_load %arg6[%get3A_103] {strides = array<i32>} : memref<128xi32, #tpu.memory_space<vmem>>, vector<16xi32>,
      %get3A_105 = vector.shape_cast %get3A_104 : vector<16xi32> to vector<16xi32>
      %add3A_106 = vector.broadcast %mul3A_15 : i32 to vector<16xi32>
      %add3A_107 = arith.addi %get3A_105, %add3A_106 : vector<16xi32>
      %swap3A_108 = arith.constant 32 : index
      %swap3A_109 = tpu.vector_load %arg6[%swap3A_108] {strides = array<i32>} : memref<128xi32, #tpu.memory_space<vmem>>, vector<16xi32>,
      %swap3A_110 = vector.shape_cast %swap3A_109 : vector<16xi32> to vector<16xi32>
      %swap3A_111 = vector.shape_cast %add3A_107 : vector<16xi32> to vector<16xi32>
      tpu.vector_store %arg6[%swap3A_108], %swap3A_111 {strides = array<i32>} : memref<128xi32, #tpu.memory_space<vmem>>, vector<16xi32>,
      %get3A_112 = arith.constant 48 : index
      %get3A_113 = tpu.vector_load %arg6[%get3A_112] {strides = array<i32>} : memref<128xi32, #tpu.memory_space<vmem>>, vector<16xi32>,
      %get3A_114 = vector.shape_cast %get3A_113 : vector<16xi32> to vector<16xi32>
      %add3A_115 = vector.broadcast %mul3A_15 : i32 to vector<16xi32>
      %add3A_116 = arith.addi %get3A_114, %add3A_115 : vector<16xi32>
      %swap3A_117 = arith.constant 48 : index
      %swap3A_118 = tpu.vector_load %arg6[%swap3A_117] {strides = array<i32>} : memref<128xi32, #tpu.memory_space<vmem>>, vector<16xi32>,
      %swap3A_119 = vector.shape_cast %swap3A_118 : vector<16xi32> to vector<16xi32>
      %swap3A_120 = vector.shape_cast %add3A_116 : vector<16xi32> to vector<16xi32>
      tpu.vector_store %arg6[%swap3A_117], %swap3A_120 {strides = array<i32>} : memref<128xi32, #tpu.memory_space<vmem>>, vector<16xi32>,
      %get3A_121 = arith.constant 64 : index
      %get3A_122 = tpu.vector_load %arg6[%get3A_121] {strides = array<i32>} : memref<128xi32, #tpu.memory_space<vmem>>, vector<16xi32>,
      %get3A_123 = vector.shape_cast %get3A_122 : vector<16xi32> to vector<16xi32>
      %add3A_124 = vector.broadcast %mul3A_15 : i32 to vector<16xi32>
      %add3A_125 = arith.addi %get3A_123, %add3A_124 : vector<16xi32>
      %swap3A_126 = arith.constant 64 : index
      %swap3A_127 = tpu.vector_load %arg6[%swap3A_126] {strides = array<i32>} : memref<128xi32, #tpu.memory_space<vmem>>, vector<16xi32>,
      %swap3A_128 = vector.shape_cast %swap3A_127 : vector<16xi32> to vector<16xi32>
      %swap3A_129 = vector.shape_cast %add3A_125 : vector<16xi32> to vector<16xi32>
      tpu.vector_store %arg6[%swap3A_126], %swap3A_129 {strides = array<i32>} : memref<128xi32, #tpu.memory_space<vmem>>, vector<16xi32>,
      %get3A_130 = arith.constant 80 : index
      %get3A_131 = tpu.vector_load %arg6[%get3A_130] {strides = array<i32>} : memref<128xi32, #tpu.memory_space<vmem>>, vector<16xi32>,
      %get3A_132 = vector.shape_cast %get3A_131 : vector<16xi32> to vector<16xi32>
      %add3A_133 = vector.broadcast %mul3A_15 : i32 to vector<16xi32>
      %add3A_134 = arith.addi %get3A_132, %add3A_133 : vector<16xi32>
      %swap3A_135 = arith.constant 80 : index
      %swap3A_136 = tpu.vector_load %arg6[%swap3A_135] {strides = array<i32>} : memref<128xi32, #tpu.memory_space<vmem>>, vector<16xi32>,
      %swap3A_137 = vector.shape_cast %swap3A_136 : vector<16xi32> to vector<16xi32>
      %swap3A_138 = vector.shape_cast %add3A_134 : vector<16xi32> to vector<16xi32>
      tpu.vector_store %arg6[%swap3A_135], %swap3A_138 {strides = array<i32>} : memref<128xi32, #tpu.memory_space<vmem>>, vector<16xi32>,
      %get3A_139 = arith.constant 96 : index
      %get3A_140 = tpu.vector_load %arg6[%get3A_139] {strides = array<i32>} : memref<128xi32, #tpu.memory_space<vmem>>, vector<16xi32>,
      %get3A_141 = vector.shape_cast %get3A_140 : vector<16xi32> to vector<16xi32>
      %add3A_142 = vector.broadcast %mul3A_15 : i32 to vector<16xi32>
      %add3A_143 = arith.addi %get3A_141, %add3A_142 : vector<16xi32>
      %swap3A_144 = arith.constant 96 : index
      %swap3A_145 = tpu.vector_load %arg6[%swap3A_144] {strides = array<i32>} : memref<128xi32, #tpu.memory_space<vmem>>, vector<16xi32>,
      %swap3A_146 = vector.shape_cast %swap3A_145 : vector<16xi32> to vector<16xi32>
      %swap3A_147 = vector.shape_cast %add3A_143 : vector<16xi32> to vector<16xi32>
      tpu.vector_store %arg6[%swap3A_144], %swap3A_147 {strides = array<i32>} : memref<128xi32, #tpu.memory_space<vmem>>, vector<16xi32>,
      %get3A_148 = arith.constant 112 : index
      %get3A_149 = tpu.vector_load %arg6[%get3A_148] {strides = array<i32>} : memref<128xi32, #tpu.memory_space<vmem>>, vector<16xi32>,
      %get3A_150 = vector.shape_cast %get3A_149 : vector<16xi32> to vector<16xi32>
      %add3A_151 = vector.broadcast %mul3A_15 : i32 to vector<16xi32>
      %add3A_152 = arith.addi %get3A_150, %add3A_151 : vector<16xi32>
      %swap3A_153 = arith.constant 112 : index
      %swap3A_154 = tpu.vector_load %arg6[%swap3A_153] {strides = array<i32>} : memref<128xi32, #tpu.memory_space<vmem>>, vector<16xi32>,
      %swap3A_155 = vector.shape_cast %swap3A_154 : vector<16xi32> to vector<16xi32>
      %swap3A_156 = vector.shape_cast %add3A_152 : vector<16xi32> to vector<16xi32>
      tpu.vector_store %arg6[%swap3A_153], %swap3A_156 {strides = array<i32>} : memref<128xi32, #tpu.memory_space<vmem>>, vector<16xi32>,
      %dma_start3A_157 = arith.constant 0 : i32
      %dma_start3A_158 = arith.constant 0 : i32
      %dma_start3A_159 = tpu.memref_slice %arg2[%dma_start3A_157, %dma_start3A_158] : memref<20480x128xf32, #tpu.memory_space<hbm>> -> memref<20480x128xf32, #tpu.memory_space<hbm>>
      tpu.enqueue_indirect_dma source(%dma_start3A_159 : memref<20480x128xf32, #tpu.memory_space<hbm>>) target(%arg10 : memref<128x128xf32, #tpu.memory_space<vmem>>) offsets(%arg6 : memref<128xi32, #tpu.memory_space<vmem>>) semaphore(%arg13 : memref<!tpu.dma_semaphore, #tpu.memory_space<semaphore_mem>>)
      %dma_wait3A_160 = tpu.memref_slice %arg3[%mul3A_79] : memref<160000xi32, #tpu.memory_space<hbm>> -> memref<128xi32, #tpu.memory_space<hbm>>
      %dma_wait3A_161 = tpu.memref_slice %arg3[%mul3A_79] : memref<160000xi32, #tpu.memory_space<hbm>> -> memref<128xi32, #tpu.memory_space<hbm>>
      tpu.wait_dma2 semaphore(%arg17 : memref<!tpu.dma_semaphore, #tpu.memory_space<semaphore_mem>>) src(%dma_wait3A_161 : memref<128xi32, #tpu.memory_space<hbm>>) dst(%arg8 : memref<128xi32, #tpu.memory_space<vmem>>)
      %get3A_162 = arith.constant 0 : index
      %get3A_163 = tpu.vector_load %arg8[%get3A_162] {strides = array<i32>} : memref<128xi32, #tpu.memory_space<vmem>>, vector<16xi32>,
      %get3A_164 = vector.shape_cast %get3A_163 : vector<16xi32> to vector<16xi32>
      %add3A_165 = vector.broadcast %mul3A_15 : i32 to vector<16xi32>
      %add3A_166 = arith.addi %get3A_164, %add3A_165 : vector<16xi32>
      %swap3A_167 = arith.constant 0 : index
      %swap3A_168 = tpu.vector_load %arg8[%swap3A_167] {strides = array<i32>} : memref<128xi32, #tpu.memory_space<vmem>>, vector<16xi32>,
      %swap3A_169 = vector.shape_cast %swap3A_168 : vector<16xi32> to vector<16xi32>
      %swap3A_170 = vector.shape_cast %add3A_166 : vector<16xi32> to vector<16xi32>
      tpu.vector_store %arg8[%swap3A_167], %swap3A_170 {strides = array<i32>} : memref<128xi32, #tpu.memory_space<vmem>>, vector<16xi32>,
      %get3A_171 = arith.constant 16 : index
      %get3A_172 = tpu.vector_load %arg8[%get3A_171] {strides = array<i32>} : memref<128xi32, #tpu.memory_space<vmem>>, vector<16xi32>,
      %get3A_173 = vector.shape_cast %get3A_172 : vector<16xi32> to vector<16xi32>
      %add3A_174 = vector.broadcast %mul3A_15 : i32 to vector<16xi32>
      %add3A_175 = arith.addi %get3A_173, %add3A_174 : vector<16xi32>
      %swap3A_176 = arith.constant 16 : index
      %swap3A_177 = tpu.vector_load %arg8[%swap3A_176] {strides = array<i32>} : memref<128xi32, #tpu.memory_space<vmem>>, vector<16xi32>,
      %swap3A_178 = vector.shape_cast %swap3A_177 : vector<16xi32> to vector<16xi32>
      %swap3A_179 = vector.shape_cast %add3A_175 : vector<16xi32> to vector<16xi32>
      tpu.vector_store %arg8[%swap3A_176], %swap3A_179 {strides = array<i32>} : memref<128xi32, #tpu.memory_space<vmem>>, vector<16xi32>,
      %get3A_180 = arith.constant 32 : index
      %get3A_181 = tpu.vector_load %arg8[%get3A_180] {strides = array<i32>} : memref<128xi32, #tpu.memory_space<vmem>>, vector<16xi32>,
      %get3A_182 = vector.shape_cast %get3A_181 : vector<16xi32> to vector<16xi32>
      %add3A_183 = vector.broadcast %mul3A_15 : i32 to vector<16xi32>
      %add3A_184 = arith.addi %get3A_182, %add3A_183 : vector<16xi32>
      %swap3A_185 = arith.constant 32 : index
      %swap3A_186 = tpu.vector_load %arg8[%swap3A_185] {strides = array<i32>} : memref<128xi32, #tpu.memory_space<vmem>>, vector<16xi32>,
      %swap3A_187 = vector.shape_cast %swap3A_186 : vector<16xi32> to vector<16xi32>
      %swap3A_188 = vector.shape_cast %add3A_184 : vector<16xi32> to vector<16xi32>
      tpu.vector_store %arg8[%swap3A_185], %swap3A_188 {strides = array<i32>} : memref<128xi32, #tpu.memory_space<vmem>>, vector<16xi32>,
      %get3A_189 = arith.constant 48 : index
      %get3A_190 = tpu.vector_load %arg8[%get3A_189] {strides = array<i32>} : memref<128xi32, #tpu.memory_space<vmem>>, vector<16xi32>,
      %get3A_191 = vector.shape_cast %get3A_190 : vector<16xi32> to vector<16xi32>
      %add3A_192 = vector.broadcast %mul3A_15 : i32 to vector<16xi32>
      %add3A_193 = arith.addi %get3A_191, %add3A_192 : vector<16xi32>
      %swap3A_194 = arith.constant 48 : index
      %swap3A_195 = tpu.vector_load %arg8[%swap3A_194] {strides = array<i32>} : memref<128xi32, #tpu.memory_space<vmem>>, vector<16xi32>,
      %swap3A_196 = vector.shape_cast %swap3A_195 : vector<16xi32> to vector<16xi32>
      %swap3A_197 = vector.shape_cast %add3A_193 : vector<16xi32> to vector<16xi32>
      tpu.vector_store %arg8[%swap3A_194], %swap3A_197 {strides = array<i32>} : memref<128xi32, #tpu.memory_space<vmem>>, vector<16xi32>,
      %get3A_198 = arith.constant 64 : index
      %get3A_199 = tpu.vector_load %arg8[%get3A_198] {strides = array<i32>} : memref<128xi32, #tpu.memory_space<vmem>>, vector<16xi32>,
      %get3A_200 = vector.shape_cast %get3A_199 : vector<16xi32> to vector<16xi32>
      %add3A_201 = vector.broadcast %mul3A_15 : i32 to vector<16xi32>
      %add3A_202 = arith.addi %get3A_200, %add3A_201 : vector<16xi32>
      %swap3A_203 = arith.constant 64 : index
      %swap3A_204 = tpu.vector_load %arg8[%swap3A_203] {strides = array<i32>} : memref<128xi32, #tpu.memory_space<vmem>>, vector<16xi32>,
      %swap3A_205 = vector.shape_cast %swap3A_204 : vector<16xi32> to vector<16xi32>
      %swap3A_206 = vector.shape_cast %add3A_202 : vector<16xi32> to vector<16xi32>
      tpu.vector_store %arg8[%swap3A_203], %swap3A_206 {strides = array<i32>} : memref<128xi32, #tpu.memory_space<vmem>>, vector<16xi32>,
      %get3A_207 = arith.constant 80 : index
      %get3A_208 = tpu.vector_load %arg8[%get3A_207] {strides = array<i32>} : memref<128xi32, #tpu.memory_space<vmem>>, vector<16xi32>,
      %get3A_209 = vector.shape_cast %get3A_208 : vector<16xi32> to vector<16xi32>
      %add3A_210 = vector.broadcast %mul3A_15 : i32 to vector<16xi32>
      %add3A_211 = arith.addi %get3A_209, %add3A_210 : vector<16xi32>
      %swap3A_212 = arith.constant 80 : index
      %swap3A_213 = tpu.vector_load %arg8[%swap3A_212] {strides = array<i32>} : memref<128xi32, #tpu.memory_space<vmem>>, vector<16xi32>,
      %swap3A_214 = vector.shape_cast %swap3A_213 : vector<16xi32> to vector<16xi32>
      %swap3A_215 = vector.shape_cast %add3A_211 : vector<16xi32> to vector<16xi32>
      tpu.vector_store %arg8[%swap3A_212], %swap3A_215 {strides = array<i32>} : memref<128xi32, #tpu.memory_space<vmem>>, vector<16xi32>,
      %get3A_216 = arith.constant 96 : index
      %get3A_217 = tpu.vector_load %arg8[%get3A_216] {strides = array<i32>} : memref<128xi32, #tpu.memory_space<vmem>>, vector<16xi32>,
      %get3A_218 = vector.shape_cast %get3A_217 : vector<16xi32> to vector<16xi32>
      %add3A_219 = vector.broadcast %mul3A_15 : i32 to vector<16xi32>
      %add3A_220 = arith.addi %get3A_218, %add3A_219 : vector<16xi32>
      %swap3A_221 = arith.constant 96 : index
      %swap3A_222 = tpu.vector_load %arg8[%swap3A_221] {strides = array<i32>} : memref<128xi32, #tpu.memory_space<vmem>>, vector<16xi32>,
      %swap3A_223 = vector.shape_cast %swap3A_222 : vector<16xi32> to vector<16xi32>
      %swap3A_224 = vector.shape_cast %add3A_220 : vector<16xi32> to vector<16xi32>
      tpu.vector_store %arg8[%swap3A_221], %swap3A_224 {strides = array<i32>} : memref<128xi32, #tpu.memory_space<vmem>>, vector<16xi32>,
      %get3A_225 = arith.constant 112 : index
      %get3A_226 = tpu.vector_load %arg8[%get3A_225] {strides = array<i32>} : memref<128xi32, #tpu.memory_space<vmem>>, vector<16xi32>,
      %get3A_227 = vector.shape_cast %get3A_226 : vector<16xi32> to vector<16xi32>
      %add3A_228 = vector.broadcast %mul3A_15 : i32 to vector<16xi32>
      %add3A_229 = arith.addi %get3A_227, %add3A_228 : vector<16xi32>
      %swap3A_230 = arith.constant 112 : index
      %swap3A_231 = tpu.vector_load %arg8[%swap3A_230] {strides = array<i32>} : memref<128xi32, #tpu.memory_space<vmem>>, vector<16xi32>,
      %swap3A_232 = vector.shape_cast %swap3A_231 : vector<16xi32> to vector<16xi32>
      %swap3A_233 = vector.shape_cast %add3A_229 : vector<16xi32> to vector<16xi32>
      tpu.vector_store %arg8[%swap3A_230], %swap3A_233 {strides = array<i32>} : memref<128xi32, #tpu.memory_space<vmem>>, vector<16xi32>,
      %dma_wait3A_234 = arith.constant 0 : i32
      %dma_wait3A_235 = arith.constant 0 : i32
      %dma_wait3A_236 = tpu.memref_slice %arg2[%dma_wait3A_234, %dma_wait3A_235] : memref<20480x128xf32, #tpu.memory_space<hbm>> -> memref<20480x128xf32, #tpu.memory_space<hbm>>
      tpu.wait_indirect_dma semaphore(%arg13 : memref<!tpu.dma_semaphore, #tpu.memory_space<semaphore_mem>>) src(%dma_wait3A_236 : memref<20480x128xf32, #tpu.memory_space<hbm>>) dst(%arg10 : memref<128x128xf32, #tpu.memory_space<vmem>>)
      %dma_start3A_237 = arith.constant 0 : i32
      %dma_start3A_238 = arith.constant 0 : i32
      %dma_start3A_239 = tpu.memref_slice %arg2[%dma_start3A_237, %dma_start3A_238] : memref<20480x128xf32, #tpu.memory_space<hbm>> -> memref<20480x128xf32, #tpu.memory_space<hbm>>
      tpu.enqueue_indirect_dma source(%dma_start3A_239 : memref<20480x128xf32, #tpu.memory_space<hbm>>) target(%arg11 : memref<128x128xf32, #tpu.memory_space<vmem>>) offsets(%arg8 : memref<128xi32, #tpu.memory_space<vmem>>) semaphore(%arg14 : memref<!tpu.dma_semaphore, #tpu.memory_space<semaphore_mem>>)
      %dma_wait3A_240 = tpu.memref_slice %arg4[%mul3A_75] : memref<160000xi32, #tpu.memory_space<hbm>> -> memref<128xi32, #tpu.memory_space<hbm>>
      %dma_wait3A_241 = tpu.memref_slice %arg4[%mul3A_75] : memref<160000xi32, #tpu.memory_space<hbm>> -> memref<128xi32, #tpu.memory_space<hbm>>
      tpu.wait_dma2 semaphore(%arg16 : memref<!tpu.dma_semaphore, #tpu.memory_space<semaphore_mem>>) src(%dma_wait3A_241 : memref<128xi32, #tpu.memory_space<hbm>>) dst(%arg7 : memref<128xi32, #tpu.memory_space<vmem>>)
      "tpu.region"() ({
        %run_scoped3A = tpu.sem_alloc : memref<!tpu.dma_semaphore, #tpu.memory_space<semaphore_mem>>
        %dma_start3A_247 = arith.constant 0 : i32
        %dma_start3A_248 = arith.constant 0 : i32
        %dma_start3A_249 = tpu.memref_slice %arg12[%dma_start3A_247, %dma_start3A_248] : memref<10240x128xf32, #tpu.memory_space<vmem_shared>> -> memref<10240x128xf32, #tpu.memory_space<vmem_shared>>
        tpu.enqueue_indirect_dma source(%arg10 : memref<128x128xf32, #tpu.memory_space<vmem>>) target(%dma_start3A_249 : memref<10240x128xf32, #tpu.memory_space<vmem_shared>>) offsets(%arg7 : memref<128xi32, #tpu.memory_space<vmem>>) semaphore(%run_scoped3A : memref<!tpu.dma_semaphore, #tpu.memory_space<semaphore_mem>>) {add = true}
        %dma_wait3A_250 = arith.constant 0 : i32
        %dma_wait3A_251 = arith.constant 0 : i32
        %dma_wait3A_252 = tpu.memref_slice %arg12[%dma_wait3A_250, %dma_wait3A_251] : memref<10240x128xf32, #tpu.memory_space<vmem_shared>> -> memref<10240x128xf32, #tpu.memory_space<vmem_shared>>
        tpu.wait_indirect_dma semaphore(%run_scoped3A : memref<!tpu.dma_semaphore, #tpu.memory_space<semaphore_mem>>) src(%arg10 : memref<128x128xf32, #tpu.memory_space<vmem>>) dst(%dma_wait3A_252 : memref<10240x128xf32, #tpu.memory_space<vmem_shared>>)
        tpu.yield
      }) : () -> ()
      %dma_wait3A_242 = arith.constant 0 : i32
      %dma_wait3A_243 = arith.constant 0 : i32
      %dma_wait3A_244 = tpu.memref_slice %arg2[%dma_wait3A_242, %dma_wait3A_243] : memref<20480x128xf32, #tpu.memory_space<hbm>> -> memref<20480x128xf32, #tpu.memory_space<hbm>>
      tpu.wait_indirect_dma semaphore(%arg14 : memref<!tpu.dma_semaphore, #tpu.memory_space<semaphore_mem>>) src(%dma_wait3A_244 : memref<20480x128xf32, #tpu.memory_space<hbm>>) dst(%arg11 : memref<128x128xf32, #tpu.memory_space<vmem>>)
      %dma_wait3A_245 = tpu.memref_slice %arg4[%mul3A_83] : memref<160000xi32, #tpu.memory_space<hbm>> -> memref<128xi32, #tpu.memory_space<hbm>>
      %dma_wait3A_246 = tpu.memref_slice %arg4[%mul3A_83] : memref<160000xi32, #tpu.memory_space<hbm>> -> memref<128xi32, #tpu.memory_space<hbm>>
      tpu.wait_dma2 semaphore(%arg18 : memref<!tpu.dma_semaphore, #tpu.memory_space<semaphore_mem>>) src(%dma_wait3A_246 : memref<128xi32, #tpu.memory_space<hbm>>) dst(%arg9 : memref<128xi32, #tpu.memory_space<vmem>>)
      "tpu.region"() ({
        %run_scoped3A = tpu.sem_alloc : memref<!tpu.dma_semaphore, #tpu.memory_space<semaphore_mem>>
        %dma_start3A_247 = arith.constant 0 : i32
        %dma_start3A_248 = arith.constant 0 : i32
        %dma_start3A_249 = tpu.memref_slice %arg12[%dma_start3A_247, %dma_start3A_248] : memref<10240x128xf32, #tpu.memory_space<vmem_shared>> -> memref<10240x128xf32, #tpu.memory_space<vmem_shared>>
        tpu.enqueue_indirect_dma source(%arg11 : memref<128x128xf32, #tpu.memory_space<vmem>>) target(%dma_start3A_249 : memref<10240x128xf32, #tpu.memory_space<vmem_shared>>) offsets(%arg9 : memref<128xi32, #tpu.memory_space<vmem>>) semaphore(%run_scoped3A : memref<!tpu.dma_semaphore, #tpu.memory_space<semaphore_mem>>) {add = true}
        %dma_wait3A_250 = arith.constant 0 : i32
        %dma_wait3A_251 = arith.constant 0 : i32
        %dma_wait3A_252 = tpu.memref_slice %arg12[%dma_wait3A_250, %dma_wait3A_251] : memref<10240x128xf32, #tpu.memory_space<vmem_shared>> -> memref<10240x128xf32, #tpu.memory_space<vmem_shared>>
        tpu.wait_indirect_dma semaphore(%run_scoped3A : memref<!tpu.dma_semaphore, #tpu.memory_space<semaphore_mem>>) src(%arg11 : memref<128x128xf32, #tpu.memory_space<vmem>>) dst(%dma_wait3A_252 : memref<10240x128xf32, #tpu.memory_space<vmem_shared>>)
        tpu.yield
      }) : () -> ()
    }
    %scan3A_20 = arith.constant 39 : i32
    %add3A_21 = arith.constant 1248 : i32
    %add3A_22 = arith.addi %add3A_21, %arg1 : i32
    %lt3A = arith.constant 1250 : i32
    %lt3A_23 = arith.cmpi slt, %add3A_22, %lt3A : i32
    %convert_element_type3A = arith.extui %lt3A_23 : i1 to i32
    %cond3A = arith.constant 0 : i32
    %cond3A_24 = arith.cmpi ne, %convert_element_type3A, %cond3A : i32
    scf.if %cond3A_24 {
      %mul3A_61 = arith.constant 128 : i32
      %mul3A_62 = arith.muli %add3A_22, %mul3A_61 : i32
      %dma_start3A = tpu.memref_slice %arg3[%mul3A_62] : memref<160000xi32, #tpu.memory_space<hbm>> -> memref<128xi32, #tpu.memory_space<hbm>>
      %dma_start3A_63 = tpu.memref_slice %arg3[%mul3A_62] : memref<160000xi32, #tpu.memory_space<hbm>> -> memref<128xi32, #tpu.memory_space<hbm>>
      tpu.enqueue_dma source(%dma_start3A_63 : memref<128xi32, #tpu.memory_space<hbm>>) target(%arg6 : memref<128xi32, #tpu.memory_space<vmem>>) target_semaphore(%arg15 : memref<!tpu.dma_semaphore, #tpu.memory_space<semaphore_mem>>)
      %mul3A_64 = arith.constant 128 : i32
      %mul3A_65 = arith.muli %add3A_22, %mul3A_64 : i32
      %dma_start3A_66 = tpu.memref_slice %arg4[%mul3A_65] : memref<160000xi32, #tpu.memory_space<hbm>> -> memref<128xi32, #tpu.memory_space<hbm>>
      %dma_start3A_67 = tpu.memref_slice %arg4[%mul3A_65] : memref<160000xi32, #tpu.memory_space<hbm>> -> memref<128xi32, #tpu.memory_space<hbm>>
      tpu.enqueue_dma source(%dma_start3A_67 : memref<128xi32, #tpu.memory_space<hbm>>) target(%arg7 : memref<128xi32, #tpu.memory_space<vmem>>) target_semaphore(%arg16 : memref<!tpu.dma_semaphore, #tpu.memory_space<semaphore_mem>>)
      %dma_wait3A = tpu.memref_slice %arg3[%mul3A_62] : memref<160000xi32, #tpu.memory_space<hbm>> -> memref<128xi32, #tpu.memory_space<hbm>>
      %dma_wait3A_68 = tpu.memref_slice %arg3[%mul3A_62] : memref<160000xi32, #tpu.memory_space<hbm>> -> memref<128xi32, #tpu.memory_space<hbm>>
      tpu.wait_dma2 semaphore(%arg15 : memref<!tpu.dma_semaphore, #tpu.memory_space<semaphore_mem>>) src(%dma_wait3A_68 : memref<128xi32, #tpu.memory_space<hbm>>) dst(%arg6 : memref<128xi32, #tpu.memory_space<vmem>>)
      %dma_wait3A_69 = tpu.memref_slice %arg4[%mul3A_65] : memref<160000xi32, #tpu.memory_space<hbm>> -> memref<128xi32, #tpu.memory_space<hbm>>
      %dma_wait3A_70 = tpu.memref_slice %arg4[%mul3A_65] : memref<160000xi32, #tpu.memory_space<hbm>> -> memref<128xi32, #tpu.memory_space<hbm>>
      tpu.wait_dma2 semaphore(%arg16 : memref<!tpu.dma_semaphore, #tpu.memory_space<semaphore_mem>>) src(%dma_wait3A_70 : memref<128xi32, #tpu.memory_space<hbm>>) dst(%arg7 : memref<128xi32, #tpu.memory_space<vmem>>)
      %get3A = arith.constant 0 : index
      %get3A_71 = tpu.vector_load %arg6[%get3A] {strides = array<i32>} : memref<128xi32, #tpu.memory_space<vmem>>, vector<16xi32>,
      %get3A_72 = vector.shape_cast %get3A_71 : vector<16xi32> to vector<16xi32>
      %add3A_73 = vector.broadcast %mul3A_15 : i32 to vector<16xi32>
      %add3A_74 = arith.addi %get3A_72, %add3A_73 : vector<16xi32>
      %swap3A = arith.constant 0 : index
      %swap3A_75 = tpu.vector_load %arg6[%swap3A] {strides = array<i32>} : memref<128xi32, #tpu.memory_space<vmem>>, vector<16xi32>,
      %swap3A_76 = vector.shape_cast %swap3A_75 : vector<16xi32> to vector<16xi32>
      %swap3A_77 = vector.shape_cast %add3A_74 : vector<16xi32> to vector<16xi32>
      tpu.vector_store %arg6[%swap3A], %swap3A_77 {strides = array<i32>} : memref<128xi32, #tpu.memory_space<vmem>>, vector<16xi32>,
      %get3A_78 = arith.constant 16 : index
      %get3A_79 = tpu.vector_load %arg6[%get3A_78] {strides = array<i32>} : memref<128xi32, #tpu.memory_space<vmem>>, vector<16xi32>,
      %get3A_80 = vector.shape_cast %get3A_79 : vector<16xi32> to vector<16xi32>
      %add3A_81 = vector.broadcast %mul3A_15 : i32 to vector<16xi32>
      %add3A_82 = arith.addi %get3A_80, %add3A_81 : vector<16xi32>
      %swap3A_83 = arith.constant 16 : index
      %swap3A_84 = tpu.vector_load %arg6[%swap3A_83] {strides = array<i32>} : memref<128xi32, #tpu.memory_space<vmem>>, vector<16xi32>,
      %swap3A_85 = vector.shape_cast %swap3A_84 : vector<16xi32> to vector<16xi32>
      %swap3A_86 = vector.shape_cast %add3A_82 : vector<16xi32> to vector<16xi32>
      tpu.vector_store %arg6[%swap3A_83], %swap3A_86 {strides = array<i32>} : memref<128xi32, #tpu.memory_space<vmem>>, vector<16xi32>,
      %get3A_87 = arith.constant 32 : index
      %get3A_88 = tpu.vector_load %arg6[%get3A_87] {strides = array<i32>} : memref<128xi32, #tpu.memory_space<vmem>>, vector<16xi32>,
      %get3A_89 = vector.shape_cast %get3A_88 : vector<16xi32> to vector<16xi32>
      %add3A_90 = vector.broadcast %mul3A_15 : i32 to vector<16xi32>
      %add3A_91 = arith.addi %get3A_89, %add3A_90 : vector<16xi32>
      %swap3A_92 = arith.constant 32 : index
      %swap3A_93 = tpu.vector_load %arg6[%swap3A_92] {strides = array<i32>} : memref<128xi32, #tpu.memory_space<vmem>>, vector<16xi32>,
      %swap3A_94 = vector.shape_cast %swap3A_93 : vector<16xi32> to vector<16xi32>
      %swap3A_95 = vector.shape_cast %add3A_91 : vector<16xi32> to vector<16xi32>
      tpu.vector_store %arg6[%swap3A_92], %swap3A_95 {strides = array<i32>} : memref<128xi32, #tpu.memory_space<vmem>>, vector<16xi32>,
      %get3A_96 = arith.constant 48 : index
      %get3A_97 = tpu.vector_load %arg6[%get3A_96] {strides = array<i32>} : memref<128xi32, #tpu.memory_space<vmem>>, vector<16xi32>,
      %get3A_98 = vector.shape_cast %get3A_97 : vector<16xi32> to vector<16xi32>
      %add3A_99 = vector.broadcast %mul3A_15 : i32 to vector<16xi32>
      %add3A_100 = arith.addi %get3A_98, %add3A_99 : vector<16xi32>
      %swap3A_101 = arith.constant 48 : index
      %swap3A_102 = tpu.vector_load %arg6[%swap3A_101] {strides = array<i32>} : memref<128xi32, #tpu.memory_space<vmem>>, vector<16xi32>,
      %swap3A_103 = vector.shape_cast %swap3A_102 : vector<16xi32> to vector<16xi32>
      %swap3A_104 = vector.shape_cast %add3A_100 : vector<16xi32> to vector<16xi32>
      tpu.vector_store %arg6[%swap3A_101], %swap3A_104 {strides = array<i32>} : memref<128xi32, #tpu.memory_space<vmem>>, vector<16xi32>,
      %get3A_105 = arith.constant 64 : index
      %get3A_106 = tpu.vector_load %arg6[%get3A_105] {strides = array<i32>} : memref<128xi32, #tpu.memory_space<vmem>>, vector<16xi32>,
      %get3A_107 = vector.shape_cast %get3A_106 : vector<16xi32> to vector<16xi32>
      %add3A_108 = vector.broadcast %mul3A_15 : i32 to vector<16xi32>
      %add3A_109 = arith.addi %get3A_107, %add3A_108 : vector<16xi32>
      %swap3A_110 = arith.constant 64 : index
      %swap3A_111 = tpu.vector_load %arg6[%swap3A_110] {strides = array<i32>} : memref<128xi32, #tpu.memory_space<vmem>>, vector<16xi32>,
      %swap3A_112 = vector.shape_cast %swap3A_111 : vector<16xi32> to vector<16xi32>
      %swap3A_113 = vector.shape_cast %add3A_109 : vector<16xi32> to vector<16xi32>
      tpu.vector_store %arg6[%swap3A_110], %swap3A_113 {strides = array<i32>} : memref<128xi32, #tpu.memory_space<vmem>>, vector<16xi32>,
      %get3A_114 = arith.constant 80 : index
      %get3A_115 = tpu.vector_load %arg6[%get3A_114] {strides = array<i32>} : memref<128xi32, #tpu.memory_space<vmem>>, vector<16xi32>,
      %get3A_116 = vector.shape_cast %get3A_115 : vector<16xi32> to vector<16xi32>
      %add3A_117 = vector.broadcast %mul3A_15 : i32 to vector<16xi32>
      %add3A_118 = arith.addi %get3A_116, %add3A_117 : vector<16xi32>
      %swap3A_119 = arith.constant 80 : index
      %swap3A_120 = tpu.vector_load %arg6[%swap3A_119] {strides = array<i32>} : memref<128xi32, #tpu.memory_space<vmem>>, vector<16xi32>,
      %swap3A_121 = vector.shape_cast %swap3A_120 : vector<16xi32> to vector<16xi32>
      %swap3A_122 = vector.shape_cast %add3A_118 : vector<16xi32> to vector<16xi32>
      tpu.vector_store %arg6[%swap3A_119], %swap3A_122 {strides = array<i32>} : memref<128xi32, #tpu.memory_space<vmem>>, vector<16xi32>,
      %get3A_123 = arith.constant 96 : index
      %get3A_124 = tpu.vector_load %arg6[%get3A_123] {strides = array<i32>} : memref<128xi32, #tpu.memory_space<vmem>>, vector<16xi32>,
      %get3A_125 = vector.shape_cast %get3A_124 : vector<16xi32> to vector<16xi32>
      %add3A_126 = vector.broadcast %mul3A_15 : i32 to vector<16xi32>
      %add3A_127 = arith.addi %get3A_125, %add3A_126 : vector<16xi32>
      %swap3A_128 = arith.constant 96 : index
      %swap3A_129 = tpu.vector_load %arg6[%swap3A_128] {strides = array<i32>} : memref<128xi32, #tpu.memory_space<vmem>>, vector<16xi32>,
      %swap3A_130 = vector.shape_cast %swap3A_129 : vector<16xi32> to vector<16xi32>
      %swap3A_131 = vector.shape_cast %add3A_127 : vector<16xi32> to vector<16xi32>
      tpu.vector_store %arg6[%swap3A_128], %swap3A_131 {strides = array<i32>} : memref<128xi32, #tpu.memory_space<vmem>>, vector<16xi32>,
      %get3A_132 = arith.constant 112 : index
      %get3A_133 = tpu.vector_load %arg6[%get3A_132] {strides = array<i32>} : memref<128xi32, #tpu.memory_space<vmem>>, vector<16xi32>,
      %get3A_134 = vector.shape_cast %get3A_133 : vector<16xi32> to vector<16xi32>
      %add3A_135 = vector.broadcast %mul3A_15 : i32 to vector<16xi32>
      %add3A_136 = arith.addi %get3A_134, %add3A_135 : vector<16xi32>
      %swap3A_137 = arith.constant 112 : index
      %swap3A_138 = tpu.vector_load %arg6[%swap3A_137] {strides = array<i32>} : memref<128xi32, #tpu.memory_space<vmem>>, vector<16xi32>,
      %swap3A_139 = vector.shape_cast %swap3A_138 : vector<16xi32> to vector<16xi32>
      %swap3A_140 = vector.shape_cast %add3A_136 : vector<16xi32> to vector<16xi32>
      tpu.vector_store %arg6[%swap3A_137], %swap3A_140 {strides = array<i32>} : memref<128xi32, #tpu.memory_space<vmem>>, vector<16xi32>,
      %dma_start3A_141 = arith.constant 0 : i32
      %dma_start3A_142 = arith.constant 0 : i32
      %dma_start3A_143 = tpu.memref_slice %arg2[%dma_start3A_141, %dma_start3A_142] : memref<20480x128xf32, #tpu.memory_space<hbm>> -> memref<20480x128xf32, #tpu.memory_space<hbm>>
      tpu.enqueue_indirect_dma source(%dma_start3A_143 : memref<20480x128xf32, #tpu.memory_space<hbm>>) target(%arg10 : memref<128x128xf32, #tpu.memory_space<vmem>>) offsets(%arg6 : memref<128xi32, #tpu.memory_space<vmem>>) semaphore(%arg13 : memref<!tpu.dma_semaphore, #tpu.memory_space<semaphore_mem>>)
      %dma_wait3A_144 = arith.constant 0 : i32
      %dma_wait3A_145 = arith.constant 0 : i32
      %dma_wait3A_146 = tpu.memref_slice %arg2[%dma_wait3A_144, %dma_wait3A_145] : memref<20480x128xf32, #tpu.memory_space<hbm>> -> memref<20480x128xf32, #tpu.memory_space<hbm>>
      tpu.wait_indirect_dma semaphore(%arg13 : memref<!tpu.dma_semaphore, #tpu.memory_space<semaphore_mem>>) src(%dma_wait3A_146 : memref<20480x128xf32, #tpu.memory_space<hbm>>) dst(%arg10 : memref<128x128xf32, #tpu.memory_space<vmem>>)
      "tpu.region"() ({
        %run_scoped3A = tpu.sem_alloc : memref<!tpu.dma_semaphore, #tpu.memory_space<semaphore_mem>>
        %dma_start3A_147 = arith.constant 0 : i32
        %dma_start3A_148 = arith.constant 0 : i32
        %dma_start3A_149 = tpu.memref_slice %arg12[%dma_start3A_147, %dma_start3A_148] : memref<10240x128xf32, #tpu.memory_space<vmem_shared>> -> memref<10240x128xf32, #tpu.memory_space<vmem_shared>>
        tpu.enqueue_indirect_dma source(%arg10 : memref<128x128xf32, #tpu.memory_space<vmem>>) target(%dma_start3A_149 : memref<10240x128xf32, #tpu.memory_space<vmem_shared>>) offsets(%arg7 : memref<128xi32, #tpu.memory_space<vmem>>) semaphore(%run_scoped3A : memref<!tpu.dma_semaphore, #tpu.memory_space<semaphore_mem>>) {add = true}
        %dma_wait3A_150 = arith.constant 0 : i32
        %dma_wait3A_151 = arith.constant 0 : i32
        %dma_wait3A_152 = tpu.memref_slice %arg12[%dma_wait3A_150, %dma_wait3A_151] : memref<10240x128xf32, #tpu.memory_space<vmem_shared>> -> memref<10240x128xf32, #tpu.memory_space<vmem_shared>>
        tpu.wait_indirect_dma semaphore(%run_scoped3A : memref<!tpu.dma_semaphore, #tpu.memory_space<semaphore_mem>>) src(%arg10 : memref<128x128xf32, #tpu.memory_space<vmem>>) dst(%dma_wait3A_152 : memref<10240x128xf32, #tpu.memory_space<vmem_shared>>)
        tpu.yield
      }) : () -> ()
    } else {
    }
    %barrier3A_25 = arith.constant 0 : index
    tpu.barrier barrier_id(%barrier3A_25)
    %add3A_26 = arith.constant 0 : i32
    %add3A_27 = arith.addi %mul3A_0, %add3A_26 : i32
    %mul3A_28 = arith.constant 10240 : i32
    %mul3A_29 = arith.muli %arg0, %mul3A_28 : i32
    %add3A_30 = arith.addi %mul3A_29, %mul3A_0 : i32
    %add3A_31 = arith.constant 0 : i32
    %add3A_32 = arith.addi %add3A_30, %add3A_31 : i32
    "tpu.region"() ({
      %run_scoped3A = tpu.sem_alloc : memref<!tpu.dma_semaphore, #tpu.memory_space<semaphore_mem>>
      %dma_start3A = arith.constant 0 : i32
      %dma_start3A_61 = tpu.memref_slice %arg5[%add3A_32, %dma_start3A] : memref<20480x128xf32, #tpu.memory_space<hbm>> -> memref<128x128xf32, #tpu.memory_space<hbm>>
      %dma_start3A_62 = arith.constant 0 : i32
      %dma_start3A_63 = tpu.memref_slice %arg12[%add3A_27, %dma_start3A_62] : memref<10240x128xf32, #tpu.memory_space<vmem_shared>> -> memref<128x128xf32, #tpu.memory_space<vmem_shared>>
      tpu.enqueue_dma source(%dma_start3A_63 : memref<128x128xf32, #tpu.memory_space<vmem_shared>>) target(%dma_start3A_61 : memref<128x128xf32, #tpu.memory_space<hbm>>) target_semaphore(%run_scoped3A : memref<!tpu.dma_semaphore, #tpu.memory_space<semaphore_mem>>)
      %dma_wait3A = arith.constant 0 : i32
      %dma_wait3A_64 = tpu.memref_slice %arg5[%add3A_32, %dma_wait3A] : memref<20480x128xf32, #tpu.memory_space<hbm>> -> memref<128x128xf32, #tpu.memory_space<hbm>>
      %dma_wait3A_65 = arith.constant 0 : i32
      %dma_wait3A_66 = tpu.memref_slice %arg12[%add3A_27, %dma_wait3A_65] : memref<10240x128xf32, #tpu.memory_space<vmem_shared>> -> memref<128x128xf32, #tpu.memory_space<vmem_shared>>
      tpu.wait_dma2 semaphore(%run_scoped3A : memref<!tpu.dma_semaphore, #tpu.memory_space<semaphore_mem>>) src(%dma_wait3A_66 : memref<128x128xf32, #tpu.memory_space<vmem_shared>>) dst(%dma_wait3A_64 : memref<128x128xf32, #tpu.memory_space<hbm>>)
      tpu.yield
    }) : () -> ()
    %add3A_33 = arith.constant 128 : i32
    %add3A_34 = arith.addi %mul3A_0, %add3A_33 : i32
    %mul3A_35 = arith.constant 10240 : i32
    %mul3A_36 = arith.muli %arg0, %mul3A_35 : i32
    %add3A_37 = arith.addi %mul3A_36, %mul3A_0 : i32
    %add3A_38 = arith.constant 128 : i32
    %add3A_39 = arith.addi %add3A_37, %add3A_38 : i32
    "tpu.region"() ({
      %run_scoped3A = tpu.sem_alloc : memref<!tpu.dma_semaphore, #tpu.memory_space<semaphore_mem>>
      %dma_start3A = arith.constant 0 : i32
      %dma_start3A_61 = tpu.memref_slice %arg5[%add3A_39, %dma_start3A] : memref<20480x128xf32, #tpu.memory_space<hbm>> -> memref<128x128xf32, #tpu.memory_space<hbm>>
      %dma_start3A_62 = arith.constant 0 : i32
      %dma_start3A_63 = tpu.memref_slice %arg12[%add3A_34, %dma_start3A_62] : memref<10240x128xf32, #tpu.memory_space<vmem_shared>> -> memref<128x128xf32, #tpu.memory_space<vmem_shared>>
      tpu.enqueue_dma source(%dma_start3A_63 : memref<128x128xf32, #tpu.memory_space<vmem_shared>>) target(%dma_start3A_61 : memref<128x128xf32, #tpu.memory_space<hbm>>) target_semaphore(%run_scoped3A : memref<!tpu.dma_semaphore, #tpu.memory_space<semaphore_mem>>)
      %dma_wait3A = arith.constant 0 : i32
      %dma_wait3A_64 = tpu.memref_slice %arg5[%add3A_39, %dma_wait3A] : memref<20480x128xf32, #tpu.memory_space<hbm>> -> memref<128x128xf32, #tpu.memory_space<hbm>>
      %dma_wait3A_65 = arith.constant 0 : i32
      %dma_wait3A_66 = tpu.memref_slice %arg12[%add3A_34, %dma_wait3A_65] : memref<10240x128xf32, #tpu.memory_space<vmem_shared>> -> memref<128x128xf32, #tpu.memory_space<vmem_shared>>
      tpu.wait_dma2 semaphore(%run_scoped3A : memref<!tpu.dma_semaphore, #tpu.memory_space<semaphore_mem>>) src(%dma_wait3A_66 : memref<128x128xf32, #tpu.memory_space<vmem_shared>>) dst(%dma_wait3A_64 : memref<128x128xf32, #tpu.memory_space<hbm>>)
      tpu.yield
    }) : () -> ()
    %add3A_40 = arith.constant 256 : i32
    %add3A_41 = arith.addi %mul3A_0, %add3A_40 : i32
    %mul3A_42 = arith.constant 10240 : i32
    %mul3A_43 = arith.muli %arg0, %mul3A_42 : i32
    %add3A_44 = arith.addi %mul3A_43, %mul3A_0 : i32
    %add3A_45 = arith.constant 256 : i32
    %add3A_46 = arith.addi %add3A_44, %add3A_45 : i32
    "tpu.region"() ({
      %run_scoped3A = tpu.sem_alloc : memref<!tpu.dma_semaphore, #tpu.memory_space<semaphore_mem>>
      %dma_start3A = arith.constant 0 : i32
      %dma_start3A_61 = tpu.memref_slice %arg5[%add3A_46, %dma_start3A] : memref<20480x128xf32, #tpu.memory_space<hbm>> -> memref<128x128xf32, #tpu.memory_space<hbm>>
      %dma_start3A_62 = arith.constant 0 : i32
      %dma_start3A_63 = tpu.memref_slice %arg12[%add3A_41, %dma_start3A_62] : memref<10240x128xf32, #tpu.memory_space<vmem_shared>> -> memref<128x128xf32, #tpu.memory_space<vmem_shared>>
      tpu.enqueue_dma source(%dma_start3A_63 : memref<128x128xf32, #tpu.memory_space<vmem_shared>>) target(%dma_start3A_61 : memref<128x128xf32, #tpu.memory_space<hbm>>) target_semaphore(%run_scoped3A : memref<!tpu.dma_semaphore, #tpu.memory_space<semaphore_mem>>)
      %dma_wait3A = arith.constant 0 : i32
      %dma_wait3A_64 = tpu.memref_slice %arg5[%add3A_46, %dma_wait3A] : memref<20480x128xf32, #tpu.memory_space<hbm>> -> memref<128x128xf32, #tpu.memory_space<hbm>>
      %dma_wait3A_65 = arith.constant 0 : i32
      %dma_wait3A_66 = tpu.memref_slice %arg12[%add3A_41, %dma_wait3A_65] : memref<10240x128xf32, #tpu.memory_space<vmem_shared>> -> memref<128x128xf32, #tpu.memory_space<vmem_shared>>
      tpu.wait_dma2 semaphore(%run_scoped3A : memref<!tpu.dma_semaphore, #tpu.memory_space<semaphore_mem>>) src(%dma_wait3A_66 : memref<128x128xf32, #tpu.memory_space<vmem_shared>>) dst(%dma_wait3A_64 : memref<128x128xf32, #tpu.memory_space<hbm>>)
      tpu.yield
    }) : () -> ()
    %add3A_47 = arith.constant 384 : i32
    %add3A_48 = arith.addi %mul3A_0, %add3A_47 : i32
    %mul3A_49 = arith.constant 10240 : i32
    %mul3A_50 = arith.muli %arg0, %mul3A_49 : i32
    %add3A_51 = arith.addi %mul3A_50, %mul3A_0 : i32
    %add3A_52 = arith.constant 384 : i32
    %add3A_53 = arith.addi %add3A_51, %add3A_52 : i32
    "tpu.region"() ({
      %run_scoped3A = tpu.sem_alloc : memref<!tpu.dma_semaphore, #tpu.memory_space<semaphore_mem>>
      %dma_start3A = arith.constant 0 : i32
      %dma_start3A_61 = tpu.memref_slice %arg5[%add3A_53, %dma_start3A] : memref<20480x128xf32, #tpu.memory_space<hbm>> -> memref<128x128xf32, #tpu.memory_space<hbm>>
      %dma_start3A_62 = arith.constant 0 : i32
      %dma_start3A_63 = tpu.memref_slice %arg12[%add3A_48, %dma_start3A_62] : memref<10240x128xf32, #tpu.memory_space<vmem_shared>> -> memref<128x128xf32, #tpu.memory_space<vmem_shared>>
      tpu.enqueue_dma source(%dma_start3A_63 : memref<128x128xf32, #tpu.memory_space<vmem_shared>>) target(%dma_start3A_61 : memref<128x128xf32, #tpu.memory_space<hbm>>) target_semaphore(%run_scoped3A : memref<!tpu.dma_semaphore, #tpu.memory_space<semaphore_mem>>)
      %dma_wait3A = arith.constant 0 : i32
      %dma_wait3A_64 = tpu.memref_slice %arg5[%add3A_53, %dma_wait3A] : memref<20480x128xf32, #tpu.memory_space<hbm>> -> memref<128x128xf32, #tpu.memory_space<hbm>>
      %dma_wait3A_65 = arith.constant 0 : i32
      %dma_wait3A_66 = tpu.memref_slice %arg12[%add3A_48, %dma_wait3A_65] : memref<10240x128xf32, #tpu.memory_space<vmem_shared>> -> memref<128x128xf32, #tpu.memory_space<vmem_shared>>
      tpu.wait_dma2 semaphore(%run_scoped3A : memref<!tpu.dma_semaphore, #tpu.memory_space<semaphore_mem>>) src(%dma_wait3A_66 : memref<128x128xf32, #tpu.memory_space<vmem_shared>>) dst(%dma_wait3A_64 : memref<128x128xf32, #tpu.memory_space<hbm>>)
      tpu.yield
    }) : () -> ()
    %add3A_54 = arith.constant 512 : i32
    %add3A_55 = arith.addi %mul3A_0, %add3A_54 : i32
    %mul3A_56 = arith.constant 10240 : i32
    %mul3A_57 = arith.muli %arg0, %mul3A_56 : i32
    %add3A_58 = arith.addi %mul3A_57, %mul3A_0 : i32
    %add3A_59 = arith.constant 512 : i32
    %add3A_60 = arith.addi %add3A_58, %add3A_59 : i32
    "tpu.region"() ({
      %run_scoped3A = tpu.sem_alloc : memref<!tpu.dma_semaphore, #tpu.memory_space<semaphore_mem>>
      %dma_start3A = arith.constant 0 : i32
      %dma_start3A_61 = tpu.memref_slice %arg5[%add3A_60, %dma_start3A] : memref<20480x128xf32, #tpu.memory_space<hbm>> -> memref<128x128xf32, #tpu.memory_space<hbm>>
      %dma_start3A_62 = arith.constant 0 : i32
      %dma_start3A_63 = tpu.memref_slice %arg12[%add3A_55, %dma_start3A_62] : memref<10240x128xf32, #tpu.memory_space<vmem_shared>> -> memref<128x128xf32, #tpu.memory_space<vmem_shared>>
      tpu.enqueue_dma source(%dma_start3A_63 : memref<128x128xf32, #tpu.memory_space<vmem_shared>>) target(%dma_start3A_61 : memref<128x128xf32, #tpu.memory_space<hbm>>) target_semaphore(%run_scoped3A : memref<!tpu.dma_semaphore, #tpu.memory_space<semaphore_mem>>)
      %dma_wait3A = arith.constant 0 : i32
      %dma_wait3A_64 = tpu.memref_slice %arg5[%add3A_60, %dma_wait3A] : memref<20480x128xf32, #tpu.memory_space<hbm>> -> memref<128x128xf32, #tpu.memory_space<hbm>>
      %dma_wait3A_65 = arith.constant 0 : i32
      %dma_wait3A_66 = tpu.memref_slice %arg12[%add3A_55, %dma_wait3A_65] : memref<10240x128xf32, #tpu.memory_space<vmem_shared>> -> memref<128x128xf32, #tpu.memory_space<vmem_shared>>
      tpu.wait_dma2 semaphore(%run_scoped3A : memref<!tpu.dma_semaphore, #tpu.memory_space<semaphore_mem>>) src(%dma_wait3A_66 : memref<128x128xf32, #tpu.memory_space<vmem_shared>>) dst(%dma_wait3A_64 : memref<128x128xf32, #tpu.memory_space<hbm>>)
      tpu.yield
    }) : () -> ()
    return
  }
}

#map = affine_map<(d0, d1) -> (0, 0)>
#map1 = affine_map<(d0, d1) -> (0)>
module attributes {stable_mosaic.version = 14 : i64} {
  func.func @_segsum_body(%arg0: i32, %arg1: i32, %arg2: memref<20480x128xf32, #tpu.memory_space<hbm>>, %arg3: memref<160000xi32, #tpu.memory_space<hbm>>, %arg4: memref<160000xi32, #tpu.memory_space<hbm>>, %arg5: memref<20480x128xf32, #tpu.memory_space<hbm>>, %arg6: memref<128xi32, #tpu.memory_space<vmem>>, %arg7: memref<128xi32, #tpu.memory_space<vmem>>, %arg8: memref<128xi32, #tpu.memory_space<vmem>>, %arg9: memref<128xi32, #tpu.memory_space<vmem>>, %arg10: memref<128x128xf32, #tpu.memory_space<vmem>>, %arg11: memref<128x128xf32, #tpu.memory_space<vmem>>, %arg12: memref<10240x128xf32, #tpu.memory_space<vmem_shared>>, %arg13: memref<!tpu.dma_semaphore, #tpu.memory_space<semaphore_mem>>, %arg14: memref<!tpu.dma_semaphore, #tpu.memory_space<semaphore_mem>>, %arg15: memref<!tpu.dma_semaphore, #tpu.memory_space<semaphore_mem>>, %arg16: memref<!tpu.dma_semaphore, #tpu.memory_space<semaphore_mem>>, %arg17: memref<!tpu.dma_semaphore, #tpu.memory_space<semaphore_mem>>, %arg18: memref<!tpu.dma_semaphore, #tpu.memory_space<semaphore_mem>>) attributes {dimension_semantics = [#tpu.dimension_semantics<core_parallel>, #tpu.dimension_semantics<subcore_parallel>], iteration_bounds = array<i64: 2, 16>, scalar_prefetch = 0 : i64, scratch_operands = 13 : i64, tpu.core_type = #tpu.core_type<sc_vector_subcore>, window_params = [{transform_indices = #map}, {transform_indices = #map1}, {transform_indices = #map1}, {transform_indices = #map}]} {
    %mul3A = arith.constant 640 : i32
    %mul3A_0 = arith.muli %arg1, %mul3A : i32
    %scan3A = arith.constant 0 : i32
    %scan3A_1 = arith.constant 128 : i32
    %scan3A_2 = arith.addi %scan3A, %scan3A_1 : i32
    %scan3A_3 = arith.constant 1 : i32
    scf.for %scan3A_61 = %scan3A to %scan3A_2 step %scan3A_3  : i32 {
      %mul3A_62 = arith.constant 1 : i32
      %mul3A_63 = arith.muli %scan3A_61, %mul3A_62 : i32
      %add3A_64 = arith.constant 0 : i32
      %add3A_65 = arith.addi %add3A_64, %mul3A_63 : i32
      %broadcast_in_dim3A = arith.constant 0.000000e+00 : f32
      %broadcast_in_dim3A_66 = vector.broadcast %broadcast_in_dim3A : f32 to vector<16xf32>
      %swap3A = arith.index_cast %add3A_65 : i32 to index
      %swap3A_67 = arith.constant 0 : index
      %swap3A_68 = tpu.vector_load %arg10[%swap3A, %swap3A_67] {strides = array<i32>} : memref<128x128xf32, #tpu.memory_space<vmem>>, vector<1x16xf32>,
      %swap3A_69 = vector.shape_cast %swap3A_68 : vector<1x16xf32> to vector<16xf32>
      %swap3A_70 = vector.shape_cast %broadcast_in_dim3A_66 : vector<16xf32> to vector<1x16xf32>
      tpu.vector_store %arg10[%swap3A, %swap3A_67], %swap3A_70 {strides = array<i32>} : memref<128x128xf32, #tpu.memory_space<vmem>>, vector<1x16xf32>,
      %broadcast_in_dim3A_71 = arith.constant 0.000000e+00 : f32
      %broadcast_in_dim3A_72 = vector.broadcast %broadcast_in_dim3A_71 : f32 to vector<16xf32>
      %swap3A_73 = arith.index_cast %add3A_65 : i32 to index
      %swap3A_74 = arith.constant 16 : index
      %swap3A_75 = tpu.vector_load %arg10[%swap3A_73, %swap3A_74] {strides = array<i32>} : memref<128x128xf32, #tpu.memory_space<vmem>>, vector<1x16xf32>,
      %swap3A_76 = vector.shape_cast %swap3A_75 : vector<1x16xf32> to vector<16xf32>
      %swap3A_77 = vector.shape_cast %broadcast_in_dim3A_72 : vector<16xf32> to vector<1x16xf32>
      tpu.vector_store %arg10[%swap3A_73, %swap3A_74], %swap3A_77 {strides = array<i32>} : memref<128x128xf32, #tpu.memory_space<vmem>>, vector<1x16xf32>,
      %broadcast_in_dim3A_78 = arith.constant 0.000000e+00 : f32
      %broadcast_in_dim3A_79 = vector.broadcast %broadcast_in_dim3A_78 : f32 to vector<16xf32>
      %swap3A_80 = arith.index_cast %add3A_65 : i32 to index
      %swap3A_81 = arith.constant 32 : index
      %swap3A_82 = tpu.vector_load %arg10[%swap3A_80, %swap3A_81] {strides = array<i32>} : memref<128x128xf32, #tpu.memory_space<vmem>>, vector<1x16xf32>,
      %swap3A_83 = vector.shape_cast %swap3A_82 : vector<1x16xf32> to vector<16xf32>
      %swap3A_84 = vector.shape_cast %broadcast_in_dim3A_79 : vector<16xf32> to vector<1x16xf32>
      tpu.vector_store %arg10[%swap3A_80, %swap3A_81], %swap3A_84 {strides = array<i32>} : memref<128x128xf32, #tpu.memory_space<vmem>>, vector<1x16xf32>,
      %broadcast_in_dim3A_85 = arith.constant 0.000000e+00 : f32
      %broadcast_in_dim3A_86 = vector.broadcast %broadcast_in_dim3A_85 : f32 to vector<16xf32>
      %swap3A_87 = arith.index_cast %add3A_65 : i32 to index
      %swap3A_88 = arith.constant 48 : index
      %swap3A_89 = tpu.vector_load %arg10[%swap3A_87, %swap3A_88] {strides = array<i32>} : memref<128x128xf32, #tpu.memory_space<vmem>>, vector<1x16xf32>,
      %swap3A_90 = vector.shape_cast %swap3A_89 : vector<1x16xf32> to vector<16xf32>
      %swap3A_91 = vector.shape_cast %broadcast_in_dim3A_86 : vector<16xf32> to vector<1x16xf32>
      tpu.vector_store %arg10[%swap3A_87, %swap3A_88], %swap3A_91 {strides = array<i32>} : memref<128x128xf32, #tpu.memory_space<vmem>>, vector<1x16xf32>,
      %broadcast_in_dim3A_92 = arith.constant 0.000000e+00 : f32
      %broadcast_in_dim3A_93 = vector.broadcast %broadcast_in_dim3A_92 : f32 to vector<16xf32>
      %swap3A_94 = arith.index_cast %add3A_65 : i32 to index
      %swap3A_95 = arith.constant 64 : index
      %swap3A_96 = tpu.vector_load %arg10[%swap3A_94, %swap3A_95] {strides = array<i32>} : memref<128x128xf32, #tpu.memory_space<vmem>>, vector<1x16xf32>,
      %swap3A_97 = vector.shape_cast %swap3A_96 : vector<1x16xf32> to vector<16xf32>
      %swap3A_98 = vector.shape_cast %broadcast_in_dim3A_93 : vector<16xf32> to vector<1x16xf32>
      tpu.vector_store %arg10[%swap3A_94, %swap3A_95], %swap3A_98 {strides = array<i32>} : memref<128x128xf32, #tpu.memory_space<vmem>>, vector<1x16xf32>,
      %broadcast_in_dim3A_99 = arith.constant 0.000000e+00 : f32
      %broadcast_in_dim3A_100 = vector.broadcast %broadcast_in_dim3A_99 : f32 to vector<16xf32>
      %swap3A_101 = arith.index_cast %add3A_65 : i32 to index
      %swap3A_102 = arith.constant 80 : index
      %swap3A_103 = tpu.vector_load %arg10[%swap3A_101, %swap3A_102] {strides = array<i32>} : memref<128x128xf32, #tpu.memory_space<vmem>>, vector<1x16xf32>,
      %swap3A_104 = vector.shape_cast %swap3A_103 : vector<1x16xf32> to vector<16xf32>
      %swap3A_105 = vector.shape_cast %broadcast_in_dim3A_100 : vector<16xf32> to vector<1x16xf32>
      tpu.vector_store %arg10[%swap3A_101, %swap3A_102], %swap3A_105 {strides = array<i32>} : memref<128x128xf32, #tpu.memory_space<vmem>>, vector<1x16xf32>,
      %broadcast_in_dim3A_106 = arith.constant 0.000000e+00 : f32
      %broadcast_in_dim3A_107 = vector.broadcast %broadcast_in_dim3A_106 : f32 to vector<16xf32>
      %swap3A_108 = arith.index_cast %add3A_65 : i32 to index
      %swap3A_109 = arith.constant 96 : index
      %swap3A_110 = tpu.vector_load %arg10[%swap3A_108, %swap3A_109] {strides = array<i32>} : memref<128x128xf32, #tpu.memory_space<vmem>>, vector<1x16xf32>,
      %swap3A_111 = vector.shape_cast %swap3A_110 : vector<1x16xf32> to vector<16xf32>
      %swap3A_112 = vector.shape_cast %broadcast_in_dim3A_107 : vector<16xf32> to vector<1x16xf32>
      tpu.vector_store %arg10[%swap3A_108, %swap3A_109], %swap3A_112 {strides = array<i32>} : memref<128x128xf32, #tpu.memory_space<vmem>>, vector<1x16xf32>,
      %broadcast_in_dim3A_113 = arith.constant 0.000000e+00 : f32
      %broadcast_in_dim3A_114 = vector.broadcast %broadcast_in_dim3A_113 : f32 to vector<16xf32>
      %swap3A_115 = arith.index_cast %add3A_65 : i32 to index
      %swap3A_116 = arith.constant 112 : index
      %swap3A_117 = tpu.vector_load %arg10[%swap3A_115, %swap3A_116] {strides = array<i32>} : memref<128x128xf32, #tpu.memory_space<vmem>>, vector<1x16xf32>,
      %swap3A_118 = vector.shape_cast %swap3A_117 : vector<1x16xf32> to vector<16xf32>
      %swap3A_119 = vector.shape_cast %broadcast_in_dim3A_114 : vector<16xf32> to vector<1x16xf32>
      tpu.vector_store %arg10[%swap3A_115, %swap3A_116], %swap3A_119 {strides = array<i32>} : memref<128x128xf32, #tpu.memory_space<vmem>>, vector<1x16xf32>,
    }
    %scan3A_4 = arith.constant 128 : i32
    %add3A = arith.constant 0 : i32
    %add3A_5 = arith.addi %mul3A_0, %add3A : i32
    "tpu.region"() ({
      %run_scoped3A = tpu.sem_alloc : memref<!tpu.dma_semaphore, #tpu.memory_space<semaphore_mem>>
      %dma_start3A = arith.constant 0 : i32
      %dma_start3A_61 = arith.constant 0 : i32
      %dma_start3A_62 = tpu.memref_slice %arg10[%dma_start3A, %dma_start3A_61] : memref<128x128xf32, #tpu.memory_space<vmem>> -> memref<128x128xf32, #tpu.memory_space<vmem>>
      %dma_start3A_63 = arith.constant 0 : i32
      %dma_start3A_64 = tpu.memref_slice %arg12[%add3A_5, %dma_start3A_63] : memref<10240x128xf32, #tpu.memory_space<vmem_shared>> -> memref<128x128xf32, #tpu.memory_space<vmem_shared>>
      %dma_start3A_65 = arith.constant 0 : i32
      %dma_start3A_66 = tpu.memref_slice %arg12[%add3A_5, %dma_start3A_65] : memref<10240x128xf32, #tpu.memory_space<vmem_shared>> -> memref<128x128xf32, #tpu.memory_space<vmem_shared>>
      %dma_start3A_67 = arith.constant 0 : i32
      %dma_start3A_68 = arith.constant 0 : i32
      %dma_start3A_69 = tpu.memref_slice %arg10[%dma_start3A_67, %dma_start3A_68] : memref<128x128xf32, #tpu.memory_space<vmem>> -> memref<128x128xf32, #tpu.memory_space<vmem>>
      tpu.enqueue_dma source(%dma_start3A_69 : memref<128x128xf32, #tpu.memory_space<vmem>>) target(%dma_start3A_66 : memref<128x128xf32, #tpu.memory_space<vmem_shared>>) target_semaphore(%run_scoped3A : memref<!tpu.dma_semaphore, #tpu.memory_space<semaphore_mem>>)
      %dma_wait3A = arith.constant 0 : i32
      %dma_wait3A_70 = arith.constant 0 : i32
      %dma_wait3A_71 = tpu.memref_slice %arg10[%dma_wait3A, %dma_wait3A_70] : memref<128x128xf32, #tpu.memory_space<vmem>> -> memref<128x128xf32, #tpu.memory_space<vmem>>
      %dma_wait3A_72 = arith.constant 0 : i32
      %dma_wait3A_73 = tpu.memref_slice %arg12[%add3A_5, %dma_wait3A_72] : memref<10240x128xf32, #tpu.memory_space<vmem_shared>> -> memref<128x128xf32, #tpu.memory_space<vmem_shared>>
      %dma_wait3A_74 = arith.constant 0 : i32
      %dma_wait3A_75 = tpu.memref_slice %arg12[%add3A_5, %dma_wait3A_74] : memref<10240x128xf32, #tpu.memory_space<vmem_shared>> -> memref<128x128xf32, #tpu.memory_space<vmem_shared>>
      %dma_wait3A_76 = arith.constant 0 : i32
      %dma_wait3A_77 = arith.constant 0 : i32
      %dma_wait3A_78 = tpu.memref_slice %arg10[%dma_wait3A_76, %dma_wait3A_77] : memref<128x128xf32, #tpu.memory_space<vmem>> -> memref<128x128xf32, #tpu.memory_space<vmem>>
      tpu.wait_dma2 semaphore(%run_scoped3A : memref<!tpu.dma_semaphore, #tpu.memory_space<semaphore_mem>>) src(%dma_wait3A_78 : memref<128x128xf32, #tpu.memory_space<vmem>>) dst(%dma_wait3A_75 : memref<128x128xf32, #tpu.memory_space<vmem_shared>>)
      tpu.yield
    }) : () -> ()
    %add3A_6 = arith.constant 128 : i32
    %add3A_7 = arith.addi %mul3A_0, %add3A_6 : i32
    "tpu.region"() ({
      %run_scoped3A = tpu.sem_alloc : memref<!tpu.dma_semaphore, #tpu.memory_space<semaphore_mem>>
      %dma_start3A = arith.constant 0 : i32
      %dma_start3A_61 = arith.constant 0 : i32
      %dma_start3A_62 = tpu.memref_slice %arg10[%dma_start3A, %dma_start3A_61] : memref<128x128xf32, #tpu.memory_space<vmem>> -> memref<128x128xf32, #tpu.memory_space<vmem>>
      %dma_start3A_63 = arith.constant 0 : i32
      %dma_start3A_64 = tpu.memref_slice %arg12[%add3A_7, %dma_start3A_63] : memref<10240x128xf32, #tpu.memory_space<vmem_shared>> -> memref<128x128xf32, #tpu.memory_space<vmem_shared>>
      %dma_start3A_65 = arith.constant 0 : i32
      %dma_start3A_66 = tpu.memref_slice %arg12[%add3A_7, %dma_start3A_65] : memref<10240x128xf32, #tpu.memory_space<vmem_shared>> -> memref<128x128xf32, #tpu.memory_space<vmem_shared>>
      %dma_start3A_67 = arith.constant 0 : i32
      %dma_start3A_68 = arith.constant 0 : i32
      %dma_start3A_69 = tpu.memref_slice %arg10[%dma_start3A_67, %dma_start3A_68] : memref<128x128xf32, #tpu.memory_space<vmem>> -> memref<128x128xf32, #tpu.memory_space<vmem>>
      tpu.enqueue_dma source(%dma_start3A_69 : memref<128x128xf32, #tpu.memory_space<vmem>>) target(%dma_start3A_66 : memref<128x128xf32, #tpu.memory_space<vmem_shared>>) target_semaphore(%run_scoped3A : memref<!tpu.dma_semaphore, #tpu.memory_space<semaphore_mem>>)
      %dma_wait3A = arith.constant 0 : i32
      %dma_wait3A_70 = arith.constant 0 : i32
      %dma_wait3A_71 = tpu.memref_slice %arg10[%dma_wait3A, %dma_wait3A_70] : memref<128x128xf32, #tpu.memory_space<vmem>> -> memref<128x128xf32, #tpu.memory_space<vmem>>
      %dma_wait3A_72 = arith.constant 0 : i32
      %dma_wait3A_73 = tpu.memref_slice %arg12[%add3A_7, %dma_wait3A_72] : memref<10240x128xf32, #tpu.memory_space<vmem_shared>> -> memref<128x128xf32, #tpu.memory_space<vmem_shared>>
      %dma_wait3A_74 = arith.constant 0 : i32
      %dma_wait3A_75 = tpu.memref_slice %arg12[%add3A_7, %dma_wait3A_74] : memref<10240x128xf32, #tpu.memory_space<vmem_shared>> -> memref<128x128xf32, #tpu.memory_space<vmem_shared>>
      %dma_wait3A_76 = arith.constant 0 : i32
      %dma_wait3A_77 = arith.constant 0 : i32
      %dma_wait3A_78 = tpu.memref_slice %arg10[%dma_wait3A_76, %dma_wait3A_77] : memref<128x128xf32, #tpu.memory_space<vmem>> -> memref<128x128xf32, #tpu.memory_space<vmem>>
      tpu.wait_dma2 semaphore(%run_scoped3A : memref<!tpu.dma_semaphore, #tpu.memory_space<semaphore_mem>>) src(%dma_wait3A_78 : memref<128x128xf32, #tpu.memory_space<vmem>>) dst(%dma_wait3A_75 : memref<128x128xf32, #tpu.memory_space<vmem_shared>>)
      tpu.yield
    }) : () -> ()
    %add3A_8 = arith.constant 256 : i32
    %add3A_9 = arith.addi %mul3A_0, %add3A_8 : i32
    "tpu.region"() ({
      %run_scoped3A = tpu.sem_alloc : memref<!tpu.dma_semaphore, #tpu.memory_space<semaphore_mem>>
      %dma_start3A = arith.constant 0 : i32
      %dma_start3A_61 = arith.constant 0 : i32
      %dma_start3A_62 = tpu.memref_slice %arg10[%dma_start3A, %dma_start3A_61] : memref<128x128xf32, #tpu.memory_space<vmem>> -> memref<128x128xf32, #tpu.memory_space<vmem>>
      %dma_start3A_63 = arith.constant 0 : i32
      %dma_start3A_64 = tpu.memref_slice %arg12[%add3A_9, %dma_start3A_63] : memref<10240x128xf32, #tpu.memory_space<vmem_shared>> -> memref<128x128xf32, #tpu.memory_space<vmem_shared>>
      %dma_start3A_65 = arith.constant 0 : i32
      %dma_start3A_66 = tpu.memref_slice %arg12[%add3A_9, %dma_start3A_65] : memref<10240x128xf32, #tpu.memory_space<vmem_shared>> -> memref<128x128xf32, #tpu.memory_space<vmem_shared>>
      %dma_start3A_67 = arith.constant 0 : i32
      %dma_start3A_68 = arith.constant 0 : i32
      %dma_start3A_69 = tpu.memref_slice %arg10[%dma_start3A_67, %dma_start3A_68] : memref<128x128xf32, #tpu.memory_space<vmem>> -> memref<128x128xf32, #tpu.memory_space<vmem>>
      tpu.enqueue_dma source(%dma_start3A_69 : memref<128x128xf32, #tpu.memory_space<vmem>>) target(%dma_start3A_66 : memref<128x128xf32, #tpu.memory_space<vmem_shared>>) target_semaphore(%run_scoped3A : memref<!tpu.dma_semaphore, #tpu.memory_space<semaphore_mem>>)
      %dma_wait3A = arith.constant 0 : i32
      %dma_wait3A_70 = arith.constant 0 : i32
      %dma_wait3A_71 = tpu.memref_slice %arg10[%dma_wait3A, %dma_wait3A_70] : memref<128x128xf32, #tpu.memory_space<vmem>> -> memref<128x128xf32, #tpu.memory_space<vmem>>
      %dma_wait3A_72 = arith.constant 0 : i32
      %dma_wait3A_73 = tpu.memref_slice %arg12[%add3A_9, %dma_wait3A_72] : memref<10240x128xf32, #tpu.memory_space<vmem_shared>> -> memref<128x128xf32, #tpu.memory_space<vmem_shared>>
      %dma_wait3A_74 = arith.constant 0 : i32
      %dma_wait3A_75 = tpu.memref_slice %arg12[%add3A_9, %dma_wait3A_74] : memref<10240x128xf32, #tpu.memory_space<vmem_shared>> -> memref<128x128xf32, #tpu.memory_space<vmem_shared>>
      %dma_wait3A_76 = arith.constant 0 : i32
      %dma_wait3A_77 = arith.constant 0 : i32
      %dma_wait3A_78 = tpu.memref_slice %arg10[%dma_wait3A_76, %dma_wait3A_77] : memref<128x128xf32, #tpu.memory_space<vmem>> -> memref<128x128xf32, #tpu.memory_space<vmem>>
      tpu.wait_dma2 semaphore(%run_scoped3A : memref<!tpu.dma_semaphore, #tpu.memory_space<semaphore_mem>>) src(%dma_wait3A_78 : memref<128x128xf32, #tpu.memory_space<vmem>>) dst(%dma_wait3A_75 : memref<128x128xf32, #tpu.memory_space<vmem_shared>>)
      tpu.yield
    }) : () -> ()
    %add3A_10 = arith.constant 384 : i32
    %add3A_11 = arith.addi %mul3A_0, %add3A_10 : i32
    "tpu.region"() ({
      %run_scoped3A = tpu.sem_alloc : memref<!tpu.dma_semaphore, #tpu.memory_space<semaphore_mem>>
      %dma_start3A = arith.constant 0 : i32
      %dma_start3A_61 = arith.constant 0 : i32
      %dma_start3A_62 = tpu.memref_slice %arg10[%dma_start3A, %dma_start3A_61] : memref<128x128xf32, #tpu.memory_space<vmem>> -> memref<128x128xf32, #tpu.memory_space<vmem>>
      %dma_start3A_63 = arith.constant 0 : i32
      %dma_start3A_64 = tpu.memref_slice %arg12[%add3A_11, %dma_start3A_63] : memref<10240x128xf32, #tpu.memory_space<vmem_shared>> -> memref<128x128xf32, #tpu.memory_space<vmem_shared>>
      %dma_start3A_65 = arith.constant 0 : i32
      %dma_start3A_66 = tpu.memref_slice %arg12[%add3A_11, %dma_start3A_65] : memref<10240x128xf32, #tpu.memory_space<vmem_shared>> -> memref<128x128xf32, #tpu.memory_space<vmem_shared>>
      %dma_start3A_67 = arith.constant 0 : i32
      %dma_start3A_68 = arith.constant 0 : i32
      %dma_start3A_69 = tpu.memref_slice %arg10[%dma_start3A_67, %dma_start3A_68] : memref<128x128xf32, #tpu.memory_space<vmem>> -> memref<128x128xf32, #tpu.memory_space<vmem>>
      tpu.enqueue_dma source(%dma_start3A_69 : memref<128x128xf32, #tpu.memory_space<vmem>>) target(%dma_start3A_66 : memref<128x128xf32, #tpu.memory_space<vmem_shared>>) target_semaphore(%run_scoped3A : memref<!tpu.dma_semaphore, #tpu.memory_space<semaphore_mem>>)
      %dma_wait3A = arith.constant 0 : i32
      %dma_wait3A_70 = arith.constant 0 : i32
      %dma_wait3A_71 = tpu.memref_slice %arg10[%dma_wait3A, %dma_wait3A_70] : memref<128x128xf32, #tpu.memory_space<vmem>> -> memref<128x128xf32, #tpu.memory_space<vmem>>
      %dma_wait3A_72 = arith.constant 0 : i32
      %dma_wait3A_73 = tpu.memref_slice %arg12[%add3A_11, %dma_wait3A_72] : memref<10240x128xf32, #tpu.memory_space<vmem_shared>> -> memref<128x128xf32, #tpu.memory_space<vmem_shared>>
      %dma_wait3A_74 = arith.constant 0 : i32
      %dma_wait3A_75 = tpu.memref_slice %arg12[%add3A_11, %dma_wait3A_74] : memref<10240x128xf32, #tpu.memory_space<vmem_shared>> -> memref<128x128xf32, #tpu.memory_space<vmem_shared>>
      %dma_wait3A_76 = arith.constant 0 : i32
      %dma_wait3A_77 = arith.constant 0 : i32
      %dma_wait3A_78 = tpu.memref_slice %arg10[%dma_wait3A_76, %dma_wait3A_77] : memref<128x128xf32, #tpu.memory_space<vmem>> -> memref<128x128xf32, #tpu.memory_space<vmem>>
      tpu.wait_dma2 semaphore(%run_scoped3A : memref<!tpu.dma_semaphore, #tpu.memory_space<semaphore_mem>>) src(%dma_wait3A_78 : memref<128x128xf32, #tpu.memory_space<vmem>>) dst(%dma_wait3A_75 : memref<128x128xf32, #tpu.memory_space<vmem_shared>>)
      tpu.yield
    }) : () -> ()
    %add3A_12 = arith.constant 512 : i32
    %add3A_13 = arith.addi %mul3A_0, %add3A_12 : i32
    "tpu.region"() ({
      %run_scoped3A = tpu.sem_alloc : memref<!tpu.dma_semaphore, #tpu.memory_space<semaphore_mem>>
      %dma_start3A = arith.constant 0 : i32
      %dma_start3A_61 = arith.constant 0 : i32
      %dma_start3A_62 = tpu.memref_slice %arg10[%dma_start3A, %dma_start3A_61] : memref<128x128xf32, #tpu.memory_space<vmem>> -> memref<128x128xf32, #tpu.memory_space<vmem>>
      %dma_start3A_63 = arith.constant 0 : i32
      %dma_start3A_64 = tpu.memref_slice %arg12[%add3A_13, %dma_start3A_63] : memref<10240x128xf32, #tpu.memory_space<vmem_shared>> -> memref<128x128xf32, #tpu.memory_space<vmem_shared>>
      %dma_start3A_65 = arith.constant 0 : i32
      %dma_start3A_66 = tpu.memref_slice %arg12[%add3A_13, %dma_start3A_65] : memref<10240x128xf32, #tpu.memory_space<vmem_shared>> -> memref<128x128xf32, #tpu.memory_space<vmem_shared>>
      %dma_start3A_67 = arith.constant 0 : i32
      %dma_start3A_68 = arith.constant 0 : i32
      %dma_start3A_69 = tpu.memref_slice %arg10[%dma_start3A_67, %dma_start3A_68] : memref<128x128xf32, #tpu.memory_space<vmem>> -> memref<128x128xf32, #tpu.memory_space<vmem>>
      tpu.enqueue_dma source(%dma_start3A_69 : memref<128x128xf32, #tpu.memory_space<vmem>>) target(%dma_start3A_66 : memref<128x128xf32, #tpu.memory_space<vmem_shared>>) target_semaphore(%run_scoped3A : memref<!tpu.dma_semaphore, #tpu.memory_space<semaphore_mem>>)
      %dma_wait3A = arith.constant 0 : i32
      %dma_wait3A_70 = arith.constant 0 : i32
      %dma_wait3A_71 = tpu.memref_slice %arg10[%dma_wait3A, %dma_wait3A_70] : memref<128x128xf32, #tpu.memory_space<vmem>> -> memref<128x128xf32, #tpu.memory_space<vmem>>
      %dma_wait3A_72 = arith.constant 0 : i32
      %dma_wait3A_73 = tpu.memref_slice %arg12[%add3A_13, %dma_wait3A_72] : memref<10240x128xf32, #tpu.memory_space<vmem_shared>> -> memref<128x128xf32, #tpu.memory_space<vmem_shared>>
      %dma_wait3A_74 = arith.constant 0 : i32
      %dma_wait3A_75 = tpu.memref_slice %arg12[%add3A_13, %dma_wait3A_74] : memref<10240x128xf32, #tpu.memory_space<vmem_shared>> -> memref<128x128xf32, #tpu.memory_space<vmem_shared>>
      %dma_wait3A_76 = arith.constant 0 : i32
      %dma_wait3A_77 = arith.constant 0 : i32
      %dma_wait3A_78 = tpu.memref_slice %arg10[%dma_wait3A_76, %dma_wait3A_77] : memref<128x128xf32, #tpu.memory_space<vmem>> -> memref<128x128xf32, #tpu.memory_space<vmem>>
      tpu.wait_dma2 semaphore(%run_scoped3A : memref<!tpu.dma_semaphore, #tpu.memory_space<semaphore_mem>>) src(%dma_wait3A_78 : memref<128x128xf32, #tpu.memory_space<vmem>>) dst(%dma_wait3A_75 : memref<128x128xf32, #tpu.memory_space<vmem_shared>>)
      tpu.yield
    }) : () -> ()
    %barrier3A = arith.constant 0 : index
    tpu.barrier barrier_id(%barrier3A)
    %mul3A_14 = arith.constant 10240 : i32
    %mul3A_15 = arith.muli %arg0, %mul3A_14 : i32
    %scan3A_16 = arith.constant 0 : i32
    %scan3A_17 = arith.constant 39 : i32
    %scan3A_18 = arith.addi %scan3A_16, %scan3A_17 : i32
    %scan3A_19 = arith.constant 1 : i32
    scf.for %scan3A_61 = %scan3A_16 to %scan3A_18 step %scan3A_19  : i32 {
      %mul3A_62 = arith.constant 1 : i32
      %mul3A_63 = arith.muli %scan3A_61, %mul3A_62 : i32
      %add3A_64 = arith.constant 0 : i32
      %add3A_65 = arith.addi %add3A_64, %mul3A_63 : i32
      %mul3A_66 = arith.constant 32 : i32
      %mul3A_67 = arith.muli %mul3A_66, %add3A_65 : i32
      %add3A_68 = arith.addi %arg1, %mul3A_67 : i32
      %add3A_69 = arith.constant 16 : i32
      %add3A_70 = arith.addi %add3A_68, %add3A_69 : i32
      %mul3A_71 = arith.constant 128 : i32
      %mul3A_72 = arith.muli %add3A_68, %mul3A_71 : i32
      %dma_start3A = tpu.memref_slice %arg3[%mul3A_72] : memref<160000xi32, #tpu.memory_space<hbm>> -> memref<128xi32, #tpu.memory_space<hbm>>
      %dma_start3A_73 = tpu.memref_slice %arg3[%mul3A_72] : memref<160000xi32, #tpu.memory_space<hbm>> -> memref<128xi32, #tpu.memory_space<hbm>>
      tpu.enqueue_dma source(%dma_start3A_73 : memref<128xi32, #tpu.memory_space<hbm>>) target(%arg6 : memref<128xi32, #tpu.memory_space<vmem>>) target_semaphore(%arg15 : memref<!tpu.dma_semaphore, #tpu.memory_space<semaphore_mem>>)
      %mul3A_74 = arith.constant 128 : i32
      %mul3A_75 = arith.muli %add3A_68, %mul3A_74 : i32
      %dma_start3A_76 = tpu.memref_slice %arg4[%mul3A_75] : memref<160000xi32, #tpu.memory_space<hbm>> -> memref<128xi32, #tpu.memory_space<hbm>>
      %dma_start3A_77 = tpu.memref_slice %arg4[%mul3A_75] : memref<160000xi32, #tpu.memory_space<hbm>> -> memref<128xi32, #tpu.memory_space<hbm>>
      tpu.enqueue_dma source(%dma_start3A_77 : memref<128xi32, #tpu.memory_space<hbm>>) target(%arg7 : memref<128xi32, #tpu.memory_space<vmem>>) target_semaphore(%arg16 : memref<!tpu.dma_semaphore, #tpu.memory_space<semaphore_mem>>)
      %mul3A_78 = arith.constant 128 : i32
      %mul3A_79 = arith.muli %add3A_70, %mul3A_78 : i32
      %dma_start3A_80 = tpu.memref_slice %arg3[%mul3A_79] : memref<160000xi32, #tpu.memory_space<hbm>> -> memref<128xi32, #tpu.memory_space<hbm>>
      %dma_start3A_81 = tpu.memref_slice %arg3[%mul3A_79] : memref<160000xi32, #tpu.memory_space<hbm>> -> memref<128xi32, #tpu.memory_space<hbm>>
      tpu.enqueue_dma source(%dma_start3A_81 : memref<128xi32, #tpu.memory_space<hbm>>) target(%arg8 : memref<128xi32, #tpu.memory_space<vmem>>) target_semaphore(%arg17 : memref<!tpu.dma_semaphore, #tpu.memory_space<semaphore_mem>>)
      %mul3A_82 = arith.constant 128 : i32
      %mul3A_83 = arith.muli %add3A_70, %mul3A_82 : i32
      %dma_start3A_84 = tpu.memref_slice %arg4[%mul3A_83] : memref<160000xi32, #tpu.memory_space<hbm>> -> memref<128xi32, #tpu.memory_space<hbm>>
      %dma_start3A_85 = tpu.memref_slice %arg4[%mul3A_83] : memref<160000xi32, #tpu.memory_space<hbm>> -> memref<128xi32, #tpu.memory_space<hbm>>
      tpu.enqueue_dma source(%dma_start3A_85 : memref<128xi32, #tpu.memory_space<hbm>>) target(%arg9 : memref<128xi32, #tpu.memory_space<vmem>>) target_semaphore(%arg18 : memref<!tpu.dma_semaphore, #tpu.memory_space<semaphore_mem>>)
      %dma_wait3A = tpu.memref_slice %arg3[%mul3A_72] : memref<160000xi32, #tpu.memory_space<hbm>> -> memref<128xi32, #tpu.memory_space<hbm>>
      %dma_wait3A_86 = tpu.memref_slice %arg3[%mul3A_72] : memref<160000xi32, #tpu.memory_space<hbm>> -> memref<128xi32, #tpu.memory_space<hbm>>
      tpu.wait_dma2 semaphore(%arg15 : memref<!tpu.dma_semaphore, #tpu.memory_space<semaphore_mem>>) src(%dma_wait3A_86 : memref<128xi32, #tpu.memory_space<hbm>>) dst(%arg6 : memref<128xi32, #tpu.memory_space<vmem>>)
      %get3A = arith.constant 0 : index
      %get3A_87 = tpu.vector_load %arg6[%get3A] {strides = array<i32>} : memref<128xi32, #tpu.memory_space<vmem>>, vector<16xi32>,
      %get3A_88 = vector.shape_cast %get3A_87 : vector<16xi32> to vector<16xi32>
      %add3A_89 = vector.broadcast %mul3A_15 : i32 to vector<16xi32>
      %add3A_90 = arith.addi %get3A_88, %add3A_89 : vector<16xi32>
      %swap3A = arith.constant 0 : index
      %swap3A_91 = tpu.vector_load %arg6[%swap3A] {strides = array<i32>} : memref<128xi32, #tpu.memory_space<vmem>>, vector<16xi32>,
      %swap3A_92 = vector.shape_cast %swap3A_91 : vector<16xi32> to vector<16xi32>
      %swap3A_93 = vector.shape_cast %add3A_90 : vector<16xi32> to vector<16xi32>
      tpu.vector_store %arg6[%swap3A], %swap3A_93 {strides = array<i32>} : memref<128xi32, #tpu.memory_space<vmem>>, vector<16xi32>,
      %get3A_94 = arith.constant 16 : index
      %get3A_95 = tpu.vector_load %arg6[%get3A_94] {strides = array<i32>} : memref<128xi32, #tpu.memory_space<vmem>>, vector<16xi32>,
      %get3A_96 = vector.shape_cast %get3A_95 : vector<16xi32> to vector<16xi32>
      %add3A_97 = vector.broadcast %mul3A_15 : i32 to vector<16xi32>
      %add3A_98 = arith.addi %get3A_96, %add3A_97 : vector<16xi32>
      %swap3A_99 = arith.constant 16 : index
      %swap3A_100 = tpu.vector_load %arg6[%swap3A_99] {strides = array<i32>} : memref<128xi32, #tpu.memory_space<vmem>>, vector<16xi32>,
      %swap3A_101 = vector.shape_cast %swap3A_100 : vector<16xi32> to vector<16xi32>
      %swap3A_102 = vector.shape_cast %add3A_98 : vector<16xi32> to vector<16xi32>
      tpu.vector_store %arg6[%swap3A_99], %swap3A_102 {strides = array<i32>} : memref<128xi32, #tpu.memory_space<vmem>>, vector<16xi32>,
      %get3A_103 = arith.constant 32 : index
      %get3A_104 = tpu.vector_load %arg6[%get3A_103] {strides = array<i32>} : memref<128xi32, #tpu.memory_space<vmem>>, vector<16xi32>,
      %get3A_105 = vector.shape_cast %get3A_104 : vector<16xi32> to vector<16xi32>
      %add3A_106 = vector.broadcast %mul3A_15 : i32 to vector<16xi32>
      %add3A_107 = arith.addi %get3A_105, %add3A_106 : vector<16xi32>
      %swap3A_108 = arith.constant 32 : index
      %swap3A_109 = tpu.vector_load %arg6[%swap3A_108] {strides = array<i32>} : memref<128xi32, #tpu.memory_space<vmem>>, vector<16xi32>,
      %swap3A_110 = vector.shape_cast %swap3A_109 : vector<16xi32> to vector<16xi32>
      %swap3A_111 = vector.shape_cast %add3A_107 : vector<16xi32> to vector<16xi32>
      tpu.vector_store %arg6[%swap3A_108], %swap3A_111 {strides = array<i32>} : memref<128xi32, #tpu.memory_space<vmem>>, vector<16xi32>,
      %get3A_112 = arith.constant 48 : index
      %get3A_113 = tpu.vector_load %arg6[%get3A_112] {strides = array<i32>} : memref<128xi32, #tpu.memory_space<vmem>>, vector<16xi32>,
      %get3A_114 = vector.shape_cast %get3A_113 : vector<16xi32> to vector<16xi32>
      %add3A_115 = vector.broadcast %mul3A_15 : i32 to vector<16xi32>
      %add3A_116 = arith.addi %get3A_114, %add3A_115 : vector<16xi32>
      %swap3A_117 = arith.constant 48 : index
      %swap3A_118 = tpu.vector_load %arg6[%swap3A_117] {strides = array<i32>} : memref<128xi32, #tpu.memory_space<vmem>>, vector<16xi32>,
      %swap3A_119 = vector.shape_cast %swap3A_118 : vector<16xi32> to vector<16xi32>
      %swap3A_120 = vector.shape_cast %add3A_116 : vector<16xi32> to vector<16xi32>
      tpu.vector_store %arg6[%swap3A_117], %swap3A_120 {strides = array<i32>} : memref<128xi32, #tpu.memory_space<vmem>>, vector<16xi32>,
      %get3A_121 = arith.constant 64 : index
      %get3A_122 = tpu.vector_load %arg6[%get3A_121] {strides = array<i32>} : memref<128xi32, #tpu.memory_space<vmem>>, vector<16xi32>,
      %get3A_123 = vector.shape_cast %get3A_122 : vector<16xi32> to vector<16xi32>
      %add3A_124 = vector.broadcast %mul3A_15 : i32 to vector<16xi32>
      %add3A_125 = arith.addi %get3A_123, %add3A_124 : vector<16xi32>
      %swap3A_126 = arith.constant 64 : index
      %swap3A_127 = tpu.vector_load %arg6[%swap3A_126] {strides = array<i32>} : memref<128xi32, #tpu.memory_space<vmem>>, vector<16xi32>,
      %swap3A_128 = vector.shape_cast %swap3A_127 : vector<16xi32> to vector<16xi32>
      %swap3A_129 = vector.shape_cast %add3A_125 : vector<16xi32> to vector<16xi32>
      tpu.vector_store %arg6[%swap3A_126], %swap3A_129 {strides = array<i32>} : memref<128xi32, #tpu.memory_space<vmem>>, vector<16xi32>,
      %get3A_130 = arith.constant 80 : index
      %get3A_131 = tpu.vector_load %arg6[%get3A_130] {strides = array<i32>} : memref<128xi32, #tpu.memory_space<vmem>>, vector<16xi32>,
      %get3A_132 = vector.shape_cast %get3A_131 : vector<16xi32> to vector<16xi32>
      %add3A_133 = vector.broadcast %mul3A_15 : i32 to vector<16xi32>
      %add3A_134 = arith.addi %get3A_132, %add3A_133 : vector<16xi32>
      %swap3A_135 = arith.constant 80 : index
      %swap3A_136 = tpu.vector_load %arg6[%swap3A_135] {strides = array<i32>} : memref<128xi32, #tpu.memory_space<vmem>>, vector<16xi32>,
      %swap3A_137 = vector.shape_cast %swap3A_136 : vector<16xi32> to vector<16xi32>
      %swap3A_138 = vector.shape_cast %add3A_134 : vector<16xi32> to vector<16xi32>
      tpu.vector_store %arg6[%swap3A_135], %swap3A_138 {strides = array<i32>} : memref<128xi32, #tpu.memory_space<vmem>>, vector<16xi32>,
      %get3A_139 = arith.constant 96 : index
      %get3A_140 = tpu.vector_load %arg6[%get3A_139] {strides = array<i32>} : memref<128xi32, #tpu.memory_space<vmem>>, vector<16xi32>,
      %get3A_141 = vector.shape_cast %get3A_140 : vector<16xi32> to vector<16xi32>
      %add3A_142 = vector.broadcast %mul3A_15 : i32 to vector<16xi32>
      %add3A_143 = arith.addi %get3A_141, %add3A_142 : vector<16xi32>
      %swap3A_144 = arith.constant 96 : index
      %swap3A_145 = tpu.vector_load %arg6[%swap3A_144] {strides = array<i32>} : memref<128xi32, #tpu.memory_space<vmem>>, vector<16xi32>,
      %swap3A_146 = vector.shape_cast %swap3A_145 : vector<16xi32> to vector<16xi32>
      %swap3A_147 = vector.shape_cast %add3A_143 : vector<16xi32> to vector<16xi32>
      tpu.vector_store %arg6[%swap3A_144], %swap3A_147 {strides = array<i32>} : memref<128xi32, #tpu.memory_space<vmem>>, vector<16xi32>,
      %get3A_148 = arith.constant 112 : index
      %get3A_149 = tpu.vector_load %arg6[%get3A_148] {strides = array<i32>} : memref<128xi32, #tpu.memory_space<vmem>>, vector<16xi32>,
      %get3A_150 = vector.shape_cast %get3A_149 : vector<16xi32> to vector<16xi32>
      %add3A_151 = vector.broadcast %mul3A_15 : i32 to vector<16xi32>
      %add3A_152 = arith.addi %get3A_150, %add3A_151 : vector<16xi32>
      %swap3A_153 = arith.constant 112 : index
      %swap3A_154 = tpu.vector_load %arg6[%swap3A_153] {strides = array<i32>} : memref<128xi32, #tpu.memory_space<vmem>>, vector<16xi32>,
      %swap3A_155 = vector.shape_cast %swap3A_154 : vector<16xi32> to vector<16xi32>
      %swap3A_156 = vector.shape_cast %add3A_152 : vector<16xi32> to vector<16xi32>
      tpu.vector_store %arg6[%swap3A_153], %swap3A_156 {strides = array<i32>} : memref<128xi32, #tpu.memory_space<vmem>>, vector<16xi32>,
      %dma_start3A_157 = arith.constant 0 : i32
      %dma_start3A_158 = arith.constant 0 : i32
      %dma_start3A_159 = tpu.memref_slice %arg2[%dma_start3A_157, %dma_start3A_158] : memref<20480x128xf32, #tpu.memory_space<hbm>> -> memref<20480x128xf32, #tpu.memory_space<hbm>>
      tpu.enqueue_indirect_dma source(%dma_start3A_159 : memref<20480x128xf32, #tpu.memory_space<hbm>>) target(%arg10 : memref<128x128xf32, #tpu.memory_space<vmem>>) offsets(%arg6 : memref<128xi32, #tpu.memory_space<vmem>>) semaphore(%arg13 : memref<!tpu.dma_semaphore, #tpu.memory_space<semaphore_mem>>)
      %dma_wait3A_160 = tpu.memref_slice %arg3[%mul3A_79] : memref<160000xi32, #tpu.memory_space<hbm>> -> memref<128xi32, #tpu.memory_space<hbm>>
      %dma_wait3A_161 = tpu.memref_slice %arg3[%mul3A_79] : memref<160000xi32, #tpu.memory_space<hbm>> -> memref<128xi32, #tpu.memory_space<hbm>>
      tpu.wait_dma2 semaphore(%arg17 : memref<!tpu.dma_semaphore, #tpu.memory_space<semaphore_mem>>) src(%dma_wait3A_161 : memref<128xi32, #tpu.memory_space<hbm>>) dst(%arg8 : memref<128xi32, #tpu.memory_space<vmem>>)
      %get3A_162 = arith.constant 0 : index
      %get3A_163 = tpu.vector_load %arg8[%get3A_162] {strides = array<i32>} : memref<128xi32, #tpu.memory_space<vmem>>, vector<16xi32>,
      %get3A_164 = vector.shape_cast %get3A_163 : vector<16xi32> to vector<16xi32>
      %add3A_165 = vector.broadcast %mul3A_15 : i32 to vector<16xi32>
      %add3A_166 = arith.addi %get3A_164, %add3A_165 : vector<16xi32>
      %swap3A_167 = arith.constant 0 : index
      %swap3A_168 = tpu.vector_load %arg8[%swap3A_167] {strides = array<i32>} : memref<128xi32, #tpu.memory_space<vmem>>, vector<16xi32>,
      %swap3A_169 = vector.shape_cast %swap3A_168 : vector<16xi32> to vector<16xi32>
      %swap3A_170 = vector.shape_cast %add3A_166 : vector<16xi32> to vector<16xi32>
      tpu.vector_store %arg8[%swap3A_167], %swap3A_170 {strides = array<i32>} : memref<128xi32, #tpu.memory_space<vmem>>, vector<16xi32>,
      %get3A_171 = arith.constant 16 : index
      %get3A_172 = tpu.vector_load %arg8[%get3A_171] {strides = array<i32>} : memref<128xi32, #tpu.memory_space<vmem>>, vector<16xi32>,
      %get3A_173 = vector.shape_cast %get3A_172 : vector<16xi32> to vector<16xi32>
      %add3A_174 = vector.broadcast %mul3A_15 : i32 to vector<16xi32>
      %add3A_175 = arith.addi %get3A_173, %add3A_174 : vector<16xi32>
      %swap3A_176 = arith.constant 16 : index
      %swap3A_177 = tpu.vector_load %arg8[%swap3A_176] {strides = array<i32>} : memref<128xi32, #tpu.memory_space<vmem>>, vector<16xi32>,
      %swap3A_178 = vector.shape_cast %swap3A_177 : vector<16xi32> to vector<16xi32>
      %swap3A_179 = vector.shape_cast %add3A_175 : vector<16xi32> to vector<16xi32>
      tpu.vector_store %arg8[%swap3A_176], %swap3A_179 {strides = array<i32>} : memref<128xi32, #tpu.memory_space<vmem>>, vector<16xi32>,
      %get3A_180 = arith.constant 32 : index
      %get3A_181 = tpu.vector_load %arg8[%get3A_180] {strides = array<i32>} : memref<128xi32, #tpu.memory_space<vmem>>, vector<16xi32>,
      %get3A_182 = vector.shape_cast %get3A_181 : vector<16xi32> to vector<16xi32>
      %add3A_183 = vector.broadcast %mul3A_15 : i32 to vector<16xi32>
      %add3A_184 = arith.addi %get3A_182, %add3A_183 : vector<16xi32>
      %swap3A_185 = arith.constant 32 : index
      %swap3A_186 = tpu.vector_load %arg8[%swap3A_185] {strides = array<i32>} : memref<128xi32, #tpu.memory_space<vmem>>, vector<16xi32>,
      %swap3A_187 = vector.shape_cast %swap3A_186 : vector<16xi32> to vector<16xi32>
      %swap3A_188 = vector.shape_cast %add3A_184 : vector<16xi32> to vector<16xi32>
      tpu.vector_store %arg8[%swap3A_185], %swap3A_188 {strides = array<i32>} : memref<128xi32, #tpu.memory_space<vmem>>, vector<16xi32>,
      %get3A_189 = arith.constant 48 : index
      %get3A_190 = tpu.vector_load %arg8[%get3A_189] {strides = array<i32>} : memref<128xi32, #tpu.memory_space<vmem>>, vector<16xi32>,
      %get3A_191 = vector.shape_cast %get3A_190 : vector<16xi32> to vector<16xi32>
      %add3A_192 = vector.broadcast %mul3A_15 : i32 to vector<16xi32>
      %add3A_193 = arith.addi %get3A_191, %add3A_192 : vector<16xi32>
      %swap3A_194 = arith.constant 48 : index
      %swap3A_195 = tpu.vector_load %arg8[%swap3A_194] {strides = array<i32>} : memref<128xi32, #tpu.memory_space<vmem>>, vector<16xi32>,
      %swap3A_196 = vector.shape_cast %swap3A_195 : vector<16xi32> to vector<16xi32>
      %swap3A_197 = vector.shape_cast %add3A_193 : vector<16xi32> to vector<16xi32>
      tpu.vector_store %arg8[%swap3A_194], %swap3A_197 {strides = array<i32>} : memref<128xi32, #tpu.memory_space<vmem>>, vector<16xi32>,
      %get3A_198 = arith.constant 64 : index
      %get3A_199 = tpu.vector_load %arg8[%get3A_198] {strides = array<i32>} : memref<128xi32, #tpu.memory_space<vmem>>, vector<16xi32>,
      %get3A_200 = vector.shape_cast %get3A_199 : vector<16xi32> to vector<16xi32>
      %add3A_201 = vector.broadcast %mul3A_15 : i32 to vector<16xi32>
      %add3A_202 = arith.addi %get3A_200, %add3A_201 : vector<16xi32>
      %swap3A_203 = arith.constant 64 : index
      %swap3A_204 = tpu.vector_load %arg8[%swap3A_203] {strides = array<i32>} : memref<128xi32, #tpu.memory_space<vmem>>, vector<16xi32>,
      %swap3A_205 = vector.shape_cast %swap3A_204 : vector<16xi32> to vector<16xi32>
      %swap3A_206 = vector.shape_cast %add3A_202 : vector<16xi32> to vector<16xi32>
      tpu.vector_store %arg8[%swap3A_203], %swap3A_206 {strides = array<i32>} : memref<128xi32, #tpu.memory_space<vmem>>, vector<16xi32>,
      %get3A_207 = arith.constant 80 : index
      %get3A_208 = tpu.vector_load %arg8[%get3A_207] {strides = array<i32>} : memref<128xi32, #tpu.memory_space<vmem>>, vector<16xi32>,
      %get3A_209 = vector.shape_cast %get3A_208 : vector<16xi32> to vector<16xi32>
      %add3A_210 = vector.broadcast %mul3A_15 : i32 to vector<16xi32>
      %add3A_211 = arith.addi %get3A_209, %add3A_210 : vector<16xi32>
      %swap3A_212 = arith.constant 80 : index
      %swap3A_213 = tpu.vector_load %arg8[%swap3A_212] {strides = array<i32>} : memref<128xi32, #tpu.memory_space<vmem>>, vector<16xi32>,
      %swap3A_214 = vector.shape_cast %swap3A_213 : vector<16xi32> to vector<16xi32>
      %swap3A_215 = vector.shape_cast %add3A_211 : vector<16xi32> to vector<16xi32>
      tpu.vector_store %arg8[%swap3A_212], %swap3A_215 {strides = array<i32>} : memref<128xi32, #tpu.memory_space<vmem>>, vector<16xi32>,
      %get3A_216 = arith.constant 96 : index
      %get3A_217 = tpu.vector_load %arg8[%get3A_216] {strides = array<i32>} : memref<128xi32, #tpu.memory_space<vmem>>, vector<16xi32>,
      %get3A_218 = vector.shape_cast %get3A_217 : vector<16xi32> to vector<16xi32>
      %add3A_219 = vector.broadcast %mul3A_15 : i32 to vector<16xi32>
      %add3A_220 = arith.addi %get3A_218, %add3A_219 : vector<16xi32>
      %swap3A_221 = arith.constant 96 : index
      %swap3A_222 = tpu.vector_load %arg8[%swap3A_221] {strides = array<i32>} : memref<128xi32, #tpu.memory_space<vmem>>, vector<16xi32>,
      %swap3A_223 = vector.shape_cast %swap3A_222 : vector<16xi32> to vector<16xi32>
      %swap3A_224 = vector.shape_cast %add3A_220 : vector<16xi32> to vector<16xi32>
      tpu.vector_store %arg8[%swap3A_221], %swap3A_224 {strides = array<i32>} : memref<128xi32, #tpu.memory_space<vmem>>, vector<16xi32>,
      %get3A_225 = arith.constant 112 : index
      %get3A_226 = tpu.vector_load %arg8[%get3A_225] {strides = array<i32>} : memref<128xi32, #tpu.memory_space<vmem>>, vector<16xi32>,
      %get3A_227 = vector.shape_cast %get3A_226 : vector<16xi32> to vector<16xi32>
      %add3A_228 = vector.broadcast %mul3A_15 : i32 to vector<16xi32>
      %add3A_229 = arith.addi %get3A_227, %add3A_228 : vector<16xi32>
      %swap3A_230 = arith.constant 112 : index
      %swap3A_231 = tpu.vector_load %arg8[%swap3A_230] {strides = array<i32>} : memref<128xi32, #tpu.memory_space<vmem>>, vector<16xi32>,
      %swap3A_232 = vector.shape_cast %swap3A_231 : vector<16xi32> to vector<16xi32>
      %swap3A_233 = vector.shape_cast %add3A_229 : vector<16xi32> to vector<16xi32>
      tpu.vector_store %arg8[%swap3A_230], %swap3A_233 {strides = array<i32>} : memref<128xi32, #tpu.memory_space<vmem>>, vector<16xi32>,
      %dma_wait3A_234 = arith.constant 0 : i32
      %dma_wait3A_235 = arith.constant 0 : i32
      %dma_wait3A_236 = tpu.memref_slice %arg2[%dma_wait3A_234, %dma_wait3A_235] : memref<20480x128xf32, #tpu.memory_space<hbm>> -> memref<20480x128xf32, #tpu.memory_space<hbm>>
      tpu.wait_indirect_dma semaphore(%arg13 : memref<!tpu.dma_semaphore, #tpu.memory_space<semaphore_mem>>) src(%dma_wait3A_236 : memref<20480x128xf32, #tpu.memory_space<hbm>>) dst(%arg10 : memref<128x128xf32, #tpu.memory_space<vmem>>)
      %dma_start3A_237 = arith.constant 0 : i32
      %dma_start3A_238 = arith.constant 0 : i32
      %dma_start3A_239 = tpu.memref_slice %arg2[%dma_start3A_237, %dma_start3A_238] : memref<20480x128xf32, #tpu.memory_space<hbm>> -> memref<20480x128xf32, #tpu.memory_space<hbm>>
      tpu.enqueue_indirect_dma source(%dma_start3A_239 : memref<20480x128xf32, #tpu.memory_space<hbm>>) target(%arg11 : memref<128x128xf32, #tpu.memory_space<vmem>>) offsets(%arg8 : memref<128xi32, #tpu.memory_space<vmem>>) semaphore(%arg14 : memref<!tpu.dma_semaphore, #tpu.memory_space<semaphore_mem>>)
      %dma_wait3A_240 = tpu.memref_slice %arg4[%mul3A_75] : memref<160000xi32, #tpu.memory_space<hbm>> -> memref<128xi32, #tpu.memory_space<hbm>>
      %dma_wait3A_241 = tpu.memref_slice %arg4[%mul3A_75] : memref<160000xi32, #tpu.memory_space<hbm>> -> memref<128xi32, #tpu.memory_space<hbm>>
      tpu.wait_dma2 semaphore(%arg16 : memref<!tpu.dma_semaphore, #tpu.memory_space<semaphore_mem>>) src(%dma_wait3A_241 : memref<128xi32, #tpu.memory_space<hbm>>) dst(%arg7 : memref<128xi32, #tpu.memory_space<vmem>>)
      "tpu.region"() ({
        %run_scoped3A = tpu.sem_alloc : memref<!tpu.dma_semaphore, #tpu.memory_space<semaphore_mem>>
        %dma_start3A_247 = arith.constant 0 : i32
        %dma_start3A_248 = arith.constant 0 : i32
        %dma_start3A_249 = tpu.memref_slice %arg12[%dma_start3A_247, %dma_start3A_248] : memref<10240x128xf32, #tpu.memory_space<vmem_shared>> -> memref<10240x128xf32, #tpu.memory_space<vmem_shared>>
        tpu.enqueue_indirect_dma source(%arg10 : memref<128x128xf32, #tpu.memory_space<vmem>>) target(%dma_start3A_249 : memref<10240x128xf32, #tpu.memory_space<vmem_shared>>) offsets(%arg7 : memref<128xi32, #tpu.memory_space<vmem>>) semaphore(%run_scoped3A : memref<!tpu.dma_semaphore, #tpu.memory_space<semaphore_mem>>) {add = true}
        %dma_wait3A_250 = arith.constant 0 : i32
        %dma_wait3A_251 = arith.constant 0 : i32
        %dma_wait3A_252 = tpu.memref_slice %arg12[%dma_wait3A_250, %dma_wait3A_251] : memref<10240x128xf32, #tpu.memory_space<vmem_shared>> -> memref<10240x128xf32, #tpu.memory_space<vmem_shared>>
        tpu.wait_indirect_dma semaphore(%run_scoped3A : memref<!tpu.dma_semaphore, #tpu.memory_space<semaphore_mem>>) src(%arg10 : memref<128x128xf32, #tpu.memory_space<vmem>>) dst(%dma_wait3A_252 : memref<10240x128xf32, #tpu.memory_space<vmem_shared>>)
        tpu.yield
      }) : () -> ()
      %dma_wait3A_242 = arith.constant 0 : i32
      %dma_wait3A_243 = arith.constant 0 : i32
      %dma_wait3A_244 = tpu.memref_slice %arg2[%dma_wait3A_242, %dma_wait3A_243] : memref<20480x128xf32, #tpu.memory_space<hbm>> -> memref<20480x128xf32, #tpu.memory_space<hbm>>
      tpu.wait_indirect_dma semaphore(%arg14 : memref<!tpu.dma_semaphore, #tpu.memory_space<semaphore_mem>>) src(%dma_wait3A_244 : memref<20480x128xf32, #tpu.memory_space<hbm>>) dst(%arg11 : memref<128x128xf32, #tpu.memory_space<vmem>>)
      %dma_wait3A_245 = tpu.memref_slice %arg4[%mul3A_83] : memref<160000xi32, #tpu.memory_space<hbm>> -> memref<128xi32, #tpu.memory_space<hbm>>
      %dma_wait3A_246 = tpu.memref_slice %arg4[%mul3A_83] : memref<160000xi32, #tpu.memory_space<hbm>> -> memref<128xi32, #tpu.memory_space<hbm>>
      tpu.wait_dma2 semaphore(%arg18 : memref<!tpu.dma_semaphore, #tpu.memory_space<semaphore_mem>>) src(%dma_wait3A_246 : memref<128xi32, #tpu.memory_space<hbm>>) dst(%arg9 : memref<128xi32, #tpu.memory_space<vmem>>)
      "tpu.region"() ({
        %run_scoped3A = tpu.sem_alloc : memref<!tpu.dma_semaphore, #tpu.memory_space<semaphore_mem>>
        %dma_start3A_247 = arith.constant 0 : i32
        %dma_start3A_248 = arith.constant 0 : i32
        %dma_start3A_249 = tpu.memref_slice %arg12[%dma_start3A_247, %dma_start3A_248] : memref<10240x128xf32, #tpu.memory_space<vmem_shared>> -> memref<10240x128xf32, #tpu.memory_space<vmem_shared>>
        tpu.enqueue_indirect_dma source(%arg11 : memref<128x128xf32, #tpu.memory_space<vmem>>) target(%dma_start3A_249 : memref<10240x128xf32, #tpu.memory_space<vmem_shared>>) offsets(%arg9 : memref<128xi32, #tpu.memory_space<vmem>>) semaphore(%run_scoped3A : memref<!tpu.dma_semaphore, #tpu.memory_space<semaphore_mem>>) {add = true}
        %dma_wait3A_250 = arith.constant 0 : i32
        %dma_wait3A_251 = arith.constant 0 : i32
        %dma_wait3A_252 = tpu.memref_slice %arg12[%dma_wait3A_250, %dma_wait3A_251] : memref<10240x128xf32, #tpu.memory_space<vmem_shared>> -> memref<10240x128xf32, #tpu.memory_space<vmem_shared>>
        tpu.wait_indirect_dma semaphore(%run_scoped3A : memref<!tpu.dma_semaphore, #tpu.memory_space<semaphore_mem>>) src(%arg11 : memref<128x128xf32, #tpu.memory_space<vmem>>) dst(%dma_wait3A_252 : memref<10240x128xf32, #tpu.memory_space<vmem_shared>>)
        tpu.yield
      }) : () -> ()
    }
    %scan3A_20 = arith.constant 39 : i32
    %add3A_21 = arith.constant 1248 : i32
    %add3A_22 = arith.addi %add3A_21, %arg1 : i32
    %lt3A = arith.constant 1250 : i32
    %lt3A_23 = arith.cmpi slt, %add3A_22, %lt3A : i32
    %convert_element_type3A = arith.extui %lt3A_23 : i1 to i32
    %cond3A = arith.constant 0 : i32
    %cond3A_24 = arith.cmpi ne, %convert_element_type3A, %cond3A : i32
    scf.if %cond3A_24 {
      %mul3A_61 = arith.constant 128 : i32
      %mul3A_62 = arith.muli %add3A_22, %mul3A_61 : i32
      %dma_start3A = tpu.memref_slice %arg3[%mul3A_62] : memref<160000xi32, #tpu.memory_space<hbm>> -> memref<128xi32, #tpu.memory_space<hbm>>
      %dma_start3A_63 = tpu.memref_slice %arg3[%mul3A_62] : memref<160000xi32, #tpu.memory_space<hbm>> -> memref<128xi32, #tpu.memory_space<hbm>>
      tpu.enqueue_dma source(%dma_start3A_63 : memref<128xi32, #tpu.memory_space<hbm>>) target(%arg6 : memref<128xi32, #tpu.memory_space<vmem>>) target_semaphore(%arg15 : memref<!tpu.dma_semaphore, #tpu.memory_space<semaphore_mem>>)
      %mul3A_64 = arith.constant 128 : i32
      %mul3A_65 = arith.muli %add3A_22, %mul3A_64 : i32
      %dma_start3A_66 = tpu.memref_slice %arg4[%mul3A_65] : memref<160000xi32, #tpu.memory_space<hbm>> -> memref<128xi32, #tpu.memory_space<hbm>>
      %dma_start3A_67 = tpu.memref_slice %arg4[%mul3A_65] : memref<160000xi32, #tpu.memory_space<hbm>> -> memref<128xi32, #tpu.memory_space<hbm>>
      tpu.enqueue_dma source(%dma_start3A_67 : memref<128xi32, #tpu.memory_space<hbm>>) target(%arg7 : memref<128xi32, #tpu.memory_space<vmem>>) target_semaphore(%arg16 : memref<!tpu.dma_semaphore, #tpu.memory_space<semaphore_mem>>)
      %dma_wait3A = tpu.memref_slice %arg3[%mul3A_62] : memref<160000xi32, #tpu.memory_space<hbm>> -> memref<128xi32, #tpu.memory_space<hbm>>
      %dma_wait3A_68 = tpu.memref_slice %arg3[%mul3A_62] : memref<160000xi32, #tpu.memory_space<hbm>> -> memref<128xi32, #tpu.memory_space<hbm>>
      tpu.wait_dma2 semaphore(%arg15 : memref<!tpu.dma_semaphore, #tpu.memory_space<semaphore_mem>>) src(%dma_wait3A_68 : memref<128xi32, #tpu.memory_space<hbm>>) dst(%arg6 : memref<128xi32, #tpu.memory_space<vmem>>)
      %dma_wait3A_69 = tpu.memref_slice %arg4[%mul3A_65] : memref<160000xi32, #tpu.memory_space<hbm>> -> memref<128xi32, #tpu.memory_space<hbm>>
      %dma_wait3A_70 = tpu.memref_slice %arg4[%mul3A_65] : memref<160000xi32, #tpu.memory_space<hbm>> -> memref<128xi32, #tpu.memory_space<hbm>>
      tpu.wait_dma2 semaphore(%arg16 : memref<!tpu.dma_semaphore, #tpu.memory_space<semaphore_mem>>) src(%dma_wait3A_70 : memref<128xi32, #tpu.memory_space<hbm>>) dst(%arg7 : memref<128xi32, #tpu.memory_space<vmem>>)
      %get3A = arith.constant 0 : index
      %get3A_71 = tpu.vector_load %arg6[%get3A] {strides = array<i32>} : memref<128xi32, #tpu.memory_space<vmem>>, vector<16xi32>,
      %get3A_72 = vector.shape_cast %get3A_71 : vector<16xi32> to vector<16xi32>
      %add3A_73 = vector.broadcast %mul3A_15 : i32 to vector<16xi32>
      %add3A_74 = arith.addi %get3A_72, %add3A_73 : vector<16xi32>
      %swap3A = arith.constant 0 : index
      %swap3A_75 = tpu.vector_load %arg6[%swap3A] {strides = array<i32>} : memref<128xi32, #tpu.memory_space<vmem>>, vector<16xi32>,
      %swap3A_76 = vector.shape_cast %swap3A_75 : vector<16xi32> to vector<16xi32>
      %swap3A_77 = vector.shape_cast %add3A_74 : vector<16xi32> to vector<16xi32>
      tpu.vector_store %arg6[%swap3A], %swap3A_77 {strides = array<i32>} : memref<128xi32, #tpu.memory_space<vmem>>, vector<16xi32>,
      %get3A_78 = arith.constant 16 : index
      %get3A_79 = tpu.vector_load %arg6[%get3A_78] {strides = array<i32>} : memref<128xi32, #tpu.memory_space<vmem>>, vector<16xi32>,
      %get3A_80 = vector.shape_cast %get3A_79 : vector<16xi32> to vector<16xi32>
      %add3A_81 = vector.broadcast %mul3A_15 : i32 to vector<16xi32>
      %add3A_82 = arith.addi %get3A_80, %add3A_81 : vector<16xi32>
      %swap3A_83 = arith.constant 16 : index
      %swap3A_84 = tpu.vector_load %arg6[%swap3A_83] {strides = array<i32>} : memref<128xi32, #tpu.memory_space<vmem>>, vector<16xi32>,
      %swap3A_85 = vector.shape_cast %swap3A_84 : vector<16xi32> to vector<16xi32>
      %swap3A_86 = vector.shape_cast %add3A_82 : vector<16xi32> to vector<16xi32>
      tpu.vector_store %arg6[%swap3A_83], %swap3A_86 {strides = array<i32>} : memref<128xi32, #tpu.memory_space<vmem>>, vector<16xi32>,
      %get3A_87 = arith.constant 32 : index
      %get3A_88 = tpu.vector_load %arg6[%get3A_87] {strides = array<i32>} : memref<128xi32, #tpu.memory_space<vmem>>, vector<16xi32>,
      %get3A_89 = vector.shape_cast %get3A_88 : vector<16xi32> to vector<16xi32>
      %add3A_90 = vector.broadcast %mul3A_15 : i32 to vector<16xi32>
      %add3A_91 = arith.addi %get3A_89, %add3A_90 : vector<16xi32>
      %swap3A_92 = arith.constant 32 : index
      %swap3A_93 = tpu.vector_load %arg6[%swap3A_92] {strides = array<i32>} : memref<128xi32, #tpu.memory_space<vmem>>, vector<16xi32>,
      %swap3A_94 = vector.shape_cast %swap3A_93 : vector<16xi32> to vector<16xi32>
      %swap3A_95 = vector.shape_cast %add3A_91 : vector<16xi32> to vector<16xi32>
      tpu.vector_store %arg6[%swap3A_92], %swap3A_95 {strides = array<i32>} : memref<128xi32, #tpu.memory_space<vmem>>, vector<16xi32>,
      %get3A_96 = arith.constant 48 : index
      %get3A_97 = tpu.vector_load %arg6[%get3A_96] {strides = array<i32>} : memref<128xi32, #tpu.memory_space<vmem>>, vector<16xi32>,
      %get3A_98 = vector.shape_cast %get3A_97 : vector<16xi32> to vector<16xi32>
      %add3A_99 = vector.broadcast %mul3A_15 : i32 to vector<16xi32>
      %add3A_100 = arith.addi %get3A_98, %add3A_99 : vector<16xi32>
      %swap3A_101 = arith.constant 48 : index
      %swap3A_102 = tpu.vector_load %arg6[%swap3A_101] {strides = array<i32>} : memref<128xi32, #tpu.memory_space<vmem>>, vector<16xi32>,
      %swap3A_103 = vector.shape_cast %swap3A_102 : vector<16xi32> to vector<16xi32>
      %swap3A_104 = vector.shape_cast %add3A_100 : vector<16xi32> to vector<16xi32>
      tpu.vector_store %arg6[%swap3A_101], %swap3A_104 {strides = array<i32>} : memref<128xi32, #tpu.memory_space<vmem>>, vector<16xi32>,
      %get3A_105 = arith.constant 64 : index
      %get3A_106 = tpu.vector_load %arg6[%get3A_105] {strides = array<i32>} : memref<128xi32, #tpu.memory_space<vmem>>, vector<16xi32>,
      %get3A_107 = vector.shape_cast %get3A_106 : vector<16xi32> to vector<16xi32>
      %add3A_108 = vector.broadcast %mul3A_15 : i32 to vector<16xi32>
      %add3A_109 = arith.addi %get3A_107, %add3A_108 : vector<16xi32>
      %swap3A_110 = arith.constant 64 : index
      %swap3A_111 = tpu.vector_load %arg6[%swap3A_110] {strides = array<i32>} : memref<128xi32, #tpu.memory_space<vmem>>, vector<16xi32>,
      %swap3A_112 = vector.shape_cast %swap3A_111 : vector<16xi32> to vector<16xi32>
      %swap3A_113 = vector.shape_cast %add3A_109 : vector<16xi32> to vector<16xi32>
      tpu.vector_store %arg6[%swap3A_110], %swap3A_113 {strides = array<i32>} : memref<128xi32, #tpu.memory_space<vmem>>, vector<16xi32>,
      %get3A_114 = arith.constant 80 : index
      %get3A_115 = tpu.vector_load %arg6[%get3A_114] {strides = array<i32>} : memref<128xi32, #tpu.memory_space<vmem>>, vector<16xi32>,
      %get3A_116 = vector.shape_cast %get3A_115 : vector<16xi32> to vector<16xi32>
      %add3A_117 = vector.broadcast %mul3A_15 : i32 to vector<16xi32>
      %add3A_118 = arith.addi %get3A_116, %add3A_117 : vector<16xi32>
      %swap3A_119 = arith.constant 80 : index
      %swap3A_120 = tpu.vector_load %arg6[%swap3A_119] {strides = array<i32>} : memref<128xi32, #tpu.memory_space<vmem>>, vector<16xi32>,
      %swap3A_121 = vector.shape_cast %swap3A_120 : vector<16xi32> to vector<16xi32>
      %swap3A_122 = vector.shape_cast %add3A_118 : vector<16xi32> to vector<16xi32>
      tpu.vector_store %arg6[%swap3A_119], %swap3A_122 {strides = array<i32>} : memref<128xi32, #tpu.memory_space<vmem>>, vector<16xi32>,
      %get3A_123 = arith.constant 96 : index
      %get3A_124 = tpu.vector_load %arg6[%get3A_123] {strides = array<i32>} : memref<128xi32, #tpu.memory_space<vmem>>, vector<16xi32>,
      %get3A_125 = vector.shape_cast %get3A_124 : vector<16xi32> to vector<16xi32>
      %add3A_126 = vector.broadcast %mul3A_15 : i32 to vector<16xi32>
      %add3A_127 = arith.addi %get3A_125, %add3A_126 : vector<16xi32>
      %swap3A_128 = arith.constant 96 : index
      %swap3A_129 = tpu.vector_load %arg6[%swap3A_128] {strides = array<i32>} : memref<128xi32, #tpu.memory_space<vmem>>, vector<16xi32>,
      %swap3A_130 = vector.shape_cast %swap3A_129 : vector<16xi32> to vector<16xi32>
      %swap3A_131 = vector.shape_cast %add3A_127 : vector<16xi32> to vector<16xi32>
      tpu.vector_store %arg6[%swap3A_128], %swap3A_131 {strides = array<i32>} : memref<128xi32, #tpu.memory_space<vmem>>, vector<16xi32>,
      %get3A_132 = arith.constant 112 : index
      %get3A_133 = tpu.vector_load %arg6[%get3A_132] {strides = array<i32>} : memref<128xi32, #tpu.memory_space<vmem>>, vector<16xi32>,
      %get3A_134 = vector.shape_cast %get3A_133 : vector<16xi32> to vector<16xi32>
      %add3A_135 = vector.broadcast %mul3A_15 : i32 to vector<16xi32>
      %add3A_136 = arith.addi %get3A_134, %add3A_135 : vector<16xi32>
      %swap3A_137 = arith.constant 112 : index
      %swap3A_138 = tpu.vector_load %arg6[%swap3A_137] {strides = array<i32>} : memref<128xi32, #tpu.memory_space<vmem>>, vector<16xi32>,
      %swap3A_139 = vector.shape_cast %swap3A_138 : vector<16xi32> to vector<16xi32>
      %swap3A_140 = vector.shape_cast %add3A_136 : vector<16xi32> to vector<16xi32>
      tpu.vector_store %arg6[%swap3A_137], %swap3A_140 {strides = array<i32>} : memref<128xi32, #tpu.memory_space<vmem>>, vector<16xi32>,
      %dma_start3A_141 = arith.constant 0 : i32
      %dma_start3A_142 = arith.constant 0 : i32
      %dma_start3A_143 = tpu.memref_slice %arg2[%dma_start3A_141, %dma_start3A_142] : memref<20480x128xf32, #tpu.memory_space<hbm>> -> memref<20480x128xf32, #tpu.memory_space<hbm>>
      tpu.enqueue_indirect_dma source(%dma_start3A_143 : memref<20480x128xf32, #tpu.memory_space<hbm>>) target(%arg10 : memref<128x128xf32, #tpu.memory_space<vmem>>) offsets(%arg6 : memref<128xi32, #tpu.memory_space<vmem>>) semaphore(%arg13 : memref<!tpu.dma_semaphore, #tpu.memory_space<semaphore_mem>>)
      %dma_wait3A_144 = arith.constant 0 : i32
      %dma_wait3A_145 = arith.constant 0 : i32
      %dma_wait3A_146 = tpu.memref_slice %arg2[%dma_wait3A_144, %dma_wait3A_145] : memref<20480x128xf32, #tpu.memory_space<hbm>> -> memref<20480x128xf32, #tpu.memory_space<hbm>>
      tpu.wait_indirect_dma semaphore(%arg13 : memref<!tpu.dma_semaphore, #tpu.memory_space<semaphore_mem>>) src(%dma_wait3A_146 : memref<20480x128xf32, #tpu.memory_space<hbm>>) dst(%arg10 : memref<128x128xf32, #tpu.memory_space<vmem>>)
      "tpu.region"() ({
        %run_scoped3A = tpu.sem_alloc : memref<!tpu.dma_semaphore, #tpu.memory_space<semaphore_mem>>
        %dma_start3A_147 = arith.constant 0 : i32
        %dma_start3A_148 = arith.constant 0 : i32
        %dma_start3A_149 = tpu.memref_slice %arg12[%dma_start3A_147, %dma_start3A_148] : memref<10240x128xf32, #tpu.memory_space<vmem_shared>> -> memref<10240x128xf32, #tpu.memory_space<vmem_shared>>
        tpu.enqueue_indirect_dma source(%arg10 : memref<128x128xf32, #tpu.memory_space<vmem>>) target(%dma_start3A_149 : memref<10240x128xf32, #tpu.memory_space<vmem_shared>>) offsets(%arg7 : memref<128xi32, #tpu.memory_space<vmem>>) semaphore(%run_scoped3A : memref<!tpu.dma_semaphore, #tpu.memory_space<semaphore_mem>>) {add = true}
        %dma_wait3A_150 = arith.constant 0 : i32
        %dma_wait3A_151 = arith.constant 0 : i32
        %dma_wait3A_152 = tpu.memref_slice %arg12[%dma_wait3A_150, %dma_wait3A_151] : memref<10240x128xf32, #tpu.memory_space<vmem_shared>> -> memref<10240x128xf32, #tpu.memory_space<vmem_shared>>
        tpu.wait_indirect_dma semaphore(%run_scoped3A : memref<!tpu.dma_semaphore, #tpu.memory_space<semaphore_mem>>) src(%arg10 : memref<128x128xf32, #tpu.memory_space<vmem>>) dst(%dma_wait3A_152 : memref<10240x128xf32, #tpu.memory_space<vmem_shared>>)
        tpu.yield
      }) : () -> ()
    } else {
    }
    %barrier3A_25 = arith.constant 0 : index
    tpu.barrier barrier_id(%barrier3A_25)
    %add3A_26 = arith.constant 0 : i32
    %add3A_27 = arith.addi %mul3A_0, %add3A_26 : i32
    %mul3A_28 = arith.constant 10240 : i32
    %mul3A_29 = arith.muli %arg0, %mul3A_28 : i32
    %add3A_30 = arith.addi %mul3A_29, %mul3A_0 : i32
    %add3A_31 = arith.constant 0 : i32
    %add3A_32 = arith.addi %add3A_30, %add3A_31 : i32
    "tpu.region"() ({
      %run_scoped3A = tpu.sem_alloc : memref<!tpu.dma_semaphore, #tpu.memory_space<semaphore_mem>>
      %dma_start3A = arith.constant 0 : i32
      %dma_start3A_61 = tpu.memref_slice %arg5[%add3A_32, %dma_start3A] : memref<20480x128xf32, #tpu.memory_space<hbm>> -> memref<128x128xf32, #tpu.memory_space<hbm>>
      %dma_start3A_62 = arith.constant 0 : i32
      %dma_start3A_63 = tpu.memref_slice %arg12[%add3A_27, %dma_start3A_62] : memref<10240x128xf32, #tpu.memory_space<vmem_shared>> -> memref<128x128xf32, #tpu.memory_space<vmem_shared>>
      tpu.enqueue_dma source(%dma_start3A_63 : memref<128x128xf32, #tpu.memory_space<vmem_shared>>) target(%dma_start3A_61 : memref<128x128xf32, #tpu.memory_space<hbm>>) target_semaphore(%run_scoped3A : memref<!tpu.dma_semaphore, #tpu.memory_space<semaphore_mem>>)
      %dma_wait3A = arith.constant 0 : i32
      %dma_wait3A_64 = tpu.memref_slice %arg5[%add3A_32, %dma_wait3A] : memref<20480x128xf32, #tpu.memory_space<hbm>> -> memref<128x128xf32, #tpu.memory_space<hbm>>
      %dma_wait3A_65 = arith.constant 0 : i32
      %dma_wait3A_66 = tpu.memref_slice %arg12[%add3A_27, %dma_wait3A_65] : memref<10240x128xf32, #tpu.memory_space<vmem_shared>> -> memref<128x128xf32, #tpu.memory_space<vmem_shared>>
      tpu.wait_dma2 semaphore(%run_scoped3A : memref<!tpu.dma_semaphore, #tpu.memory_space<semaphore_mem>>) src(%dma_wait3A_66 : memref<128x128xf32, #tpu.memory_space<vmem_shared>>) dst(%dma_wait3A_64 : memref<128x128xf32, #tpu.memory_space<hbm>>)
      tpu.yield
    }) : () -> ()
    %add3A_33 = arith.constant 128 : i32
    %add3A_34 = arith.addi %mul3A_0, %add3A_33 : i32
    %mul3A_35 = arith.constant 10240 : i32
    %mul3A_36 = arith.muli %arg0, %mul3A_35 : i32
    %add3A_37 = arith.addi %mul3A_36, %mul3A_0 : i32
    %add3A_38 = arith.constant 128 : i32
    %add3A_39 = arith.addi %add3A_37, %add3A_38 : i32
    "tpu.region"() ({
      %run_scoped3A = tpu.sem_alloc : memref<!tpu.dma_semaphore, #tpu.memory_space<semaphore_mem>>
      %dma_start3A = arith.constant 0 : i32
      %dma_start3A_61 = tpu.memref_slice %arg5[%add3A_39, %dma_start3A] : memref<20480x128xf32, #tpu.memory_space<hbm>> -> memref<128x128xf32, #tpu.memory_space<hbm>>
      %dma_start3A_62 = arith.constant 0 : i32
      %dma_start3A_63 = tpu.memref_slice %arg12[%add3A_34, %dma_start3A_62] : memref<10240x128xf32, #tpu.memory_space<vmem_shared>> -> memref<128x128xf32, #tpu.memory_space<vmem_shared>>
      tpu.enqueue_dma source(%dma_start3A_63 : memref<128x128xf32, #tpu.memory_space<vmem_shared>>) target(%dma_start3A_61 : memref<128x128xf32, #tpu.memory_space<hbm>>) target_semaphore(%run_scoped3A : memref<!tpu.dma_semaphore, #tpu.memory_space<semaphore_mem>>)
      %dma_wait3A = arith.constant 0 : i32
      %dma_wait3A_64 = tpu.memref_slice %arg5[%add3A_39, %dma_wait3A] : memref<20480x128xf32, #tpu.memory_space<hbm>> -> memref<128x128xf32, #tpu.memory_space<hbm>>
      %dma_wait3A_65 = arith.constant 0 : i32
      %dma_wait3A_66 = tpu.memref_slice %arg12[%add3A_34, %dma_wait3A_65] : memref<10240x128xf32, #tpu.memory_space<vmem_shared>> -> memref<128x128xf32, #tpu.memory_space<vmem_shared>>
      tpu.wait_dma2 semaphore(%run_scoped3A : memref<!tpu.dma_semaphore, #tpu.memory_space<semaphore_mem>>) src(%dma_wait3A_66 : memref<128x128xf32, #tpu.memory_space<vmem_shared>>) dst(%dma_wait3A_64 : memref<128x128xf32, #tpu.memory_space<hbm>>)
      tpu.yield
    }) : () -> ()
    %add3A_40 = arith.constant 256 : i32
    %add3A_41 = arith.addi %mul3A_0, %add3A_40 : i32
    %mul3A_42 = arith.constant 10240 : i32
    %mul3A_43 = arith.muli %arg0, %mul3A_42 : i32
    %add3A_44 = arith.addi %mul3A_43, %mul3A_0 : i32
    %add3A_45 = arith.constant 256 : i32
    %add3A_46 = arith.addi %add3A_44, %add3A_45 : i32
    "tpu.region"() ({
      %run_scoped3A = tpu.sem_alloc : memref<!tpu.dma_semaphore, #tpu.memory_space<semaphore_mem>>
      %dma_start3A = arith.constant 0 : i32
      %dma_start3A_61 = tpu.memref_slice %arg5[%add3A_46, %dma_start3A] : memref<20480x128xf32, #tpu.memory_space<hbm>> -> memref<128x128xf32, #tpu.memory_space<hbm>>
      %dma_start3A_62 = arith.constant 0 : i32
      %dma_start3A_63 = tpu.memref_slice %arg12[%add3A_41, %dma_start3A_62] : memref<10240x128xf32, #tpu.memory_space<vmem_shared>> -> memref<128x128xf32, #tpu.memory_space<vmem_shared>>
      tpu.enqueue_dma source(%dma_start3A_63 : memref<128x128xf32, #tpu.memory_space<vmem_shared>>) target(%dma_start3A_61 : memref<128x128xf32, #tpu.memory_space<hbm>>) target_semaphore(%run_scoped3A : memref<!tpu.dma_semaphore, #tpu.memory_space<semaphore_mem>>)
      %dma_wait3A = arith.constant 0 : i32
      %dma_wait3A_64 = tpu.memref_slice %arg5[%add3A_46, %dma_wait3A] : memref<20480x128xf32, #tpu.memory_space<hbm>> -> memref<128x128xf32, #tpu.memory_space<hbm>>
      %dma_wait3A_65 = arith.constant 0 : i32
      %dma_wait3A_66 = tpu.memref_slice %arg12[%add3A_41, %dma_wait3A_65] : memref<10240x128xf32, #tpu.memory_space<vmem_shared>> -> memref<128x128xf32, #tpu.memory_space<vmem_shared>>
      tpu.wait_dma2 semaphore(%run_scoped3A : memref<!tpu.dma_semaphore, #tpu.memory_space<semaphore_mem>>) src(%dma_wait3A_66 : memref<128x128xf32, #tpu.memory_space<vmem_shared>>) dst(%dma_wait3A_64 : memref<128x128xf32, #tpu.memory_space<hbm>>)
      tpu.yield
    }) : () -> ()
    %add3A_47 = arith.constant 384 : i32
    %add3A_48 = arith.addi %mul3A_0, %add3A_47 : i32
    %mul3A_49 = arith.constant 10240 : i32
    %mul3A_50 = arith.muli %arg0, %mul3A_49 : i32
    %add3A_51 = arith.addi %mul3A_50, %mul3A_0 : i32
    %add3A_52 = arith.constant 384 : i32
    %add3A_53 = arith.addi %add3A_51, %add3A_52 : i32
    "tpu.region"() ({
      %run_scoped3A = tpu.sem_alloc : memref<!tpu.dma_semaphore, #tpu.memory_space<semaphore_mem>>
      %dma_start3A = arith.constant 0 : i32
      %dma_start3A_61 = tpu.memref_slice %arg5[%add3A_53, %dma_start3A] : memref<20480x128xf32, #tpu.memory_space<hbm>> -> memref<128x128xf32, #tpu.memory_space<hbm>>
      %dma_start3A_62 = arith.constant 0 : i32
      %dma_start3A_63 = tpu.memref_slice %arg12[%add3A_48, %dma_start3A_62] : memref<10240x128xf32, #tpu.memory_space<vmem_shared>> -> memref<128x128xf32, #tpu.memory_space<vmem_shared>>
      tpu.enqueue_dma source(%dma_start3A_63 : memref<128x128xf32, #tpu.memory_space<vmem_shared>>) target(%dma_start3A_61 : memref<128x128xf32, #tpu.memory_space<hbm>>) target_semaphore(%run_scoped3A : memref<!tpu.dma_semaphore, #tpu.memory_space<semaphore_mem>>)
      %dma_wait3A = arith.constant 0 : i32
      %dma_wait3A_64 = tpu.memref_slice %arg5[%add3A_53, %dma_wait3A] : memref<20480x128xf32, #tpu.memory_space<hbm>> -> memref<128x128xf32, #tpu.memory_space<hbm>>
      %dma_wait3A_65 = arith.constant 0 : i32
      %dma_wait3A_66 = tpu.memref_slice %arg12[%add3A_48, %dma_wait3A_65] : memref<10240x128xf32, #tpu.memory_space<vmem_shared>> -> memref<128x128xf32, #tpu.memory_space<vmem_shared>>
      tpu.wait_dma2 semaphore(%run_scoped3A : memref<!tpu.dma_semaphore, #tpu.memory_space<semaphore_mem>>) src(%dma_wait3A_66 : memref<128x128xf32, #tpu.memory_space<vmem_shared>>) dst(%dma_wait3A_64 : memref<128x128xf32, #tpu.memory_space<hbm>>)
      tpu.yield
    }) : () -> ()
    %add3A_54 = arith.constant 512 : i32
    %add3A_55 = arith.addi %mul3A_0, %add3A_54 : i32
    %mul3A_56 = arith.constant 10240 : i32
    %mul3A_57 = arith.muli %arg0, %mul3A_56 : i32
    %add3A_58 = arith.addi %mul3A_57, %mul3A_0 : i32
    %add3A_59 = arith.constant 512 : i32
    %add3A_60 = arith.addi %add3A_58, %add3A_59 : i32
    "tpu.region"() ({
      %run_scoped3A = tpu.sem_alloc : memref<!tpu.dma_semaphore, #tpu.memory_space<semaphore_mem>>
      %dma_start3A = arith.constant 0 : i32
      %dma_start3A_61 = tpu.memref_slice %arg5[%add3A_60, %dma_start3A] : memref<20480x128xf32, #tpu.memory_space<hbm>> -> memref<128x128xf32, #tpu.memory_space<hbm>>
      %dma_start3A_62 = arith.constant 0 : i32
      %dma_start3A_63 = tpu.memref_slice %arg12[%add3A_55, %dma_start3A_62] : memref<10240x128xf32, #tpu.memory_space<vmem_shared>> -> memref<128x128xf32, #tpu.memory_space<vmem_shared>>
      tpu.enqueue_dma source(%dma_start3A_63 : memref<128x128xf32, #tpu.memory_space<vmem_shared>>) target(%dma_start3A_61 : memref<128x128xf32, #tpu.memory_space<hbm>>) target_semaphore(%run_scoped3A : memref<!tpu.dma_semaphore, #tpu.memory_space<semaphore_mem>>)
      %dma_wait3A = arith.constant 0 : i32
      %dma_wait3A_64 = tpu.memref_slice %arg5[%add3A_60, %dma_wait3A] : memref<20480x128xf32, #tpu.memory_space<hbm>> -> memref<128x128xf32, #tpu.memory_space<hbm>>
      %dma_wait3A_65 = arith.constant 0 : i32
      %dma_wait3A_66 = tpu.memref_slice %arg12[%add3A_55, %dma_wait3A_65] : memref<10240x128xf32, #tpu.memory_space<vmem_shared>> -> memref<128x128xf32, #tpu.memory_space<vmem_shared>>
      tpu.wait_dma2 semaphore(%run_scoped3A : memref<!tpu.dma_semaphore, #tpu.memory_space<semaphore_mem>>) src(%dma_wait3A_66 : memref<128x128xf32, #tpu.memory_space<vmem_shared>>) dst(%dma_wait3A_64 : memref<128x128xf32, #tpu.memory_space<hbm>>)
      tpu.yield
    }) : () -> ()
    return
  }
}

#map = affine_map<(d0, d1) -> (0)>
#map1 = affine_map<(d0, d1) -> (0, 0)>
module attributes {stable_mosaic.version = 14 : i64} {
  func.func @_deg_body(%arg0: i32, %arg1: i32, %arg2: memref<160000xi32, #tpu.memory_space<hbm>>, %arg3: memref<20480x128xf32, #tpu.memory_space<hbm>>, %arg4: memref<256xi32, #tpu.memory_space<vmem>>, %arg5: memref<256x128xf32, #tpu.memory_space<vmem>>, %arg6: memref<10240x128xf32, #tpu.memory_space<vmem_shared>>) attributes {dimension_semantics = [#tpu.dimension_semantics<core_parallel>, #tpu.dimension_semantics<subcore_parallel>], iteration_bounds = array<i64: 2, 16>, scalar_prefetch = 0 : i64, scratch_operands = 3 : i64, tpu.core_type = #tpu.core_type<sc_vector_subcore>, window_params = [{transform_indices = #map}, {transform_indices = #map1}]} {
    %mul3A = arith.constant 640 : i32
    %mul3A_0 = arith.muli %arg1, %mul3A : i32
    %scan3A = arith.constant 0 : i32
    %scan3A_1 = arith.constant 256 : i32
    %scan3A_2 = arith.addi %scan3A, %scan3A_1 : i32
    %scan3A_3 = arith.constant 1 : i32
    scf.for %scan3A_63 = %scan3A to %scan3A_2 step %scan3A_3  : i32 {
      %mul3A_64 = arith.constant 1 : i32
      %mul3A_65 = arith.muli %scan3A_63, %mul3A_64 : i32
      %add3A_66 = arith.constant 0 : i32
      %add3A_67 = arith.addi %add3A_66, %mul3A_65 : i32
      %broadcast_in_dim3A = arith.constant 0.000000e+00 : f32
      %broadcast_in_dim3A_68 = vector.broadcast %broadcast_in_dim3A : f32 to vector<16xf32>
      %swap3A = arith.index_cast %add3A_67 : i32 to index
      %swap3A_69 = arith.constant 0 : index
      %swap3A_70 = tpu.vector_load %arg5[%swap3A, %swap3A_69] {strides = array<i32>} : memref<256x128xf32, #tpu.memory_space<vmem>>, vector<1x16xf32>,
      %swap3A_71 = vector.shape_cast %swap3A_70 : vector<1x16xf32> to vector<16xf32>
      %swap3A_72 = vector.shape_cast %broadcast_in_dim3A_68 : vector<16xf32> to vector<1x16xf32>
      tpu.vector_store %arg5[%swap3A, %swap3A_69], %swap3A_72 {strides = array<i32>} : memref<256x128xf32, #tpu.memory_space<vmem>>, vector<1x16xf32>,
      %broadcast_in_dim3A_73 = arith.constant 0.000000e+00 : f32
      %broadcast_in_dim3A_74 = vector.broadcast %broadcast_in_dim3A_73 : f32 to vector<16xf32>
      %swap3A_75 = arith.index_cast %add3A_67 : i32 to index
      %swap3A_76 = arith.constant 16 : index
      %swap3A_77 = tpu.vector_load %arg5[%swap3A_75, %swap3A_76] {strides = array<i32>} : memref<256x128xf32, #tpu.memory_space<vmem>>, vector<1x16xf32>,
      %swap3A_78 = vector.shape_cast %swap3A_77 : vector<1x16xf32> to vector<16xf32>
      %swap3A_79 = vector.shape_cast %broadcast_in_dim3A_74 : vector<16xf32> to vector<1x16xf32>
      tpu.vector_store %arg5[%swap3A_75, %swap3A_76], %swap3A_79 {strides = array<i32>} : memref<256x128xf32, #tpu.memory_space<vmem>>, vector<1x16xf32>,
      %broadcast_in_dim3A_80 = arith.constant 0.000000e+00 : f32
      %broadcast_in_dim3A_81 = vector.broadcast %broadcast_in_dim3A_80 : f32 to vector<16xf32>
      %swap3A_82 = arith.index_cast %add3A_67 : i32 to index
      %swap3A_83 = arith.constant 32 : index
      %swap3A_84 = tpu.vector_load %arg5[%swap3A_82, %swap3A_83] {strides = array<i32>} : memref<256x128xf32, #tpu.memory_space<vmem>>, vector<1x16xf32>,
      %swap3A_85 = vector.shape_cast %swap3A_84 : vector<1x16xf32> to vector<16xf32>
      %swap3A_86 = vector.shape_cast %broadcast_in_dim3A_81 : vector<16xf32> to vector<1x16xf32>
      tpu.vector_store %arg5[%swap3A_82, %swap3A_83], %swap3A_86 {strides = array<i32>} : memref<256x128xf32, #tpu.memory_space<vmem>>, vector<1x16xf32>,
      %broadcast_in_dim3A_87 = arith.constant 0.000000e+00 : f32
      %broadcast_in_dim3A_88 = vector.broadcast %broadcast_in_dim3A_87 : f32 to vector<16xf32>
      %swap3A_89 = arith.index_cast %add3A_67 : i32 to index
      %swap3A_90 = arith.constant 48 : index
      %swap3A_91 = tpu.vector_load %arg5[%swap3A_89, %swap3A_90] {strides = array<i32>} : memref<256x128xf32, #tpu.memory_space<vmem>>, vector<1x16xf32>,
      %swap3A_92 = vector.shape_cast %swap3A_91 : vector<1x16xf32> to vector<16xf32>
      %swap3A_93 = vector.shape_cast %broadcast_in_dim3A_88 : vector<16xf32> to vector<1x16xf32>
      tpu.vector_store %arg5[%swap3A_89, %swap3A_90], %swap3A_93 {strides = array<i32>} : memref<256x128xf32, #tpu.memory_space<vmem>>, vector<1x16xf32>,
      %broadcast_in_dim3A_94 = arith.constant 0.000000e+00 : f32
      %broadcast_in_dim3A_95 = vector.broadcast %broadcast_in_dim3A_94 : f32 to vector<16xf32>
      %swap3A_96 = arith.index_cast %add3A_67 : i32 to index
      %swap3A_97 = arith.constant 64 : index
      %swap3A_98 = tpu.vector_load %arg5[%swap3A_96, %swap3A_97] {strides = array<i32>} : memref<256x128xf32, #tpu.memory_space<vmem>>, vector<1x16xf32>,
      %swap3A_99 = vector.shape_cast %swap3A_98 : vector<1x16xf32> to vector<16xf32>
      %swap3A_100 = vector.shape_cast %broadcast_in_dim3A_95 : vector<16xf32> to vector<1x16xf32>
      tpu.vector_store %arg5[%swap3A_96, %swap3A_97], %swap3A_100 {strides = array<i32>} : memref<256x128xf32, #tpu.memory_space<vmem>>, vector<1x16xf32>,
      %broadcast_in_dim3A_101 = arith.constant 0.000000e+00 : f32
      %broadcast_in_dim3A_102 = vector.broadcast %broadcast_in_dim3A_101 : f32 to vector<16xf32>
      %swap3A_103 = arith.index_cast %add3A_67 : i32 to index
      %swap3A_104 = arith.constant 80 : index
      %swap3A_105 = tpu.vector_load %arg5[%swap3A_103, %swap3A_104] {strides = array<i32>} : memref<256x128xf32, #tpu.memory_space<vmem>>, vector<1x16xf32>,
      %swap3A_106 = vector.shape_cast %swap3A_105 : vector<1x16xf32> to vector<16xf32>
      %swap3A_107 = vector.shape_cast %broadcast_in_dim3A_102 : vector<16xf32> to vector<1x16xf32>
      tpu.vector_store %arg5[%swap3A_103, %swap3A_104], %swap3A_107 {strides = array<i32>} : memref<256x128xf32, #tpu.memory_space<vmem>>, vector<1x16xf32>,
      %broadcast_in_dim3A_108 = arith.constant 0.000000e+00 : f32
      %broadcast_in_dim3A_109 = vector.broadcast %broadcast_in_dim3A_108 : f32 to vector<16xf32>
      %swap3A_110 = arith.index_cast %add3A_67 : i32 to index
      %swap3A_111 = arith.constant 96 : index
      %swap3A_112 = tpu.vector_load %arg5[%swap3A_110, %swap3A_111] {strides = array<i32>} : memref<256x128xf32, #tpu.memory_space<vmem>>, vector<1x16xf32>,
      %swap3A_113 = vector.shape_cast %swap3A_112 : vector<1x16xf32> to vector<16xf32>
      %swap3A_114 = vector.shape_cast %broadcast_in_dim3A_109 : vector<16xf32> to vector<1x16xf32>
      tpu.vector_store %arg5[%swap3A_110, %swap3A_111], %swap3A_114 {strides = array<i32>} : memref<256x128xf32, #tpu.memory_space<vmem>>, vector<1x16xf32>,
      %broadcast_in_dim3A_115 = arith.constant 0.000000e+00 : f32
      %broadcast_in_dim3A_116 = vector.broadcast %broadcast_in_dim3A_115 : f32 to vector<16xf32>
      %swap3A_117 = arith.index_cast %add3A_67 : i32 to index
      %swap3A_118 = arith.constant 112 : index
      %swap3A_119 = tpu.vector_load %arg5[%swap3A_117, %swap3A_118] {strides = array<i32>} : memref<256x128xf32, #tpu.memory_space<vmem>>, vector<1x16xf32>,
      %swap3A_120 = vector.shape_cast %swap3A_119 : vector<1x16xf32> to vector<16xf32>
      %swap3A_121 = vector.shape_cast %broadcast_in_dim3A_116 : vector<16xf32> to vector<1x16xf32>
      tpu.vector_store %arg5[%swap3A_117, %swap3A_118], %swap3A_121 {strides = array<i32>} : memref<256x128xf32, #tpu.memory_space<vmem>>, vector<1x16xf32>,
    }
    %scan3A_4 = arith.constant 256 : i32
    %add3A = arith.constant 0 : i32
    %add3A_5 = arith.addi %mul3A_0, %add3A : i32
    "tpu.region"() ({
      %run_scoped3A = tpu.sem_alloc : memref<!tpu.dma_semaphore, #tpu.memory_space<semaphore_mem>>
      %dma_start3A = arith.constant 0 : i32
      %dma_start3A_63 = arith.constant 0 : i32
      %dma_start3A_64 = tpu.memref_slice %arg5[%dma_start3A, %dma_start3A_63] : memref<256x128xf32, #tpu.memory_space<vmem>> -> memref<128x128xf32, #tpu.memory_space<vmem>>
      %dma_start3A_65 = arith.constant 0 : i32
      %dma_start3A_66 = tpu.memref_slice %arg6[%add3A_5, %dma_start3A_65] : memref<10240x128xf32, #tpu.memory_space<vmem_shared>> -> memref<128x128xf32, #tpu.memory_space<vmem_shared>>
      %dma_start3A_67 = arith.constant 0 : i32
      %dma_start3A_68 = tpu.memref_slice %arg6[%add3A_5, %dma_start3A_67] : memref<10240x128xf32, #tpu.memory_space<vmem_shared>> -> memref<128x128xf32, #tpu.memory_space<vmem_shared>>
      %dma_start3A_69 = arith.constant 0 : i32
      %dma_start3A_70 = arith.constant 0 : i32
      %dma_start3A_71 = tpu.memref_slice %arg5[%dma_start3A_69, %dma_start3A_70] : memref<256x128xf32, #tpu.memory_space<vmem>> -> memref<128x128xf32, #tpu.memory_space<vmem>>
      tpu.enqueue_dma source(%dma_start3A_71 : memref<128x128xf32, #tpu.memory_space<vmem>>) target(%dma_start3A_68 : memref<128x128xf32, #tpu.memory_space<vmem_shared>>) target_semaphore(%run_scoped3A : memref<!tpu.dma_semaphore, #tpu.memory_space<semaphore_mem>>)
      %dma_wait3A = arith.constant 0 : i32
      %dma_wait3A_72 = arith.constant 0 : i32
      %dma_wait3A_73 = tpu.memref_slice %arg5[%dma_wait3A, %dma_wait3A_72] : memref<256x128xf32, #tpu.memory_space<vmem>> -> memref<128x128xf32, #tpu.memory_space<vmem>>
      %dma_wait3A_74 = arith.constant 0 : i32
      %dma_wait3A_75 = tpu.memref_slice %arg6[%add3A_5, %dma_wait3A_74] : memref<10240x128xf32, #tpu.memory_space<vmem_shared>> -> memref<128x128xf32, #tpu.memory_space<vmem_shared>>
      %dma_wait3A_76 = arith.constant 0 : i32
      %dma_wait3A_77 = tpu.memref_slice %arg6[%add3A_5, %dma_wait3A_76] : memref<10240x128xf32, #tpu.memory_space<vmem_shared>> -> memref<128x128xf32, #tpu.memory_space<vmem_shared>>
      %dma_wait3A_78 = arith.constant 0 : i32
      %dma_wait3A_79 = arith.constant 0 : i32
      %dma_wait3A_80 = tpu.memref_slice %arg5[%dma_wait3A_78, %dma_wait3A_79] : memref<256x128xf32, #tpu.memory_space<vmem>> -> memref<128x128xf32, #tpu.memory_space<vmem>>
      tpu.wait_dma2 semaphore(%run_scoped3A : memref<!tpu.dma_semaphore, #tpu.memory_space<semaphore_mem>>) src(%dma_wait3A_80 : memref<128x128xf32, #tpu.memory_space<vmem>>) dst(%dma_wait3A_77 : memref<128x128xf32, #tpu.memory_space<vmem_shared>>)
      tpu.yield
    }) : () -> ()
    %add3A_6 = arith.constant 128 : i32
    %add3A_7 = arith.addi %mul3A_0, %add3A_6 : i32
    "tpu.region"() ({
      %run_scoped3A = tpu.sem_alloc : memref<!tpu.dma_semaphore, #tpu.memory_space<semaphore_mem>>
      %dma_start3A = arith.constant 0 : i32
      %dma_start3A_63 = arith.constant 0 : i32
      %dma_start3A_64 = tpu.memref_slice %arg5[%dma_start3A, %dma_start3A_63] : memref<256x128xf32, #tpu.memory_space<vmem>> -> memref<128x128xf32, #tpu.memory_space<vmem>>
      %dma_start3A_65 = arith.constant 0 : i32
      %dma_start3A_66 = tpu.memref_slice %arg6[%add3A_7, %dma_start3A_65] : memref<10240x128xf32, #tpu.memory_space<vmem_shared>> -> memref<128x128xf32, #tpu.memory_space<vmem_shared>>
      %dma_start3A_67 = arith.constant 0 : i32
      %dma_start3A_68 = tpu.memref_slice %arg6[%add3A_7, %dma_start3A_67] : memref<10240x128xf32, #tpu.memory_space<vmem_shared>> -> memref<128x128xf32, #tpu.memory_space<vmem_shared>>
      %dma_start3A_69 = arith.constant 0 : i32
      %dma_start3A_70 = arith.constant 0 : i32
      %dma_start3A_71 = tpu.memref_slice %arg5[%dma_start3A_69, %dma_start3A_70] : memref<256x128xf32, #tpu.memory_space<vmem>> -> memref<128x128xf32, #tpu.memory_space<vmem>>
      tpu.enqueue_dma source(%dma_start3A_71 : memref<128x128xf32, #tpu.memory_space<vmem>>) target(%dma_start3A_68 : memref<128x128xf32, #tpu.memory_space<vmem_shared>>) target_semaphore(%run_scoped3A : memref<!tpu.dma_semaphore, #tpu.memory_space<semaphore_mem>>)
      %dma_wait3A = arith.constant 0 : i32
      %dma_wait3A_72 = arith.constant 0 : i32
      %dma_wait3A_73 = tpu.memref_slice %arg5[%dma_wait3A, %dma_wait3A_72] : memref<256x128xf32, #tpu.memory_space<vmem>> -> memref<128x128xf32, #tpu.memory_space<vmem>>
      %dma_wait3A_74 = arith.constant 0 : i32
      %dma_wait3A_75 = tpu.memref_slice %arg6[%add3A_7, %dma_wait3A_74] : memref<10240x128xf32, #tpu.memory_space<vmem_shared>> -> memref<128x128xf32, #tpu.memory_space<vmem_shared>>
      %dma_wait3A_76 = arith.constant 0 : i32
      %dma_wait3A_77 = tpu.memref_slice %arg6[%add3A_7, %dma_wait3A_76] : memref<10240x128xf32, #tpu.memory_space<vmem_shared>> -> memref<128x128xf32, #tpu.memory_space<vmem_shared>>
      %dma_wait3A_78 = arith.constant 0 : i32
      %dma_wait3A_79 = arith.constant 0 : i32
      %dma_wait3A_80 = tpu.memref_slice %arg5[%dma_wait3A_78, %dma_wait3A_79] : memref<256x128xf32, #tpu.memory_space<vmem>> -> memref<128x128xf32, #tpu.memory_space<vmem>>
      tpu.wait_dma2 semaphore(%run_scoped3A : memref<!tpu.dma_semaphore, #tpu.memory_space<semaphore_mem>>) src(%dma_wait3A_80 : memref<128x128xf32, #tpu.memory_space<vmem>>) dst(%dma_wait3A_77 : memref<128x128xf32, #tpu.memory_space<vmem_shared>>)
      tpu.yield
    }) : () -> ()
    %add3A_8 = arith.constant 256 : i32
    %add3A_9 = arith.addi %mul3A_0, %add3A_8 : i32
    "tpu.region"() ({
      %run_scoped3A = tpu.sem_alloc : memref<!tpu.dma_semaphore, #tpu.memory_space<semaphore_mem>>
      %dma_start3A = arith.constant 0 : i32
      %dma_start3A_63 = arith.constant 0 : i32
      %dma_start3A_64 = tpu.memref_slice %arg5[%dma_start3A, %dma_start3A_63] : memref<256x128xf32, #tpu.memory_space<vmem>> -> memref<128x128xf32, #tpu.memory_space<vmem>>
      %dma_start3A_65 = arith.constant 0 : i32
      %dma_start3A_66 = tpu.memref_slice %arg6[%add3A_9, %dma_start3A_65] : memref<10240x128xf32, #tpu.memory_space<vmem_shared>> -> memref<128x128xf32, #tpu.memory_space<vmem_shared>>
      %dma_start3A_67 = arith.constant 0 : i32
      %dma_start3A_68 = tpu.memref_slice %arg6[%add3A_9, %dma_start3A_67] : memref<10240x128xf32, #tpu.memory_space<vmem_shared>> -> memref<128x128xf32, #tpu.memory_space<vmem_shared>>
      %dma_start3A_69 = arith.constant 0 : i32
      %dma_start3A_70 = arith.constant 0 : i32
      %dma_start3A_71 = tpu.memref_slice %arg5[%dma_start3A_69, %dma_start3A_70] : memref<256x128xf32, #tpu.memory_space<vmem>> -> memref<128x128xf32, #tpu.memory_space<vmem>>
      tpu.enqueue_dma source(%dma_start3A_71 : memref<128x128xf32, #tpu.memory_space<vmem>>) target(%dma_start3A_68 : memref<128x128xf32, #tpu.memory_space<vmem_shared>>) target_semaphore(%run_scoped3A : memref<!tpu.dma_semaphore, #tpu.memory_space<semaphore_mem>>)
      %dma_wait3A = arith.constant 0 : i32
      %dma_wait3A_72 = arith.constant 0 : i32
      %dma_wait3A_73 = tpu.memref_slice %arg5[%dma_wait3A, %dma_wait3A_72] : memref<256x128xf32, #tpu.memory_space<vmem>> -> memref<128x128xf32, #tpu.memory_space<vmem>>
      %dma_wait3A_74 = arith.constant 0 : i32
      %dma_wait3A_75 = tpu.memref_slice %arg6[%add3A_9, %dma_wait3A_74] : memref<10240x128xf32, #tpu.memory_space<vmem_shared>> -> memref<128x128xf32, #tpu.memory_space<vmem_shared>>
      %dma_wait3A_76 = arith.constant 0 : i32
      %dma_wait3A_77 = tpu.memref_slice %arg6[%add3A_9, %dma_wait3A_76] : memref<10240x128xf32, #tpu.memory_space<vmem_shared>> -> memref<128x128xf32, #tpu.memory_space<vmem_shared>>
      %dma_wait3A_78 = arith.constant 0 : i32
      %dma_wait3A_79 = arith.constant 0 : i32
      %dma_wait3A_80 = tpu.memref_slice %arg5[%dma_wait3A_78, %dma_wait3A_79] : memref<256x128xf32, #tpu.memory_space<vmem>> -> memref<128x128xf32, #tpu.memory_space<vmem>>
      tpu.wait_dma2 semaphore(%run_scoped3A : memref<!tpu.dma_semaphore, #tpu.memory_space<semaphore_mem>>) src(%dma_wait3A_80 : memref<128x128xf32, #tpu.memory_space<vmem>>) dst(%dma_wait3A_77 : memref<128x128xf32, #tpu.memory_space<vmem_shared>>)
      tpu.yield
    }) : () -> ()
    %add3A_10 = arith.constant 384 : i32
    %add3A_11 = arith.addi %mul3A_0, %add3A_10 : i32
    "tpu.region"() ({
      %run_scoped3A = tpu.sem_alloc : memref<!tpu.dma_semaphore, #tpu.memory_space<semaphore_mem>>
      %dma_start3A = arith.constant 0 : i32
      %dma_start3A_63 = arith.constant 0 : i32
      %dma_start3A_64 = tpu.memref_slice %arg5[%dma_start3A, %dma_start3A_63] : memref<256x128xf32, #tpu.memory_space<vmem>> -> memref<128x128xf32, #tpu.memory_space<vmem>>
      %dma_start3A_65 = arith.constant 0 : i32
      %dma_start3A_66 = tpu.memref_slice %arg6[%add3A_11, %dma_start3A_65] : memref<10240x128xf32, #tpu.memory_space<vmem_shared>> -> memref<128x128xf32, #tpu.memory_space<vmem_shared>>
      %dma_start3A_67 = arith.constant 0 : i32
      %dma_start3A_68 = tpu.memref_slice %arg6[%add3A_11, %dma_start3A_67] : memref<10240x128xf32, #tpu.memory_space<vmem_shared>> -> memref<128x128xf32, #tpu.memory_space<vmem_shared>>
      %dma_start3A_69 = arith.constant 0 : i32
      %dma_start3A_70 = arith.constant 0 : i32
      %dma_start3A_71 = tpu.memref_slice %arg5[%dma_start3A_69, %dma_start3A_70] : memref<256x128xf32, #tpu.memory_space<vmem>> -> memref<128x128xf32, #tpu.memory_space<vmem>>
      tpu.enqueue_dma source(%dma_start3A_71 : memref<128x128xf32, #tpu.memory_space<vmem>>) target(%dma_start3A_68 : memref<128x128xf32, #tpu.memory_space<vmem_shared>>) target_semaphore(%run_scoped3A : memref<!tpu.dma_semaphore, #tpu.memory_space<semaphore_mem>>)
      %dma_wait3A = arith.constant 0 : i32
      %dma_wait3A_72 = arith.constant 0 : i32
      %dma_wait3A_73 = tpu.memref_slice %arg5[%dma_wait3A, %dma_wait3A_72] : memref<256x128xf32, #tpu.memory_space<vmem>> -> memref<128x128xf32, #tpu.memory_space<vmem>>
      %dma_wait3A_74 = arith.constant 0 : i32
      %dma_wait3A_75 = tpu.memref_slice %arg6[%add3A_11, %dma_wait3A_74] : memref<10240x128xf32, #tpu.memory_space<vmem_shared>> -> memref<128x128xf32, #tpu.memory_space<vmem_shared>>
      %dma_wait3A_76 = arith.constant 0 : i32
      %dma_wait3A_77 = tpu.memref_slice %arg6[%add3A_11, %dma_wait3A_76] : memref<10240x128xf32, #tpu.memory_space<vmem_shared>> -> memref<128x128xf32, #tpu.memory_space<vmem_shared>>
      %dma_wait3A_78 = arith.constant 0 : i32
      %dma_wait3A_79 = arith.constant 0 : i32
      %dma_wait3A_80 = tpu.memref_slice %arg5[%dma_wait3A_78, %dma_wait3A_79] : memref<256x128xf32, #tpu.memory_space<vmem>> -> memref<128x128xf32, #tpu.memory_space<vmem>>
      tpu.wait_dma2 semaphore(%run_scoped3A : memref<!tpu.dma_semaphore, #tpu.memory_space<semaphore_mem>>) src(%dma_wait3A_80 : memref<128x128xf32, #tpu.memory_space<vmem>>) dst(%dma_wait3A_77 : memref<128x128xf32, #tpu.memory_space<vmem_shared>>)
      tpu.yield
    }) : () -> ()
    %add3A_12 = arith.constant 512 : i32
    %add3A_13 = arith.addi %mul3A_0, %add3A_12 : i32
    "tpu.region"() ({
      %run_scoped3A = tpu.sem_alloc : memref<!tpu.dma_semaphore, #tpu.memory_space<semaphore_mem>>
      %dma_start3A = arith.constant 0 : i32
      %dma_start3A_63 = arith.constant 0 : i32
      %dma_start3A_64 = tpu.memref_slice %arg5[%dma_start3A, %dma_start3A_63] : memref<256x128xf32, #tpu.memory_space<vmem>> -> memref<128x128xf32, #tpu.memory_space<vmem>>
      %dma_start3A_65 = arith.constant 0 : i32
      %dma_start3A_66 = tpu.memref_slice %arg6[%add3A_13, %dma_start3A_65] : memref<10240x128xf32, #tpu.memory_space<vmem_shared>> -> memref<128x128xf32, #tpu.memory_space<vmem_shared>>
      %dma_start3A_67 = arith.constant 0 : i32
      %dma_start3A_68 = tpu.memref_slice %arg6[%add3A_13, %dma_start3A_67] : memref<10240x128xf32, #tpu.memory_space<vmem_shared>> -> memref<128x128xf32, #tpu.memory_space<vmem_shared>>
      %dma_start3A_69 = arith.constant 0 : i32
      %dma_start3A_70 = arith.constant 0 : i32
      %dma_start3A_71 = tpu.memref_slice %arg5[%dma_start3A_69, %dma_start3A_70] : memref<256x128xf32, #tpu.memory_space<vmem>> -> memref<128x128xf32, #tpu.memory_space<vmem>>
      tpu.enqueue_dma source(%dma_start3A_71 : memref<128x128xf32, #tpu.memory_space<vmem>>) target(%dma_start3A_68 : memref<128x128xf32, #tpu.memory_space<vmem_shared>>) target_semaphore(%run_scoped3A : memref<!tpu.dma_semaphore, #tpu.memory_space<semaphore_mem>>)
      %dma_wait3A = arith.constant 0 : i32
      %dma_wait3A_72 = arith.constant 0 : i32
      %dma_wait3A_73 = tpu.memref_slice %arg5[%dma_wait3A, %dma_wait3A_72] : memref<256x128xf32, #tpu.memory_space<vmem>> -> memref<128x128xf32, #tpu.memory_space<vmem>>
      %dma_wait3A_74 = arith.constant 0 : i32
      %dma_wait3A_75 = tpu.memref_slice %arg6[%add3A_13, %dma_wait3A_74] : memref<10240x128xf32, #tpu.memory_space<vmem_shared>> -> memref<128x128xf32, #tpu.memory_space<vmem_shared>>
      %dma_wait3A_76 = arith.constant 0 : i32
      %dma_wait3A_77 = tpu.memref_slice %arg6[%add3A_13, %dma_wait3A_76] : memref<10240x128xf32, #tpu.memory_space<vmem_shared>> -> memref<128x128xf32, #tpu.memory_space<vmem_shared>>
      %dma_wait3A_78 = arith.constant 0 : i32
      %dma_wait3A_79 = arith.constant 0 : i32
      %dma_wait3A_80 = tpu.memref_slice %arg5[%dma_wait3A_78, %dma_wait3A_79] : memref<256x128xf32, #tpu.memory_space<vmem>> -> memref<128x128xf32, #tpu.memory_space<vmem>>
      tpu.wait_dma2 semaphore(%run_scoped3A : memref<!tpu.dma_semaphore, #tpu.memory_space<semaphore_mem>>) src(%dma_wait3A_80 : memref<128x128xf32, #tpu.memory_space<vmem>>) dst(%dma_wait3A_77 : memref<128x128xf32, #tpu.memory_space<vmem_shared>>)
      tpu.yield
    }) : () -> ()
    %scan3A_14 = arith.constant 0 : i32
    %scan3A_15 = arith.constant 256 : i32
    %scan3A_16 = arith.addi %scan3A_14, %scan3A_15 : i32
    %scan3A_17 = arith.constant 1 : i32
    scf.for %scan3A_63 = %scan3A_14 to %scan3A_16 step %scan3A_17  : i32 {
      %mul3A_64 = arith.constant 1 : i32
      %mul3A_65 = arith.muli %scan3A_63, %mul3A_64 : i32
      %add3A_66 = arith.constant 0 : i32
      %add3A_67 = arith.addi %add3A_66, %mul3A_65 : i32
      %broadcast_in_dim3A = arith.constant 1.000000e+00 : f32
      %broadcast_in_dim3A_68 = vector.broadcast %broadcast_in_dim3A : f32 to vector<16xf32>
      %swap3A = arith.index_cast %add3A_67 : i32 to index
      %swap3A_69 = arith.constant 0 : index
      %swap3A_70 = tpu.vector_load %arg5[%swap3A, %swap3A_69] {strides = array<i32>} : memref<256x128xf32, #tpu.memory_space<vmem>>, vector<1x16xf32>,
      %swap3A_71 = vector.shape_cast %swap3A_70 : vector<1x16xf32> to vector<16xf32>
      %swap3A_72 = vector.shape_cast %broadcast_in_dim3A_68 : vector<16xf32> to vector<1x16xf32>
      tpu.vector_store %arg5[%swap3A, %swap3A_69], %swap3A_72 {strides = array<i32>} : memref<256x128xf32, #tpu.memory_space<vmem>>, vector<1x16xf32>,
      %broadcast_in_dim3A_73 = arith.constant 1.000000e+00 : f32
      %broadcast_in_dim3A_74 = vector.broadcast %broadcast_in_dim3A_73 : f32 to vector<16xf32>
      %swap3A_75 = arith.index_cast %add3A_67 : i32 to index
      %swap3A_76 = arith.constant 16 : index
      %swap3A_77 = tpu.vector_load %arg5[%swap3A_75, %swap3A_76] {strides = array<i32>} : memref<256x128xf32, #tpu.memory_space<vmem>>, vector<1x16xf32>,
      %swap3A_78 = vector.shape_cast %swap3A_77 : vector<1x16xf32> to vector<16xf32>
      %swap3A_79 = vector.shape_cast %broadcast_in_dim3A_74 : vector<16xf32> to vector<1x16xf32>
      tpu.vector_store %arg5[%swap3A_75, %swap3A_76], %swap3A_79 {strides = array<i32>} : memref<256x128xf32, #tpu.memory_space<vmem>>, vector<1x16xf32>,
      %broadcast_in_dim3A_80 = arith.constant 1.000000e+00 : f32
      %broadcast_in_dim3A_81 = vector.broadcast %broadcast_in_dim3A_80 : f32 to vector<16xf32>
      %swap3A_82 = arith.index_cast %add3A_67 : i32 to index
      %swap3A_83 = arith.constant 32 : index
      %swap3A_84 = tpu.vector_load %arg5[%swap3A_82, %swap3A_83] {strides = array<i32>} : memref<256x128xf32, #tpu.memory_space<vmem>>, vector<1x16xf32>,
      %swap3A_85 = vector.shape_cast %swap3A_84 : vector<1x16xf32> to vector<16xf32>
      %swap3A_86 = vector.shape_cast %broadcast_in_dim3A_81 : vector<16xf32> to vector<1x16xf32>
      tpu.vector_store %arg5[%swap3A_82, %swap3A_83], %swap3A_86 {strides = array<i32>} : memref<256x128xf32, #tpu.memory_space<vmem>>, vector<1x16xf32>,
      %broadcast_in_dim3A_87 = arith.constant 1.000000e+00 : f32
      %broadcast_in_dim3A_88 = vector.broadcast %broadcast_in_dim3A_87 : f32 to vector<16xf32>
      %swap3A_89 = arith.index_cast %add3A_67 : i32 to index
      %swap3A_90 = arith.constant 48 : index
      %swap3A_91 = tpu.vector_load %arg5[%swap3A_89, %swap3A_90] {strides = array<i32>} : memref<256x128xf32, #tpu.memory_space<vmem>>, vector<1x16xf32>,
      %swap3A_92 = vector.shape_cast %swap3A_91 : vector<1x16xf32> to vector<16xf32>
      %swap3A_93 = vector.shape_cast %broadcast_in_dim3A_88 : vector<16xf32> to vector<1x16xf32>
      tpu.vector_store %arg5[%swap3A_89, %swap3A_90], %swap3A_93 {strides = array<i32>} : memref<256x128xf32, #tpu.memory_space<vmem>>, vector<1x16xf32>,
      %broadcast_in_dim3A_94 = arith.constant 1.000000e+00 : f32
      %broadcast_in_dim3A_95 = vector.broadcast %broadcast_in_dim3A_94 : f32 to vector<16xf32>
      %swap3A_96 = arith.index_cast %add3A_67 : i32 to index
      %swap3A_97 = arith.constant 64 : index
      %swap3A_98 = tpu.vector_load %arg5[%swap3A_96, %swap3A_97] {strides = array<i32>} : memref<256x128xf32, #tpu.memory_space<vmem>>, vector<1x16xf32>,
      %swap3A_99 = vector.shape_cast %swap3A_98 : vector<1x16xf32> to vector<16xf32>
      %swap3A_100 = vector.shape_cast %broadcast_in_dim3A_95 : vector<16xf32> to vector<1x16xf32>
      tpu.vector_store %arg5[%swap3A_96, %swap3A_97], %swap3A_100 {strides = array<i32>} : memref<256x128xf32, #tpu.memory_space<vmem>>, vector<1x16xf32>,
      %broadcast_in_dim3A_101 = arith.constant 1.000000e+00 : f32
      %broadcast_in_dim3A_102 = vector.broadcast %broadcast_in_dim3A_101 : f32 to vector<16xf32>
      %swap3A_103 = arith.index_cast %add3A_67 : i32 to index
      %swap3A_104 = arith.constant 80 : index
      %swap3A_105 = tpu.vector_load %arg5[%swap3A_103, %swap3A_104] {strides = array<i32>} : memref<256x128xf32, #tpu.memory_space<vmem>>, vector<1x16xf32>,
      %swap3A_106 = vector.shape_cast %swap3A_105 : vector<1x16xf32> to vector<16xf32>
      %swap3A_107 = vector.shape_cast %broadcast_in_dim3A_102 : vector<16xf32> to vector<1x16xf32>
      tpu.vector_store %arg5[%swap3A_103, %swap3A_104], %swap3A_107 {strides = array<i32>} : memref<256x128xf32, #tpu.memory_space<vmem>>, vector<1x16xf32>,
      %broadcast_in_dim3A_108 = arith.constant 1.000000e+00 : f32
      %broadcast_in_dim3A_109 = vector.broadcast %broadcast_in_dim3A_108 : f32 to vector<16xf32>
      %swap3A_110 = arith.index_cast %add3A_67 : i32 to index
      %swap3A_111 = arith.constant 96 : index
      %swap3A_112 = tpu.vector_load %arg5[%swap3A_110, %swap3A_111] {strides = array<i32>} : memref<256x128xf32, #tpu.memory_space<vmem>>, vector<1x16xf32>,
      %swap3A_113 = vector.shape_cast %swap3A_112 : vector<1x16xf32> to vector<16xf32>
      %swap3A_114 = vector.shape_cast %broadcast_in_dim3A_109 : vector<16xf32> to vector<1x16xf32>
      tpu.vector_store %arg5[%swap3A_110, %swap3A_111], %swap3A_114 {strides = array<i32>} : memref<256x128xf32, #tpu.memory_space<vmem>>, vector<1x16xf32>,
      %broadcast_in_dim3A_115 = arith.constant 1.000000e+00 : f32
      %broadcast_in_dim3A_116 = vector.broadcast %broadcast_in_dim3A_115 : f32 to vector<16xf32>
      %swap3A_117 = arith.index_cast %add3A_67 : i32 to index
      %swap3A_118 = arith.constant 112 : index
      %swap3A_119 = tpu.vector_load %arg5[%swap3A_117, %swap3A_118] {strides = array<i32>} : memref<256x128xf32, #tpu.memory_space<vmem>>, vector<1x16xf32>,
      %swap3A_120 = vector.shape_cast %swap3A_119 : vector<1x16xf32> to vector<16xf32>
      %swap3A_121 = vector.shape_cast %broadcast_in_dim3A_116 : vector<16xf32> to vector<1x16xf32>
      tpu.vector_store %arg5[%swap3A_117, %swap3A_118], %swap3A_121 {strides = array<i32>} : memref<256x128xf32, #tpu.memory_space<vmem>>, vector<1x16xf32>,
    }
    %scan3A_18 = arith.constant 256 : i32
    %barrier3A = arith.constant 0 : index
    tpu.barrier barrier_id(%barrier3A)
    %mul3A_19 = arith.constant 16 : i32
    %mul3A_20 = arith.muli %arg0, %mul3A_19 : i32
    %add3A_21 = arith.addi %mul3A_20, %arg1 : i32
    %scan3A_22 = arith.constant 0 : i32
    %scan3A_23 = arith.constant 20 : i32
    %scan3A_24 = arith.addi %scan3A_22, %scan3A_23 : i32
    %scan3A_25 = arith.constant 1 : i32
    scf.for %scan3A_63 = %scan3A_22 to %scan3A_24 step %scan3A_25  : i32 {
      %mul3A_64 = arith.constant 1 : i32
      %mul3A_65 = arith.muli %scan3A_63, %mul3A_64 : i32
      %add3A_66 = arith.constant 0 : i32
      %add3A_67 = arith.addi %add3A_66, %mul3A_65 : i32
      %mul3A_68 = arith.constant 2 : i32
      %mul3A_69 = arith.muli %add3A_67, %mul3A_68 : i32
      %mul3A_70 = arith.constant 16 : i32
      %mul3A_71 = arith.muli %mul3A_69, %mul3A_70 : i32
      %add3A_72 = arith.addi %add3A_21, %mul3A_71 : i32
      %lt3A = arith.constant 625 : i32
      %lt3A_73 = arith.cmpi slt, %add3A_72, %lt3A : i32
      %convert_element_type3A = arith.extui %lt3A_73 : i1 to i32
      %cond3A = arith.constant 0 : i32
      %cond3A_74 = arith.cmpi ne, %convert_element_type3A, %cond3A : i32
      scf.if %cond3A_74 {
        %mul3A_75 = arith.constant 256 : i32
        %mul3A_76 = arith.muli %add3A_72, %mul3A_75 : i32
        "tpu.region"() ({
          %run_scoped3A = tpu.sem_alloc : memref<!tpu.dma_semaphore, #tpu.memory_space<semaphore_mem>>
          %dma_start3A = tpu.memref_slice %arg2[%mul3A_76] : memref<160000xi32, #tpu.memory_space<hbm>> -> memref<256xi32, #tpu.memory_space<hbm>>
          %dma_start3A_77 = tpu.memref_slice %arg2[%mul3A_76] : memref<160000xi32, #tpu.memory_space<hbm>> -> memref<256xi32, #tpu.memory_space<hbm>>
          tpu.enqueue_dma source(%dma_start3A_77 : memref<256xi32, #tpu.memory_space<hbm>>) target(%arg4 : memref<256xi32, #tpu.memory_space<vmem>>) target_semaphore(%run_scoped3A : memref<!tpu.dma_semaphore, #tpu.memory_space<semaphore_mem>>)
          %dma_wait3A = tpu.memref_slice %arg2[%mul3A_76] : memref<160000xi32, #tpu.memory_space<hbm>> -> memref<256xi32, #tpu.memory_space<hbm>>
          %dma_wait3A_78 = tpu.memref_slice %arg2[%mul3A_76] : memref<160000xi32, #tpu.memory_space<hbm>> -> memref<256xi32, #tpu.memory_space<hbm>>
          tpu.wait_dma2 semaphore(%run_scoped3A : memref<!tpu.dma_semaphore, #tpu.memory_space<semaphore_mem>>) src(%dma_wait3A_78 : memref<256xi32, #tpu.memory_space<hbm>>) dst(%arg4 : memref<256xi32, #tpu.memory_space<vmem>>)
          tpu.yield
        }) : () -> ()
        "tpu.region"() ({
          %run_scoped3A = tpu.sem_alloc : memref<!tpu.dma_semaphore, #tpu.memory_space<semaphore_mem>>
          %dma_start3A = arith.constant 0 : i32
          %dma_start3A_77 = arith.constant 0 : i32
          %dma_start3A_78 = tpu.memref_slice %arg6[%dma_start3A, %dma_start3A_77] : memref<10240x128xf32, #tpu.memory_space<vmem_shared>> -> memref<10240x128xf32, #tpu.memory_space<vmem_shared>>
          tpu.enqueue_indirect_dma source(%arg5 : memref<256x128xf32, #tpu.memory_space<vmem>>) target(%dma_start3A_78 : memref<10240x128xf32, #tpu.memory_space<vmem_shared>>) offsets(%arg4 : memref<256xi32, #tpu.memory_space<vmem>>) semaphore(%run_scoped3A : memref<!tpu.dma_semaphore, #tpu.memory_space<semaphore_mem>>) {add = true}
          %dma_wait3A = arith.constant 0 : i32
          %dma_wait3A_79 = arith.constant 0 : i32
          %dma_wait3A_80 = tpu.memref_slice %arg6[%dma_wait3A, %dma_wait3A_79] : memref<10240x128xf32, #tpu.memory_space<vmem_shared>> -> memref<10240x128xf32, #tpu.memory_space<vmem_shared>>
          tpu.wait_indirect_dma semaphore(%run_scoped3A : memref<!tpu.dma_semaphore, #tpu.memory_space<semaphore_mem>>) src(%arg5 : memref<256x128xf32, #tpu.memory_space<vmem>>) dst(%dma_wait3A_80 : memref<10240x128xf32, #tpu.memory_space<vmem_shared>>)
          tpu.yield
        }) : () -> ()
      } else {
      }
    }
    %scan3A_26 = arith.constant 20 : i32
    %barrier3A_27 = arith.constant 0 : index
    tpu.barrier barrier_id(%barrier3A_27)
    %add3A_28 = arith.constant 0 : i32
    %add3A_29 = arith.addi %mul3A_0, %add3A_28 : i32
    %mul3A_30 = arith.constant 10240 : i32
    %mul3A_31 = arith.muli %arg0, %mul3A_30 : i32
    %add3A_32 = arith.addi %mul3A_31, %mul3A_0 : i32
    %add3A_33 = arith.constant 0 : i32
    %add3A_34 = arith.addi %add3A_32, %add3A_33 : i32
    "tpu.region"() ({
      %run_scoped3A = tpu.sem_alloc : memref<!tpu.dma_semaphore, #tpu.memory_space<semaphore_mem>>
      %dma_start3A = arith.constant 0 : i32
      %dma_start3A_63 = tpu.memref_slice %arg3[%add3A_34, %dma_start3A] : memref<20480x128xf32, #tpu.memory_space<hbm>> -> memref<128x128xf32, #tpu.memory_space<hbm>>
      %dma_start3A_64 = arith.constant 0 : i32
      %dma_start3A_65 = tpu.memref_slice %arg6[%add3A_29, %dma_start3A_64] : memref<10240x128xf32, #tpu.memory_space<vmem_shared>> -> memref<128x128xf32, #tpu.memory_space<vmem_shared>>
      tpu.enqueue_dma source(%dma_start3A_65 : memref<128x128xf32, #tpu.memory_space<vmem_shared>>) target(%dma_start3A_63 : memref<128x128xf32, #tpu.memory_space<hbm>>) target_semaphore(%run_scoped3A : memref<!tpu.dma_semaphore, #tpu.memory_space<semaphore_mem>>)
      %dma_wait3A = arith.constant 0 : i32
      %dma_wait3A_66 = tpu.memref_slice %arg3[%add3A_34, %dma_wait3A] : memref<20480x128xf32, #tpu.memory_space<hbm>> -> memref<128x128xf32, #tpu.memory_space<hbm>>
      %dma_wait3A_67 = arith.constant 0 : i32
      %dma_wait3A_68 = tpu.memref_slice %arg6[%add3A_29, %dma_wait3A_67] : memref<10240x128xf32, #tpu.memory_space<vmem_shared>> -> memref<128x128xf32, #tpu.memory_space<vmem_shared>>
      tpu.wait_dma2 semaphore(%run_scoped3A : memref<!tpu.dma_semaphore, #tpu.memory_space<semaphore_mem>>) src(%dma_wait3A_68 : memref<128x128xf32, #tpu.memory_space<vmem_shared>>) dst(%dma_wait3A_66 : memref<128x128xf32, #tpu.memory_space<hbm>>)
      tpu.yield
    }) : () -> ()
    %add3A_35 = arith.constant 128 : i32
    %add3A_36 = arith.addi %mul3A_0, %add3A_35 : i32
    %mul3A_37 = arith.constant 10240 : i32
    %mul3A_38 = arith.muli %arg0, %mul3A_37 : i32
    %add3A_39 = arith.addi %mul3A_38, %mul3A_0 : i32
    %add3A_40 = arith.constant 128 : i32
    %add3A_41 = arith.addi %add3A_39, %add3A_40 : i32
    "tpu.region"() ({
      %run_scoped3A = tpu.sem_alloc : memref<!tpu.dma_semaphore, #tpu.memory_space<semaphore_mem>>
      %dma_start3A = arith.constant 0 : i32
      %dma_start3A_63 = tpu.memref_slice %arg3[%add3A_41, %dma_start3A] : memref<20480x128xf32, #tpu.memory_space<hbm>> -> memref<128x128xf32, #tpu.memory_space<hbm>>
      %dma_start3A_64 = arith.constant 0 : i32
      %dma_start3A_65 = tpu.memref_slice %arg6[%add3A_36, %dma_start3A_64] : memref<10240x128xf32, #tpu.memory_space<vmem_shared>> -> memref<128x128xf32, #tpu.memory_space<vmem_shared>>
      tpu.enqueue_dma source(%dma_start3A_65 : memref<128x128xf32, #tpu.memory_space<vmem_shared>>) target(%dma_start3A_63 : memref<128x128xf32, #tpu.memory_space<hbm>>) target_semaphore(%run_scoped3A : memref<!tpu.dma_semaphore, #tpu.memory_space<semaphore_mem>>)
      %dma_wait3A = arith.constant 0 : i32
      %dma_wait3A_66 = tpu.memref_slice %arg3[%add3A_41, %dma_wait3A] : memref<20480x128xf32, #tpu.memory_space<hbm>> -> memref<128x128xf32, #tpu.memory_space<hbm>>
      %dma_wait3A_67 = arith.constant 0 : i32
      %dma_wait3A_68 = tpu.memref_slice %arg6[%add3A_36, %dma_wait3A_67] : memref<10240x128xf32, #tpu.memory_space<vmem_shared>> -> memref<128x128xf32, #tpu.memory_space<vmem_shared>>
      tpu.wait_dma2 semaphore(%run_scoped3A : memref<!tpu.dma_semaphore, #tpu.memory_space<semaphore_mem>>) src(%dma_wait3A_68 : memref<128x128xf32, #tpu.memory_space<vmem_shared>>) dst(%dma_wait3A_66 : memref<128x128xf32, #tpu.memory_space<hbm>>)
      tpu.yield
    }) : () -> ()
    %add3A_42 = arith.constant 256 : i32
    %add3A_43 = arith.addi %mul3A_0, %add3A_42 : i32
    %mul3A_44 = arith.constant 10240 : i32
    %mul3A_45 = arith.muli %arg0, %mul3A_44 : i32
    %add3A_46 = arith.addi %mul3A_45, %mul3A_0 : i32
    %add3A_47 = arith.constant 256 : i32
    %add3A_48 = arith.addi %add3A_46, %add3A_47 : i32
    "tpu.region"() ({
      %run_scoped3A = tpu.sem_alloc : memref<!tpu.dma_semaphore, #tpu.memory_space<semaphore_mem>>
      %dma_start3A = arith.constant 0 : i32
      %dma_start3A_63 = tpu.memref_slice %arg3[%add3A_48, %dma_start3A] : memref<20480x128xf32, #tpu.memory_space<hbm>> -> memref<128x128xf32, #tpu.memory_space<hbm>>
      %dma_start3A_64 = arith.constant 0 : i32
      %dma_start3A_65 = tpu.memref_slice %arg6[%add3A_43, %dma_start3A_64] : memref<10240x128xf32, #tpu.memory_space<vmem_shared>> -> memref<128x128xf32, #tpu.memory_space<vmem_shared>>
      tpu.enqueue_dma source(%dma_start3A_65 : memref<128x128xf32, #tpu.memory_space<vmem_shared>>) target(%dma_start3A_63 : memref<128x128xf32, #tpu.memory_space<hbm>>) target_semaphore(%run_scoped3A : memref<!tpu.dma_semaphore, #tpu.memory_space<semaphore_mem>>)
      %dma_wait3A = arith.constant 0 : i32
      %dma_wait3A_66 = tpu.memref_slice %arg3[%add3A_48, %dma_wait3A] : memref<20480x128xf32, #tpu.memory_space<hbm>> -> memref<128x128xf32, #tpu.memory_space<hbm>>
      %dma_wait3A_67 = arith.constant 0 : i32
      %dma_wait3A_68 = tpu.memref_slice %arg6[%add3A_43, %dma_wait3A_67] : memref<10240x128xf32, #tpu.memory_space<vmem_shared>> -> memref<128x128xf32, #tpu.memory_space<vmem_shared>>
      tpu.wait_dma2 semaphore(%run_scoped3A : memref<!tpu.dma_semaphore, #tpu.memory_space<semaphore_mem>>) src(%dma_wait3A_68 : memref<128x128xf32, #tpu.memory_space<vmem_shared>>) dst(%dma_wait3A_66 : memref<128x128xf32, #tpu.memory_space<hbm>>)
      tpu.yield
    }) : () -> ()
    %add3A_49 = arith.constant 384 : i32
    %add3A_50 = arith.addi %mul3A_0, %add3A_49 : i32
    %mul3A_51 = arith.constant 10240 : i32
    %mul3A_52 = arith.muli %arg0, %mul3A_51 : i32
    %add3A_53 = arith.addi %mul3A_52, %mul3A_0 : i32
    %add3A_54 = arith.constant 384 : i32
    %add3A_55 = arith.addi %add3A_53, %add3A_54 : i32
    "tpu.region"() ({
      %run_scoped3A = tpu.sem_alloc : memref<!tpu.dma_semaphore, #tpu.memory_space<semaphore_mem>>
      %dma_start3A = arith.constant 0 : i32
      %dma_start3A_63 = tpu.memref_slice %arg3[%add3A_55, %dma_start3A] : memref<20480x128xf32, #tpu.memory_space<hbm>> -> memref<128x128xf32, #tpu.memory_space<hbm>>
      %dma_start3A_64 = arith.constant 0 : i32
      %dma_start3A_65 = tpu.memref_slice %arg6[%add3A_50, %dma_start3A_64] : memref<10240x128xf32, #tpu.memory_space<vmem_shared>> -> memref<128x128xf32, #tpu.memory_space<vmem_shared>>
      tpu.enqueue_dma source(%dma_start3A_65 : memref<128x128xf32, #tpu.memory_space<vmem_shared>>) target(%dma_start3A_63 : memref<128x128xf32, #tpu.memory_space<hbm>>) target_semaphore(%run_scoped3A : memref<!tpu.dma_semaphore, #tpu.memory_space<semaphore_mem>>)
      %dma_wait3A = arith.constant 0 : i32
      %dma_wait3A_66 = tpu.memref_slice %arg3[%add3A_55, %dma_wait3A] : memref<20480x128xf32, #tpu.memory_space<hbm>> -> memref<128x128xf32, #tpu.memory_space<hbm>>
      %dma_wait3A_67 = arith.constant 0 : i32
      %dma_wait3A_68 = tpu.memref_slice %arg6[%add3A_50, %dma_wait3A_67] : memref<10240x128xf32, #tpu.memory_space<vmem_shared>> -> memref<128x128xf32, #tpu.memory_space<vmem_shared>>
      tpu.wait_dma2 semaphore(%run_scoped3A : memref<!tpu.dma_semaphore, #tpu.memory_space<semaphore_mem>>) src(%dma_wait3A_68 : memref<128x128xf32, #tpu.memory_space<vmem_shared>>) dst(%dma_wait3A_66 : memref<128x128xf32, #tpu.memory_space<hbm>>)
      tpu.yield
    }) : () -> ()
    %add3A_56 = arith.constant 512 : i32
    %add3A_57 = arith.addi %mul3A_0, %add3A_56 : i32
    %mul3A_58 = arith.constant 10240 : i32
    %mul3A_59 = arith.muli %arg0, %mul3A_58 : i32
    %add3A_60 = arith.addi %mul3A_59, %mul3A_0 : i32
    %add3A_61 = arith.constant 512 : i32
    %add3A_62 = arith.addi %add3A_60, %add3A_61 : i32
    "tpu.region"() ({
      %run_scoped3A = tpu.sem_alloc : memref<!tpu.dma_semaphore, #tpu.memory_space<semaphore_mem>>
      %dma_start3A = arith.constant 0 : i32
      %dma_start3A_63 = tpu.memref_slice %arg3[%add3A_62, %dma_start3A] : memref<20480x128xf32, #tpu.memory_space<hbm>> -> memref<128x128xf32, #tpu.memory_space<hbm>>
      %dma_start3A_64 = arith.constant 0 : i32
      %dma_start3A_65 = tpu.memref_slice %arg6[%add3A_57, %dma_start3A_64] : memref<10240x128xf32, #tpu.memory_space<vmem_shared>> -> memref<128x128xf32, #tpu.memory_space<vmem_shared>>
      tpu.enqueue_dma source(%dma_start3A_65 : memref<128x128xf32, #tpu.memory_space<vmem_shared>>) target(%dma_start3A_63 : memref<128x128xf32, #tpu.memory_space<hbm>>) target_semaphore(%run_scoped3A : memref<!tpu.dma_semaphore, #tpu.memory_space<semaphore_mem>>)
      %dma_wait3A = arith.constant 0 : i32
      %dma_wait3A_66 = tpu.memref_slice %arg3[%add3A_62, %dma_wait3A] : memref<20480x128xf32, #tpu.memory_space<hbm>> -> memref<128x128xf32, #tpu.memory_space<hbm>>
      %dma_wait3A_67 = arith.constant 0 : i32
      %dma_wait3A_68 = tpu.memref_slice %arg6[%add3A_57, %dma_wait3A_67] : memref<10240x128xf32, #tpu.memory_space<vmem_shared>> -> memref<128x128xf32, #tpu.memory_space<vmem_shared>>
      tpu.wait_dma2 semaphore(%run_scoped3A : memref<!tpu.dma_semaphore, #tpu.memory_space<semaphore_mem>>) src(%dma_wait3A_68 : memref<128x128xf32, #tpu.memory_space<vmem_shared>>) dst(%dma_wait3A_66 : memref<128x128xf32, #tpu.memory_space<hbm>>)
      tpu.yield
    }) : () -> ()
    return
  }
}

#map = affine_map<(d0, d1) -> (0, 0)>
#map1 = affine_map<(d0, d1) -> (0)>
module attributes {stable_mosaic.version = 14 : i64} {
  func.func @_segsum_body(%arg0: i32, %arg1: i32, %arg2: memref<20480x128xf32, #tpu.memory_space<hbm>>, %arg3: memref<160000xi32, #tpu.memory_space<hbm>>, %arg4: memref<160000xi32, #tpu.memory_space<hbm>>, %arg5: memref<20480x128xf32, #tpu.memory_space<hbm>>, %arg6: memref<128xi32, #tpu.memory_space<vmem>>, %arg7: memref<128xi32, #tpu.memory_space<vmem>>, %arg8: memref<128xi32, #tpu.memory_space<vmem>>, %arg9: memref<128xi32, #tpu.memory_space<vmem>>, %arg10: memref<128x128xf32, #tpu.memory_space<vmem>>, %arg11: memref<128x128xf32, #tpu.memory_space<vmem>>, %arg12: memref<10240x128xf32, #tpu.memory_space<vmem_shared>>, %arg13: memref<!tpu.dma_semaphore, #tpu.memory_space<semaphore_mem>>, %arg14: memref<!tpu.dma_semaphore, #tpu.memory_space<semaphore_mem>>, %arg15: memref<!tpu.dma_semaphore, #tpu.memory_space<semaphore_mem>>, %arg16: memref<!tpu.dma_semaphore, #tpu.memory_space<semaphore_mem>>, %arg17: memref<!tpu.dma_semaphore, #tpu.memory_space<semaphore_mem>>, %arg18: memref<!tpu.dma_semaphore, #tpu.memory_space<semaphore_mem>>) attributes {dimension_semantics = [#tpu.dimension_semantics<core_parallel>, #tpu.dimension_semantics<subcore_parallel>], iteration_bounds = array<i64: 2, 16>, scalar_prefetch = 0 : i64, scratch_operands = 13 : i64, tpu.core_type = #tpu.core_type<sc_vector_subcore>, window_params = [{transform_indices = #map}, {transform_indices = #map1}, {transform_indices = #map1}, {transform_indices = #map}]} {
    %mul3A = arith.constant 640 : i32
    %mul3A_0 = arith.muli %arg1, %mul3A : i32
    %scan3A = arith.constant 0 : i32
    %scan3A_1 = arith.constant 128 : i32
    %scan3A_2 = arith.addi %scan3A, %scan3A_1 : i32
    %scan3A_3 = arith.constant 1 : i32
    scf.for %scan3A_61 = %scan3A to %scan3A_2 step %scan3A_3  : i32 {
      %mul3A_62 = arith.constant 1 : i32
      %mul3A_63 = arith.muli %scan3A_61, %mul3A_62 : i32
      %add3A_64 = arith.constant 0 : i32
      %add3A_65 = arith.addi %add3A_64, %mul3A_63 : i32
      %broadcast_in_dim3A = arith.constant 0.000000e+00 : f32
      %broadcast_in_dim3A_66 = vector.broadcast %broadcast_in_dim3A : f32 to vector<16xf32>
      %swap3A = arith.index_cast %add3A_65 : i32 to index
      %swap3A_67 = arith.constant 0 : index
      %swap3A_68 = tpu.vector_load %arg10[%swap3A, %swap3A_67] {strides = array<i32>} : memref<128x128xf32, #tpu.memory_space<vmem>>, vector<1x16xf32>,
      %swap3A_69 = vector.shape_cast %swap3A_68 : vector<1x16xf32> to vector<16xf32>
      %swap3A_70 = vector.shape_cast %broadcast_in_dim3A_66 : vector<16xf32> to vector<1x16xf32>
      tpu.vector_store %arg10[%swap3A, %swap3A_67], %swap3A_70 {strides = array<i32>} : memref<128x128xf32, #tpu.memory_space<vmem>>, vector<1x16xf32>,
      %broadcast_in_dim3A_71 = arith.constant 0.000000e+00 : f32
      %broadcast_in_dim3A_72 = vector.broadcast %broadcast_in_dim3A_71 : f32 to vector<16xf32>
      %swap3A_73 = arith.index_cast %add3A_65 : i32 to index
      %swap3A_74 = arith.constant 16 : index
      %swap3A_75 = tpu.vector_load %arg10[%swap3A_73, %swap3A_74] {strides = array<i32>} : memref<128x128xf32, #tpu.memory_space<vmem>>, vector<1x16xf32>,
      %swap3A_76 = vector.shape_cast %swap3A_75 : vector<1x16xf32> to vector<16xf32>
      %swap3A_77 = vector.shape_cast %broadcast_in_dim3A_72 : vector<16xf32> to vector<1x16xf32>
      tpu.vector_store %arg10[%swap3A_73, %swap3A_74], %swap3A_77 {strides = array<i32>} : memref<128x128xf32, #tpu.memory_space<vmem>>, vector<1x16xf32>,
      %broadcast_in_dim3A_78 = arith.constant 0.000000e+00 : f32
      %broadcast_in_dim3A_79 = vector.broadcast %broadcast_in_dim3A_78 : f32 to vector<16xf32>
      %swap3A_80 = arith.index_cast %add3A_65 : i32 to index
      %swap3A_81 = arith.constant 32 : index
      %swap3A_82 = tpu.vector_load %arg10[%swap3A_80, %swap3A_81] {strides = array<i32>} : memref<128x128xf32, #tpu.memory_space<vmem>>, vector<1x16xf32>,
      %swap3A_83 = vector.shape_cast %swap3A_82 : vector<1x16xf32> to vector<16xf32>
      %swap3A_84 = vector.shape_cast %broadcast_in_dim3A_79 : vector<16xf32> to vector<1x16xf32>
      tpu.vector_store %arg10[%swap3A_80, %swap3A_81], %swap3A_84 {strides = array<i32>} : memref<128x128xf32, #tpu.memory_space<vmem>>, vector<1x16xf32>,
      %broadcast_in_dim3A_85 = arith.constant 0.000000e+00 : f32
      %broadcast_in_dim3A_86 = vector.broadcast %broadcast_in_dim3A_85 : f32 to vector<16xf32>
      %swap3A_87 = arith.index_cast %add3A_65 : i32 to index
      %swap3A_88 = arith.constant 48 : index
      %swap3A_89 = tpu.vector_load %arg10[%swap3A_87, %swap3A_88] {strides = array<i32>} : memref<128x128xf32, #tpu.memory_space<vmem>>, vector<1x16xf32>,
      %swap3A_90 = vector.shape_cast %swap3A_89 : vector<1x16xf32> to vector<16xf32>
      %swap3A_91 = vector.shape_cast %broadcast_in_dim3A_86 : vector<16xf32> to vector<1x16xf32>
      tpu.vector_store %arg10[%swap3A_87, %swap3A_88], %swap3A_91 {strides = array<i32>} : memref<128x128xf32, #tpu.memory_space<vmem>>, vector<1x16xf32>,
      %broadcast_in_dim3A_92 = arith.constant 0.000000e+00 : f32
      %broadcast_in_dim3A_93 = vector.broadcast %broadcast_in_dim3A_92 : f32 to vector<16xf32>
      %swap3A_94 = arith.index_cast %add3A_65 : i32 to index
      %swap3A_95 = arith.constant 64 : index
      %swap3A_96 = tpu.vector_load %arg10[%swap3A_94, %swap3A_95] {strides = array<i32>} : memref<128x128xf32, #tpu.memory_space<vmem>>, vector<1x16xf32>,
      %swap3A_97 = vector.shape_cast %swap3A_96 : vector<1x16xf32> to vector<16xf32>
      %swap3A_98 = vector.shape_cast %broadcast_in_dim3A_93 : vector<16xf32> to vector<1x16xf32>
      tpu.vector_store %arg10[%swap3A_94, %swap3A_95], %swap3A_98 {strides = array<i32>} : memref<128x128xf32, #tpu.memory_space<vmem>>, vector<1x16xf32>,
      %broadcast_in_dim3A_99 = arith.constant 0.000000e+00 : f32
      %broadcast_in_dim3A_100 = vector.broadcast %broadcast_in_dim3A_99 : f32 to vector<16xf32>
      %swap3A_101 = arith.index_cast %add3A_65 : i32 to index
      %swap3A_102 = arith.constant 80 : index
      %swap3A_103 = tpu.vector_load %arg10[%swap3A_101, %swap3A_102] {strides = array<i32>} : memref<128x128xf32, #tpu.memory_space<vmem>>, vector<1x16xf32>,
      %swap3A_104 = vector.shape_cast %swap3A_103 : vector<1x16xf32> to vector<16xf32>
      %swap3A_105 = vector.shape_cast %broadcast_in_dim3A_100 : vector<16xf32> to vector<1x16xf32>
      tpu.vector_store %arg10[%swap3A_101, %swap3A_102], %swap3A_105 {strides = array<i32>} : memref<128x128xf32, #tpu.memory_space<vmem>>, vector<1x16xf32>,
      %broadcast_in_dim3A_106 = arith.constant 0.000000e+00 : f32
      %broadcast_in_dim3A_107 = vector.broadcast %broadcast_in_dim3A_106 : f32 to vector<16xf32>
      %swap3A_108 = arith.index_cast %add3A_65 : i32 to index
      %swap3A_109 = arith.constant 96 : index
      %swap3A_110 = tpu.vector_load %arg10[%swap3A_108, %swap3A_109] {strides = array<i32>} : memref<128x128xf32, #tpu.memory_space<vmem>>, vector<1x16xf32>,
      %swap3A_111 = vector.shape_cast %swap3A_110 : vector<1x16xf32> to vector<16xf32>
      %swap3A_112 = vector.shape_cast %broadcast_in_dim3A_107 : vector<16xf32> to vector<1x16xf32>
      tpu.vector_store %arg10[%swap3A_108, %swap3A_109], %swap3A_112 {strides = array<i32>} : memref<128x128xf32, #tpu.memory_space<vmem>>, vector<1x16xf32>,
      %broadcast_in_dim3A_113 = arith.constant 0.000000e+00 : f32
      %broadcast_in_dim3A_114 = vector.broadcast %broadcast_in_dim3A_113 : f32 to vector<16xf32>
      %swap3A_115 = arith.index_cast %add3A_65 : i32 to index
      %swap3A_116 = arith.constant 112 : index
      %swap3A_117 = tpu.vector_load %arg10[%swap3A_115, %swap3A_116] {strides = array<i32>} : memref<128x128xf32, #tpu.memory_space<vmem>>, vector<1x16xf32>,
      %swap3A_118 = vector.shape_cast %swap3A_117 : vector<1x16xf32> to vector<16xf32>
      %swap3A_119 = vector.shape_cast %broadcast_in_dim3A_114 : vector<16xf32> to vector<1x16xf32>
      tpu.vector_store %arg10[%swap3A_115, %swap3A_116], %swap3A_119 {strides = array<i32>} : memref<128x128xf32, #tpu.memory_space<vmem>>, vector<1x16xf32>,
    }
    %scan3A_4 = arith.constant 128 : i32
    %add3A = arith.constant 0 : i32
    %add3A_5 = arith.addi %mul3A_0, %add3A : i32
    "tpu.region"() ({
      %run_scoped3A = tpu.sem_alloc : memref<!tpu.dma_semaphore, #tpu.memory_space<semaphore_mem>>
      %dma_start3A = arith.constant 0 : i32
      %dma_start3A_61 = arith.constant 0 : i32
      %dma_start3A_62 = tpu.memref_slice %arg10[%dma_start3A, %dma_start3A_61] : memref<128x128xf32, #tpu.memory_space<vmem>> -> memref<128x128xf32, #tpu.memory_space<vmem>>
      %dma_start3A_63 = arith.constant 0 : i32
      %dma_start3A_64 = tpu.memref_slice %arg12[%add3A_5, %dma_start3A_63] : memref<10240x128xf32, #tpu.memory_space<vmem_shared>> -> memref<128x128xf32, #tpu.memory_space<vmem_shared>>
      %dma_start3A_65 = arith.constant 0 : i32
      %dma_start3A_66 = tpu.memref_slice %arg12[%add3A_5, %dma_start3A_65] : memref<10240x128xf32, #tpu.memory_space<vmem_shared>> -> memref<128x128xf32, #tpu.memory_space<vmem_shared>>
      %dma_start3A_67 = arith.constant 0 : i32
      %dma_start3A_68 = arith.constant 0 : i32
      %dma_start3A_69 = tpu.memref_slice %arg10[%dma_start3A_67, %dma_start3A_68] : memref<128x128xf32, #tpu.memory_space<vmem>> -> memref<128x128xf32, #tpu.memory_space<vmem>>
      tpu.enqueue_dma source(%dma_start3A_69 : memref<128x128xf32, #tpu.memory_space<vmem>>) target(%dma_start3A_66 : memref<128x128xf32, #tpu.memory_space<vmem_shared>>) target_semaphore(%run_scoped3A : memref<!tpu.dma_semaphore, #tpu.memory_space<semaphore_mem>>)
      %dma_wait3A = arith.constant 0 : i32
      %dma_wait3A_70 = arith.constant 0 : i32
      %dma_wait3A_71 = tpu.memref_slice %arg10[%dma_wait3A, %dma_wait3A_70] : memref<128x128xf32, #tpu.memory_space<vmem>> -> memref<128x128xf32, #tpu.memory_space<vmem>>
      %dma_wait3A_72 = arith.constant 0 : i32
      %dma_wait3A_73 = tpu.memref_slice %arg12[%add3A_5, %dma_wait3A_72] : memref<10240x128xf32, #tpu.memory_space<vmem_shared>> -> memref<128x128xf32, #tpu.memory_space<vmem_shared>>
      %dma_wait3A_74 = arith.constant 0 : i32
      %dma_wait3A_75 = tpu.memref_slice %arg12[%add3A_5, %dma_wait3A_74] : memref<10240x128xf32, #tpu.memory_space<vmem_shared>> -> memref<128x128xf32, #tpu.memory_space<vmem_shared>>
      %dma_wait3A_76 = arith.constant 0 : i32
      %dma_wait3A_77 = arith.constant 0 : i32
      %dma_wait3A_78 = tpu.memref_slice %arg10[%dma_wait3A_76, %dma_wait3A_77] : memref<128x128xf32, #tpu.memory_space<vmem>> -> memref<128x128xf32, #tpu.memory_space<vmem>>
      tpu.wait_dma2 semaphore(%run_scoped3A : memref<!tpu.dma_semaphore, #tpu.memory_space<semaphore_mem>>) src(%dma_wait3A_78 : memref<128x128xf32, #tpu.memory_space<vmem>>) dst(%dma_wait3A_75 : memref<128x128xf32, #tpu.memory_space<vmem_shared>>)
      tpu.yield
    }) : () -> ()
    %add3A_6 = arith.constant 128 : i32
    %add3A_7 = arith.addi %mul3A_0, %add3A_6 : i32
    "tpu.region"() ({
      %run_scoped3A = tpu.sem_alloc : memref<!tpu.dma_semaphore, #tpu.memory_space<semaphore_mem>>
      %dma_start3A = arith.constant 0 : i32
      %dma_start3A_61 = arith.constant 0 : i32
      %dma_start3A_62 = tpu.memref_slice %arg10[%dma_start3A, %dma_start3A_61] : memref<128x128xf32, #tpu.memory_space<vmem>> -> memref<128x128xf32, #tpu.memory_space<vmem>>
      %dma_start3A_63 = arith.constant 0 : i32
      %dma_start3A_64 = tpu.memref_slice %arg12[%add3A_7, %dma_start3A_63] : memref<10240x128xf32, #tpu.memory_space<vmem_shared>> -> memref<128x128xf32, #tpu.memory_space<vmem_shared>>
      %dma_start3A_65 = arith.constant 0 : i32
      %dma_start3A_66 = tpu.memref_slice %arg12[%add3A_7, %dma_start3A_65] : memref<10240x128xf32, #tpu.memory_space<vmem_shared>> -> memref<128x128xf32, #tpu.memory_space<vmem_shared>>
      %dma_start3A_67 = arith.constant 0 : i32
      %dma_start3A_68 = arith.constant 0 : i32
      %dma_start3A_69 = tpu.memref_slice %arg10[%dma_start3A_67, %dma_start3A_68] : memref<128x128xf32, #tpu.memory_space<vmem>> -> memref<128x128xf32, #tpu.memory_space<vmem>>
      tpu.enqueue_dma source(%dma_start3A_69 : memref<128x128xf32, #tpu.memory_space<vmem>>) target(%dma_start3A_66 : memref<128x128xf32, #tpu.memory_space<vmem_shared>>) target_semaphore(%run_scoped3A : memref<!tpu.dma_semaphore, #tpu.memory_space<semaphore_mem>>)
      %dma_wait3A = arith.constant 0 : i32
      %dma_wait3A_70 = arith.constant 0 : i32
      %dma_wait3A_71 = tpu.memref_slice %arg10[%dma_wait3A, %dma_wait3A_70] : memref<128x128xf32, #tpu.memory_space<vmem>> -> memref<128x128xf32, #tpu.memory_space<vmem>>
      %dma_wait3A_72 = arith.constant 0 : i32
      %dma_wait3A_73 = tpu.memref_slice %arg12[%add3A_7, %dma_wait3A_72] : memref<10240x128xf32, #tpu.memory_space<vmem_shared>> -> memref<128x128xf32, #tpu.memory_space<vmem_shared>>
      %dma_wait3A_74 = arith.constant 0 : i32
      %dma_wait3A_75 = tpu.memref_slice %arg12[%add3A_7, %dma_wait3A_74] : memref<10240x128xf32, #tpu.memory_space<vmem_shared>> -> memref<128x128xf32, #tpu.memory_space<vmem_shared>>
      %dma_wait3A_76 = arith.constant 0 : i32
      %dma_wait3A_77 = arith.constant 0 : i32
      %dma_wait3A_78 = tpu.memref_slice %arg10[%dma_wait3A_76, %dma_wait3A_77] : memref<128x128xf32, #tpu.memory_space<vmem>> -> memref<128x128xf32, #tpu.memory_space<vmem>>
      tpu.wait_dma2 semaphore(%run_scoped3A : memref<!tpu.dma_semaphore, #tpu.memory_space<semaphore_mem>>) src(%dma_wait3A_78 : memref<128x128xf32, #tpu.memory_space<vmem>>) dst(%dma_wait3A_75 : memref<128x128xf32, #tpu.memory_space<vmem_shared>>)
      tpu.yield
    }) : () -> ()
    %add3A_8 = arith.constant 256 : i32
    %add3A_9 = arith.addi %mul3A_0, %add3A_8 : i32
    "tpu.region"() ({
      %run_scoped3A = tpu.sem_alloc : memref<!tpu.dma_semaphore, #tpu.memory_space<semaphore_mem>>
      %dma_start3A = arith.constant 0 : i32
      %dma_start3A_61 = arith.constant 0 : i32
      %dma_start3A_62 = tpu.memref_slice %arg10[%dma_start3A, %dma_start3A_61] : memref<128x128xf32, #tpu.memory_space<vmem>> -> memref<128x128xf32, #tpu.memory_space<vmem>>
      %dma_start3A_63 = arith.constant 0 : i32
      %dma_start3A_64 = tpu.memref_slice %arg12[%add3A_9, %dma_start3A_63] : memref<10240x128xf32, #tpu.memory_space<vmem_shared>> -> memref<128x128xf32, #tpu.memory_space<vmem_shared>>
      %dma_start3A_65 = arith.constant 0 : i32
      %dma_start3A_66 = tpu.memref_slice %arg12[%add3A_9, %dma_start3A_65] : memref<10240x128xf32, #tpu.memory_space<vmem_shared>> -> memref<128x128xf32, #tpu.memory_space<vmem_shared>>
      %dma_start3A_67 = arith.constant 0 : i32
      %dma_start3A_68 = arith.constant 0 : i32
      %dma_start3A_69 = tpu.memref_slice %arg10[%dma_start3A_67, %dma_start3A_68] : memref<128x128xf32, #tpu.memory_space<vmem>> -> memref<128x128xf32, #tpu.memory_space<vmem>>
      tpu.enqueue_dma source(%dma_start3A_69 : memref<128x128xf32, #tpu.memory_space<vmem>>) target(%dma_start3A_66 : memref<128x128xf32, #tpu.memory_space<vmem_shared>>) target_semaphore(%run_scoped3A : memref<!tpu.dma_semaphore, #tpu.memory_space<semaphore_mem>>)
      %dma_wait3A = arith.constant 0 : i32
      %dma_wait3A_70 = arith.constant 0 : i32
      %dma_wait3A_71 = tpu.memref_slice %arg10[%dma_wait3A, %dma_wait3A_70] : memref<128x128xf32, #tpu.memory_space<vmem>> -> memref<128x128xf32, #tpu.memory_space<vmem>>
      %dma_wait3A_72 = arith.constant 0 : i32
      %dma_wait3A_73 = tpu.memref_slice %arg12[%add3A_9, %dma_wait3A_72] : memref<10240x128xf32, #tpu.memory_space<vmem_shared>> -> memref<128x128xf32, #tpu.memory_space<vmem_shared>>
      %dma_wait3A_74 = arith.constant 0 : i32
      %dma_wait3A_75 = tpu.memref_slice %arg12[%add3A_9, %dma_wait3A_74] : memref<10240x128xf32, #tpu.memory_space<vmem_shared>> -> memref<128x128xf32, #tpu.memory_space<vmem_shared>>
      %dma_wait3A_76 = arith.constant 0 : i32
      %dma_wait3A_77 = arith.constant 0 : i32
      %dma_wait3A_78 = tpu.memref_slice %arg10[%dma_wait3A_76, %dma_wait3A_77] : memref<128x128xf32, #tpu.memory_space<vmem>> -> memref<128x128xf32, #tpu.memory_space<vmem>>
      tpu.wait_dma2 semaphore(%run_scoped3A : memref<!tpu.dma_semaphore, #tpu.memory_space<semaphore_mem>>) src(%dma_wait3A_78 : memref<128x128xf32, #tpu.memory_space<vmem>>) dst(%dma_wait3A_75 : memref<128x128xf32, #tpu.memory_space<vmem_shared>>)
      tpu.yield
    }) : () -> ()
    %add3A_10 = arith.constant 384 : i32
    %add3A_11 = arith.addi %mul3A_0, %add3A_10 : i32
    "tpu.region"() ({
      %run_scoped3A = tpu.sem_alloc : memref<!tpu.dma_semaphore, #tpu.memory_space<semaphore_mem>>
      %dma_start3A = arith.constant 0 : i32
      %dma_start3A_61 = arith.constant 0 : i32
      %dma_start3A_62 = tpu.memref_slice %arg10[%dma_start3A, %dma_start3A_61] : memref<128x128xf32, #tpu.memory_space<vmem>> -> memref<128x128xf32, #tpu.memory_space<vmem>>
      %dma_start3A_63 = arith.constant 0 : i32
      %dma_start3A_64 = tpu.memref_slice %arg12[%add3A_11, %dma_start3A_63] : memref<10240x128xf32, #tpu.memory_space<vmem_shared>> -> memref<128x128xf32, #tpu.memory_space<vmem_shared>>
      %dma_start3A_65 = arith.constant 0 : i32
      %dma_start3A_66 = tpu.memref_slice %arg12[%add3A_11, %dma_start3A_65] : memref<10240x128xf32, #tpu.memory_space<vmem_shared>> -> memref<128x128xf32, #tpu.memory_space<vmem_shared>>
      %dma_start3A_67 = arith.constant 0 : i32
      %dma_start3A_68 = arith.constant 0 : i32
      %dma_start3A_69 = tpu.memref_slice %arg10[%dma_start3A_67, %dma_start3A_68] : memref<128x128xf32, #tpu.memory_space<vmem>> -> memref<128x128xf32, #tpu.memory_space<vmem>>
      tpu.enqueue_dma source(%dma_start3A_69 : memref<128x128xf32, #tpu.memory_space<vmem>>) target(%dma_start3A_66 : memref<128x128xf32, #tpu.memory_space<vmem_shared>>) target_semaphore(%run_scoped3A : memref<!tpu.dma_semaphore, #tpu.memory_space<semaphore_mem>>)
      %dma_wait3A = arith.constant 0 : i32
      %dma_wait3A_70 = arith.constant 0 : i32
      %dma_wait3A_71 = tpu.memref_slice %arg10[%dma_wait3A, %dma_wait3A_70] : memref<128x128xf32, #tpu.memory_space<vmem>> -> memref<128x128xf32, #tpu.memory_space<vmem>>
      %dma_wait3A_72 = arith.constant 0 : i32
      %dma_wait3A_73 = tpu.memref_slice %arg12[%add3A_11, %dma_wait3A_72] : memref<10240x128xf32, #tpu.memory_space<vmem_shared>> -> memref<128x128xf32, #tpu.memory_space<vmem_shared>>
      %dma_wait3A_74 = arith.constant 0 : i32
      %dma_wait3A_75 = tpu.memref_slice %arg12[%add3A_11, %dma_wait3A_74] : memref<10240x128xf32, #tpu.memory_space<vmem_shared>> -> memref<128x128xf32, #tpu.memory_space<vmem_shared>>
      %dma_wait3A_76 = arith.constant 0 : i32
      %dma_wait3A_77 = arith.constant 0 : i32
      %dma_wait3A_78 = tpu.memref_slice %arg10[%dma_wait3A_76, %dma_wait3A_77] : memref<128x128xf32, #tpu.memory_space<vmem>> -> memref<128x128xf32, #tpu.memory_space<vmem>>
      tpu.wait_dma2 semaphore(%run_scoped3A : memref<!tpu.dma_semaphore, #tpu.memory_space<semaphore_mem>>) src(%dma_wait3A_78 : memref<128x128xf32, #tpu.memory_space<vmem>>) dst(%dma_wait3A_75 : memref<128x128xf32, #tpu.memory_space<vmem_shared>>)
      tpu.yield
    }) : () -> ()
    %add3A_12 = arith.constant 512 : i32
    %add3A_13 = arith.addi %mul3A_0, %add3A_12 : i32
    "tpu.region"() ({
      %run_scoped3A = tpu.sem_alloc : memref<!tpu.dma_semaphore, #tpu.memory_space<semaphore_mem>>
      %dma_start3A = arith.constant 0 : i32
      %dma_start3A_61 = arith.constant 0 : i32
      %dma_start3A_62 = tpu.memref_slice %arg10[%dma_start3A, %dma_start3A_61] : memref<128x128xf32, #tpu.memory_space<vmem>> -> memref<128x128xf32, #tpu.memory_space<vmem>>
      %dma_start3A_63 = arith.constant 0 : i32
      %dma_start3A_64 = tpu.memref_slice %arg12[%add3A_13, %dma_start3A_63] : memref<10240x128xf32, #tpu.memory_space<vmem_shared>> -> memref<128x128xf32, #tpu.memory_space<vmem_shared>>
      %dma_start3A_65 = arith.constant 0 : i32
      %dma_start3A_66 = tpu.memref_slice %arg12[%add3A_13, %dma_start3A_65] : memref<10240x128xf32, #tpu.memory_space<vmem_shared>> -> memref<128x128xf32, #tpu.memory_space<vmem_shared>>
      %dma_start3A_67 = arith.constant 0 : i32
      %dma_start3A_68 = arith.constant 0 : i32
      %dma_start3A_69 = tpu.memref_slice %arg10[%dma_start3A_67, %dma_start3A_68] : memref<128x128xf32, #tpu.memory_space<vmem>> -> memref<128x128xf32, #tpu.memory_space<vmem>>
      tpu.enqueue_dma source(%dma_start3A_69 : memref<128x128xf32, #tpu.memory_space<vmem>>) target(%dma_start3A_66 : memref<128x128xf32, #tpu.memory_space<vmem_shared>>) target_semaphore(%run_scoped3A : memref<!tpu.dma_semaphore, #tpu.memory_space<semaphore_mem>>)
      %dma_wait3A = arith.constant 0 : i32
      %dma_wait3A_70 = arith.constant 0 : i32
      %dma_wait3A_71 = tpu.memref_slice %arg10[%dma_wait3A, %dma_wait3A_70] : memref<128x128xf32, #tpu.memory_space<vmem>> -> memref<128x128xf32, #tpu.memory_space<vmem>>
      %dma_wait3A_72 = arith.constant 0 : i32
      %dma_wait3A_73 = tpu.memref_slice %arg12[%add3A_13, %dma_wait3A_72] : memref<10240x128xf32, #tpu.memory_space<vmem_shared>> -> memref<128x128xf32, #tpu.memory_space<vmem_shared>>
      %dma_wait3A_74 = arith.constant 0 : i32
      %dma_wait3A_75 = tpu.memref_slice %arg12[%add3A_13, %dma_wait3A_74] : memref<10240x128xf32, #tpu.memory_space<vmem_shared>> -> memref<128x128xf32, #tpu.memory_space<vmem_shared>>
      %dma_wait3A_76 = arith.constant 0 : i32
      %dma_wait3A_77 = arith.constant 0 : i32
      %dma_wait3A_78 = tpu.memref_slice %arg10[%dma_wait3A_76, %dma_wait3A_77] : memref<128x128xf32, #tpu.memory_space<vmem>> -> memref<128x128xf32, #tpu.memory_space<vmem>>
      tpu.wait_dma2 semaphore(%run_scoped3A : memref<!tpu.dma_semaphore, #tpu.memory_space<semaphore_mem>>) src(%dma_wait3A_78 : memref<128x128xf32, #tpu.memory_space<vmem>>) dst(%dma_wait3A_75 : memref<128x128xf32, #tpu.memory_space<vmem_shared>>)
      tpu.yield
    }) : () -> ()
    %barrier3A = arith.constant 0 : index
    tpu.barrier barrier_id(%barrier3A)
    %mul3A_14 = arith.constant 10240 : i32
    %mul3A_15 = arith.muli %arg0, %mul3A_14 : i32
    %scan3A_16 = arith.constant 0 : i32
    %scan3A_17 = arith.constant 39 : i32
    %scan3A_18 = arith.addi %scan3A_16, %scan3A_17 : i32
    %scan3A_19 = arith.constant 1 : i32
    scf.for %scan3A_61 = %scan3A_16 to %scan3A_18 step %scan3A_19  : i32 {
      %mul3A_62 = arith.constant 1 : i32
      %mul3A_63 = arith.muli %scan3A_61, %mul3A_62 : i32
      %add3A_64 = arith.constant 0 : i32
      %add3A_65 = arith.addi %add3A_64, %mul3A_63 : i32
      %mul3A_66 = arith.constant 32 : i32
      %mul3A_67 = arith.muli %mul3A_66, %add3A_65 : i32
      %add3A_68 = arith.addi %arg1, %mul3A_67 : i32
      %add3A_69 = arith.constant 16 : i32
      %add3A_70 = arith.addi %add3A_68, %add3A_69 : i32
      %mul3A_71 = arith.constant 128 : i32
      %mul3A_72 = arith.muli %add3A_68, %mul3A_71 : i32
      %dma_start3A = tpu.memref_slice %arg3[%mul3A_72] : memref<160000xi32, #tpu.memory_space<hbm>> -> memref<128xi32, #tpu.memory_space<hbm>>
      %dma_start3A_73 = tpu.memref_slice %arg3[%mul3A_72] : memref<160000xi32, #tpu.memory_space<hbm>> -> memref<128xi32, #tpu.memory_space<hbm>>
      tpu.enqueue_dma source(%dma_start3A_73 : memref<128xi32, #tpu.memory_space<hbm>>) target(%arg6 : memref<128xi32, #tpu.memory_space<vmem>>) target_semaphore(%arg15 : memref<!tpu.dma_semaphore, #tpu.memory_space<semaphore_mem>>)
      %mul3A_74 = arith.constant 128 : i32
      %mul3A_75 = arith.muli %add3A_68, %mul3A_74 : i32
      %dma_start3A_76 = tpu.memref_slice %arg4[%mul3A_75] : memref<160000xi32, #tpu.memory_space<hbm>> -> memref<128xi32, #tpu.memory_space<hbm>>
      %dma_start3A_77 = tpu.memref_slice %arg4[%mul3A_75] : memref<160000xi32, #tpu.memory_space<hbm>> -> memref<128xi32, #tpu.memory_space<hbm>>
      tpu.enqueue_dma source(%dma_start3A_77 : memref<128xi32, #tpu.memory_space<hbm>>) target(%arg7 : memref<128xi32, #tpu.memory_space<vmem>>) target_semaphore(%arg16 : memref<!tpu.dma_semaphore, #tpu.memory_space<semaphore_mem>>)
      %mul3A_78 = arith.constant 128 : i32
      %mul3A_79 = arith.muli %add3A_70, %mul3A_78 : i32
      %dma_start3A_80 = tpu.memref_slice %arg3[%mul3A_79] : memref<160000xi32, #tpu.memory_space<hbm>> -> memref<128xi32, #tpu.memory_space<hbm>>
      %dma_start3A_81 = tpu.memref_slice %arg3[%mul3A_79] : memref<160000xi32, #tpu.memory_space<hbm>> -> memref<128xi32, #tpu.memory_space<hbm>>
      tpu.enqueue_dma source(%dma_start3A_81 : memref<128xi32, #tpu.memory_space<hbm>>) target(%arg8 : memref<128xi32, #tpu.memory_space<vmem>>) target_semaphore(%arg17 : memref<!tpu.dma_semaphore, #tpu.memory_space<semaphore_mem>>)
      %mul3A_82 = arith.constant 128 : i32
      %mul3A_83 = arith.muli %add3A_70, %mul3A_82 : i32
      %dma_start3A_84 = tpu.memref_slice %arg4[%mul3A_83] : memref<160000xi32, #tpu.memory_space<hbm>> -> memref<128xi32, #tpu.memory_space<hbm>>
      %dma_start3A_85 = tpu.memref_slice %arg4[%mul3A_83] : memref<160000xi32, #tpu.memory_space<hbm>> -> memref<128xi32, #tpu.memory_space<hbm>>
      tpu.enqueue_dma source(%dma_start3A_85 : memref<128xi32, #tpu.memory_space<hbm>>) target(%arg9 : memref<128xi32, #tpu.memory_space<vmem>>) target_semaphore(%arg18 : memref<!tpu.dma_semaphore, #tpu.memory_space<semaphore_mem>>)
      %dma_wait3A = tpu.memref_slice %arg3[%mul3A_72] : memref<160000xi32, #tpu.memory_space<hbm>> -> memref<128xi32, #tpu.memory_space<hbm>>
      %dma_wait3A_86 = tpu.memref_slice %arg3[%mul3A_72] : memref<160000xi32, #tpu.memory_space<hbm>> -> memref<128xi32, #tpu.memory_space<hbm>>
      tpu.wait_dma2 semaphore(%arg15 : memref<!tpu.dma_semaphore, #tpu.memory_space<semaphore_mem>>) src(%dma_wait3A_86 : memref<128xi32, #tpu.memory_space<hbm>>) dst(%arg6 : memref<128xi32, #tpu.memory_space<vmem>>)
      %get3A = arith.constant 0 : index
      %get3A_87 = tpu.vector_load %arg6[%get3A] {strides = array<i32>} : memref<128xi32, #tpu.memory_space<vmem>>, vector<16xi32>,
      %get3A_88 = vector.shape_cast %get3A_87 : vector<16xi32> to vector<16xi32>
      %add3A_89 = vector.broadcast %mul3A_15 : i32 to vector<16xi32>
      %add3A_90 = arith.addi %get3A_88, %add3A_89 : vector<16xi32>
      %swap3A = arith.constant 0 : index
      %swap3A_91 = tpu.vector_load %arg6[%swap3A] {strides = array<i32>} : memref<128xi32, #tpu.memory_space<vmem>>, vector<16xi32>,
      %swap3A_92 = vector.shape_cast %swap3A_91 : vector<16xi32> to vector<16xi32>
      %swap3A_93 = vector.shape_cast %add3A_90 : vector<16xi32> to vector<16xi32>
      tpu.vector_store %arg6[%swap3A], %swap3A_93 {strides = array<i32>} : memref<128xi32, #tpu.memory_space<vmem>>, vector<16xi32>,
      %get3A_94 = arith.constant 16 : index
      %get3A_95 = tpu.vector_load %arg6[%get3A_94] {strides = array<i32>} : memref<128xi32, #tpu.memory_space<vmem>>, vector<16xi32>,
      %get3A_96 = vector.shape_cast %get3A_95 : vector<16xi32> to vector<16xi32>
      %add3A_97 = vector.broadcast %mul3A_15 : i32 to vector<16xi32>
      %add3A_98 = arith.addi %get3A_96, %add3A_97 : vector<16xi32>
      %swap3A_99 = arith.constant 16 : index
      %swap3A_100 = tpu.vector_load %arg6[%swap3A_99] {strides = array<i32>} : memref<128xi32, #tpu.memory_space<vmem>>, vector<16xi32>,
      %swap3A_101 = vector.shape_cast %swap3A_100 : vector<16xi32> to vector<16xi32>
      %swap3A_102 = vector.shape_cast %add3A_98 : vector<16xi32> to vector<16xi32>
      tpu.vector_store %arg6[%swap3A_99], %swap3A_102 {strides = array<i32>} : memref<128xi32, #tpu.memory_space<vmem>>, vector<16xi32>,
      %get3A_103 = arith.constant 32 : index
      %get3A_104 = tpu.vector_load %arg6[%get3A_103] {strides = array<i32>} : memref<128xi32, #tpu.memory_space<vmem>>, vector<16xi32>,
      %get3A_105 = vector.shape_cast %get3A_104 : vector<16xi32> to vector<16xi32>
      %add3A_106 = vector.broadcast %mul3A_15 : i32 to vector<16xi32>
      %add3A_107 = arith.addi %get3A_105, %add3A_106 : vector<16xi32>
      %swap3A_108 = arith.constant 32 : index
      %swap3A_109 = tpu.vector_load %arg6[%swap3A_108] {strides = array<i32>} : memref<128xi32, #tpu.memory_space<vmem>>, vector<16xi32>,
      %swap3A_110 = vector.shape_cast %swap3A_109 : vector<16xi32> to vector<16xi32>
      %swap3A_111 = vector.shape_cast %add3A_107 : vector<16xi32> to vector<16xi32>
      tpu.vector_store %arg6[%swap3A_108], %swap3A_111 {strides = array<i32>} : memref<128xi32, #tpu.memory_space<vmem>>, vector<16xi32>,
      %get3A_112 = arith.constant 48 : index
      %get3A_113 = tpu.vector_load %arg6[%get3A_112] {strides = array<i32>} : memref<128xi32, #tpu.memory_space<vmem>>, vector<16xi32>,
      %get3A_114 = vector.shape_cast %get3A_113 : vector<16xi32> to vector<16xi32>
      %add3A_115 = vector.broadcast %mul3A_15 : i32 to vector<16xi32>
      %add3A_116 = arith.addi %get3A_114, %add3A_115 : vector<16xi32>
      %swap3A_117 = arith.constant 48 : index
      %swap3A_118 = tpu.vector_load %arg6[%swap3A_117] {strides = array<i32>} : memref<128xi32, #tpu.memory_space<vmem>>, vector<16xi32>,
      %swap3A_119 = vector.shape_cast %swap3A_118 : vector<16xi32> to vector<16xi32>
      %swap3A_120 = vector.shape_cast %add3A_116 : vector<16xi32> to vector<16xi32>
      tpu.vector_store %arg6[%swap3A_117], %swap3A_120 {strides = array<i32>} : memref<128xi32, #tpu.memory_space<vmem>>, vector<16xi32>,
      %get3A_121 = arith.constant 64 : index
      %get3A_122 = tpu.vector_load %arg6[%get3A_121] {strides = array<i32>} : memref<128xi32, #tpu.memory_space<vmem>>, vector<16xi32>,
      %get3A_123 = vector.shape_cast %get3A_122 : vector<16xi32> to vector<16xi32>
      %add3A_124 = vector.broadcast %mul3A_15 : i32 to vector<16xi32>
      %add3A_125 = arith.addi %get3A_123, %add3A_124 : vector<16xi32>
      %swap3A_126 = arith.constant 64 : index
      %swap3A_127 = tpu.vector_load %arg6[%swap3A_126] {strides = array<i32>} : memref<128xi32, #tpu.memory_space<vmem>>, vector<16xi32>,
      %swap3A_128 = vector.shape_cast %swap3A_127 : vector<16xi32> to vector<16xi32>
      %swap3A_129 = vector.shape_cast %add3A_125 : vector<16xi32> to vector<16xi32>
      tpu.vector_store %arg6[%swap3A_126], %swap3A_129 {strides = array<i32>} : memref<128xi32, #tpu.memory_space<vmem>>, vector<16xi32>,
      %get3A_130 = arith.constant 80 : index
      %get3A_131 = tpu.vector_load %arg6[%get3A_130] {strides = array<i32>} : memref<128xi32, #tpu.memory_space<vmem>>, vector<16xi32>,
      %get3A_132 = vector.shape_cast %get3A_131 : vector<16xi32> to vector<16xi32>
      %add3A_133 = vector.broadcast %mul3A_15 : i32 to vector<16xi32>
      %add3A_134 = arith.addi %get3A_132, %add3A_133 : vector<16xi32>
      %swap3A_135 = arith.constant 80 : index
      %swap3A_136 = tpu.vector_load %arg6[%swap3A_135] {strides = array<i32>} : memref<128xi32, #tpu.memory_space<vmem>>, vector<16xi32>,
      %swap3A_137 = vector.shape_cast %swap3A_136 : vector<16xi32> to vector<16xi32>
      %swap3A_138 = vector.shape_cast %add3A_134 : vector<16xi32> to vector<16xi32>
      tpu.vector_store %arg6[%swap3A_135], %swap3A_138 {strides = array<i32>} : memref<128xi32, #tpu.memory_space<vmem>>, vector<16xi32>,
      %get3A_139 = arith.constant 96 : index
      %get3A_140 = tpu.vector_load %arg6[%get3A_139] {strides = array<i32>} : memref<128xi32, #tpu.memory_space<vmem>>, vector<16xi32>,
      %get3A_141 = vector.shape_cast %get3A_140 : vector<16xi32> to vector<16xi32>
      %add3A_142 = vector.broadcast %mul3A_15 : i32 to vector<16xi32>
      %add3A_143 = arith.addi %get3A_141, %add3A_142 : vector<16xi32>
      %swap3A_144 = arith.constant 96 : index
      %swap3A_145 = tpu.vector_load %arg6[%swap3A_144] {strides = array<i32>} : memref<128xi32, #tpu.memory_space<vmem>>, vector<16xi32>,
      %swap3A_146 = vector.shape_cast %swap3A_145 : vector<16xi32> to vector<16xi32>
      %swap3A_147 = vector.shape_cast %add3A_143 : vector<16xi32> to vector<16xi32>
      tpu.vector_store %arg6[%swap3A_144], %swap3A_147 {strides = array<i32>} : memref<128xi32, #tpu.memory_space<vmem>>, vector<16xi32>,
      %get3A_148 = arith.constant 112 : index
      %get3A_149 = tpu.vector_load %arg6[%get3A_148] {strides = array<i32>} : memref<128xi32, #tpu.memory_space<vmem>>, vector<16xi32>,
      %get3A_150 = vector.shape_cast %get3A_149 : vector<16xi32> to vector<16xi32>
      %add3A_151 = vector.broadcast %mul3A_15 : i32 to vector<16xi32>
      %add3A_152 = arith.addi %get3A_150, %add3A_151 : vector<16xi32>
      %swap3A_153 = arith.constant 112 : index
      %swap3A_154 = tpu.vector_load %arg6[%swap3A_153] {strides = array<i32>} : memref<128xi32, #tpu.memory_space<vmem>>, vector<16xi32>,
      %swap3A_155 = vector.shape_cast %swap3A_154 : vector<16xi32> to vector<16xi32>
      %swap3A_156 = vector.shape_cast %add3A_152 : vector<16xi32> to vector<16xi32>
      tpu.vector_store %arg6[%swap3A_153], %swap3A_156 {strides = array<i32>} : memref<128xi32, #tpu.memory_space<vmem>>, vector<16xi32>,
      %dma_start3A_157 = arith.constant 0 : i32
      %dma_start3A_158 = arith.constant 0 : i32
      %dma_start3A_159 = tpu.memref_slice %arg2[%dma_start3A_157, %dma_start3A_158] : memref<20480x128xf32, #tpu.memory_space<hbm>> -> memref<20480x128xf32, #tpu.memory_space<hbm>>
      tpu.enqueue_indirect_dma source(%dma_start3A_159 : memref<20480x128xf32, #tpu.memory_space<hbm>>) target(%arg10 : memref<128x128xf32, #tpu.memory_space<vmem>>) offsets(%arg6 : memref<128xi32, #tpu.memory_space<vmem>>) semaphore(%arg13 : memref<!tpu.dma_semaphore, #tpu.memory_space<semaphore_mem>>)
      %dma_wait3A_160 = tpu.memref_slice %arg3[%mul3A_79] : memref<160000xi32, #tpu.memory_space<hbm>> -> memref<128xi32, #tpu.memory_space<hbm>>
      %dma_wait3A_161 = tpu.memref_slice %arg3[%mul3A_79] : memref<160000xi32, #tpu.memory_space<hbm>> -> memref<128xi32, #tpu.memory_space<hbm>>
      tpu.wait_dma2 semaphore(%arg17 : memref<!tpu.dma_semaphore, #tpu.memory_space<semaphore_mem>>) src(%dma_wait3A_161 : memref<128xi32, #tpu.memory_space<hbm>>) dst(%arg8 : memref<128xi32, #tpu.memory_space<vmem>>)
      %get3A_162 = arith.constant 0 : index
      %get3A_163 = tpu.vector_load %arg8[%get3A_162] {strides = array<i32>} : memref<128xi32, #tpu.memory_space<vmem>>, vector<16xi32>,
      %get3A_164 = vector.shape_cast %get3A_163 : vector<16xi32> to vector<16xi32>
      %add3A_165 = vector.broadcast %mul3A_15 : i32 to vector<16xi32>
      %add3A_166 = arith.addi %get3A_164, %add3A_165 : vector<16xi32>
      %swap3A_167 = arith.constant 0 : index
      %swap3A_168 = tpu.vector_load %arg8[%swap3A_167] {strides = array<i32>} : memref<128xi32, #tpu.memory_space<vmem>>, vector<16xi32>,
      %swap3A_169 = vector.shape_cast %swap3A_168 : vector<16xi32> to vector<16xi32>
      %swap3A_170 = vector.shape_cast %add3A_166 : vector<16xi32> to vector<16xi32>
      tpu.vector_store %arg8[%swap3A_167], %swap3A_170 {strides = array<i32>} : memref<128xi32, #tpu.memory_space<vmem>>, vector<16xi32>,
      %get3A_171 = arith.constant 16 : index
      %get3A_172 = tpu.vector_load %arg8[%get3A_171] {strides = array<i32>} : memref<128xi32, #tpu.memory_space<vmem>>, vector<16xi32>,
      %get3A_173 = vector.shape_cast %get3A_172 : vector<16xi32> to vector<16xi32>
      %add3A_174 = vector.broadcast %mul3A_15 : i32 to vector<16xi32>
      %add3A_175 = arith.addi %get3A_173, %add3A_174 : vector<16xi32>
      %swap3A_176 = arith.constant 16 : index
      %swap3A_177 = tpu.vector_load %arg8[%swap3A_176] {strides = array<i32>} : memref<128xi32, #tpu.memory_space<vmem>>, vector<16xi32>,
      %swap3A_178 = vector.shape_cast %swap3A_177 : vector<16xi32> to vector<16xi32>
      %swap3A_179 = vector.shape_cast %add3A_175 : vector<16xi32> to vector<16xi32>
      tpu.vector_store %arg8[%swap3A_176], %swap3A_179 {strides = array<i32>} : memref<128xi32, #tpu.memory_space<vmem>>, vector<16xi32>,
      %get3A_180 = arith.constant 32 : index
      %get3A_181 = tpu.vector_load %arg8[%get3A_180] {strides = array<i32>} : memref<128xi32, #tpu.memory_space<vmem>>, vector<16xi32>,
      %get3A_182 = vector.shape_cast %get3A_181 : vector<16xi32> to vector<16xi32>
      %add3A_183 = vector.broadcast %mul3A_15 : i32 to vector<16xi32>
      %add3A_184 = arith.addi %get3A_182, %add3A_183 : vector<16xi32>
      %swap3A_185 = arith.constant 32 : index
      %swap3A_186 = tpu.vector_load %arg8[%swap3A_185] {strides = array<i32>} : memref<128xi32, #tpu.memory_space<vmem>>, vector<16xi32>,
      %swap3A_187 = vector.shape_cast %swap3A_186 : vector<16xi32> to vector<16xi32>
      %swap3A_188 = vector.shape_cast %add3A_184 : vector<16xi32> to vector<16xi32>
      tpu.vector_store %arg8[%swap3A_185], %swap3A_188 {strides = array<i32>} : memref<128xi32, #tpu.memory_space<vmem>>, vector<16xi32>,
      %get3A_189 = arith.constant 48 : index
      %get3A_190 = tpu.vector_load %arg8[%get3A_189] {strides = array<i32>} : memref<128xi32, #tpu.memory_space<vmem>>, vector<16xi32>,
      %get3A_191 = vector.shape_cast %get3A_190 : vector<16xi32> to vector<16xi32>
      %add3A_192 = vector.broadcast %mul3A_15 : i32 to vector<16xi32>
      %add3A_193 = arith.addi %get3A_191, %add3A_192 : vector<16xi32>
      %swap3A_194 = arith.constant 48 : index
      %swap3A_195 = tpu.vector_load %arg8[%swap3A_194] {strides = array<i32>} : memref<128xi32, #tpu.memory_space<vmem>>, vector<16xi32>,
      %swap3A_196 = vector.shape_cast %swap3A_195 : vector<16xi32> to vector<16xi32>
      %swap3A_197 = vector.shape_cast %add3A_193 : vector<16xi32> to vector<16xi32>
      tpu.vector_store %arg8[%swap3A_194], %swap3A_197 {strides = array<i32>} : memref<128xi32, #tpu.memory_space<vmem>>, vector<16xi32>,
      %get3A_198 = arith.constant 64 : index
      %get3A_199 = tpu.vector_load %arg8[%get3A_198] {strides = array<i32>} : memref<128xi32, #tpu.memory_space<vmem>>, vector<16xi32>,
      %get3A_200 = vector.shape_cast %get3A_199 : vector<16xi32> to vector<16xi32>
      %add3A_201 = vector.broadcast %mul3A_15 : i32 to vector<16xi32>
      %add3A_202 = arith.addi %get3A_200, %add3A_201 : vector<16xi32>
      %swap3A_203 = arith.constant 64 : index
      %swap3A_204 = tpu.vector_load %arg8[%swap3A_203] {strides = array<i32>} : memref<128xi32, #tpu.memory_space<vmem>>, vector<16xi32>,
      %swap3A_205 = vector.shape_cast %swap3A_204 : vector<16xi32> to vector<16xi32>
      %swap3A_206 = vector.shape_cast %add3A_202 : vector<16xi32> to vector<16xi32>
      tpu.vector_store %arg8[%swap3A_203], %swap3A_206 {strides = array<i32>} : memref<128xi32, #tpu.memory_space<vmem>>, vector<16xi32>,
      %get3A_207 = arith.constant 80 : index
      %get3A_208 = tpu.vector_load %arg8[%get3A_207] {strides = array<i32>} : memref<128xi32, #tpu.memory_space<vmem>>, vector<16xi32>,
      %get3A_209 = vector.shape_cast %get3A_208 : vector<16xi32> to vector<16xi32>
      %add3A_210 = vector.broadcast %mul3A_15 : i32 to vector<16xi32>
      %add3A_211 = arith.addi %get3A_209, %add3A_210 : vector<16xi32>
      %swap3A_212 = arith.constant 80 : index
      %swap3A_213 = tpu.vector_load %arg8[%swap3A_212] {strides = array<i32>} : memref<128xi32, #tpu.memory_space<vmem>>, vector<16xi32>,
      %swap3A_214 = vector.shape_cast %swap3A_213 : vector<16xi32> to vector<16xi32>
      %swap3A_215 = vector.shape_cast %add3A_211 : vector<16xi32> to vector<16xi32>
      tpu.vector_store %arg8[%swap3A_212], %swap3A_215 {strides = array<i32>} : memref<128xi32, #tpu.memory_space<vmem>>, vector<16xi32>,
      %get3A_216 = arith.constant 96 : index
      %get3A_217 = tpu.vector_load %arg8[%get3A_216] {strides = array<i32>} : memref<128xi32, #tpu.memory_space<vmem>>, vector<16xi32>,
      %get3A_218 = vector.shape_cast %get3A_217 : vector<16xi32> to vector<16xi32>
      %add3A_219 = vector.broadcast %mul3A_15 : i32 to vector<16xi32>
      %add3A_220 = arith.addi %get3A_218, %add3A_219 : vector<16xi32>
      %swap3A_221 = arith.constant 96 : index
      %swap3A_222 = tpu.vector_load %arg8[%swap3A_221] {strides = array<i32>} : memref<128xi32, #tpu.memory_space<vmem>>, vector<16xi32>,
      %swap3A_223 = vector.shape_cast %swap3A_222 : vector<16xi32> to vector<16xi32>
      %swap3A_224 = vector.shape_cast %add3A_220 : vector<16xi32> to vector<16xi32>
      tpu.vector_store %arg8[%swap3A_221], %swap3A_224 {strides = array<i32>} : memref<128xi32, #tpu.memory_space<vmem>>, vector<16xi32>,
      %get3A_225 = arith.constant 112 : index
      %get3A_226 = tpu.vector_load %arg8[%get3A_225] {strides = array<i32>} : memref<128xi32, #tpu.memory_space<vmem>>, vector<16xi32>,
      %get3A_227 = vector.shape_cast %get3A_226 : vector<16xi32> to vector<16xi32>
      %add3A_228 = vector.broadcast %mul3A_15 : i32 to vector<16xi32>
      %add3A_229 = arith.addi %get3A_227, %add3A_228 : vector<16xi32>
      %swap3A_230 = arith.constant 112 : index
      %swap3A_231 = tpu.vector_load %arg8[%swap3A_230] {strides = array<i32>} : memref<128xi32, #tpu.memory_space<vmem>>, vector<16xi32>,
      %swap3A_232 = vector.shape_cast %swap3A_231 : vector<16xi32> to vector<16xi32>
      %swap3A_233 = vector.shape_cast %add3A_229 : vector<16xi32> to vector<16xi32>
      tpu.vector_store %arg8[%swap3A_230], %swap3A_233 {strides = array<i32>} : memref<128xi32, #tpu.memory_space<vmem>>, vector<16xi32>,
      %dma_wait3A_234 = arith.constant 0 : i32
      %dma_wait3A_235 = arith.constant 0 : i32
      %dma_wait3A_236 = tpu.memref_slice %arg2[%dma_wait3A_234, %dma_wait3A_235] : memref<20480x128xf32, #tpu.memory_space<hbm>> -> memref<20480x128xf32, #tpu.memory_space<hbm>>
      tpu.wait_indirect_dma semaphore(%arg13 : memref<!tpu.dma_semaphore, #tpu.memory_space<semaphore_mem>>) src(%dma_wait3A_236 : memref<20480x128xf32, #tpu.memory_space<hbm>>) dst(%arg10 : memref<128x128xf32, #tpu.memory_space<vmem>>)
      %dma_start3A_237 = arith.constant 0 : i32
      %dma_start3A_238 = arith.constant 0 : i32
      %dma_start3A_239 = tpu.memref_slice %arg2[%dma_start3A_237, %dma_start3A_238] : memref<20480x128xf32, #tpu.memory_space<hbm>> -> memref<20480x128xf32, #tpu.memory_space<hbm>>
      tpu.enqueue_indirect_dma source(%dma_start3A_239 : memref<20480x128xf32, #tpu.memory_space<hbm>>) target(%arg11 : memref<128x128xf32, #tpu.memory_space<vmem>>) offsets(%arg8 : memref<128xi32, #tpu.memory_space<vmem>>) semaphore(%arg14 : memref<!tpu.dma_semaphore, #tpu.memory_space<semaphore_mem>>)
      %dma_wait3A_240 = tpu.memref_slice %arg4[%mul3A_75] : memref<160000xi32, #tpu.memory_space<hbm>> -> memref<128xi32, #tpu.memory_space<hbm>>
      %dma_wait3A_241 = tpu.memref_slice %arg4[%mul3A_75] : memref<160000xi32, #tpu.memory_space<hbm>> -> memref<128xi32, #tpu.memory_space<hbm>>
      tpu.wait_dma2 semaphore(%arg16 : memref<!tpu.dma_semaphore, #tpu.memory_space<semaphore_mem>>) src(%dma_wait3A_241 : memref<128xi32, #tpu.memory_space<hbm>>) dst(%arg7 : memref<128xi32, #tpu.memory_space<vmem>>)
      "tpu.region"() ({
        %run_scoped3A = tpu.sem_alloc : memref<!tpu.dma_semaphore, #tpu.memory_space<semaphore_mem>>
        %dma_start3A_247 = arith.constant 0 : i32
        %dma_start3A_248 = arith.constant 0 : i32
        %dma_start3A_249 = tpu.memref_slice %arg12[%dma_start3A_247, %dma_start3A_248] : memref<10240x128xf32, #tpu.memory_space<vmem_shared>> -> memref<10240x128xf32, #tpu.memory_space<vmem_shared>>
        tpu.enqueue_indirect_dma source(%arg10 : memref<128x128xf32, #tpu.memory_space<vmem>>) target(%dma_start3A_249 : memref<10240x128xf32, #tpu.memory_space<vmem_shared>>) offsets(%arg7 : memref<128xi32, #tpu.memory_space<vmem>>) semaphore(%run_scoped3A : memref<!tpu.dma_semaphore, #tpu.memory_space<semaphore_mem>>) {add = true}
        %dma_wait3A_250 = arith.constant 0 : i32
        %dma_wait3A_251 = arith.constant 0 : i32
        %dma_wait3A_252 = tpu.memref_slice %arg12[%dma_wait3A_250, %dma_wait3A_251] : memref<10240x128xf32, #tpu.memory_space<vmem_shared>> -> memref<10240x128xf32, #tpu.memory_space<vmem_shared>>
        tpu.wait_indirect_dma semaphore(%run_scoped3A : memref<!tpu.dma_semaphore, #tpu.memory_space<semaphore_mem>>) src(%arg10 : memref<128x128xf32, #tpu.memory_space<vmem>>) dst(%dma_wait3A_252 : memref<10240x128xf32, #tpu.memory_space<vmem_shared>>)
        tpu.yield
      }) : () -> ()
      %dma_wait3A_242 = arith.constant 0 : i32
      %dma_wait3A_243 = arith.constant 0 : i32
      %dma_wait3A_244 = tpu.memref_slice %arg2[%dma_wait3A_242, %dma_wait3A_243] : memref<20480x128xf32, #tpu.memory_space<hbm>> -> memref<20480x128xf32, #tpu.memory_space<hbm>>
      tpu.wait_indirect_dma semaphore(%arg14 : memref<!tpu.dma_semaphore, #tpu.memory_space<semaphore_mem>>) src(%dma_wait3A_244 : memref<20480x128xf32, #tpu.memory_space<hbm>>) dst(%arg11 : memref<128x128xf32, #tpu.memory_space<vmem>>)
      %dma_wait3A_245 = tpu.memref_slice %arg4[%mul3A_83] : memref<160000xi32, #tpu.memory_space<hbm>> -> memref<128xi32, #tpu.memory_space<hbm>>
      %dma_wait3A_246 = tpu.memref_slice %arg4[%mul3A_83] : memref<160000xi32, #tpu.memory_space<hbm>> -> memref<128xi32, #tpu.memory_space<hbm>>
      tpu.wait_dma2 semaphore(%arg18 : memref<!tpu.dma_semaphore, #tpu.memory_space<semaphore_mem>>) src(%dma_wait3A_246 : memref<128xi32, #tpu.memory_space<hbm>>) dst(%arg9 : memref<128xi32, #tpu.memory_space<vmem>>)
      "tpu.region"() ({
        %run_scoped3A = tpu.sem_alloc : memref<!tpu.dma_semaphore, #tpu.memory_space<semaphore_mem>>
        %dma_start3A_247 = arith.constant 0 : i32
        %dma_start3A_248 = arith.constant 0 : i32
        %dma_start3A_249 = tpu.memref_slice %arg12[%dma_start3A_247, %dma_start3A_248] : memref<10240x128xf32, #tpu.memory_space<vmem_shared>> -> memref<10240x128xf32, #tpu.memory_space<vmem_shared>>
        tpu.enqueue_indirect_dma source(%arg11 : memref<128x128xf32, #tpu.memory_space<vmem>>) target(%dma_start3A_249 : memref<10240x128xf32, #tpu.memory_space<vmem_shared>>) offsets(%arg9 : memref<128xi32, #tpu.memory_space<vmem>>) semaphore(%run_scoped3A : memref<!tpu.dma_semaphore, #tpu.memory_space<semaphore_mem>>) {add = true}
        %dma_wait3A_250 = arith.constant 0 : i32
        %dma_wait3A_251 = arith.constant 0 : i32
        %dma_wait3A_252 = tpu.memref_slice %arg12[%dma_wait3A_250, %dma_wait3A_251] : memref<10240x128xf32, #tpu.memory_space<vmem_shared>> -> memref<10240x128xf32, #tpu.memory_space<vmem_shared>>
        tpu.wait_indirect_dma semaphore(%run_scoped3A : memref<!tpu.dma_semaphore, #tpu.memory_space<semaphore_mem>>) src(%arg11 : memref<128x128xf32, #tpu.memory_space<vmem>>) dst(%dma_wait3A_252 : memref<10240x128xf32, #tpu.memory_space<vmem_shared>>)
        tpu.yield
      }) : () -> ()
    }
    %scan3A_20 = arith.constant 39 : i32
    %add3A_21 = arith.constant 1248 : i32
    %add3A_22 = arith.addi %add3A_21, %arg1 : i32
    %lt3A = arith.constant 1250 : i32
    %lt3A_23 = arith.cmpi slt, %add3A_22, %lt3A : i32
    %convert_element_type3A = arith.extui %lt3A_23 : i1 to i32
    %cond3A = arith.constant 0 : i32
    %cond3A_24 = arith.cmpi ne, %convert_element_type3A, %cond3A : i32
    scf.if %cond3A_24 {
      %mul3A_61 = arith.constant 128 : i32
      %mul3A_62 = arith.muli %add3A_22, %mul3A_61 : i32
      %dma_start3A = tpu.memref_slice %arg3[%mul3A_62] : memref<160000xi32, #tpu.memory_space<hbm>> -> memref<128xi32, #tpu.memory_space<hbm>>
      %dma_start3A_63 = tpu.memref_slice %arg3[%mul3A_62] : memref<160000xi32, #tpu.memory_space<hbm>> -> memref<128xi32, #tpu.memory_space<hbm>>
      tpu.enqueue_dma source(%dma_start3A_63 : memref<128xi32, #tpu.memory_space<hbm>>) target(%arg6 : memref<128xi32, #tpu.memory_space<vmem>>) target_semaphore(%arg15 : memref<!tpu.dma_semaphore, #tpu.memory_space<semaphore_mem>>)
      %mul3A_64 = arith.constant 128 : i32
      %mul3A_65 = arith.muli %add3A_22, %mul3A_64 : i32
      %dma_start3A_66 = tpu.memref_slice %arg4[%mul3A_65] : memref<160000xi32, #tpu.memory_space<hbm>> -> memref<128xi32, #tpu.memory_space<hbm>>
      %dma_start3A_67 = tpu.memref_slice %arg4[%mul3A_65] : memref<160000xi32, #tpu.memory_space<hbm>> -> memref<128xi32, #tpu.memory_space<hbm>>
      tpu.enqueue_dma source(%dma_start3A_67 : memref<128xi32, #tpu.memory_space<hbm>>) target(%arg7 : memref<128xi32, #tpu.memory_space<vmem>>) target_semaphore(%arg16 : memref<!tpu.dma_semaphore, #tpu.memory_space<semaphore_mem>>)
      %dma_wait3A = tpu.memref_slice %arg3[%mul3A_62] : memref<160000xi32, #tpu.memory_space<hbm>> -> memref<128xi32, #tpu.memory_space<hbm>>
      %dma_wait3A_68 = tpu.memref_slice %arg3[%mul3A_62] : memref<160000xi32, #tpu.memory_space<hbm>> -> memref<128xi32, #tpu.memory_space<hbm>>
      tpu.wait_dma2 semaphore(%arg15 : memref<!tpu.dma_semaphore, #tpu.memory_space<semaphore_mem>>) src(%dma_wait3A_68 : memref<128xi32, #tpu.memory_space<hbm>>) dst(%arg6 : memref<128xi32, #tpu.memory_space<vmem>>)
      %dma_wait3A_69 = tpu.memref_slice %arg4[%mul3A_65] : memref<160000xi32, #tpu.memory_space<hbm>> -> memref<128xi32, #tpu.memory_space<hbm>>
      %dma_wait3A_70 = tpu.memref_slice %arg4[%mul3A_65] : memref<160000xi32, #tpu.memory_space<hbm>> -> memref<128xi32, #tpu.memory_space<hbm>>
      tpu.wait_dma2 semaphore(%arg16 : memref<!tpu.dma_semaphore, #tpu.memory_space<semaphore_mem>>) src(%dma_wait3A_70 : memref<128xi32, #tpu.memory_space<hbm>>) dst(%arg7 : memref<128xi32, #tpu.memory_space<vmem>>)
      %get3A = arith.constant 0 : index
      %get3A_71 = tpu.vector_load %arg6[%get3A] {strides = array<i32>} : memref<128xi32, #tpu.memory_space<vmem>>, vector<16xi32>,
      %get3A_72 = vector.shape_cast %get3A_71 : vector<16xi32> to vector<16xi32>
      %add3A_73 = vector.broadcast %mul3A_15 : i32 to vector<16xi32>
      %add3A_74 = arith.addi %get3A_72, %add3A_73 : vector<16xi32>
      %swap3A = arith.constant 0 : index
      %swap3A_75 = tpu.vector_load %arg6[%swap3A] {strides = array<i32>} : memref<128xi32, #tpu.memory_space<vmem>>, vector<16xi32>,
      %swap3A_76 = vector.shape_cast %swap3A_75 : vector<16xi32> to vector<16xi32>
      %swap3A_77 = vector.shape_cast %add3A_74 : vector<16xi32> to vector<16xi32>
      tpu.vector_store %arg6[%swap3A], %swap3A_77 {strides = array<i32>} : memref<128xi32, #tpu.memory_space<vmem>>, vector<16xi32>,
      %get3A_78 = arith.constant 16 : index
      %get3A_79 = tpu.vector_load %arg6[%get3A_78] {strides = array<i32>} : memref<128xi32, #tpu.memory_space<vmem>>, vector<16xi32>,
      %get3A_80 = vector.shape_cast %get3A_79 : vector<16xi32> to vector<16xi32>
      %add3A_81 = vector.broadcast %mul3A_15 : i32 to vector<16xi32>
      %add3A_82 = arith.addi %get3A_80, %add3A_81 : vector<16xi32>
      %swap3A_83 = arith.constant 16 : index
      %swap3A_84 = tpu.vector_load %arg6[%swap3A_83] {strides = array<i32>} : memref<128xi32, #tpu.memory_space<vmem>>, vector<16xi32>,
      %swap3A_85 = vector.shape_cast %swap3A_84 : vector<16xi32> to vector<16xi32>
      %swap3A_86 = vector.shape_cast %add3A_82 : vector<16xi32> to vector<16xi32>
      tpu.vector_store %arg6[%swap3A_83], %swap3A_86 {strides = array<i32>} : memref<128xi32, #tpu.memory_space<vmem>>, vector<16xi32>,
      %get3A_87 = arith.constant 32 : index
      %get3A_88 = tpu.vector_load %arg6[%get3A_87] {strides = array<i32>} : memref<128xi32, #tpu.memory_space<vmem>>, vector<16xi32>,
      %get3A_89 = vector.shape_cast %get3A_88 : vector<16xi32> to vector<16xi32>
      %add3A_90 = vector.broadcast %mul3A_15 : i32 to vector<16xi32>
      %add3A_91 = arith.addi %get3A_89, %add3A_90 : vector<16xi32>
      %swap3A_92 = arith.constant 32 : index
      %swap3A_93 = tpu.vector_load %arg6[%swap3A_92] {strides = array<i32>} : memref<128xi32, #tpu.memory_space<vmem>>, vector<16xi32>,
      %swap3A_94 = vector.shape_cast %swap3A_93 : vector<16xi32> to vector<16xi32>
      %swap3A_95 = vector.shape_cast %add3A_91 : vector<16xi32> to vector<16xi32>
      tpu.vector_store %arg6[%swap3A_92], %swap3A_95 {strides = array<i32>} : memref<128xi32, #tpu.memory_space<vmem>>, vector<16xi32>,
      %get3A_96 = arith.constant 48 : index
      %get3A_97 = tpu.vector_load %arg6[%get3A_96] {strides = array<i32>} : memref<128xi32, #tpu.memory_space<vmem>>, vector<16xi32>,
      %get3A_98 = vector.shape_cast %get3A_97 : vector<16xi32> to vector<16xi32>
      %add3A_99 = vector.broadcast %mul3A_15 : i32 to vector<16xi32>
      %add3A_100 = arith.addi %get3A_98, %add3A_99 : vector<16xi32>
      %swap3A_101 = arith.constant 48 : index
      %swap3A_102 = tpu.vector_load %arg6[%swap3A_101] {strides = array<i32>} : memref<128xi32, #tpu.memory_space<vmem>>, vector<16xi32>,
      %swap3A_103 = vector.shape_cast %swap3A_102 : vector<16xi32> to vector<16xi32>
      %swap3A_104 = vector.shape_cast %add3A_100 : vector<16xi32> to vector<16xi32>
      tpu.vector_store %arg6[%swap3A_101], %swap3A_104 {strides = array<i32>} : memref<128xi32, #tpu.memory_space<vmem>>, vector<16xi32>,
      %get3A_105 = arith.constant 64 : index
      %get3A_106 = tpu.vector_load %arg6[%get3A_105] {strides = array<i32>} : memref<128xi32, #tpu.memory_space<vmem>>, vector<16xi32>,
      %get3A_107 = vector.shape_cast %get3A_106 : vector<16xi32> to vector<16xi32>
      %add3A_108 = vector.broadcast %mul3A_15 : i32 to vector<16xi32>
      %add3A_109 = arith.addi %get3A_107, %add3A_108 : vector<16xi32>
      %swap3A_110 = arith.constant 64 : index
      %swap3A_111 = tpu.vector_load %arg6[%swap3A_110] {strides = array<i32>} : memref<128xi32, #tpu.memory_space<vmem>>, vector<16xi32>,
      %swap3A_112 = vector.shape_cast %swap3A_111 : vector<16xi32> to vector<16xi32>
      %swap3A_113 = vector.shape_cast %add3A_109 : vector<16xi32> to vector<16xi32>
      tpu.vector_store %arg6[%swap3A_110], %swap3A_113 {strides = array<i32>} : memref<128xi32, #tpu.memory_space<vmem>>, vector<16xi32>,
      %get3A_114 = arith.constant 80 : index
      %get3A_115 = tpu.vector_load %arg6[%get3A_114] {strides = array<i32>} : memref<128xi32, #tpu.memory_space<vmem>>, vector<16xi32>,
      %get3A_116 = vector.shape_cast %get3A_115 : vector<16xi32> to vector<16xi32>
      %add3A_117 = vector.broadcast %mul3A_15 : i32 to vector<16xi32>
      %add3A_118 = arith.addi %get3A_116, %add3A_117 : vector<16xi32>
      %swap3A_119 = arith.constant 80 : index
      %swap3A_120 = tpu.vector_load %arg6[%swap3A_119] {strides = array<i32>} : memref<128xi32, #tpu.memory_space<vmem>>, vector<16xi32>,
      %swap3A_121 = vector.shape_cast %swap3A_120 : vector<16xi32> to vector<16xi32>
      %swap3A_122 = vector.shape_cast %add3A_118 : vector<16xi32> to vector<16xi32>
      tpu.vector_store %arg6[%swap3A_119], %swap3A_122 {strides = array<i32>} : memref<128xi32, #tpu.memory_space<vmem>>, vector<16xi32>,
      %get3A_123 = arith.constant 96 : index
      %get3A_124 = tpu.vector_load %arg6[%get3A_123] {strides = array<i32>} : memref<128xi32, #tpu.memory_space<vmem>>, vector<16xi32>,
      %get3A_125 = vector.shape_cast %get3A_124 : vector<16xi32> to vector<16xi32>
      %add3A_126 = vector.broadcast %mul3A_15 : i32 to vector<16xi32>
      %add3A_127 = arith.addi %get3A_125, %add3A_126 : vector<16xi32>
      %swap3A_128 = arith.constant 96 : index
      %swap3A_129 = tpu.vector_load %arg6[%swap3A_128] {strides = array<i32>} : memref<128xi32, #tpu.memory_space<vmem>>, vector<16xi32>,
      %swap3A_130 = vector.shape_cast %swap3A_129 : vector<16xi32> to vector<16xi32>
      %swap3A_131 = vector.shape_cast %add3A_127 : vector<16xi32> to vector<16xi32>
      tpu.vector_store %arg6[%swap3A_128], %swap3A_131 {strides = array<i32>} : memref<128xi32, #tpu.memory_space<vmem>>, vector<16xi32>,
      %get3A_132 = arith.constant 112 : index
      %get3A_133 = tpu.vector_load %arg6[%get3A_132] {strides = array<i32>} : memref<128xi32, #tpu.memory_space<vmem>>, vector<16xi32>,
      %get3A_134 = vector.shape_cast %get3A_133 : vector<16xi32> to vector<16xi32>
      %add3A_135 = vector.broadcast %mul3A_15 : i32 to vector<16xi32>
      %add3A_136 = arith.addi %get3A_134, %add3A_135 : vector<16xi32>
      %swap3A_137 = arith.constant 112 : index
      %swap3A_138 = tpu.vector_load %arg6[%swap3A_137] {strides = array<i32>} : memref<128xi32, #tpu.memory_space<vmem>>, vector<16xi32>,
      %swap3A_139 = vector.shape_cast %swap3A_138 : vector<16xi32> to vector<16xi32>
      %swap3A_140 = vector.shape_cast %add3A_136 : vector<16xi32> to vector<16xi32>
      tpu.vector_store %arg6[%swap3A_137], %swap3A_140 {strides = array<i32>} : memref<128xi32, #tpu.memory_space<vmem>>, vector<16xi32>,
      %dma_start3A_141 = arith.constant 0 : i32
      %dma_start3A_142 = arith.constant 0 : i32
      %dma_start3A_143 = tpu.memref_slice %arg2[%dma_start3A_141, %dma_start3A_142] : memref<20480x128xf32, #tpu.memory_space<hbm>> -> memref<20480x128xf32, #tpu.memory_space<hbm>>
      tpu.enqueue_indirect_dma source(%dma_start3A_143 : memref<20480x128xf32, #tpu.memory_space<hbm>>) target(%arg10 : memref<128x128xf32, #tpu.memory_space<vmem>>) offsets(%arg6 : memref<128xi32, #tpu.memory_space<vmem>>) semaphore(%arg13 : memref<!tpu.dma_semaphore, #tpu.memory_space<semaphore_mem>>)
      %dma_wait3A_144 = arith.constant 0 : i32
      %dma_wait3A_145 = arith.constant 0 : i32
      %dma_wait3A_146 = tpu.memref_slice %arg2[%dma_wait3A_144, %dma_wait3A_145] : memref<20480x128xf32, #tpu.memory_space<hbm>> -> memref<20480x128xf32, #tpu.memory_space<hbm>>
      tpu.wait_indirect_dma semaphore(%arg13 : memref<!tpu.dma_semaphore, #tpu.memory_space<semaphore_mem>>) src(%dma_wait3A_146 : memref<20480x128xf32, #tpu.memory_space<hbm>>) dst(%arg10 : memref<128x128xf32, #tpu.memory_space<vmem>>)
      "tpu.region"() ({
        %run_scoped3A = tpu.sem_alloc : memref<!tpu.dma_semaphore, #tpu.memory_space<semaphore_mem>>
        %dma_start3A_147 = arith.constant 0 : i32
        %dma_start3A_148 = arith.constant 0 : i32
        %dma_start3A_149 = tpu.memref_slice %arg12[%dma_start3A_147, %dma_start3A_148] : memref<10240x128xf32, #tpu.memory_space<vmem_shared>> -> memref<10240x128xf32, #tpu.memory_space<vmem_shared>>
        tpu.enqueue_indirect_dma source(%arg10 : memref<128x128xf32, #tpu.memory_space<vmem>>) target(%dma_start3A_149 : memref<10240x128xf32, #tpu.memory_space<vmem_shared>>) offsets(%arg7 : memref<128xi32, #tpu.memory_space<vmem>>) semaphore(%run_scoped3A : memref<!tpu.dma_semaphore, #tpu.memory_space<semaphore_mem>>) {add = true}
        %dma_wait3A_150 = arith.constant 0 : i32
        %dma_wait3A_151 = arith.constant 0 : i32
        %dma_wait3A_152 = tpu.memref_slice %arg12[%dma_wait3A_150, %dma_wait3A_151] : memref<10240x128xf32, #tpu.memory_space<vmem_shared>> -> memref<10240x128xf32, #tpu.memory_space<vmem_shared>>
        tpu.wait_indirect_dma semaphore(%run_scoped3A : memref<!tpu.dma_semaphore, #tpu.memory_space<semaphore_mem>>) src(%arg10 : memref<128x128xf32, #tpu.memory_space<vmem>>) dst(%dma_wait3A_152 : memref<10240x128xf32, #tpu.memory_space<vmem_shared>>)
        tpu.yield
      }) : () -> ()
    } else {
    }
    %barrier3A_25 = arith.constant 0 : index
    tpu.barrier barrier_id(%barrier3A_25)
    %add3A_26 = arith.constant 0 : i32
    %add3A_27 = arith.addi %mul3A_0, %add3A_26 : i32
    %mul3A_28 = arith.constant 10240 : i32
    %mul3A_29 = arith.muli %arg0, %mul3A_28 : i32
    %add3A_30 = arith.addi %mul3A_29, %mul3A_0 : i32
    %add3A_31 = arith.constant 0 : i32
    %add3A_32 = arith.addi %add3A_30, %add3A_31 : i32
    "tpu.region"() ({
      %run_scoped3A = tpu.sem_alloc : memref<!tpu.dma_semaphore, #tpu.memory_space<semaphore_mem>>
      %dma_start3A = arith.constant 0 : i32
      %dma_start3A_61 = tpu.memref_slice %arg5[%add3A_32, %dma_start3A] : memref<20480x128xf32, #tpu.memory_space<hbm>> -> memref<128x128xf32, #tpu.memory_space<hbm>>
      %dma_start3A_62 = arith.constant 0 : i32
      %dma_start3A_63 = tpu.memref_slice %arg12[%add3A_27, %dma_start3A_62] : memref<10240x128xf32, #tpu.memory_space<vmem_shared>> -> memref<128x128xf32, #tpu.memory_space<vmem_shared>>
      tpu.enqueue_dma source(%dma_start3A_63 : memref<128x128xf32, #tpu.memory_space<vmem_shared>>) target(%dma_start3A_61 : memref<128x128xf32, #tpu.memory_space<hbm>>) target_semaphore(%run_scoped3A : memref<!tpu.dma_semaphore, #tpu.memory_space<semaphore_mem>>)
      %dma_wait3A = arith.constant 0 : i32
      %dma_wait3A_64 = tpu.memref_slice %arg5[%add3A_32, %dma_wait3A] : memref<20480x128xf32, #tpu.memory_space<hbm>> -> memref<128x128xf32, #tpu.memory_space<hbm>>
      %dma_wait3A_65 = arith.constant 0 : i32
      %dma_wait3A_66 = tpu.memref_slice %arg12[%add3A_27, %dma_wait3A_65] : memref<10240x128xf32, #tpu.memory_space<vmem_shared>> -> memref<128x128xf32, #tpu.memory_space<vmem_shared>>
      tpu.wait_dma2 semaphore(%run_scoped3A : memref<!tpu.dma_semaphore, #tpu.memory_space<semaphore_mem>>) src(%dma_wait3A_66 : memref<128x128xf32, #tpu.memory_space<vmem_shared>>) dst(%dma_wait3A_64 : memref<128x128xf32, #tpu.memory_space<hbm>>)
      tpu.yield
    }) : () -> ()
    %add3A_33 = arith.constant 128 : i32
    %add3A_34 = arith.addi %mul3A_0, %add3A_33 : i32
    %mul3A_35 = arith.constant 10240 : i32
    %mul3A_36 = arith.muli %arg0, %mul3A_35 : i32
    %add3A_37 = arith.addi %mul3A_36, %mul3A_0 : i32
    %add3A_38 = arith.constant 128 : i32
    %add3A_39 = arith.addi %add3A_37, %add3A_38 : i32
    "tpu.region"() ({
      %run_scoped3A = tpu.sem_alloc : memref<!tpu.dma_semaphore, #tpu.memory_space<semaphore_mem>>
      %dma_start3A = arith.constant 0 : i32
      %dma_start3A_61 = tpu.memref_slice %arg5[%add3A_39, %dma_start3A] : memref<20480x128xf32, #tpu.memory_space<hbm>> -> memref<128x128xf32, #tpu.memory_space<hbm>>
      %dma_start3A_62 = arith.constant 0 : i32
      %dma_start3A_63 = tpu.memref_slice %arg12[%add3A_34, %dma_start3A_62] : memref<10240x128xf32, #tpu.memory_space<vmem_shared>> -> memref<128x128xf32, #tpu.memory_space<vmem_shared>>
      tpu.enqueue_dma source(%dma_start3A_63 : memref<128x128xf32, #tpu.memory_space<vmem_shared>>) target(%dma_start3A_61 : memref<128x128xf32, #tpu.memory_space<hbm>>) target_semaphore(%run_scoped3A : memref<!tpu.dma_semaphore, #tpu.memory_space<semaphore_mem>>)
      %dma_wait3A = arith.constant 0 : i32
      %dma_wait3A_64 = tpu.memref_slice %arg5[%add3A_39, %dma_wait3A] : memref<20480x128xf32, #tpu.memory_space<hbm>> -> memref<128x128xf32, #tpu.memory_space<hbm>>
      %dma_wait3A_65 = arith.constant 0 : i32
      %dma_wait3A_66 = tpu.memref_slice %arg12[%add3A_34, %dma_wait3A_65] : memref<10240x128xf32, #tpu.memory_space<vmem_shared>> -> memref<128x128xf32, #tpu.memory_space<vmem_shared>>
      tpu.wait_dma2 semaphore(%run_scoped3A : memref<!tpu.dma_semaphore, #tpu.memory_space<semaphore_mem>>) src(%dma_wait3A_66 : memref<128x128xf32, #tpu.memory_space<vmem_shared>>) dst(%dma_wait3A_64 : memref<128x128xf32, #tpu.memory_space<hbm>>)
      tpu.yield
    }) : () -> ()
    %add3A_40 = arith.constant 256 : i32
    %add3A_41 = arith.addi %mul3A_0, %add3A_40 : i32
    %mul3A_42 = arith.constant 10240 : i32
    %mul3A_43 = arith.muli %arg0, %mul3A_42 : i32
    %add3A_44 = arith.addi %mul3A_43, %mul3A_0 : i32
    %add3A_45 = arith.constant 256 : i32
    %add3A_46 = arith.addi %add3A_44, %add3A_45 : i32
    "tpu.region"() ({
      %run_scoped3A = tpu.sem_alloc : memref<!tpu.dma_semaphore, #tpu.memory_space<semaphore_mem>>
      %dma_start3A = arith.constant 0 : i32
      %dma_start3A_61 = tpu.memref_slice %arg5[%add3A_46, %dma_start3A] : memref<20480x128xf32, #tpu.memory_space<hbm>> -> memref<128x128xf32, #tpu.memory_space<hbm>>
      %dma_start3A_62 = arith.constant 0 : i32
      %dma_start3A_63 = tpu.memref_slice %arg12[%add3A_41, %dma_start3A_62] : memref<10240x128xf32, #tpu.memory_space<vmem_shared>> -> memref<128x128xf32, #tpu.memory_space<vmem_shared>>
      tpu.enqueue_dma source(%dma_start3A_63 : memref<128x128xf32, #tpu.memory_space<vmem_shared>>) target(%dma_start3A_61 : memref<128x128xf32, #tpu.memory_space<hbm>>) target_semaphore(%run_scoped3A : memref<!tpu.dma_semaphore, #tpu.memory_space<semaphore_mem>>)
      %dma_wait3A = arith.constant 0 : i32
      %dma_wait3A_64 = tpu.memref_slice %arg5[%add3A_46, %dma_wait3A] : memref<20480x128xf32, #tpu.memory_space<hbm>> -> memref<128x128xf32, #tpu.memory_space<hbm>>
      %dma_wait3A_65 = arith.constant 0 : i32
      %dma_wait3A_66 = tpu.memref_slice %arg12[%add3A_41, %dma_wait3A_65] : memref<10240x128xf32, #tpu.memory_space<vmem_shared>> -> memref<128x128xf32, #tpu.memory_space<vmem_shared>>
      tpu.wait_dma2 semaphore(%run_scoped3A : memref<!tpu.dma_semaphore, #tpu.memory_space<semaphore_mem>>) src(%dma_wait3A_66 : memref<128x128xf32, #tpu.memory_space<vmem_shared>>) dst(%dma_wait3A_64 : memref<128x128xf32, #tpu.memory_space<hbm>>)
      tpu.yield
    }) : () -> ()
    %add3A_47 = arith.constant 384 : i32
    %add3A_48 = arith.addi %mul3A_0, %add3A_47 : i32
    %mul3A_49 = arith.constant 10240 : i32
    %mul3A_50 = arith.muli %arg0, %mul3A_49 : i32
    %add3A_51 = arith.addi %mul3A_50, %mul3A_0 : i32
    %add3A_52 = arith.constant 384 : i32
    %add3A_53 = arith.addi %add3A_51, %add3A_52 : i32
    "tpu.region"() ({
      %run_scoped3A = tpu.sem_alloc : memref<!tpu.dma_semaphore, #tpu.memory_space<semaphore_mem>>
      %dma_start3A = arith.constant 0 : i32
      %dma_start3A_61 = tpu.memref_slice %arg5[%add3A_53, %dma_start3A] : memref<20480x128xf32, #tpu.memory_space<hbm>> -> memref<128x128xf32, #tpu.memory_space<hbm>>
      %dma_start3A_62 = arith.constant 0 : i32
      %dma_start3A_63 = tpu.memref_slice %arg12[%add3A_48, %dma_start3A_62] : memref<10240x128xf32, #tpu.memory_space<vmem_shared>> -> memref<128x128xf32, #tpu.memory_space<vmem_shared>>
      tpu.enqueue_dma source(%dma_start3A_63 : memref<128x128xf32, #tpu.memory_space<vmem_shared>>) target(%dma_start3A_61 : memref<128x128xf32, #tpu.memory_space<hbm>>) target_semaphore(%run_scoped3A : memref<!tpu.dma_semaphore, #tpu.memory_space<semaphore_mem>>)
      %dma_wait3A = arith.constant 0 : i32
      %dma_wait3A_64 = tpu.memref_slice %arg5[%add3A_53, %dma_wait3A] : memref<20480x128xf32, #tpu.memory_space<hbm>> -> memref<128x128xf32, #tpu.memory_space<hbm>>
      %dma_wait3A_65 = arith.constant 0 : i32
      %dma_wait3A_66 = tpu.memref_slice %arg12[%add3A_48, %dma_wait3A_65] : memref<10240x128xf32, #tpu.memory_space<vmem_shared>> -> memref<128x128xf32, #tpu.memory_space<vmem_shared>>
      tpu.wait_dma2 semaphore(%run_scoped3A : memref<!tpu.dma_semaphore, #tpu.memory_space<semaphore_mem>>) src(%dma_wait3A_66 : memref<128x128xf32, #tpu.memory_space<vmem_shared>>) dst(%dma_wait3A_64 : memref<128x128xf32, #tpu.memory_space<hbm>>)
      tpu.yield
    }) : () -> ()
    %add3A_54 = arith.constant 512 : i32
    %add3A_55 = arith.addi %mul3A_0, %add3A_54 : i32
    %mul3A_56 = arith.constant 10240 : i32
    %mul3A_57 = arith.muli %arg0, %mul3A_56 : i32
    %add3A_58 = arith.addi %mul3A_57, %mul3A_0 : i32
    %add3A_59 = arith.constant 512 : i32
    %add3A_60 = arith.addi %add3A_58, %add3A_59 : i32
    "tpu.region"() ({
      %run_scoped3A = tpu.sem_alloc : memref<!tpu.dma_semaphore, #tpu.memory_space<semaphore_mem>>
      %dma_start3A = arith.constant 0 : i32
      %dma_start3A_61 = tpu.memref_slice %arg5[%add3A_60, %dma_start3A] : memref<20480x128xf32, #tpu.memory_space<hbm>> -> memref<128x128xf32, #tpu.memory_space<hbm>>
      %dma_start3A_62 = arith.constant 0 : i32
      %dma_start3A_63 = tpu.memref_slice %arg12[%add3A_55, %dma_start3A_62] : memref<10240x128xf32, #tpu.memory_space<vmem_shared>> -> memref<128x128xf32, #tpu.memory_space<vmem_shared>>
      tpu.enqueue_dma source(%dma_start3A_63 : memref<128x128xf32, #tpu.memory_space<vmem_shared>>) target(%dma_start3A_61 : memref<128x128xf32, #tpu.memory_space<hbm>>) target_semaphore(%run_scoped3A : memref<!tpu.dma_semaphore, #tpu.memory_space<semaphore_mem>>)
      %dma_wait3A = arith.constant 0 : i32
      %dma_wait3A_64 = tpu.memref_slice %arg5[%add3A_60, %dma_wait3A] : memref<20480x128xf32, #tpu.memory_space<hbm>> -> memref<128x128xf32, #tpu.memory_space<hbm>>
      %dma_wait3A_65 = arith.constant 0 : i32
      %dma_wait3A_66 = tpu.memref_slice %arg12[%add3A_55, %dma_wait3A_65] : memref<10240x128xf32, #tpu.memory_space<vmem_shared>> -> memref<128x128xf32, #tpu.memory_space<vmem_shared>>
      tpu.wait_dma2 semaphore(%run_scoped3A : memref<!tpu.dma_semaphore, #tpu.memory_space<semaphore_mem>>) src(%dma_wait3A_66 : memref<128x128xf32, #tpu.memory_space<vmem_shared>>) dst(%dma_wait3A_64 : memref<128x128xf32, #tpu.memory_space<hbm>>)
      tpu.yield
    }) : () -> ()
    return
  }
}

module attributes {stable_mosaic.version = 14 : i64} {
  func.func @_final_body(%arg0: i32, %arg1: memref<2x400x128xf32, #tpu.memory_space<vmem>>, %arg2: memref<400x256xf32, #tpu.memory_space<vmem>>, %arg3: memref<2x400x128xf32, #tpu.memory_space<vmem>>, %arg4: memref<1x256xf32, #tpu.memory_space<vmem>>, %arg5: memref<1x256xf32, #tpu.memory_space<vmem>>, %arg6: memref<1x256xf32, #tpu.memory_space<vmem>>, %arg7: memref<1x1x400xi32, #tpu.memory_space<vmem>>, %arg8: memref<64x256xf32, #tpu.memory_space<vmem>>, %arg9: memref<64x256xf32, #tpu.memory_space<vmem>>, %arg10: memref<64x1xf32, #tpu.memory_space<vmem>>) attributes {dimension_semantics = [#tpu.dimension_semantics<arbitrary>], iteration_bounds = array<i64: 25>, scalar_prefetch = 0 : i64, scratch_operands = 2 : i64, tpu.core_type = #tpu.core_type<tc>, window_params = [{transform_indices = @transform_0, window_bounds = array<i64: 2, 400, 128>}, {transform_indices = @transform_1, window_bounds = array<i64: 400, 256>}, {transform_indices = @transform_2, window_bounds = array<i64: 2, 400, 128>}, {pipeline_mode = #tpu.pipeline_mode<synchronous>, transform_indices = @transform_3, window_bounds = array<i64: 1, 256>}, {pipeline_mode = #tpu.pipeline_mode<synchronous>, transform_indices = @transform_4, window_bounds = array<i64: 1, 256>}, {pipeline_mode = #tpu.pipeline_mode<synchronous>, transform_indices = @transform_5, window_bounds = array<i64: 1, 256>}, {transform_indices = @transform_6, window_bounds = array<i64: 1, 1, 400>}, {pipeline_mode = #tpu.pipeline_mode<synchronous>, transform_indices = @transform_7, window_bounds = array<i64: 64, 256>}]} {
    %eq3A = arith.constant 0 : i32
    %eq3A_0 = arith.cmpi eq, %arg0, %eq3A : i32
    %convert_element_type3A = arith.extui %eq3A_0 : i1 to i32
    %cond3A = arith.constant 0 : i32
    %cond3A_1 = arith.cmpi ne, %convert_element_type3A, %cond3A : i32
    scf.if %cond3A_1 {
      %broadcast_in_dim3A_78 = arith.constant 0.000000e+00 : f32
      %broadcast_in_dim3A_79 = vector.broadcast %broadcast_in_dim3A_78 : f32 to vector<64x256xf32>
      %swap3A_80 = arith.constant 0 : index
      %swap3A_81 = arith.constant 0 : index
      %swap3A_82 = vector.load %arg9[%swap3A_80, %swap3A_81] : memref<64x256xf32, #tpu.memory_space<vmem>>, vector<64x256xf32>
      tpu.vector_store %arg9[%swap3A_80, %swap3A_81], %broadcast_in_dim3A_79 {strides = array<i32>} : memref<64x256xf32, #tpu.memory_space<vmem>>, vector<64x256xf32>,
      %broadcast_in_dim3A_83 = arith.constant 0.000000e+00 : f32
      %broadcast_in_dim3A_84 = vector.broadcast %broadcast_in_dim3A_83 : f32 to vector<64x1xf32>
      %swap3A_85 = arith.constant 0 : index
      %swap3A_86 = arith.constant 0 : index
      %swap3A_87 = vector.load %arg10[%swap3A_85, %swap3A_86] : memref<64x1xf32, #tpu.memory_space<vmem>>, vector<64x1xf32>
      tpu.vector_store %arg10[%swap3A_85, %swap3A_86], %broadcast_in_dim3A_84 {strides = array<i32>} : memref<64x1xf32, #tpu.memory_space<vmem>>, vector<64x1xf32>,
    } else {
    }
    %get3A = arith.constant 0 : index
    %get3A_2 = arith.constant 0 : index
    %get3A_3 = arith.constant 0 : index
    %get3A_4 = vector.load %arg1[%get3A, %get3A_2, %get3A_3] : memref<2x400x128xf32, #tpu.memory_space<vmem>>, vector<1x400x128xf32>
    %get3A_5 = vector.shape_cast %get3A_4 : vector<1x400x128xf32> to vector<400x128xf32>
    %get3A_6 = arith.constant 1 : index
    %get3A_7 = arith.constant 0 : index
    %get3A_8 = arith.constant 0 : index
    %get3A_9 = vector.load %arg1[%get3A_6, %get3A_7, %get3A_8] : memref<2x400x128xf32, #tpu.memory_space<vmem>>, vector<1x400x128xf32>
    %get3A_10 = vector.shape_cast %get3A_9 : vector<1x400x128xf32> to vector<400x128xf32>
    %concatenate3A = tpu.concatenate %get3A_5, %get3A_10 in 1 : vector<400x128xf32>, vector<400x128xf32> -> vector<400x256xf32>
    %get3A_11 = arith.constant 0 : index
    %get3A_12 = arith.constant 0 : index
    %get3A_13 = arith.constant 0 : index
    %get3A_14 = vector.load %arg3[%get3A_11, %get3A_12, %get3A_13] : memref<2x400x128xf32, #tpu.memory_space<vmem>>, vector<1x400x1xf32>
    %get3A_15 = vector.shape_cast %get3A_14 : vector<1x400x1xf32> to vector<400x1xf32>
    %get3A_16 = arith.constant 1 : index
    %get3A_17 = arith.constant 0 : index
    %get3A_18 = arith.constant 0 : index
    %get3A_19 = vector.load %arg3[%get3A_16, %get3A_17, %get3A_18] : memref<2x400x128xf32, #tpu.memory_space<vmem>>, vector<1x400x1xf32>
    %get3A_20 = vector.shape_cast %get3A_19 : vector<1x400x1xf32> to vector<400x1xf32>
    %add3A = arith.addf %get3A_15, %get3A_20 : vector<400x1xf32>
    %max3A = arith.constant 1.000000e+00 : f32
    %max3A_21 = vector.broadcast %max3A : f32 to vector<400x1xf32>
    %max3A_22 = arith.maximumf %add3A, %max3A_21 : vector<400x1xf32>
    %div3A = vector.broadcast %max3A_22 : vector<400x1xf32> to vector<400x256xf32>
    %div3A_23 = arith.divf %concatenate3A, %div3A : vector<400x256xf32>
    %get3A_24 = arith.constant 0 : index
    %get3A_25 = arith.constant 0 : index
    %get3A_26 = vector.load %arg2[%get3A_24, %get3A_25] : memref<400x256xf32, #tpu.memory_space<vmem>>, vector<400x256xf32>
    %add3A_27 = arith.addf %div3A_23, %get3A_26 : vector<400x256xf32>
    %get3A_28 = arith.constant 0 : index
    %get3A_29 = arith.constant 0 : index
    %get3A_30 = vector.load %arg4[%get3A_28, %get3A_29] : memref<1x256xf32, #tpu.memory_space<vmem>>, vector<1x256xf32>
    %add3A_31 = vector.broadcast %get3A_30 : vector<1x256xf32> to vector<400x256xf32>
    %add3A_32 = arith.addf %add3A_27, %add3A_31 : vector<400x256xf32>
    %get3A_33 = arith.constant 0 : index
    %get3A_34 = arith.constant 0 : index
    %get3A_35 = vector.load %arg5[%get3A_33, %get3A_34] : memref<1x256xf32, #tpu.memory_space<vmem>>, vector<1x256xf32>
    %mul3A = arith.constant 0.999994993 : f32
    %mul3A_36 = vector.broadcast %mul3A : f32 to vector<400x256xf32>
    %mul3A_37 = arith.mulf %add3A_32, %mul3A_36 : vector<400x256xf32>
    %mul3A_38 = vector.broadcast %get3A_35 : vector<1x256xf32> to vector<400x256xf32>
    %mul3A_39 = arith.mulf %mul3A_38, %mul3A_37 : vector<400x256xf32>
    %get3A_40 = arith.constant 0 : index
    %get3A_41 = arith.constant 0 : index
    %get3A_42 = vector.load %arg6[%get3A_40, %get3A_41] : memref<1x256xf32, #tpu.memory_space<vmem>>, vector<1x256xf32>
    %add3A_43 = vector.broadcast %get3A_42 : vector<1x256xf32> to vector<400x256xf32>
    %add3A_44 = arith.addf %mul3A_39, %add3A_43 : vector<400x256xf32>
    %max3A_45 = arith.constant 0.000000e+00 : f32
    %max3A_46 = vector.broadcast %max3A_45 : f32 to vector<400x256xf32>
    %max3A_47 = arith.maximumf %add3A_44, %max3A_46 : vector<400x256xf32>
    %get3A_48 = arith.constant 0 : index
    %get3A_49 = arith.constant 0 : index
    %get3A_50 = arith.constant 0 : index
    %get3A_51 = vector.load %arg7[%get3A_48, %get3A_49, %get3A_50] : memref<1x1x400xi32, #tpu.memory_space<vmem>>, vector<1x1x400xi32>
    %get3A_52 = vector.shape_cast %get3A_51 : vector<1x1x400xi32> to vector<400xi32>
    %broadcast_in_dim3A = vector.shape_cast %get3A_52 : vector<400xi32> to vector<1x400xi32>
    %iota3A = tpu.iota {dimensions = array<i32: 0>} : vector<64x400xi32>
    %eq3A_53 = vector.broadcast %broadcast_in_dim3A : vector<1x400xi32> to vector<64x400xi32>
    %eq3A_54 = arith.cmpi eq, %eq3A_53, %iota3A : vector<64x400xi32>
    %convert_element_type3A_55 = arith.extui %eq3A_54 : vector<64x400xi1> to vector<64x400xi32>
    %convert_element_type3A_56 = arith.sitofp %convert_element_type3A_55 : vector<64x400xi32> to vector<64x400xf32>
    %get3A_57 = arith.constant 0 : index
    %get3A_58 = arith.constant 0 : index
    %get3A_59 = vector.load %arg9[%get3A_57, %get3A_58] : memref<64x256xf32, #tpu.memory_space<vmem>>, vector<64x256xf32>
    %dot_general3A = arith.constant dense<0.000000e+00> : vector<64x256xf32>
    %dot_general3A_60 = tpu.matmul %convert_element_type3A_56, %max3A_47, %dot_general3A {dimension_numbers = #tpu.dot_dimension_numbers<[1], [0], [0], [1], [0, 0, 1, 1], [], []>, transpose_lhs_hint = false} : vector<64x400xf32>, vector<400x256xf32>, vector<64x256xf32> -> vector<64x256xf32>
    %add3A_61 = arith.addf %get3A_59, %dot_general3A_60 : vector<64x256xf32>
    %swap3A = arith.constant 0 : index
    %swap3A_62 = arith.constant 0 : index
    %swap3A_63 = vector.load %arg9[%swap3A, %swap3A_62] : memref<64x256xf32, #tpu.memory_space<vmem>>, vector<64x256xf32>
    tpu.vector_store %arg9[%swap3A, %swap3A_62], %add3A_61 {strides = array<i32>} : memref<64x256xf32, #tpu.memory_space<vmem>>, vector<64x256xf32>,
    %get3A_64 = arith.constant 0 : index
    %get3A_65 = arith.constant 0 : index
    %get3A_66 = vector.load %arg10[%get3A_64, %get3A_65] : memref<64x1xf32, #tpu.memory_space<vmem>>, vector<64x1xf32>
    %reduce_sum3A = arith.constant dense<0.000000e+00> : vector<64xf32>
    %reduce_sum3A_67 = vector.multi_reduction <add>, %convert_element_type3A_56, %reduce_sum3A [1] : vector<64x400xf32> to vector<64xf32>
    %broadcast_in_dim3A_68 = vector.shape_cast %reduce_sum3A_67 : vector<64xf32> to vector<64x1xf32>
    %add3A_69 = arith.addf %get3A_66, %broadcast_in_dim3A_68 : vector<64x1xf32>
    %swap3A_70 = arith.constant 0 : index
    %swap3A_71 = arith.constant 0 : index
    %swap3A_72 = vector.load %arg10[%swap3A_70, %swap3A_71] : memref<64x1xf32, #tpu.memory_space<vmem>>, vector<64x1xf32>
    tpu.vector_store %arg10[%swap3A_70, %swap3A_71], %add3A_69 {strides = array<i32>} : memref<64x1xf32, #tpu.memory_space<vmem>>, vector<64x1xf32>,
    %eq3A_73 = arith.constant 24 : i32
    %eq3A_74 = arith.cmpi eq, %arg0, %eq3A_73 : i32
    %convert_element_type3A_75 = arith.extui %eq3A_74 : i1 to i32
    %cond3A_76 = arith.constant 0 : i32
    %cond3A_77 = arith.cmpi ne, %convert_element_type3A_75, %cond3A_76 : i32
    scf.if %cond3A_77 {
      %get3A_78 = arith.constant 0 : index
      %get3A_79 = arith.constant 0 : index
      %get3A_80 = vector.load %arg9[%get3A_78, %get3A_79] : memref<64x256xf32, #tpu.memory_space<vmem>>, vector<64x256xf32>
      %get3A_81 = arith.constant 0 : index
      %get3A_82 = arith.constant 0 : index
      %get3A_83 = vector.load %arg10[%get3A_81, %get3A_82] : memref<64x1xf32, #tpu.memory_space<vmem>>, vector<64x1xf32>
      %max3A_84 = arith.constant 1.000000e+00 : f32
      %max3A_85 = vector.broadcast %max3A_84 : f32 to vector<64x1xf32>
      %max3A_86 = arith.maximumf %get3A_83, %max3A_85 : vector<64x1xf32>
      %div3A_87 = vector.broadcast %max3A_86 : vector<64x1xf32> to vector<64x256xf32>
      %div3A_88 = arith.divf %get3A_80, %div3A_87 : vector<64x256xf32>
      %swap3A_89 = arith.constant 0 : index
      %swap3A_90 = arith.constant 0 : index
      %swap3A_91 = vector.load %arg8[%swap3A_89, %swap3A_90] : memref<64x256xf32, #tpu.memory_space<vmem>>, vector<64x256xf32>
      tpu.vector_store %arg8[%swap3A_89, %swap3A_90], %div3A_88 {strides = array<i32>} : memref<64x256xf32, #tpu.memory_space<vmem>>, vector<64x256xf32>,
    } else {
    }
    return
  }
  func.func @transform_0(%arg0: i32) -> (i32, i32, i32) {
    %c0_i32 = arith.constant 0 : i32
    %c0_i32_0 = arith.constant 0 : i32
    %c0_i32_1 = arith.constant 0 : i32
    return %c0_i32, %arg0, %c0_i32_0 : i32, i32, i32
  }
  func.func @transform_1(%arg0: i32) -> (i32, i32) {
    %c0_i32 = arith.constant 0 : i32
    %c0_i32_0 = arith.constant 0 : i32
    return %arg0, %c0_i32 : i32, i32
  }
  func.func @transform_2(%arg0: i32) -> (i32, i32, i32) {
    %c0_i32 = arith.constant 0 : i32
    %c0_i32_0 = arith.constant 0 : i32
    %c0_i32_1 = arith.constant 0 : i32
    return %c0_i32, %arg0, %c0_i32_0 : i32, i32, i32
  }
  func.func @transform_3(%arg0: i32) -> (i32, i32) {
    %c0_i32 = arith.constant 0 : i32
    %c0_i32_0 = arith.constant 0 : i32
    %c0_i32_1 = arith.constant 0 : i32
    return %c0_i32, %c0_i32_0 : i32, i32
  }
  func.func @transform_4(%arg0: i32) -> (i32, i32) {
    %c0_i32 = arith.constant 0 : i32
    %c0_i32_0 = arith.constant 0 : i32
    %c0_i32_1 = arith.constant 0 : i32
    return %c0_i32, %c0_i32_0 : i32, i32
  }
  func.func @transform_5(%arg0: i32) -> (i32, i32) {
    %c0_i32 = arith.constant 0 : i32
    %c0_i32_0 = arith.constant 0 : i32
    %c0_i32_1 = arith.constant 0 : i32
    return %c0_i32, %c0_i32_0 : i32, i32
  }
  func.func @transform_6(%arg0: i32) -> (i32, i32, i32) {
    %c0_i32 = arith.constant 0 : i32
    %c0_i32_0 = arith.constant 0 : i32
    %c0_i32_1 = arith.constant 0 : i32
    return %arg0, %c0_i32, %c0_i32_0 : i32, i32, i32
  }
  func.func @transform_7(%arg0: i32) -> (i32, i32) {
    %c0_i32 = arith.constant 0 : i32
    %c0_i32_0 = arith.constant 0 : i32
    %c0_i32_1 = arith.constant 0 : i32
    return %c0_i32, %c0_i32_0 : i32, i32
  }
}

module attributes {stable_mosaic.version = 14 : i64} {
  func.func @_mm0_body(%arg0: i32, %arg1: memref<400x256xf32, #tpu.memory_space<vmem>>, %arg2: memref<256x256xf32, #tpu.memory_space<vmem>>, %arg3: memref<256x256xf32, #tpu.memory_space<vmem>>, %arg4: memref<2x400x128xf32, #tpu.memory_space<vmem>>, %arg5: memref<400x256xf32, #tpu.memory_space<vmem>>) attributes {dimension_semantics = [#tpu.dimension_semantics<arbitrary>], iteration_bounds = array<i64: 25>, scalar_prefetch = 0 : i64, scratch_operands = 0 : i64, tpu.core_type = #tpu.core_type<tc>, window_params = [{transform_indices = @transform_0, window_bounds = array<i64: 400, 256>}, {pipeline_mode = #tpu.pipeline_mode<synchronous>, transform_indices = @transform_1, window_bounds = array<i64: 256, 256>}, {pipeline_mode = #tpu.pipeline_mode<synchronous>, transform_indices = @transform_2, window_bounds = array<i64: 256, 256>}, {transform_indices = @transform_3, window_bounds = array<i64: 2, 400, 128>}, {transform_indices = @transform_4, window_bounds = array<i64: 400, 256>}]} {
    %get3A = arith.constant 0 : index
    %get3A_0 = arith.constant 0 : index
    %get3A_1 = vector.load %arg1[%get3A, %get3A_0] : memref<400x256xf32, #tpu.memory_space<vmem>>, vector<400x256xf32>
    %get3A_2 = arith.constant 0 : index
    %get3A_3 = arith.constant 0 : index
    %get3A_4 = vector.load %arg2[%get3A_2, %get3A_3] : memref<256x256xf32, #tpu.memory_space<vmem>>, vector<256x256xf32>
    %dot_general3A = arith.constant dense<0.000000e+00> : vector<400x256xf32>
    %dot_general3A_5 = tpu.matmul %get3A_1, %get3A_4, %dot_general3A {dimension_numbers = #tpu.dot_dimension_numbers<[1], [0], [0], [1], [0, 0, 1, 1], [], []>, transpose_lhs_hint = false} : vector<400x256xf32>, vector<256x256xf32>, vector<400x256xf32> -> vector<400x256xf32>
    %slice3A = vector.extract_strided_slice %dot_general3A_5 {offsets = [0, 0], sizes = [400, 128], strides = [1, 1]} : vector<400x256xf32> to vector<400x128xf32>
    %swap3A = arith.constant 0 : index
    %swap3A_6 = arith.constant 0 : index
    %swap3A_7 = arith.constant 0 : index
    %swap3A_8 = vector.load %arg4[%swap3A, %swap3A_6, %swap3A_7] : memref<2x400x128xf32, #tpu.memory_space<vmem>>, vector<1x400x128xf32>
    %swap3A_9 = vector.shape_cast %swap3A_8 : vector<1x400x128xf32> to vector<400x128xf32>
    %swap3A_10 = vector.shape_cast %slice3A : vector<400x128xf32> to vector<1x400x128xf32>
    tpu.vector_store %arg4[%swap3A, %swap3A_6, %swap3A_7], %swap3A_10 {strides = array<i32>} : memref<2x400x128xf32, #tpu.memory_space<vmem>>, vector<1x400x128xf32>,
    %slice3A_11 = vector.extract_strided_slice %dot_general3A_5 {offsets = [0, 128], sizes = [400, 128], strides = [1, 1]} : vector<400x256xf32> to vector<400x128xf32>
    %swap3A_12 = arith.constant 1 : index
    %swap3A_13 = arith.constant 0 : index
    %swap3A_14 = arith.constant 0 : index
    %swap3A_15 = vector.load %arg4[%swap3A_12, %swap3A_13, %swap3A_14] : memref<2x400x128xf32, #tpu.memory_space<vmem>>, vector<1x400x128xf32>
    %swap3A_16 = vector.shape_cast %swap3A_15 : vector<1x400x128xf32> to vector<400x128xf32>
    %swap3A_17 = vector.shape_cast %slice3A_11 : vector<400x128xf32> to vector<1x400x128xf32>
    tpu.vector_store %arg4[%swap3A_12, %swap3A_13, %swap3A_14], %swap3A_17 {strides = array<i32>} : memref<2x400x128xf32, #tpu.memory_space<vmem>>, vector<1x400x128xf32>,
    %get3A_18 = arith.constant 0 : index
    %get3A_19 = arith.constant 0 : index
    %get3A_20 = vector.load %arg3[%get3A_18, %get3A_19] : memref<256x256xf32, #tpu.memory_space<vmem>>, vector<256x256xf32>
    %dot_general3A_21 = arith.constant dense<0.000000e+00> : vector<400x256xf32>
    %dot_general3A_22 = tpu.matmul %get3A_1, %get3A_20, %dot_general3A_21 {dimension_numbers = #tpu.dot_dimension_numbers<[1], [0], [0], [1], [0, 0, 1, 1], [], []>, transpose_lhs_hint = false} : vector<400x256xf32>, vector<256x256xf32>, vector<400x256xf32> -> vector<400x256xf32>
    %swap3A_23 = arith.constant 0 : index
    %swap3A_24 = arith.constant 0 : index
    %swap3A_25 = vector.load %arg5[%swap3A_23, %swap3A_24] : memref<400x256xf32, #tpu.memory_space<vmem>>, vector<400x256xf32>
    tpu.vector_store %arg5[%swap3A_23, %swap3A_24], %dot_general3A_22 {strides = array<i32>} : memref<400x256xf32, #tpu.memory_space<vmem>>, vector<400x256xf32>,
    return
  }
  func.func @transform_0(%arg0: i32) -> (i32, i32) {
    %c0_i32 = arith.constant 0 : i32
    %c0_i32_0 = arith.constant 0 : i32
    return %arg0, %c0_i32 : i32, i32
  }
  func.func @transform_1(%arg0: i32) -> (i32, i32) {
    %c0_i32 = arith.constant 0 : i32
    %c0_i32_0 = arith.constant 0 : i32
    %c0_i32_1 = arith.constant 0 : i32
    return %c0_i32, %c0_i32_0 : i32, i32
  }
  func.func @transform_2(%arg0: i32) -> (i32, i32) {
    %c0_i32 = arith.constant 0 : i32
    %c0_i32_0 = arith.constant 0 : i32
    %c0_i32_1 = arith.constant 0 : i32
    return %c0_i32, %c0_i32_0 : i32, i32
  }
  func.func @transform_3(%arg0: i32) -> (i32, i32, i32) {
    %c0_i32 = arith.constant 0 : i32
    %c0_i32_0 = arith.constant 0 : i32
    %c0_i32_1 = arith.constant 0 : i32
    return %c0_i32, %arg0, %c0_i32_0 : i32, i32, i32
  }
  func.func @transform_4(%arg0: i32) -> (i32, i32) {
    %c0_i32 = arith.constant 0 : i32
    %c0_i32_0 = arith.constant 0 : i32
    return %arg0, %c0_i32 : i32, i32
  }
}

module attributes {stable_mosaic.version = 14 : i64} {
  func.func @_mid_body(%arg0: i32, %arg1: memref<2x400x128xf32, #tpu.memory_space<vmem>>, %arg2: memref<400x256xf32, #tpu.memory_space<vmem>>, %arg3: memref<2x400x128xf32, #tpu.memory_space<vmem>>, %arg4: memref<1x256xf32, #tpu.memory_space<vmem>>, %arg5: memref<1x256xf32, #tpu.memory_space<vmem>>, %arg6: memref<1x256xf32, #tpu.memory_space<vmem>>, %arg7: memref<256x256xf32, #tpu.memory_space<vmem>>, %arg8: memref<256x256xf32, #tpu.memory_space<vmem>>, %arg9: memref<2x400x128xf32, #tpu.memory_space<vmem>>, %arg10: memref<400x256xf32, #tpu.memory_space<vmem>>) attributes {dimension_semantics = [#tpu.dimension_semantics<arbitrary>], iteration_bounds = array<i64: 25>, scalar_prefetch = 0 : i64, scratch_operands = 0 : i64, tpu.core_type = #tpu.core_type<tc>, window_params = [{transform_indices = @transform_0, window_bounds = array<i64: 2, 400, 128>}, {transform_indices = @transform_1, window_bounds = array<i64: 400, 256>}, {transform_indices = @transform_2, window_bounds = array<i64: 2, 400, 128>}, {pipeline_mode = #tpu.pipeline_mode<synchronous>, transform_indices = @transform_3, window_bounds = array<i64: 1, 256>}, {pipeline_mode = #tpu.pipeline_mode<synchronous>, transform_indices = @transform_4, window_bounds = array<i64: 1, 256>}, {pipeline_mode = #tpu.pipeline_mode<synchronous>, transform_indices = @transform_5, window_bounds = array<i64: 1, 256>}, {pipeline_mode = #tpu.pipeline_mode<synchronous>, transform_indices = @transform_6, window_bounds = array<i64: 256, 256>}, {pipeline_mode = #tpu.pipeline_mode<synchronous>, transform_indices = @transform_7, window_bounds = array<i64: 256, 256>}, {transform_indices = @transform_8, window_bounds = array<i64: 2, 400, 128>}, {transform_indices = @transform_9, window_bounds = array<i64: 400, 256>}]} {
    %get3A = arith.constant 0 : index
    %get3A_0 = arith.constant 0 : index
    %get3A_1 = arith.constant 0 : index
    %get3A_2 = vector.load %arg1[%get3A, %get3A_0, %get3A_1] : memref<2x400x128xf32, #tpu.memory_space<vmem>>, vector<1x400x128xf32>
    %get3A_3 = vector.shape_cast %get3A_2 : vector<1x400x128xf32> to vector<400x128xf32>
    %get3A_4 = arith.constant 1 : index
    %get3A_5 = arith.constant 0 : index
    %get3A_6 = arith.constant 0 : index
    %get3A_7 = vector.load %arg1[%get3A_4, %get3A_5, %get3A_6] : memref<2x400x128xf32, #tpu.memory_space<vmem>>, vector<1x400x128xf32>
    %get3A_8 = vector.shape_cast %get3A_7 : vector<1x400x128xf32> to vector<400x128xf32>
    %concatenate3A = tpu.concatenate %get3A_3, %get3A_8 in 1 : vector<400x128xf32>, vector<400x128xf32> -> vector<400x256xf32>
    %get3A_9 = arith.constant 0 : index
    %get3A_10 = arith.constant 0 : index
    %get3A_11 = arith.constant 0 : index
    %get3A_12 = vector.load %arg3[%get3A_9, %get3A_10, %get3A_11] : memref<2x400x128xf32, #tpu.memory_space<vmem>>, vector<1x400x1xf32>
    %get3A_13 = vector.shape_cast %get3A_12 : vector<1x400x1xf32> to vector<400x1xf32>
    %get3A_14 = arith.constant 1 : index
    %get3A_15 = arith.constant 0 : index
    %get3A_16 = arith.constant 0 : index
    %get3A_17 = vector.load %arg3[%get3A_14, %get3A_15, %get3A_16] : memref<2x400x128xf32, #tpu.memory_space<vmem>>, vector<1x400x1xf32>
    %get3A_18 = vector.shape_cast %get3A_17 : vector<1x400x1xf32> to vector<400x1xf32>
    %add3A = arith.addf %get3A_13, %get3A_18 : vector<400x1xf32>
    %max3A = arith.constant 1.000000e+00 : f32
    %max3A_19 = vector.broadcast %max3A : f32 to vector<400x1xf32>
    %max3A_20 = arith.maximumf %add3A, %max3A_19 : vector<400x1xf32>
    %div3A = vector.broadcast %max3A_20 : vector<400x1xf32> to vector<400x256xf32>
    %div3A_21 = arith.divf %concatenate3A, %div3A : vector<400x256xf32>
    %get3A_22 = arith.constant 0 : index
    %get3A_23 = arith.constant 0 : index
    %get3A_24 = vector.load %arg2[%get3A_22, %get3A_23] : memref<400x256xf32, #tpu.memory_space<vmem>>, vector<400x256xf32>
    %add3A_25 = arith.addf %div3A_21, %get3A_24 : vector<400x256xf32>
    %get3A_26 = arith.constant 0 : index
    %get3A_27 = arith.constant 0 : index
    %get3A_28 = vector.load %arg4[%get3A_26, %get3A_27] : memref<1x256xf32, #tpu.memory_space<vmem>>, vector<1x256xf32>
    %add3A_29 = vector.broadcast %get3A_28 : vector<1x256xf32> to vector<400x256xf32>
    %add3A_30 = arith.addf %add3A_25, %add3A_29 : vector<400x256xf32>
    %get3A_31 = arith.constant 0 : index
    %get3A_32 = arith.constant 0 : index
    %get3A_33 = vector.load %arg5[%get3A_31, %get3A_32] : memref<1x256xf32, #tpu.memory_space<vmem>>, vector<1x256xf32>
    %mul3A = arith.constant 0.999994993 : f32
    %mul3A_34 = vector.broadcast %mul3A : f32 to vector<400x256xf32>
    %mul3A_35 = arith.mulf %add3A_30, %mul3A_34 : vector<400x256xf32>
    %mul3A_36 = vector.broadcast %get3A_33 : vector<1x256xf32> to vector<400x256xf32>
    %mul3A_37 = arith.mulf %mul3A_36, %mul3A_35 : vector<400x256xf32>
    %get3A_38 = arith.constant 0 : index
    %get3A_39 = arith.constant 0 : index
    %get3A_40 = vector.load %arg6[%get3A_38, %get3A_39] : memref<1x256xf32, #tpu.memory_space<vmem>>, vector<1x256xf32>
    %add3A_41 = vector.broadcast %get3A_40 : vector<1x256xf32> to vector<400x256xf32>
    %add3A_42 = arith.addf %mul3A_37, %add3A_41 : vector<400x256xf32>
    %max3A_43 = arith.constant 0.000000e+00 : f32
    %max3A_44 = vector.broadcast %max3A_43 : f32 to vector<400x256xf32>
    %max3A_45 = arith.maximumf %add3A_42, %max3A_44 : vector<400x256xf32>
    %get3A_46 = arith.constant 0 : index
    %get3A_47 = arith.constant 0 : index
    %get3A_48 = vector.load %arg7[%get3A_46, %get3A_47] : memref<256x256xf32, #tpu.memory_space<vmem>>, vector<256x256xf32>
    %dot_general3A = arith.constant dense<0.000000e+00> : vector<400x256xf32>
    %dot_general3A_49 = tpu.matmul %max3A_45, %get3A_48, %dot_general3A {dimension_numbers = #tpu.dot_dimension_numbers<[1], [0], [0], [1], [0, 0, 1, 1], [], []>, transpose_lhs_hint = false} : vector<400x256xf32>, vector<256x256xf32>, vector<400x256xf32> -> vector<400x256xf32>
    %slice3A = vector.extract_strided_slice %dot_general3A_49 {offsets = [0, 0], sizes = [400, 128], strides = [1, 1]} : vector<400x256xf32> to vector<400x128xf32>
    %swap3A = arith.constant 0 : index
    %swap3A_50 = arith.constant 0 : index
    %swap3A_51 = arith.constant 0 : index
    %swap3A_52 = vector.load %arg9[%swap3A, %swap3A_50, %swap3A_51] : memref<2x400x128xf32, #tpu.memory_space<vmem>>, vector<1x400x128xf32>
    %swap3A_53 = vector.shape_cast %swap3A_52 : vector<1x400x128xf32> to vector<400x128xf32>
    %swap3A_54 = vector.shape_cast %slice3A : vector<400x128xf32> to vector<1x400x128xf32>
    tpu.vector_store %arg9[%swap3A, %swap3A_50, %swap3A_51], %swap3A_54 {strides = array<i32>} : memref<2x400x128xf32, #tpu.memory_space<vmem>>, vector<1x400x128xf32>,
    %slice3A_55 = vector.extract_strided_slice %dot_general3A_49 {offsets = [0, 128], sizes = [400, 128], strides = [1, 1]} : vector<400x256xf32> to vector<400x128xf32>
    %swap3A_56 = arith.constant 1 : index
    %swap3A_57 = arith.constant 0 : index
    %swap3A_58 = arith.constant 0 : index
    %swap3A_59 = vector.load %arg9[%swap3A_56, %swap3A_57, %swap3A_58] : memref<2x400x128xf32, #tpu.memory_space<vmem>>, vector<1x400x128xf32>
    %swap3A_60 = vector.shape_cast %swap3A_59 : vector<1x400x128xf32> to vector<400x128xf32>
    %swap3A_61 = vector.shape_cast %slice3A_55 : vector<400x128xf32> to vector<1x400x128xf32>
    tpu.vector_store %arg9[%swap3A_56, %swap3A_57, %swap3A_58], %swap3A_61 {strides = array<i32>} : memref<2x400x128xf32, #tpu.memory_space<vmem>>, vector<1x400x128xf32>,
    %get3A_62 = arith.constant 0 : index
    %get3A_63 = arith.constant 0 : index
    %get3A_64 = vector.load %arg8[%get3A_62, %get3A_63] : memref<256x256xf32, #tpu.memory_space<vmem>>, vector<256x256xf32>
    %dot_general3A_65 = arith.constant dense<0.000000e+00> : vector<400x256xf32>
    %dot_general3A_66 = tpu.matmul %max3A_45, %get3A_64, %dot_general3A_65 {dimension_numbers = #tpu.dot_dimension_numbers<[1], [0], [0], [1], [0, 0, 1, 1], [], []>, transpose_lhs_hint = false} : vector<400x256xf32>, vector<256x256xf32>, vector<400x256xf32> -> vector<400x256xf32>
    %swap3A_67 = arith.constant 0 : index
    %swap3A_68 = arith.constant 0 : index
    %swap3A_69 = vector.load %arg10[%swap3A_67, %swap3A_68] : memref<400x256xf32, #tpu.memory_space<vmem>>, vector<400x256xf32>
    tpu.vector_store %arg10[%swap3A_67, %swap3A_68], %dot_general3A_66 {strides = array<i32>} : memref<400x256xf32, #tpu.memory_space<vmem>>, vector<400x256xf32>,
    return
  }
  func.func @transform_0(%arg0: i32) -> (i32, i32, i32) {
    %c0_i32 = arith.constant 0 : i32
    %c0_i32_0 = arith.constant 0 : i32
    %c0_i32_1 = arith.constant 0 : i32
    return %c0_i32, %arg0, %c0_i32_0 : i32, i32, i32
  }
  func.func @transform_1(%arg0: i32) -> (i32, i32) {
    %c0_i32 = arith.constant 0 : i32
    %c0_i32_0 = arith.constant 0 : i32
    return %arg0, %c0_i32 : i32, i32
  }
  func.func @transform_2(%arg0: i32) -> (i32, i32, i32) {
    %c0_i32 = arith.constant 0 : i32
    %c0_i32_0 = arith.constant 0 : i32
    %c0_i32_1 = arith.constant 0 : i32
    return %c0_i32, %arg0, %c0_i32_0 : i32, i32, i32
  }
  func.func @transform_3(%arg0: i32) -> (i32, i32) {
    %c0_i32 = arith.constant 0 : i32
    %c0_i32_0 = arith.constant 0 : i32
    %c0_i32_1 = arith.constant 0 : i32
    return %c0_i32, %c0_i32_0 : i32, i32
  }
  func.func @transform_4(%arg0: i32) -> (i32, i32) {
    %c0_i32 = arith.constant 0 : i32
    %c0_i32_0 = arith.constant 0 : i32
    %c0_i32_1 = arith.constant 0 : i32
    return %c0_i32, %c0_i32_0 : i32, i32
  }
  func.func @transform_5(%arg0: i32) -> (i32, i32) {
    %c0_i32 = arith.constant 0 : i32
    %c0_i32_0 = arith.constant 0 : i32
    %c0_i32_1 = arith.constant 0 : i32
    return %c0_i32, %c0_i32_0 : i32, i32
  }
  func.func @transform_6(%arg0: i32) -> (i32, i32) {
    %c0_i32 = arith.constant 0 : i32
    %c0_i32_0 = arith.constant 0 : i32
    %c0_i32_1 = arith.constant 0 : i32
    return %c0_i32, %c0_i32_0 : i32, i32
  }
  func.func @transform_7(%arg0: i32) -> (i32, i32) {
    %c0_i32 = arith.constant 0 : i32
    %c0_i32_0 = arith.constant 0 : i32
    %c0_i32_1 = arith.constant 0 : i32
    return %c0_i32, %c0_i32_0 : i32, i32
  }
  func.func @transform_8(%arg0: i32) -> (i32, i32, i32) {
    %c0_i32 = arith.constant 0 : i32
    %c0_i32_0 = arith.constant 0 : i32
    %c0_i32_1 = arith.constant 0 : i32
    return %c0_i32, %arg0, %c0_i32_0 : i32, i32, i32
  }
  func.func @transform_9(%arg0: i32) -> (i32, i32) {
    %c0_i32 = arith.constant 0 : i32
    %c0_i32_0 = arith.constant 0 : i32
    return %arg0, %c0_i32 : i32, i32
  }
}

</mosaic_0001>

<sc_bundles>
// kernel: kernel.10.cloned.1.call-start
scs
__scs_entry_jumppad:
0x0: {  	(pc) =	sbr.rel $0x88, $3  }
0x1: {  	(tag) =	ssettag $0x0;
	lr =	simm.s32 $0x1  }
0x2: {  	[smem:$0x3F8F] =	sst lr;
	_ =	strace $0xD0000000  }
0x3: {  	_ = 	snop  }
0x4: {  	_ = 	snop  }
0x5: {  	_ = 	snop  }
0x6: {  	_ = 	snop  }
0x7: {  	_ = 	snop  }
__scs_overlays_trampoline_lowered:
0x8: {  	[smem:$0x3F9E] =	sst s0  }
0x9: {  	[smem:$0x3F9F] =	sst s1  }
0xa: {  	[smem:$0x3FA0] =	sst s2  }
0xb: {  	[smem:$0x3FA1] =	sst s3  }
0xc: {  	[smem:$0x3FA2] =	sst s4  }
0xd: {  	[smem:$0x3FA3] =	sst s5  }
0xe: {  	[smem:$0x3FA4] =	sst s6  }
0xf: {  	[smem:$0x3FA5] =	sst s7  }
0x10: {  	[smem:$0x3FA6] =	sst s8  }
0x11: {  	[smem:$0x3FA7] =	sst s9;
	s0 =	simm.s32 @!p0 $0x0  }
0x12: {  	s1 =	sld [smem:$0x3F8D];
	s0 =	simm.s32 @p0 $0x1  }
0x13: {  	[smem:$0x3FA8] =	sst s0;
	s0 =	simm.s32 @!p1 $0x0  }
0x14: {  	s2 =	sld [smem:$0x3F8C];
	s0 =	simm.s32 @p1 $0x1  }
0x15: {  	[smem:$0x3FA9] =	sst s0;
	s0 =	simm.s32 @!p2 $0x0  }
0x16: {  	s3 =	sld [smem:$0x3FDB];
	s0 =	simm.s32 @p2 $0x1  }
0x17: {  	s4 =	simm.s32 $0x1BF5;
	[smem:$0x3FAB] =	sst s0  }
0x18: {  	s0 =	sld [smem:$0x3F8E];
	_ =	swait.ge [sflag:s4], $0x0  }
0x19: {  	s7 =	sld [smem:$0x3F8F]  }
0x1a: {  	s8 =	sadd.s32 $0xFFFFE003, lr  }
0x1b: {  	s9 =	sadd.s32 $0xFFFFFEF7, lr;
	s5 =	simm.s32 $0xFFFFFFFF;
	p2 =	slt.u32 s8, $0xFFFFF086  }
0x1c: {  	p1 =	slt.u32 s9, $0xF7A;
	s5 =	simm.s32 @!p2 $0x0  }
0x1d: {  	s5 =	simm.s32 @p1 $0x1;
	p0 =	seq.s32 s7, s2  }
0x1e: {  	s7 =	smul.u32 @!p0 $0xF7A, s2;
	p2 =	seq.s32 @!p0 s5, $0x0  }
0x1f: {  	s9 =	smul.u32 $0xF7A, s1;
	s8 =	simm.s32 @!p0 $0x1BF5;
	p2 =	por !p2, p0  }
0x20: {  	[sflag:s8] =	ssyncset.s32 @!p0 $0xFFFFF086;
	s6 =	sadd.s32 @!p0 s3, s7;
	s7 =	simm.s32 @!p0 $0x108  }
0x21: {  	s3 =	sadd.s32 s3, s9;
	s6 =	sadd.s32 @!p0 $0x88, s6;
	s7 =	simm.s32 @p2 $0x1082  }
0x22: {  	[simem:s7], [sflag:s8] =	dma.local @!p0 [hbm:s6], $0xF7A  }
0x23: {  	s9 =	sor.u32 $0xD0000000, s2;
	s6 =	simm.s32 $0x108;
	_ =	swait.ge @!p0 [sflag:s8], $0x0  }
0x24: {  	s3 =	sadd.s32 $0x88, s3;
	s6 =	simm.s32 @!p1 $0x1082;
	[sflag:s4] =	ssyncset.s32 $0xFFFFF086  }
0x25: {  	[simem:s6], [sflag:s4] =	dma.local [hbm:s3], $0xF7A  }
0x26: {  	[smem:$0x3F8F] =	sst s1;
	(tag) =	ssettag s2;
	_ =	strace s9  }
0x27: {  	s1 =	sld [smem:$0x3F9F]  }
0x28: {  	s2 =	sld [smem:$0x3FA0]  }
0x29: {  	s4 =	sld [smem:$0x3FA2]  }
0x2a: {  	p0 =	seq.s32 s5, $0x0;
	s5 =	sld [smem:$0x3FA3]  }
0x2b: {  	s6 =	sld [smem:$0x3FA4]  }
0x2c: {  	s7 =	sld [smem:$0x3FA5]  }
0x2d: {  	s3 =	simm.s32 $0x108;
	s8 =	sld [smem:$0x3FA6]  }
0x2e: {  	s3 =	simm.s32 @!p0 $0x1082;
	s9 =	sld [smem:$0x3FA7]  }
0x2f: {  	lr =	sadd.s32 s0, s3;
	s0 =	sld [smem:$0x3F9E]  }
0x30: {  	s3 =	sld [smem:$0x3FA1]  }
0x31: {  	[smem:$0x3FAA] =	sst s10  }
0x32: {  	s10 =	sld [smem:$0x3FA8];
	_ =	sdelay $0x3  }
0x33: {  	p0 =	seq.s32 s10, $0x1;
	s10 =	sld [smem:$0x3FAA];
	_ =	sdelay $0x3  }
0x34: {  	[smem:$0x3FAA] =	sst s10  }
0x35: {  	s10 =	sld [smem:$0x3FA9];
	_ =	sdelay $0x3  }
0x36: {  	p1 =	seq.s32 s10, $0x1;
	s10 =	sld [smem:$0x3FAA];
	_ =	sdelay $0x3  }
0x37: {  	[smem:$0x3FAA] =	sst s10  }
0x38: {  	s10 =	sld [smem:$0x3FAB]  }
0x39: {  	_ = 	snop;
	(pc) =	sbr.ind lr, $3  }
0x3a: {  	_ = 	snop  }
0x3b: {  	_ = 	snop  }
0x3c: {  	p2 =	seq.s32 s10, $0x1;
	s10 =	sld [smem:$0x3FAA]  }
0x3d: {  	_ =	shalt  }
0x3e: {  	_ =	shalt  }
0x3f: {  	_ =	shalt  }
0x40: {  	_ =	shalt  }
0x41: {  	_ =	shalt  }
0x42: {  	_ =	shalt  }
0x43: {  	_ =	shalt  }
0x44: {  	_ =	shalt  }
0x45: {  	_ =	shalt  }
0x46: {  	_ =	shalt  }
0x47: {  	_ =	shalt  }
0x48: {  	_ =	shalt  }
0x49: {  	_ =	shalt  }
0x4a: {  	_ =	shalt  }
0x4b: {  	_ =	shalt  }
0x4c: {  	_ =	shalt  }
0x4d: {  	_ =	shalt  }
0x4e: {  	_ =	shalt  }
0x4f: {  	_ =	shalt  }
0x50: {  	_ =	shalt  }
0x51: {  	_ =	shalt  }
0x52: {  	_ =	shalt  }
0x53: {  	_ =	shalt  }
0x54: {  	_ =	shalt  }
0x55: {  	_ =	shalt  }
0x56: {  	_ =	shalt  }
0x57: {  	_ =	shalt  }
0x58: {  	_ =	shalt  }
0x59: {  	_ =	shalt  }
0x5a: {  	_ =	shalt  }
0x5b: {  	_ =	shalt  }
0x5c: {  	_ =	shalt  }
0x5d: {  	_ =	shalt  }
0x5e: {  	_ =	shalt  }
0x5f: {  	_ =	shalt  }
0x60: {  	_ =	shalt  }
0x61: {  	_ =	shalt  }
0x62: {  	_ =	shalt  }
0x63: {  	_ =	shalt  }
0x64: {  	_ =	shalt  }
0x65: {  	_ =	shalt  }
0x66: {  	_ =	shalt  }
0x67: {  	_ =	shalt  }
0x68: {  	_ =	shalt  }
0x69: {  	_ =	shalt  }
0x6a: {  	_ =	shalt  }
0x6b: {  	_ =	shalt  }
0x6c: {  	_ =	shalt  }
0x6d: {  	_ =	shalt  }
0x6e: {  	_ =	shalt  }
0x6f: {  	_ =	shalt  }
0x70: {  	_ =	shalt  }
0x71: {  	_ =	shalt  }
0x72: {  	_ =	shalt  }
0x73: {  	_ =	shalt  }
0x74: {  	_ =	shalt  }
0x75: {  	_ =	shalt  }
0x76: {  	_ =	shalt  }
0x77: {  	_ =	shalt  }
0x78: {  	_ =	shalt  }
0x79: {  	_ =	shalt  }
0x7a: {  	_ =	shalt  }
0x7b: {  	_ =	shalt  }
0x7c: {  	_ =	shalt  }
0x7d: {  	_ =	shalt  }
0x7e: {  	_ =	shalt  }
0x7f: {  	_ =	shalt  }
0x80: {  	_ =	shalt  }
0x81: {  	_ =	shalt  }
0x82: {  	_ =	shalt  }
0x83: {  	_ =	shalt  }
0x84: {  	_ =	shalt  }
0x85: {  	_ =	shalt  }
0x86: {  	_ =	shalt  }
0x87: {  	_ =	shalt  }
.Lfunc_end0:
.L_simem_size_0:
called_computation_lowered:
.L_overlay_start_0:
0x88: {  	s2 =	sld [smem:$0x3FD9]  }
0x89: {  	s3 =	sld [smem:$0x3FFE];
	_ =	sdelay $0x1  }
0x8a: {  	s1 =	srdreg.scid  }
0x8b: {  	s0 =	sand.u32 $0x1, s1  }
0x8c: {  	s17 =	sshll.u32 s0, $0xA;
	s2 =	sadd.s32 s3, s2  }
0x8d: {  	s2 =	sadd.s32 s2, s17  }
0x8e: {  	[smem:$0x3FB6] =	sst s2  }
0x8f: {  	_ = 	snop  }
0x90: {  	(tm) =	ssettm $0x1  }
0x91: {  	s18 =	sld [smem:$0x3FFB];
	_ =	sdelay $0x3  }
0x92: {  	_ =	strace s18  }
0x93: {  	s2 =	sld [smem:$0x3FFC];
	_ =	sdelay $0x3  }
0x94: {  	_ =	strace s2  }
0x95: {  	s2 =	sld [smem:$0x3FFD];
	_ =	sdelay $0x3  }
0x96: {  	_ =	strace s2  }
0x97: {  	_ =	strace $0x8FFFFFFF  }
0x98: {  	s19 =	sld [smem:$0x3FDB];
	_ =	sdelay $0x1  }
0x99: {  	s20 =	simm.s32 $_scs_section_size  }
0x9a: {  	s4 =	simm.s32 $_size__tile_overlayer_lowered;
	s5 =	simm.s32 $_tile_overlayer_lowered  }
0x9b: {  	s6 =	simm.s32 $0x1BFF;
	s21 =	sshll.u32 s5, $0x1;
	s3 =	sadd.s32 s20, s19  }
0x9c: {  	s22 =	simm.s32 $0x0;
	s4 =	sshll.u32 s4, $0x1;
	s5 =	sadd.s32 s21, s3  }
0x9d: {  	[timem:s22], [sflag:s6] =	dma.local [hbm:s5], s4  }
0x9e: {  	_ =	swait.ge [sflag:s6], s4  }
0x9f: {  	s4 =	ssub.s32 $0x0, s4;
	[sflag:s6] =	ssyncset.done $0x0  }
0xa0: {  	[sflag:s6] =	ssyncadd.s32 s4;
	_ =	sdelay $0x1  }
0xa1: {  	s23 =	simm.s32 $0x1B8B  }
0xa2: {  	_ =	swait.ge [sflag:s23], $0x1  }
0xa3: {  	[sflag:s23] =	ssyncset.done $0x0  }
0xa4: {  	[sflag:s23] =	ssyncadd.s32 $0xFFFFFFFF  }
0xa5: {  	s4 =	sld [smem:$0x0]  }
0xa6: {  	s5 =	sand.u32 $0xFFFFFFFE, s1  }
0xa7: {  	p0 =	sne.s32 s1, s5  }
0xa8: {  	s5 =	sshll.u32 @p0 s5, $0xE  }
0xa9: {  	s5 =	sadd.s32 @p0 $0x11B8D, s5;
	s6 =	sshll.u32 @p0 s4, $0x11  }
0xaa: {  	s5 =	sor.u32 @p0 s6, s5  }
0xab: {  	[sflag:s5] =	ssyncadd.remote.s32 @p0 $0x1;
	_ =	sdelay $0x1  }
0xac: {  	s5 =	simm.s32 @p0 $0x1B8D  }
0xad: {  	_ =	swait.eq @p0 [sflag:s5], $0x1  }
0xae: {  	[sflag:s5] =	ssyncadd.s32 @p0 $0xFFFFFFFF  }
0xaf: {  	s6 =	sshll.u32 @!p0 s1, $0xE  }
0xb0: {  	s6 =	sor.u32 @!p0 $0x4000, s6;
	s5 =	simm.s32 @!p0 $0x1B8D  }
0xb1: {  	s4 =	sshll.u32 @!p0 s4, $0x11;
	s6 =	sadd.s32 @!p0 $0x11B8D, s6;
	_ =	swait.eq @!p0 [sflag:s5], $0x1  }
0xb2: {  	s4 =	sor.u32 @!p0 s4, s6;
	[sflag:s5] =	ssyncadd.s32 @!p0 $0xFFFFFFFF  }
0xb3: {  	s25 =	simm.s32 $0x1B8E;
	s24 =	sld [smem:$0x3FFE];
	[sflag:s4] =	ssyncadd.remote.s32 @!p0 $0x1  }
0xb4: {  	s26 =	simm.s32 $execute0_lowered;
	[smem:$0x3FD2] =	sst s25  }
0xb5: {  	s5 =	sshll.u32 s26, $0x1;
	_ =	strace $0x80000049;
	[dreg:$0x1] =	wrdreg $0xFFFFFFFF  }
0xb6: {  	s28 =	simm.s32 $_size_execute0_lowered;
	s3 =	sadd.s32 s3, s5;
	[dreg:$0x0] =	wrdreg $0x0  }
0xb7: {  	s5 =	sshll.u32 s28, $0x1;
	[dreg:$0x2] =	wrdreg s3  }
0xb8: {  	[dreg:$0x3] =	wrdreg s5  }
0xb9: {  	[dreg:$0x4] =	wrdreg $0xC0  }
0xba: {  	_ =	task [dreg:s22], $0x5FFFF  }
0xbb: {  	[dreg:$0x1] =	wrdreg $0xFFFFFFFF  }
0xbc: {  	[dreg:$0x0] =	wrdreg $0x60  }
0xbd: {  	[dreg:$0x2] =	wrdreg s24  }
0xbe: {  	[dreg:$0x3] =	wrdreg $0x81000  }
0xbf: {  	[dreg:$0x4] =	wrdreg $0x9  }
0xc0: {  	_ =	task.clear_ibuf [dreg:s22], $0x5FFFF;
	_ =	strace $0x90000049  }
0xc1: {  	s29 =	simm.s32 $0x9;
	_ =	strace $0x8000004B  }
0xc2: {  	_ =	swait.ge [sflag:s29], $0x1  }
0xc3: {  	[sflag:s29] =	ssyncadd.s32 $0xFFFFFFFF  }
0xc4: {  	_ =	strace $0x9000004B  }
0xc5: {  	_ =	sfence  }
0xc6: {  	s30 =	sld [smem:$0x0];
	_ =	sdelay $0x2  }
0xc7: {  	s31 =	sshll.u32 s1, $0xD;
	s1 =	sshrl.u32 s1, $0x2  }
0xc8: {  	s4 =	sand.u32 $0x4000, s31;
	s1 =	sadd.s32 s1, s30  }
0xc9: {  	s0 =	sor.u32 s4, s0;
	s1 =	sshll.u32 s1, $0x11  }
0xca: {  	s0 =	sor.u32 s1, s0  }
0xcb: {  	s0 =	sadd.s32 $0x8F2B, s0  }
0xcc: {  	[sflag:s0] =	ssyncadd.remote.s32 $0x1  }
0xcd: {  	_ =	sfence.sel $0xFFFF  }
0xce: {  	[dreg:$0x0] =	wrdreg $0xFFFFFFFF;
	(pc) =	sbr.abs _section_cstart, $3  }
0xcf: {  	[dreg:$0x1] =	wrdreg $0xFFFFFFFF  }
0xd0: {  	_ =	task.clear_ibuf [dreg:s22], $0x2FFFF;
	_ =	strace $0x9FFFFFFF  }
0xd1: {  	(tm) =	ssettm $0x7FFFFFFF  }
tec
execute0_lowered:
.L_overlay_start_1:
0x0: {  	(tag) =	ssettag $0x1  }
0x1: {  	s4 =	rddreg [dreg:$0x0]  }
0x2: {  	s1 =	srdreg.scid;
	s0 =	stileid.u32  }
0x3: {  	s2 =	rddreg [dreg:$0x1];
	s3 =	simm.s32 $0x0;
	s18 =	simm.s32 $0x1  }
0x4: {  	s9 =	sand.u32 $0x1, s1;
	s5 =	smul.u32 $0x280, s0;
	s1 =	rddreg [dreg:$0x2]  }
0x5: {  	[smem:$0x7FF] =	sst s3;
	s8 =	smul.u32 $0x50000, s0;
	s17 =	sshll.u32 s0, $0x5  }
0x6: {  	s6 =	smul.u32 $0x2800, s9;
	s7 =	sshll.u32 s9, $0x9;
	_ =	strace $0x8000004A  }
0x7: {  	s29 =	ssub.s32 $0x2, s9;
	s16 =	sshll.u32 s9, $0x4;
	s13 =	sadd.s32 s7, s4  }
0x8: {  	s30 =	sshrl.u32 s8, $0x2;
	s31 =	sshrl.u32 s29, $0x1;
	s5 =	sadd.s32 s5, s6  }
0x9: {  	s16 =	sor.u32 s16, s0;
	s15 =	ssub.s32 s29, s31;
	s5 =	sshll.u32 s5, $0x4  }
0xa: {  	s17 =	sadd.s32 s17, s13;
	s14 =	sadd.s32 s5, s4;
	s4 =	sadd.s32 s30, s2  }
0xb: {  	s5 =	sadd.s32 $0x4000, s4;
	s6 =	sadd.s32 $0x8000, s4;
	s7 =	sadd.s32 $0xC000, s4  }
0xc: {  	s8 =	sadd.s32 $0x10000, s4;
	s9 =	sadd.s32 $0xAD200, s14;
	s10 =	sadd.s32 $0xADA00, s14  }
0xd: {  	s11 =	sadd.s32 $0xAE200, s14;
	s12 =	sadd.s32 $0xAEA00, s14;
	s13 =	sadd.s32 $0xAF200, s14  }
0xe: {  	v0 =	vimm.f32 $0.0e+00;
	v1 =	vimm.f32 $1.000000000e+00;
	s14 =	smax.u32 s15, $0x1;
	s15 =	sadd.s32 $0x3200, s17;
	s17 =	simm.s32 $0x100  }
.LBB2_1:
0xf: {  	s19 =	simm.s32 $0x0;
	s20 =	simm.s32 $0x200  }
.LBB2_2:
0x10: {  	p0 =	sne.s32 s20, $0x1FE00;
	[tilespmem:s19+$0x170] =	vst v0  }
0x11: {  	[tilespmem:s19+$0x100] =	vst v0  }
0x12: {  	[tilespmem:s19+$0x110] =	vst v0  }
.Ltmp0:
0x13: {  	[tilespmem:s19+$0x120] =	vst v0;
	(pc) =	sbr.rel @p0 .LBB2_2-.Ltmp0, $4  }
0x14: {  	[tilespmem:s19+$0x130] =	vst v0  }
0x15: {  	[tilespmem:s19+$0x140] =	vst v0  }
0x16: {  	[tilespmem:s19+$0x150] =	vst v0  }
0x17: {  	[tilespmem:s19+$0x160] =	vst v0;
	s19 =	sshra.s32 s20, $0x2;
	s20 =	sadd.s32 $0x200, s20  }
0x18: {  	[tilespmem:s19+$0x170] =	vst v0  }
0x19: {  	[tilespmem:s19+$0x100] =	vst v0  }
0x1a: {  	[tilespmem:s19+$0x110] =	vst v0  }
0x1b: {  	[tilespmem:s19+$0x120] =	vst v0  }
0x1c: {  	[tilespmem:s19+$0x130] =	vst v0  }
0x1d: {  	[tilespmem:s19+$0x140] =	vst v0  }
0x1e: {  	[tilespmem:s19+$0x150] =	vst v0  }
0x1f: {  	[tilespmem:s19+$0x160] =	vst v0  }
0x20: {  	[spmem:s4] =	stream.linear.scatter [tilespmem:s17], [sflag:$0x1], $0x4000, $0x38;
	[tilespmem:$0x1C100] =	vst v63  }
0x21: {  	_ =	swait.ge [sflag:s18], $0x4000  }
0x22: {  	[sflag:s18] =	ssyncset.done $0x0  }
0x23: {  	[sflag:s18] =	ssyncadd.s32 $0xFFFFC000  }
0x24: {  	[spmem:s5] =	stream.linear.scatter [tilespmem:s17], [sflag:$0x1], $0x4000, $0x38;
	[tilespmem:$0x1C100] =	vst v63  }
0x25: {  	_ =	swait.ge [sflag:s18], $0x4000  }
0x26: {  	[sflag:s18] =	ssyncset.done $0x0  }
0x27: {  	[sflag:s18] =	ssyncadd.s32 $0xFFFFC000  }
0x28: {  	[spmem:s6] =	stream.linear.scatter [tilespmem:s17], [sflag:$0x1], $0x4000, $0x38;
	[tilespmem:$0x1C100] =	vst v63  }
0x29: {  	_ =	swait.ge [sflag:s18], $0x4000  }
0x2a: {  	[sflag:s18] =	ssyncset.done $0x0  }
0x2b: {  	[sflag:s18] =	ssyncadd.s32 $0xFFFFC000  }
0x2c: {  	[spmem:s7] =	stream.linear.scatter [tilespmem:s17], [sflag:$0x1], $0x4000, $0x38;
	[tilespmem:$0x1C100] =	vst v63  }
0x2d: {  	_ =	swait.ge [sflag:s18], $0x4000  }
0x2e: {  	[sflag:s18] =	ssyncset.done $0x0  }
0x2f: {  	[sflag:s18] =	ssyncadd.s32 $0xFFFFC000  }
0x30: {  	[spmem:s8] =	stream.linear.scatter [tilespmem:s17], [sflag:$0x1], $0x4000, $0x38;
	[tilespmem:$0x1C100] =	vst v63  }
0x31: {  	_ =	swait.ge [sflag:s18], $0x4000  }
0x32: {  	[sflag:s18] =	ssyncset.done $0x0  }
0x33: {  	s19 =	simm.s32 $0x0;
	s20 =	simm.s32 $0x200;
	[sflag:s18] =	ssyncadd.s32 $0xFFFFC000  }
.LBB2_4:
0x34: {  	p0 =	sne.s32 s20, $0x1FE00;
	[tilespmem:s19+$0x170] =	vst v1  }
0x35: {  	[tilespmem:s19+$0x100] =	vst v1  }
0x36: {  	[tilespmem:s19+$0x110] =	vst v1  }
.Ltmp1:
0x37: {  	[tilespmem:s19+$0x120] =	vst v1;
	(pc) =	sbr.rel @p0 .LBB2_4-.Ltmp1, $4  }
0x38: {  	[tilespmem:s19+$0x130] =	vst v1  }
0x39: {  	[tilespmem:s19+$0x140] =	vst v1  }
0x3a: {  	[tilespmem:s19+$0x150] =	vst v1  }
0x3b: {  	[tilespmem:s19+$0x160] =	vst v1;
	s19 =	sshra.s32 s20, $0x2;
	s20 =	sadd.s32 $0x200, s20  }
0x3c: {  	[tilespmem:s19+$0x170] =	vst v1  }
0x3d: {  	[tilespmem:s19+$0x100] =	vst v1  }
0x3e: {  	[tilespmem:s19+$0x110] =	vst v1  }
0x3f: {  	[tilespmem:s19+$0x120] =	vst v1  }
0x40: {  	[tilespmem:s19+$0x130] =	vst v1  }
0x41: {  	[tilespmem:s19+$0x140] =	vst v1  }
0x42: {  	[tilespmem:s19+$0x150] =	vst v1;
	s20 =	sadd.s32 $0x0, s16  }
0x43: {  	[tilespmem:s19+$0x160] =	vst v1;
	p0 =	sgt.u32 s20, $0x270  }
0x44: {  	[bflag:$0x0] =	sbarrier.arrive $0xFFFF;
	s20 =	simm.s32 @!p0 $0x0;
	s21 =	simm.s32 @!p0 $0x2  }
0x45: {  	[tilespmem:s20], [sflag:$0x2] =	stream.linear.gather @!p0 [hbm4b:s15+s20], $0x100, $0x38;
	[tilespmem:$0x1C100] =	vst v63  }
0x46: {  	_ =	swait.ge @!p0 [sflag:s21], $0x100  }
0x47: {  	s19 =	simm.s32 $0x40;
	[sflag:s21] =	ssyncset.done @!p0 $0x0  }
0x48: {  	s22 =	simm.s32 @!p0 $0x100;
	[sflag:s21] =	ssyncadd.s32 @!p0 $0xFFFFFF00;
	s21 =	simm.s32 @!p0 $0x1  }
0x49: {  	[spmem:s2] =	stream.indirect.scatter.add.f32 @!p0 [tilespmem:s22], [sflag:$0x1], $0x80, s20, s22, $0xb8;
	[tilespmem:$0x1C100] =	vst v63  }
0x4a: {  	s31 =	sadd.s32 $0x20, s16;
	p1 =	por p0, p0;
	_ =	swait.ge @!p0 [sflag:s21], $0x8000  }
0x4b: {  	s20 =	sadd.s32 $0x400, s15;
	p0 =	sgt.u32 s31, $0x270;
	[sflag:s21] =	ssyncset.done @!p1 $0x0  }
.LBB2_6:
0x4c: {  	s22 =	simm.s32 @!p0 $0x0;
	s23 =	simm.s32 @!p0 $0x2  }
0x4d: {  	[sflag:s21] =	ssyncadd.s32 @!p1 $0xFFFF8000;
	s24 =	smov.u32 s19;
	s19 =	sadd.s32 $0x20, s19  }
0x4e: {  	[tilespmem:s22], [sflag:$0x2] =	stream.linear.gather @!p0 [hbm4b:s20+s22], $0x100, $0x38;
	[tilespmem:$0x1C100] =	vst v63  }
0x4f: {  	p2 =	sne.s32 s19, $0x280;
	_ =	swait.ge @!p0 [sflag:s23], $0x100  }
.Ltmp2:
0x50: {  	[sflag:s23] =	ssyncset.done @!p0 $0x0;
	(pc) =	sbr.rel @p2 .LBB2_6-.Ltmp2, $4  }
0x51: {  	s21 =	simm.s32 @!p0 $0x1;
	[sflag:s23] =	ssyncadd.s32 @!p0 $0xFFFFFF00;
	s23 =	simm.s32 @!p0 $0x100  }
0x52: {  	[spmem:s2] =	stream.indirect.scatter.add.f32 @!p0 [tilespmem:s23], [sflag:$0x1], $0x80, s22, s23, $0xb8;
	[tilespmem:$0x1C100] =	vst v63  }
0x53: {  	p1 =	por p0, p0;
	s22 =	sadd.s32 s24, s16;
	_ =	swait.ge @!p0 [sflag:s21], $0x8000  }
0x54: {  	s20 =	sadd.s32 $0x400, s20;
	p0 =	sgt.u32 s22, $0x270;
	[sflag:s21] =	ssyncset.done @!p1 $0x0  }
0x55: {  	s19 =	simm.s32 @!p0 $0x0;
	s22 =	simm.s32 @!p0 $0x2;
	[sflag:s21] =	ssyncadd.s32 @!p1 $0xFFFF8000  }
0x56: {  	[tilespmem:s19], [sflag:$0x2] =	stream.linear.gather @!p0 [hbm4b:s20+s19], $0x100, $0x38;
	[tilespmem:$0x1C100] =	vst v63  }
0x57: {  	_ =	swait.ge @!p0 [sflag:s22], $0x100  }
0x58: {  	[sflag:s22] =	ssyncset.done @!p0 $0x0  }
0x59: {  	s21 =	simm.s32 @!p0 $0x1;
	s20 =	simm.s32 @!p0 $0x100;
	[sflag:s22] =	ssyncadd.s32 @!p0 $0xFFFFFF00  }
0x5a: {  	[spmem:s2] =	stream.indirect.scatter.add.f32 @!p0 [tilespmem:s20], [sflag:$0x1], $0x80, s19, s20, $0xb8;
	[tilespmem:$0x1C100] =	vst v63  }
0x5b: {  	_ =	swait.ge @!p0 [sflag:s21], $0x8000;
	p0 =	por p0, p0  }
0x5c: {  	[sflag:s21] =	ssyncset.done @!p0 $0x0  }
0x5d: {  	s25 =	sshll.u32 s0, $0x6;
	[sflag:s21] =	ssyncadd.s32 @!p0 $0xFFFF8000  }
0x5e: {  	s26 =	sshrl.u32 s4, $0x3;
	s19 =	sor.u32 $0x1C01, s25;
	[bflag:$0x0] =	sbarrier.arrive $0xFFFF  }
0x5f: {  	[hbm:s9], [sflag:s19] =	dma.local [spmem:s26], $0x800  }
0x60: {  	_ =	swait.ge [sflag:s18], $0x800  }
0x61: {  	[sflag:s18] =	ssyncset.done $0x0  }
0x62: {  	s28 =	sshrl.u32 s5, $0x3;
	[sflag:s18] =	ssyncadd.s32 $0xFFFFF800  }
0x63: {  	[hbm:s10], [sflag:s19] =	dma.local [spmem:s28], $0x800  }
0x64: {  	_ =	swait.ge [sflag:s18], $0x800  }
0x65: {  	[sflag:s18] =	ssyncset.done $0x0  }
0x66: {  	s29 =	sshrl.u32 s6, $0x3;
	[sflag:s18] =	ssyncadd.s32 $0xFFFFF800  }
0x67: {  	[hbm:s11], [sflag:s19] =	dma.local [spmem:s29], $0x800  }
0x68: {  	_ =	swait.ge [sflag:s18], $0x800  }
0x69: {  	[sflag:s18] =	ssyncset.done $0x0  }
0x6a: {  	s30 =	sshrl.u32 s7, $0x3;
	[sflag:s18] =	ssyncadd.s32 $0xFFFFF800  }
0x6b: {  	[hbm:s12], [sflag:s19] =	dma.local [spmem:s30], $0x800  }
0x6c: {  	s3 =	sadd.s32 $0x1, s3;
	_ =	swait.ge [sflag:s18], $0x800  }
0x6d: {  	p0 =	sne.s32 s3, s14;
	[sflag:s18] =	ssyncset.done $0x0  }
.Ltmp3:
0x6e: {  	s31 =	sshrl.u32 s8, $0x3;
	[sflag:s18] =	ssyncadd.s32 $0xFFFFF800;
	(pc) =	sbr.rel @p0 .LBB2_1-.Ltmp3, $4  }
0x6f: {  	[hbm:s13], [sflag:s19] =	dma.local [spmem:s31], $0x800  }
0x70: {  	_ =	swait.ge [sflag:s18], $0x800  }
0x71: {  	[sflag:s18] =	ssyncset.done $0x0  }
0x72: {  	[sflag:s18] =	ssyncadd.s32 $0xFFFFF800  }
0x73: {  	_ =	sfence.sel $0x180000  }
0x74: {  	[bflag:$0x0] =	sbarrier.arrive $0xFFFF  }
0x75: {  	p0 =	sne.s32 s0, $0x0;
	_ =	strace $0x9000004A  }
0x76: {  	s0 =	sadd.s32 @!p0 $0x100000, s1;
	[bflag:$0x2] =	sbarrier.arrive $0xFFFF  }
0x77: {  	[sflag:s0] =	ssyncadd.tile.s32 @!p0 $0x1;
	_ =	shalt  }
.Lfunc_end2:
_tile_overlayer_lowered:
.L_overlay_start_2:
0x78: {  	(tag) =	ssettag $0x2  }
0x79: {  	s0 =	rddreg [dreg:$0x0];
	s2 =	stileid.u32  }
0x7a: {  	s1 =	rddreg [dreg:$0x1];
	p0 =	sne.s32 s2, $0x0  }
0x7b: {  	s3 =	rddreg [dreg:$0x2];
	[bflag:$0x3] =	sbarrier.arrive $0xFFFF;
	s2 =	simm.s32 @!p0 $0x1C01  }
0x7c: {  	[timem:s3], [sflag:s2] =	dma.local @!p0 [hbm:s0], s1  }
0x7d: {  	s0 =	simm.s32 @!p0 $0x1  }
0x7e: {  	_ =	swait.ge @!p0 [sflag:s0], s1  }
0x7f: {  	s1 =	ssub.s32 @!p0 $0x0, s1;
	[sflag:s0] =	ssyncset.done @!p0 $0x0  }
0x80: {  	[sflag:s0] =	ssyncadd.s32 @!p0 s1  }
0x81: {  	[bflag:$0x3] =	sbarrier.arrive $0xFFFF  }
0x82: {  	_ =	shalt  }

// kernel: kernel.13.cloned.1.call-start
scs
__scs_entry_jumppad:
0x0: {  	(pc) =	sbr.rel $0x88, $3  }
0x1: {  	(tag) =	ssettag $0x0;
	lr =	simm.s32 $0x1  }
0x2: {  	[smem:$0x3F8F] =	sst lr;
	_ =	strace $0xD0000000  }
0x3: {  	_ = 	snop  }
0x4: {  	_ = 	snop  }
0x5: {  	_ = 	snop  }
0x6: {  	_ = 	snop  }
0x7: {  	_ = 	snop  }
__scs_overlays_trampoline_lowered:
0x8: {  	[smem:$0x3F9E] =	sst s0  }
0x9: {  	[smem:$0x3F9F] =	sst s1  }
0xa: {  	[smem:$0x3FA0] =	sst s2  }
0xb: {  	[smem:$0x3FA1] =	sst s3  }
0xc: {  	[smem:$0x3FA2] =	sst s4  }
0xd: {  	[smem:$0x3FA3] =	sst s5  }
0xe: {  	[smem:$0x3FA4] =	sst s6  }
0xf: {  	[smem:$0x3FA5] =	sst s7  }
0x10: {  	[smem:$0x3FA6] =	sst s8  }
0x11: {  	[smem:$0x3FA7] =	sst s9;
	s0 =	simm.s32 @!p0 $0x0  }
0x12: {  	s1 =	sld [smem:$0x3F8D];
	s0 =	simm.s32 @p0 $0x1  }
0x13: {  	[smem:$0x3FA8] =	sst s0;
	s0 =	simm.s32 @!p1 $0x0  }
0x14: {  	s2 =	sld [smem:$0x3F8C];
	s0 =	simm.s32 @p1 $0x1  }
0x15: {  	[smem:$0x3FA9] =	sst s0;
	s0 =	simm.s32 @!p2 $0x0  }
0x16: {  	s3 =	sld [smem:$0x3FDB];
	s0 =	simm.s32 @p2 $0x1  }
0x17: {  	s4 =	simm.s32 $0x1BF5;
	[smem:$0x3FAB] =	sst s0  }
0x18: {  	s0 =	sld [smem:$0x3F8E];
	_ =	swait.ge [sflag:s4], $0x0  }
0x19: {  	s7 =	sld [smem:$0x3F8F]  }
0x1a: {  	s8 =	sadd.s32 $0xFFFFE003, lr  }
0x1b: {  	s9 =	sadd.s32 $0xFFFFFEF7, lr;
	s5 =	simm.s32 $0xFFFFFFFF;
	p2 =	slt.u32 s8, $0xFFFFF086  }
0x1c: {  	p1 =	slt.u32 s9, $0xF7A;
	s5 =	simm.s32 @!p2 $0x0  }
0x1d: {  	s5 =	simm.s32 @p1 $0x1;
	p0 =	seq.s32 s7, s2  }
0x1e: {  	s7 =	smul.u32 @!p0 $0xF7A, s2;
	p2 =	seq.s32 @!p0 s5, $0x0  }
0x1f: {  	s9 =	smul.u32 $0xF7A, s1;
	s8 =	simm.s32 @!p0 $0x1BF5;
	p2 =	por !p2, p0  }
0x20: {  	[sflag:s8] =	ssyncset.s32 @!p0 $0xFFFFF086;
	s6 =	sadd.s32 @!p0 s3, s7;
	s7 =	simm.s32 @!p0 $0x108  }
0x21: {  	s3 =	sadd.s32 s3, s9;
	s6 =	sadd.s32 @!p0 $0x88, s6;
	s7 =	simm.s32 @p2 $0x1082  }
0x22: {  	[simem:s7], [sflag:s8] =	dma.local @!p0 [hbm:s6], $0xF7A  }
0x23: {  	s9 =	sor.u32 $0xD0000000, s2;
	s6 =	simm.s32 $0x108;
	_ =	swait.ge @!p0 [sflag:s8], $0x0  }
0x24: {  	s3 =	sadd.s32 $0x88, s3;
	s6 =	simm.s32 @!p1 $0x1082;
	[sflag:s4] =	ssyncset.s32 $0xFFFFF086  }
0x25: {  	[simem:s6], [sflag:s4] =	dma.local [hbm:s3], $0xF7A  }
0x26: {  	[smem:$0x3F8F] =	sst s1;
	(tag) =	ssettag s2;
	_ =	strace s9  }
0x27: {  	s1 =	sld [smem:$0x3F9F]  }
0x28: {  	s2 =	sld [smem:$0x3FA0]  }
0x29: {  	s4 =	sld [smem:$0x3FA2]  }
0x2a: {  	p0 =	seq.s32 s5, $0x0;
	s5 =	sld [smem:$0x3FA3]  }
0x2b: {  	s6 =	sld [smem:$0x3FA4]  }
0x2c: {  	s7 =	sld [smem:$0x3FA5]  }
0x2d: {  	s3 =	simm.s32 $0x108;
	s8 =	sld [smem:$0x3FA6]  }
0x2e: {  	s3 =	simm.s32 @!p0 $0x1082;
	s9 =	sld [smem:$0x3FA7]  }
0x2f: {  	lr =	sadd.s32 s0, s3;
	s0 =	sld [smem:$0x3F9E]  }
0x30: {  	s3 =	sld [smem:$0x3FA1]  }
0x31: {  	[smem:$0x3FAA] =	sst s10  }
0x32: {  	s10 =	sld [smem:$0x3FA8];
	_ =	sdelay $0x3  }
0x33: {  	p0 =	seq.s32 s10, $0x1;
	s10 =	sld [smem:$0x3FAA];
	_ =	sdelay $0x3  }
0x34: {  	[smem:$0x3FAA] =	sst s10  }
0x35: {  	s10 =	sld [smem:$0x3FA9];
	_ =	sdelay $0x3  }
0x36: {  	p1 =	seq.s32 s10, $0x1;
	s10 =	sld [smem:$0x3FAA];
	_ =	sdelay $0x3  }
0x37: {  	[smem:$0x3FAA] =	sst s10  }
0x38: {  	s10 =	sld [smem:$0x3FAB]  }
0x39: {  	_ = 	snop;
	(pc) =	sbr.ind lr, $3  }
0x3a: {  	_ = 	snop  }
0x3b: {  	_ = 	snop  }
0x3c: {  	p2 =	seq.s32 s10, $0x1;
	s10 =	sld [smem:$0x3FAA]  }
0x3d: {  	_ =	shalt  }
0x3e: {  	_ =	shalt  }
0x3f: {  	_ =	shalt  }
0x40: {  	_ =	shalt  }
0x41: {  	_ =	shalt  }
0x42: {  	_ =	shalt  }
0x43: {  	_ =	shalt  }
0x44: {  	_ =	shalt  }
0x45: {  	_ =	shalt  }
0x46: {  	_ =	shalt  }
0x47: {  	_ =	shalt  }
0x48: {  	_ =	shalt  }
0x49: {  	_ =	shalt  }
0x4a: {  	_ =	shalt  }
0x4b: {  	_ =	shalt  }
0x4c: {  	_ =	shalt  }
0x4d: {  	_ =	shalt  }
0x4e: {  	_ =	shalt  }
0x4f: {  	_ =	shalt  }
0x50: {  	_ =	shalt  }
0x51: {  	_ =	shalt  }
0x52: {  	_ =	shalt  }
0x53: {  	_ =	shalt  }
0x54: {  	_ =	shalt  }
0x55: {  	_ =	shalt  }
0x56: {  	_ =	shalt  }
0x57: {  	_ =	shalt  }
0x58: {  	_ =	shalt  }
0x59: {  	_ =	shalt  }
0x5a: {  	_ =	shalt  }
0x5b: {  	_ =	shalt  }
0x5c: {  	_ =	shalt  }
0x5d: {  	_ =	shalt  }
0x5e: {  	_ =	shalt  }
0x5f: {  	_ =	shalt  }
0x60: {  	_ =	shalt  }
0x61: {  	_ =	shalt  }
0x62: {  	_ =	shalt  }
0x63: {  	_ =	shalt  }
0x64: {  	_ =	shalt  }
0x65: {  	_ =	shalt  }
0x66: {  	_ =	shalt  }
0x67: {  	_ =	shalt  }
0x68: {  	_ =	shalt  }
0x69: {  	_ =	shalt  }
0x6a: {  	_ =	shalt  }
0x6b: {  	_ =	shalt  }
0x6c: {  	_ =	shalt  }
0x6d: {  	_ =	shalt  }
0x6e: {  	_ =	shalt  }
0x6f: {  	_ =	shalt  }
0x70: {  	_ =	shalt  }
0x71: {  	_ =	shalt  }
0x72: {  	_ =	shalt  }
0x73: {  	_ =	shalt  }
0x74: {  	_ =	shalt  }
0x75: {  	_ =	shalt  }
0x76: {  	_ =	shalt  }
0x77: {  	_ =	shalt  }
0x78: {  	_ =	shalt  }
0x79: {  	_ =	shalt  }
0x7a: {  	_ =	shalt  }
0x7b: {  	_ =	shalt  }
0x7c: {  	_ =	shalt  }
0x7d: {  	_ =	shalt  }
0x7e: {  	_ =	shalt  }
0x7f: {  	_ =	shalt  }
0x80: {  	_ =	shalt  }
0x81: {  	_ =	shalt  }
0x82: {  	_ =	shalt  }
0x83: {  	_ =	shalt  }
0x84: {  	_ =	shalt  }
0x85: {  	_ =	shalt  }
0x86: {  	_ =	shalt  }
0x87: {  	_ =	shalt  }
.Lfunc_end0:
.L_simem_size_0:
called_computation.1_lowered:
.L_overlay_start_0:
0x88: {  	s2 =	sld [smem:$0x3FD9]  }
0x89: {  	s3 =	sld [smem:$0x3FFE];
	_ =	sdelay $0x1  }
0x8a: {  	s1 =	srdreg.scid  }
0x8b: {  	s0 =	sand.u32 $0x1, s1  }
0x8c: {  	s16 =	sshll.u32 s0, $0xA;
	s2 =	sadd.s32 s3, s2  }
0x8d: {  	s2 =	sadd.s32 s2, s16  }
0x8e: {  	[smem:$0x3FB6] =	sst s2  }
0x8f: {  	_ = 	snop  }
0x90: {  	(tm) =	ssettm $0x1  }
0x91: {  	s17 =	sld [smem:$0x3FFB];
	_ =	sdelay $0x3  }
0x92: {  	_ =	strace s17  }
0x93: {  	s2 =	sld [smem:$0x3FFC];
	_ =	sdelay $0x3  }
0x94: {  	_ =	strace s2  }
0x95: {  	s2 =	sld [smem:$0x3FFD];
	_ =	sdelay $0x3  }
0x96: {  	_ =	strace s2  }
0x97: {  	_ =	strace $0x8FFFFFFF  }
0x98: {  	s18 =	sld [smem:$0x3FDB];
	_ =	sdelay $0x1  }
0x99: {  	s19 =	simm.s32 $_scs_section_size  }
0x9a: {  	s4 =	simm.s32 $_size__tile_overlayer_lowered;
	s5 =	simm.s32 $_tile_overlayer_lowered  }
0x9b: {  	s22 =	simm.s32 $0x1BFF;
	s21 =	sshll.u32 s5, $0x1;
	s2 =	sadd.s32 s19, s18  }
0x9c: {  	s6 =	simm.s32 $0x0;
	s20 =	sshll.u32 s4, $0x1;
	s4 =	sadd.s32 s21, s2  }
0x9d: {  	[timem:s6], [sflag:s22] =	dma.local [hbm:s4], s20  }
0x9e: {  	_ =	swait.ge [sflag:s22], s20  }
0x9f: {  	s3 =	ssub.s32 $0x0, s20;
	[sflag:s22] =	ssyncset.done $0x0  }
0xa0: {  	[sflag:s22] =	ssyncadd.s32 s3;
	_ =	sdelay $0x1  }
0xa1: {  	s23 =	simm.s32 $0x1B8B  }
0xa2: {  	_ =	swait.ge [sflag:s23], $0x1  }
0xa3: {  	[sflag:s23] =	ssyncset.done $0x0  }
0xa4: {  	s25 =	simm.s32 $0x1B8E;
	s24 =	sld [smem:$0x3FFE];
	[sflag:s23] =	ssyncadd.s32 $0xFFFFFFFF  }
0xa5: {  	s26 =	simm.s32 $execute0_lowered;
	[smem:$0x3FD2] =	sst s25  }
0xa6: {  	s4 =	sshll.u32 s26, $0x1;
	_ =	strace $0x80000046;
	[dreg:$0x1] =	wrdreg $0xFFFFFFFF  }
0xa7: {  	s28 =	simm.s32 $_size_execute0_lowered;
	s2 =	sadd.s32 s2, s4;
	[dreg:$0x0] =	wrdreg $0x0  }
0xa8: {  	s4 =	sshll.u32 s28, $0x1;
	[dreg:$0x2] =	wrdreg s2  }
0xa9: {  	[dreg:$0x3] =	wrdreg s4  }
0xaa: {  	[dreg:$0x4] =	wrdreg $0xC0  }
0xab: {  	_ =	task [dreg:s6], $0x5FFFF  }
0xac: {  	[dreg:$0x1] =	wrdreg $0xFFFFFFFF  }
0xad: {  	[dreg:$0x0] =	wrdreg $0x60  }
0xae: {  	[dreg:$0x2] =	wrdreg s24  }
0xaf: {  	[dreg:$0x3] =	wrdreg $0x82000  }
0xb0: {  	[dreg:$0x4] =	wrdreg $0xA  }
0xb1: {  	_ =	task.clear_ibuf [dreg:s6], $0x5FFFF;
	_ =	strace $0x90000046  }
0xb2: {  	s29 =	simm.s32 $0xA;
	_ =	strace $0x80000048  }
0xb3: {  	_ =	swait.ge [sflag:s29], $0x1  }
0xb4: {  	[sflag:s29] =	ssyncadd.s32 $0xFFFFFFFF  }
0xb5: {  	_ =	strace $0x90000048  }
0xb6: {  	_ =	sfence  }
0xb7: {  	s30 =	sld [smem:$0x0];
	_ =	sdelay $0x2  }
0xb8: {  	s31 =	sshll.u32 s1, $0xD;
	s1 =	sshrl.u32 s1, $0x2  }
0xb9: {  	s3 =	sand.u32 $0x4000, s31;
	s1 =	sadd.s32 s1, s30  }
0xba: {  	s0 =	sor.u32 s3, s0;
	s1 =	sshll.u32 s1, $0x11  }
0xbb: {  	s0 =	sor.u32 s1, s0  }
0xbc: {  	s0 =	sadd.s32 $0x8F2B, s0  }
0xbd: {  	[sflag:s0] =	ssyncadd.remote.s32 $0x1  }
0xbe: {  	_ =	sfence.sel $0xFFFF  }
0xbf: {  	[dreg:$0x0] =	wrdreg $0xFFFFFFFF;
	(pc) =	sbr.abs _section_cstart, $3  }
0xc0: {  	[dreg:$0x1] =	wrdreg $0xFFFFFFFF  }
0xc1: {  	_ =	task.clear_ibuf [dreg:s6], $0x2FFFF;
	_ =	strace $0x9FFFFFFF  }
0xc2: {  	(tm) =	ssettm $0x7FFFFFFF  }
0xc3: {  	_ =	shalt  }
tec
execute0_lowered:
.L_overlay_start_1:
0x0: {  	(tag) =	ssettag $0x1  }
0x1: {  	s0 =	rddreg [dreg:$0x0]  }
0x2: {  	s2 =	rddreg [dreg:$0x1];
	s3 =	simm.s32 $0x0;
	s1 =	srdreg.scid  }
0x3: {  	s25 =	stileid.u32;
	s21 =	simm.s32 $0x7;
	s22 =	simm.s32 $0x80  }
0x4: {  	s23 =	simm.s32 $0x100;
	s24 =	simm.s32 $0x180;
	s28 =	simm.s32 $0x1  }
0x5: {  	s29 =	simm.s32 $0x4200;
	s30 =	simm.s32 $0x4;
	s31 =	simm.s32 $0x2  }
0x6: {  	[smem:$0x7FF] =	sst s3;
	s1 =	sand.u32 $0x1, s1;
	s5 =	smul.u32 $0x280, s25  }
0x7: {  	s4 =	sadd.s32 $0xD200, s0;
	s11 =	sadd.s32 $0x8200, s0;
	s6 =	smul.u32 $0x50000, s25  }
0x8: {  	s19 =	sadd.s32 $0x3200, s0;
	s20 =	sshll.u32 s25, $0x4;
	p0 =	sgt.u32 s25, $0x1  }
0x9: {  	s25 =	simm.s32 $0x3;
	_ =	strace $0x80000047;
	s10 =	smul.u32 $0x2800, s1  }
0xa: {  	s1 =	ssub.s32 $0x2, s1;
	s12 =	sor.u32 $0x4E00, s20;
	s18 =	sadd.s32 s20, s11  }
0xb: {  	s7 =	sshrl.u32 s1, $0x1;
	s6 =	sshrl.u32 s6, $0x2;
	s13 =	sadd.s32 s11, s12  }
0xc: {  	s12 =	sadd.s32 s19, s12;
	s19 =	sadd.s32 s20, s19;
	s20 =	simm.s32 $0x200  }
0xd: {  	s5 =	sadd.s32 s5, s10;
	s1 =	ssub.s32 s1, s7;
	[dreg:$0x3] =	wrdreg s13  }
0xe: {  	[dreg:$0x4] =	wrdreg s12;
	s5 =	sshll.u32 s5, $0x4;
	s17 =	smax.u32 s1, $0x1  }
0xf: {  	s1 =	simm.s32 $0x0;
	s0 =	sadd.s32 s5, s0;
	s5 =	sadd.s32 s6, s2  }
0x10: {  	s6 =	sadd.s32 $0x4000, s5;
	s7 =	sadd.s32 $0x8000, s5;
	s8 =	sadd.s32 $0xC000, s5  }
0x11: {  	s9 =	sadd.s32 $0x10000, s5;
	s26 =	sadd.s32 $0x5D200, s0;
	s13 =	sadd.s32 $0x5DA00, s0  }
0x12: {  	s14 =	sadd.s32 $0x5E200, s0;
	s15 =	sadd.s32 $0x5EA00, s0;
	s16 =	sadd.s32 $0x5F200, s0  }
0x13: {  	v1 =	vimm.f32 $0.0e+00;
	v0 =	vmov s10;
	s0 =	simm.s32 $0x6;
	[dreg:$0x5] =	wrdreg s26;
	s26 =	simm.s32 $0x5  }
.LBB2_1:
0x14: {  	s10 =	simm.s32 $0x0;
	s11 =	simm.s32 $0x200  }
.LBB2_2:
0x15: {  	p1 =	sne.s32 s11, $0xFE00;
	[tilespmem:s10+$0x270] =	vst v1  }
0x16: {  	[tilespmem:s10+$0x200] =	vst v1  }
0x17: {  	[tilespmem:s10+$0x210] =	vst v1  }
.Ltmp0:
0x18: {  	[tilespmem:s10+$0x220] =	vst v1;
	(pc) =	sbr.rel @p1 .LBB2_2-.Ltmp0, $4  }
0x19: {  	[tilespmem:s10+$0x230] =	vst v1  }
0x1a: {  	[tilespmem:s10+$0x240] =	vst v1  }
0x1b: {  	[tilespmem:s10+$0x250] =	vst v1  }
0x1c: {  	[tilespmem:s10+$0x260] =	vst v1;
	s10 =	sshra.s32 s11, $0x2;
	s11 =	sadd.s32 $0x200, s11  }
0x1d: {  	[tilespmem:s10+$0x270] =	vst v1  }
0x1e: {  	[tilespmem:s10+$0x200] =	vst v1  }
0x1f: {  	[tilespmem:s10+$0x210] =	vst v1  }
0x20: {  	[tilespmem:s10+$0x220] =	vst v1  }
0x21: {  	[tilespmem:s10+$0x230] =	vst v1  }
0x22: {  	[tilespmem:s10+$0x240] =	vst v1  }
0x23: {  	[tilespmem:s10+$0x250] =	vst v1  }
0x24: {  	[tilespmem:s10+$0x260] =	vst v1  }
0x25: {  	[spmem:s5] =	stream.linear.scatter [tilespmem:s20], [sflag:$0x7], $0x4000, $0x38;
	[tilespmem:$0x1C200] =	vst v63  }
0x26: {  	_ =	swait.ge [sflag:s21], $0x4000  }
0x27: {  	[sflag:s21] =	ssyncset.done $0x0  }
0x28: {  	[sflag:s21] =	ssyncadd.s32 $0xFFFFC000  }
0x29: {  	[spmem:s6] =	stream.linear.scatter [tilespmem:s20], [sflag:$0x7], $0x4000, $0x38;
	[tilespmem:$0x1C200] =	vst v63  }
0x2a: {  	_ =	swait.ge [sflag:s21], $0x4000  }
0x2b: {  	[sflag:s21] =	ssyncset.done $0x0  }
0x2c: {  	[sflag:s21] =	ssyncadd.s32 $0xFFFFC000  }
0x2d: {  	[spmem:s7] =	stream.linear.scatter [tilespmem:s20], [sflag:$0x7], $0x4000, $0x38;
	[tilespmem:$0x1C200] =	vst v63  }
0x2e: {  	_ =	swait.ge [sflag:s21], $0x4000  }
0x2f: {  	[sflag:s21] =	ssyncset.done $0x0  }
0x30: {  	[sflag:s21] =	ssyncadd.s32 $0xFFFFC000  }
0x31: {  	[spmem:s8] =	stream.linear.scatter [tilespmem:s20], [sflag:$0x7], $0x4000, $0x38;
	[tilespmem:$0x1C200] =	vst v63  }
0x32: {  	_ =	swait.ge [sflag:s21], $0x4000  }
0x33: {  	[sflag:s21] =	ssyncset.done $0x0  }
0x34: {  	[sflag:s21] =	ssyncadd.s32 $0xFFFFC000  }
0x35: {  	[spmem:s9] =	stream.linear.scatter [tilespmem:s20], [sflag:$0x7], $0x4000, $0x38;
	[tilespmem:$0x1C200] =	vst v63  }
0x36: {  	_ =	swait.ge [sflag:s21], $0x4000  }
0x37: {  	[sflag:s21] =	ssyncset.done $0x0  }
0x38: {  	[sflag:s21] =	ssyncadd.s32 $0xFFFFC000  }
0x39: {  	s12 =	sadd.s32 $0x0, s18;
	[bflag:$0x0] =	sbarrier.arrive $0xFFFF  }
0x3a: {  	[tilespmem:s3], [sflag:$0x3] =	stream.linear.gather [hbm4b:s12+s3], $0x80, $0x38;
	[tilespmem:$0x1C200] =	vst v63  }
0x3b: {  	s11 =	sadd.s32 $0x0, s19  }
0x3c: {  	[tilespmem:s22], [sflag:$0x4] =	stream.linear.gather [hbm4b:s11+s3], $0x80, $0x38;
	[tilespmem:$0x1C200] =	vst v63  }
0x3d: {  	s10 =	sadd.s32 $0x100, s12  }
0x3e: {  	[tilespmem:s23], [sflag:$0x5] =	stream.linear.gather [hbm4b:s10+s3], $0x80, $0x38;
	[tilespmem:$0x1C200] =	vst v63  }
0x3f: {  	s12 =	sadd.s32 $0x100, s11  }
0x40: {  	[tilespmem:s24], [sflag:$0x6] =	stream.linear.gather [hbm4b:s12+s3], $0x80, $0x38;
	[tilespmem:$0x1C200] =	vst v63  }
0x41: {  	_ =	swait.ge [sflag:s25], $0x80  }
0x42: {  	[sflag:s25] =	ssyncset.done $0x0  }
0x43: {  	[sflag:s25] =	ssyncadd.s32 $0xFFFFFF80  }
0x44: {  	v2 =	vld [tilespmem:$0x30]  }
0x45: {  	v3 =	vld [tilespmem:$0x10]  }
0x46: {  	v5 =	vld [tilespmem:$0x20]  }
0x47: {  	v7 =	vld [tilespmem:$0x0]  }
0x48: {  	v4 =	vld [tilespmem:$0x40]  }
0x49: {  	v6 =	vld [tilespmem:$0x70];
	v2 =	vadd.s32 v0, v2  }
0x4a: {  	v8 =	vld [tilespmem:$0x50];
	v3 =	vadd.s32 v0, v3;
	[tilespmem:$0x30] =	vst v2  }
0x4b: {  	v62 =	vadd.s32 v0, v5;
	v2 =	vld [tilespmem:$0x60];
	[tilespmem:$0x10] =	vst v3  }
0x4c: {  	v63 =	vadd.s32 v0, v7;
	[tilespmem:$0x20] =	vst v62  }
0x4d: {  	v3 =	vadd.s32 v0, v4;
	[tilespmem:$0x0] =	vst v63  }
0x4e: {  	[tilespmem:$0x40] =	vst v3;
	v3 =	vadd.s32 v0, v6  }
0x4f: {  	[tilespmem:$0x70] =	vst v3;
	v3 =	vadd.s32 v0, v8  }
0x50: {  	[tilespmem:$0x50] =	vst v3;
	v2 =	vadd.s32 v0, v2  }
0x51: {  	[tilespmem:$0x60] =	vst v2  }
0x52: {  	[tilespmem:s20], [sflag:$0x1] =	stream.indirect.gather [hbm4b:s4+s22], $0x80, s3, s22, $0xb8;
	[tilespmem:$0x1C200] =	vst v63  }
0x53: {  	_ =	swait.ge [sflag:s26], $0x80  }
0x54: {  	[sflag:s26] =	ssyncset.done $0x0  }
0x55: {  	s10 =	simm.s32 $0x200;
	[sflag:s26] =	ssyncadd.s32 $0xFFFFFF80  }
.LBB2_4:
0x56: {  	p1 =	sne.s32 s10, $0x4C00;
	v2 =	vld [tilespmem:$0x170];
	s11 =	smov.u32 s10;
	s10 =	sadd.s32 $0x200, s10  }
0x57: {  	v3 =	vld [tilespmem:$0x160]  }
0x58: {  	v4 =	vld [tilespmem:$0x150]  }
0x59: {  	v5 =	vld [tilespmem:$0x140]  }
0x5a: {  	v6 =	vld [tilespmem:$0x130]  }
0x5b: {  	v7 =	vld [tilespmem:$0x120];
	v2 =	vadd.s32 v0, v2  }
0x5c: {  	v8 =	vld [tilespmem:$0x110];
	v3 =	vadd.s32 v0, v3;
	[tilespmem:$0x170] =	vst v2  }
0x5d: {  	v2 =	vld [tilespmem:$0x100];
	v4 =	vadd.s32 v0, v4;
	[tilespmem:$0x160] =	vst v3  }
0x5e: {  	v3 =	vadd.s32 v0, v5;
	[tilespmem:$0x150] =	vst v4  }
0x5f: {  	v4 =	vadd.s32 v0, v6;
	[tilespmem:$0x140] =	vst v3  }
0x60: {  	v3 =	vadd.s32 v0, v7;
	[tilespmem:$0x130] =	vst v4  }
0x61: {  	v4 =	vadd.s32 v0, v8;
	[tilespmem:$0x120] =	vst v3  }
0x62: {  	v2 =	vadd.s32 v0, v2;
	[tilespmem:$0x110] =	vst v4  }
0x63: {  	[tilespmem:$0x100] =	vst v2  }
0x64: {  	_ =	swait.ge [sflag:s28], $0x4000  }
0x65: {  	[sflag:s28] =	ssyncset.done $0x0  }
0x66: {  	[sflag:s28] =	ssyncadd.s32 $0xFFFFC000  }
0x67: {  	[tilespmem:s29], [sflag:$0x2] =	stream.indirect.gather [hbm4b:s4+s22], $0x80, s23, s22, $0xb8;
	[tilespmem:$0x1C200] =	vst v63  }
0x68: {  	_ =	swait.ge [sflag:s30], $0x80  }
0x69: {  	[sflag:s30] =	ssyncset.done $0x0  }
0x6a: {  	[sflag:s30] =	ssyncadd.s32 $0xFFFFFF80  }
0x6b: {  	[spmem:s2] =	stream.indirect.scatter.add.f32 [tilespmem:s20], [sflag:$0x7], $0x80, s22, s22, $0xb8;
	[tilespmem:$0x1C200] =	vst v63  }
0x6c: {  	_ =	swait.ge [sflag:s21], $0x4000  }
0x6d: {  	[sflag:s21] =	ssyncset.done $0x0  }
0x6e: {  	[sflag:s21] =	ssyncadd.s32 $0xFFFFC000  }
0x6f: {  	_ =	swait.ge [sflag:s31], $0x4000  }
0x70: {  	[sflag:s31] =	ssyncset.done $0x0  }
0x71: {  	[sflag:s31] =	ssyncadd.s32 $0xFFFFC000  }
0x72: {  	_ =	swait.ge [sflag:s0], $0x80  }
0x73: {  	[sflag:s0] =	ssyncset.done $0x0  }
0x74: {  	[sflag:s0] =	ssyncadd.s32 $0xFFFFFF80  }
0x75: {  	[spmem:s2] =	stream.indirect.scatter.add.f32 [tilespmem:s29], [sflag:$0x7], $0x80, s24, s22, $0xb8;
	[tilespmem:$0x1C200] =	vst v63  }
0x76: {  	_ =	swait.ge [sflag:s21], $0x4000  }
0x77: {  	[sflag:s21] =	ssyncset.done $0x0  }
0x78: {  	s12 =	sadd.s32 s11, s18;
	[sflag:s21] =	ssyncadd.s32 $0xFFFFC000  }
0x79: {  	[tilespmem:s3], [sflag:$0x3] =	stream.linear.gather [hbm4b:s12+s3], $0x80, $0x38;
	[tilespmem:$0x1C200] =	vst v63  }
0x7a: {  	s11 =	sadd.s32 s11, s19  }
0x7b: {  	[tilespmem:s22], [sflag:$0x4] =	stream.linear.gather [hbm4b:s11+s3], $0x80, $0x38;
	[tilespmem:$0x1C200] =	vst v63  }
0x7c: {  	s12 =	sadd.s32 $0x100, s12  }
0x7d: {  	[tilespmem:s23], [sflag:$0x5] =	stream.linear.gather [hbm4b:s12+s3], $0x80, $0x38;
	[tilespmem:$0x1C200] =	vst v63  }
0x7e: {  	s11 =	sadd.s32 $0x100, s11  }
0x7f: {  	[tilespmem:s24], [sflag:$0x6] =	stream.linear.gather [hbm4b:s11+s3], $0x80, $0x38;
	[tilespmem:$0x1C200] =	vst v63  }
0x80: {  	_ =	swait.ge [sflag:s25], $0x80  }
0x81: {  	[sflag:s25] =	ssyncset.done $0x0  }
0x82: {  	[sflag:s25] =	ssyncadd.s32 $0xFFFFFF80  }
0x83: {  	v2 =	vld [tilespmem:$0x50]  }
0x84: {  	v3 =	vld [tilespmem:$0x30]  }
0x85: {  	v4 =	vld [tilespmem:$0x10]  }
0x86: {  	v5 =	vld [tilespmem:$0x40]  }
0x87: {  	v6 =	vld [tilespmem:$0x20]  }
0x88: {  	v7 =	vld [tilespmem:$0x70]  }
0x89: {  	v8 =	vld [tilespmem:$0x0];
	v3 =	vadd.s32 v0, v3  }
0x8a: {  	v4 =	vadd.s32 v0, v4;
	[tilespmem:$0x30] =	vst v3;
	v3 =	vld [tilespmem:$0x60]  }
0x8b: {  	v2 =	vadd.s32 v0, v2;
	[tilespmem:$0x10] =	vst v4;
	v4 =	vadd.s32 v0, v5  }
0x8c: {  	v5 =	vadd.s32 v0, v6;
	[tilespmem:$0x40] =	vst v4  }
0x8d: {  	[tilespmem:$0x20] =	vst v5;
	v4 =	vadd.s32 v0, v7  }
0x8e: {  	v5 =	vadd.s32 v0, v8;
	[tilespmem:$0x70] =	vst v4  }
0x8f: {  	[tilespmem:$0x0] =	vst v5;
	v3 =	vadd.s32 v0, v3  }
0x90: {  	[tilespmem:$0x60] =	vst v3  }
.Ltmp1:
0x91: {  	[tilespmem:$0x50] =	vst v2;
	(pc) =	sbr.rel @p1 .LBB2_4-.Ltmp1, $4  }
0x92: {  	[tilespmem:s20], [sflag:$0x1] =	stream.indirect.gather [hbm4b:s4+s22], $0x80, s3, s22, $0xb8;
	[tilespmem:$0x1C200] =	vst v63  }
0x93: {  	_ =	swait.ge [sflag:s26], $0x80  }
0x94: {  	[sflag:s26] =	ssyncset.done $0x0  }
0x95: {  	[sflag:s26] =	ssyncadd.s32 $0xFFFFFF80  }
0x96: {  	v2 =	vld [tilespmem:$0x170]  }
0x97: {  	v3 =	vld [tilespmem:$0x160]  }
0x98: {  	v4 =	vld [tilespmem:$0x150]  }
0x99: {  	v6 =	vld [tilespmem:$0x130]  }
0x9a: {  	v8 =	vld [tilespmem:$0x110]  }
0x9b: {  	v5 =	vld [tilespmem:$0x140];
	v2 =	vadd.s32 v0, v2  }
0x9c: {  	v7 =	vld [tilespmem:$0x120];
	v3 =	vadd.s32 v0, v3;
	[tilespmem:$0x170] =	vst v2  }
0x9d: {  	v4 =	vadd.s32 v0, v4;
	v2 =	vld [tilespmem:$0x100];
	[tilespmem:$0x160] =	vst v3  }
0x9e: {  	v62 =	vadd.s32 v0, v6;
	[tilespmem:$0x150] =	vst v4  }
0x9f: {  	v63 =	vadd.s32 v0, v8;
	[tilespmem:$0x130] =	vst v62  }
0xa0: {  	v3 =	vadd.s32 v0, v5;
	[tilespmem:$0x110] =	vst v63  }
0xa1: {  	[tilespmem:$0x140] =	vst v3;
	v3 =	vadd.s32 v0, v7  }
0xa2: {  	[tilespmem:$0x120] =	vst v3;
	v2 =	vadd.s32 v0, v2  }
0xa3: {  	[tilespmem:$0x100] =	vst v2  }
0xa4: {  	_ =	swait.ge [sflag:s28], $0x4000  }
0xa5: {  	[sflag:s28] =	ssyncset.done $0x0  }
0xa6: {  	[sflag:s28] =	ssyncadd.s32 $0xFFFFC000  }
0xa7: {  	[tilespmem:s29], [sflag:$0x2] =	stream.indirect.gather [hbm4b:s4+s22], $0x80, s23, s22, $0xb8;
	[tilespmem:$0x1C200] =	vst v63  }
0xa8: {  	_ =	swait.ge [sflag:s30], $0x80  }
0xa9: {  	[sflag:s30] =	ssyncset.done $0x0  }
0xaa: {  	[sflag:s30] =	ssyncadd.s32 $0xFFFFFF80  }
0xab: {  	[spmem:s2] =	stream.indirect.scatter.add.f32 [tilespmem:s20], [sflag:$0x7], $0x80, s22, s22, $0xb8;
	[tilespmem:$0x1C200] =	vst v63  }
0xac: {  	_ =	swait.ge [sflag:s21], $0x4000  }
0xad: {  	[sflag:s21] =	ssyncset.done $0x0  }
0xae: {  	[sflag:s21] =	ssyncadd.s32 $0xFFFFC000  }
0xaf: {  	_ =	swait.ge [sflag:s31], $0x4000  }
0xb0: {  	[sflag:s31] =	ssyncset.done $0x0  }
0xb1: {  	[sflag:s31] =	ssyncadd.s32 $0xFFFFC000  }
0xb2: {  	_ =	swait.ge [sflag:s0], $0x80  }
0xb3: {  	[sflag:s0] =	ssyncset.done $0x0  }
0xb4: {  	[sflag:s0] =	ssyncadd.s32 $0xFFFFFF80  }
0xb5: {  	[spmem:s2] =	stream.indirect.scatter.add.f32 [tilespmem:s29], [sflag:$0x7], $0x80, s24, s22, $0xb8;
	[tilespmem:$0x1C200] =	vst v63  }
0xb6: {  	_ =	swait.ge [sflag:s21], $0x4000  }
0xb7: {  	[sflag:s21] =	ssyncset.done $0x0  }
0xb8: {  	s10 =	simm.s32 @!p0 $0x0;
	s11 =	rddreg [dreg:$0x3];
	[sflag:s21] =	ssyncadd.s32 $0xFFFFC000  }
0xb9: {  	[tilespmem:s10], [sflag:$0x3] =	stream.linear.gather @!p0 [hbm4b:s11+s10], $0x80, $0x38;
	[tilespmem:$0x1C200] =	vst v63  }
0xba: {  	s12 =	rddreg [dreg:$0x4];
	s11 =	simm.s32 @!p0 $0x80  }
0xbb: {  	[tilespmem:s11], [sflag:$0x4] =	stream.linear.gather @!p0 [hbm4b:s12+s10], $0x80, $0x38;
	[tilespmem:$0x1C200] =	vst v63  }
0xbc: {  	s12 =	simm.s32 @!p0 $0x3  }
0xbd: {  	_ =	swait.ge @!p0 [sflag:s12], $0x80  }
0xbe: {  	[sflag:s12] =	ssyncset.done @!p0 $0x0  }
0xbf: {  	[sflag:s12] =	ssyncadd.s32 @!p0 $0xFFFFFF80;
	s12 =	simm.s32 @!p0 $0x4  }
0xc0: {  	_ =	swait.ge @!p0 [sflag:s12], $0x80  }
0xc1: {  	[sflag:s12] =	ssyncset.done @!p0 $0x0  }
0xc2: {  	[sflag:s12] =	ssyncadd.s32 @!p0 $0xFFFFFF80  }
0xc3: {  	v2 =	vld @!p0 [tilespmem:$0x0]  }
0xc4: {  	v3 =	vld @!p0 [tilespmem:$0x10]  }
0xc5: {  	v4 =	vld @!p0 [tilespmem:$0x20]  }
0xc6: {  	v5 =	vld @!p0 [tilespmem:$0x30]  }
0xc7: {  	v6 =	vld @!p0 [tilespmem:$0x40]  }
0xc8: {  	v7 =	vld @!p0 [tilespmem:$0x50];
	v2 =	vadd.s32 @!p0 v0, v2  }
0xc9: {  	[tilespmem:$0x0] =	vst @!p0 v2;
	v2 =	vadd.s32 @!p0 v0, v3;
	v3 =	vld @!p0 [tilespmem:$0x60]  }
0xca: {  	[tilespmem:$0x10] =	vst @!p0 v2;
	v2 =	vadd.s32 @!p0 v0, v4;
	v4 =	vld @!p0 [tilespmem:$0x70]  }
0xcb: {  	[tilespmem:$0x20] =	vst @!p0 v2;
	v2 =	vadd.s32 @!p0 v0, v5  }
0xcc: {  	[tilespmem:$0x30] =	vst @!p0 v2;
	v2 =	vadd.s32 @!p0 v0, v6  }
0xcd: {  	[tilespmem:$0x40] =	vst @!p0 v2;
	v2 =	vadd.s32 @!p0 v0, v7  }
0xce: {  	[tilespmem:$0x50] =	vst @!p0 v2;
	v2 =	vadd.s32 @!p0 v0, v3  }
0xcf: {  	[tilespmem:$0x60] =	vst @!p0 v2;
	v2 =	vadd.s32 @!p0 v0, v4  }
0xd0: {  	s12 =	simm.s32 @!p0 $0x200;
	[tilespmem:$0x70] =	vst @!p0 v2  }
0xd1: {  	[tilespmem:s12], [sflag:$0x1] =	stream.indirect.gather @!p0 [hbm4b:s4+s11], $0x80, s10, s11, $0xb8;
	[tilespmem:$0x1C200] =	vst v63  }
0xd2: {  	s10 =	simm.s32 @!p0 $0x1  }
0xd3: {  	_ =	swait.ge @!p0 [sflag:s10], $0x4000  }
0xd4: {  	[sflag:s10] =	ssyncset.done @!p0 $0x0  }
0xd5: {  	[sflag:s10] =	ssyncadd.s32 @!p0 $0xFFFFC000;
	s10 =	simm.s32 @!p0 $0x7  }
0xd6: {  	[spmem:s2] =	stream.indirect.scatter.add.f32 @!p0 [tilespmem:s12], [sflag:$0x7], $0x80, s11, s11, $0xb8;
	[tilespmem:$0x1C200] =	vst v63  }
0xd7: {  	_ =	swait.ge @!p0 [sflag:s10], $0x4000  }
0xd8: {  	[sflag:s10] =	ssyncset.done @!p0 $0x0  }
0xd9: {  	s11 =	stileid.u32;
	[sflag:s10] =	ssyncadd.s32 @!p0 $0xFFFFC000  }
0xda: {  	s10 =	sshll.u32 s11, $0x6;
	[bflag:$0x0] =	sbarrier.arrive $0xFFFF  }
0xdb: {  	s11 =	sshrl.u32 s5, $0x3;
	s10 =	sor.u32 $0x1C07, s10;
	s12 =	rddreg [dreg:$0x5]  }
0xdc: {  	[hbm:s12], [sflag:s10] =	dma.local [spmem:s11], $0x800  }
0xdd: {  	_ =	swait.ge [sflag:s21], $0x800  }
0xde: {  	[sflag:s21] =	ssyncset.done $0x0  }
0xdf: {  	s12 =	sshrl.u32 s6, $0x3;
	[sflag:s21] =	ssyncadd.s32 $0xFFFFF800  }
0xe0: {  	[hbm:s13], [sflag:s10] =	dma.local [spmem:s12], $0x800  }
0xe1: {  	_ =	swait.ge [sflag:s21], $0x800  }
0xe2: {  	[sflag:s21] =	ssyncset.done $0x0  }
0xe3: {  	s12 =	sshrl.u32 s7, $0x3;
	[sflag:s21] =	ssyncadd.s32 $0xFFFFF800  }
0xe4: {  	[hbm:s14], [sflag:s10] =	dma.local [spmem:s12], $0x800  }
0xe5: {  	_ =	swait.ge [sflag:s21], $0x800  }
0xe6: {  	[sflag:s21] =	ssyncset.done $0x0  }
0xe7: {  	s12 =	sshrl.u32 s8, $0x3;
	[sflag:s21] =	ssyncadd.s32 $0xFFFFF800  }
0xe8: {  	[hbm:s15], [sflag:s10] =	dma.local [spmem:s12], $0x800  }
0xe9: {  	s1 =	sadd.s32 $0x1, s1;
	_ =	swait.ge [sflag:s21], $0x800  }
0xea: {  	p1 =	sne.s32 s1, s17;
	[sflag:s21] =	ssyncset.done $0x0  }
.Ltmp2:
0xeb: {  	s12 =	sshrl.u32 s9, $0x3;
	[sflag:s21] =	ssyncadd.s32 $0xFFFFF800;
	(pc) =	sbr.rel @p1 .LBB2_1-.Ltmp2, $4  }
0xec: {  	[hbm:s16], [sflag:s10] =	dma.local [spmem:s12], $0x800  }
0xed: {  	_ =	swait.ge [sflag:s21], $0x800  }
0xee: {  	[sflag:s21] =	ssyncset.done $0x0  }
0xef: {  	[sflag:s21] =	ssyncadd.s32 $0xFFFFF800  }
0xf0: {  	_ =	sfence.sel $0x180000  }
0xf1: {  	[bflag:$0x0] =	sbarrier.arrive $0xFFFF  }
0xf2: {  	_ =	strace $0x90000047  }
0xf3: {  	s0 =	stileid.u32;
	[bflag:$0x2] =	sbarrier.arrive $0xFFFF  }
0xf4: {  	p0 =	sne.s32 s0, $0x0;
	s0 =	rddreg [dreg:$0x2]  }
0xf5: {  	s0 =	sadd.s32 @!p0 $0x100000, s0  }
0xf6: {  	[sflag:s0] =	ssyncadd.tile.s32 @!p0 $0x1;
	_ =	shalt  }
.Lfunc_end2:
_tile_overlayer_lowered:
.L_overlay_start_2:
0xf7: {  	(tag) =	ssettag $0x2  }
0xf8: {  	s0 =	rddreg [dreg:$0x0];
	s2 =	stileid.u32  }
0xf9: {  	s1 =	rddreg [dreg:$0x1];
	p0 =	sne.s32 s2, $0x0  }
0xfa: {  	s3 =	rddreg [dreg:$0x2];
	[bflag:$0x3] =	sbarrier.arrive $0xFFFF;
	s2 =	simm.s32 @!p0 $0x1C07  }
0xfb: {  	[timem:s3], [sflag:s2] =	dma.local @!p0 [hbm:s0], s1  }
0xfc: {  	s0 =	simm.s32 @!p0 $0x7  }
0xfd: {  	_ =	swait.ge @!p0 [sflag:s0], s1  }
0xfe: {  	s1 =	ssub.s32 @!p0 $0x0, s1;
	[sflag:s0] =	ssyncset.done @!p0 $0x0  }
0xff: {  	[sflag:s0] =	ssyncadd.s32 @!p0 s1  }
0x100: {  	[bflag:$0x3] =	sbarrier.arrive $0xFFFF  }
0x101: {  	_ =	shalt  }

// kernel: kernel.16.cloned.1.call-start
scs
__scs_entry_jumppad:
0x0: {  	(pc) =	sbr.rel $0x88, $3  }
0x1: {  	(tag) =	ssettag $0x0;
	lr =	simm.s32 $0x1  }
0x2: {  	[smem:$0x3F8F] =	sst lr;
	_ =	strace $0xD0000000  }
0x3: {  	_ = 	snop  }
0x4: {  	_ = 	snop  }
0x5: {  	_ = 	snop  }
0x6: {  	_ = 	snop  }
0x7: {  	_ = 	snop  }
__scs_overlays_trampoline_lowered:
0x8: {  	[smem:$0x3F9E] =	sst s0  }
0x9: {  	[smem:$0x3F9F] =	sst s1  }
0xa: {  	[smem:$0x3FA0] =	sst s2  }
0xb: {  	[smem:$0x3FA1] =	sst s3  }
0xc: {  	[smem:$0x3FA2] =	sst s4  }
0xd: {  	[smem:$0x3FA3] =	sst s5  }
0xe: {  	[smem:$0x3FA4] =	sst s6  }
0xf: {  	[smem:$0x3FA5] =	sst s7  }
0x10: {  	[smem:$0x3FA6] =	sst s8  }
0x11: {  	[smem:$0x3FA7] =	sst s9;
	s0 =	simm.s32 @!p0 $0x0  }
0x12: {  	s1 =	sld [smem:$0x3F8D];
	s0 =	simm.s32 @p0 $0x1  }
0x13: {  	[smem:$0x3FA8] =	sst s0;
	s0 =	simm.s32 @!p1 $0x0  }
0x14: {  	s2 =	sld [smem:$0x3F8C];
	s0 =	simm.s32 @p1 $0x1  }
0x15: {  	[smem:$0x3FA9] =	sst s0;
	s0 =	simm.s32 @!p2 $0x0  }
0x16: {  	s3 =	sld [smem:$0x3FDB];
	s0 =	simm.s32 @p2 $0x1  }
0x17: {  	s4 =	simm.s32 $0x1BF5;
	[smem:$0x3FAB] =	sst s0  }
0x18: {  	s0 =	sld [smem:$0x3F8E];
	_ =	swait.ge [sflag:s4], $0x0  }
0x19: {  	s7 =	sld [smem:$0x3F8F]  }
0x1a: {  	s8 =	sadd.s32 $0xFFFFE003, lr  }
0x1b: {  	s9 =	sadd.s32 $0xFFFFFEF7, lr;
	s5 =	simm.s32 $0xFFFFFFFF;
	p2 =	slt.u32 s8, $0xFFFFF086  }
0x1c: {  	p1 =	slt.u32 s9, $0xF7A;
	s5 =	simm.s32 @!p2 $0x0  }
0x1d: {  	s5 =	simm.s32 @p1 $0x1;
	p0 =	seq.s32 s7, s2  }
0x1e: {  	s7 =	smul.u32 @!p0 $0xF7A, s2;
	p2 =	seq.s32 @!p0 s5, $0x0  }
0x1f: {  	s9 =	smul.u32 $0xF7A, s1;
	s8 =	simm.s32 @!p0 $0x1BF5;
	p2 =	por !p2, p0  }
0x20: {  	[sflag:s8] =	ssyncset.s32 @!p0 $0xFFFFF086;
	s6 =	sadd.s32 @!p0 s3, s7;
	s7 =	simm.s32 @!p0 $0x108  }
0x21: {  	s3 =	sadd.s32 s3, s9;
	s6 =	sadd.s32 @!p0 $0x88, s6;
	s7 =	simm.s32 @p2 $0x1082  }
0x22: {  	[simem:s7], [sflag:s8] =	dma.local @!p0 [hbm:s6], $0xF7A  }
0x23: {  	s9 =	sor.u32 $0xD0000000, s2;
	s6 =	simm.s32 $0x108;
	_ =	swait.ge @!p0 [sflag:s8], $0x0  }
0x24: {  	s3 =	sadd.s32 $0x88, s3;
	s6 =	simm.s32 @!p1 $0x1082;
	[sflag:s4] =	ssyncset.s32 $0xFFFFF086  }
0x25: {  	[simem:s6], [sflag:s4] =	dma.local [hbm:s3], $0xF7A  }
0x26: {  	[smem:$0x3F8F] =	sst s1;
	(tag) =	ssettag s2;
	_ =	strace s9  }
0x27: {  	s1 =	sld [smem:$0x3F9F]  }
0x28: {  	s2 =	sld [smem:$0x3FA0]  }
0x29: {  	s4 =	sld [smem:$0x3FA2]  }
0x2a: {  	p0 =	seq.s32 s5, $0x0;
	s5 =	sld [smem:$0x3FA3]  }
0x2b: {  	s6 =	sld [smem:$0x3FA4]  }
0x2c: {  	s7 =	sld [smem:$0x3FA5]  }
0x2d: {  	s3 =	simm.s32 $0x108;
	s8 =	sld [smem:$0x3FA6]  }
0x2e: {  	s3 =	simm.s32 @!p0 $0x1082;
	s9 =	sld [smem:$0x3FA7]  }
0x2f: {  	lr =	sadd.s32 s0, s3;
	s0 =	sld [smem:$0x3F9E]  }
0x30: {  	s3 =	sld [smem:$0x3FA1]  }
0x31: {  	[smem:$0x3FAA] =	sst s10  }
0x32: {  	s10 =	sld [smem:$0x3FA8];
	_ =	sdelay $0x3  }
0x33: {  	p0 =	seq.s32 s10, $0x1;
	s10 =	sld [smem:$0x3FAA];
	_ =	sdelay $0x3  }
0x34: {  	[smem:$0x3FAA] =	sst s10  }
0x35: {  	s10 =	sld [smem:$0x3FA9];
	_ =	sdelay $0x3  }
0x36: {  	p1 =	seq.s32 s10, $0x1;
	s10 =	sld [smem:$0x3FAA];
	_ =	sdelay $0x3  }
0x37: {  	[smem:$0x3FAA] =	sst s10  }
0x38: {  	s10 =	sld [smem:$0x3FAB]  }
0x39: {  	_ = 	snop;
	(pc) =	sbr.ind lr, $3  }
0x3a: {  	_ = 	snop  }
0x3b: {  	_ = 	snop  }
0x3c: {  	p2 =	seq.s32 s10, $0x1;
	s10 =	sld [smem:$0x3FAA]  }
0x3d: {  	_ =	shalt  }
0x3e: {  	_ =	shalt  }
0x3f: {  	_ =	shalt  }
0x40: {  	_ =	shalt  }
0x41: {  	_ =	shalt  }
0x42: {  	_ =	shalt  }
0x43: {  	_ =	shalt  }
0x44: {  	_ =	shalt  }
0x45: {  	_ =	shalt  }
0x46: {  	_ =	shalt  }
0x47: {  	_ =	shalt  }
0x48: {  	_ =	shalt  }
0x49: {  	_ =	shalt  }
0x4a: {  	_ =	shalt  }
0x4b: {  	_ =	shalt  }
0x4c: {  	_ =	shalt  }
0x4d: {  	_ =	shalt  }
0x4e: {  	_ =	shalt  }
0x4f: {  	_ =	shalt  }
0x50: {  	_ =	shalt  }
0x51: {  	_ =	shalt  }
0x52: {  	_ =	shalt  }
0x53: {  	_ =	shalt  }
0x54: {  	_ =	shalt  }
0x55: {  	_ =	shalt  }
0x56: {  	_ =	shalt  }
0x57: {  	_ =	shalt  }
0x58: {  	_ =	shalt  }
0x59: {  	_ =	shalt  }
0x5a: {  	_ =	shalt  }
0x5b: {  	_ =	shalt  }
0x5c: {  	_ =	shalt  }
0x5d: {  	_ =	shalt  }
0x5e: {  	_ =	shalt  }
0x5f: {  	_ =	shalt  }
0x60: {  	_ =	shalt  }
0x61: {  	_ =	shalt  }
0x62: {  	_ =	shalt  }
0x63: {  	_ =	shalt  }
0x64: {  	_ =	shalt  }
0x65: {  	_ =	shalt  }
0x66: {  	_ =	shalt  }
0x67: {  	_ =	shalt  }
0x68: {  	_ =	shalt  }
0x69: {  	_ =	shalt  }
0x6a: {  	_ =	shalt  }
0x6b: {  	_ =	shalt  }
0x6c: {  	_ =	shalt  }
0x6d: {  	_ =	shalt  }
0x6e: {  	_ =	shalt  }
0x6f: {  	_ =	shalt  }
0x70: {  	_ =	shalt  }
0x71: {  	_ =	shalt  }
0x72: {  	_ =	shalt  }
0x73: {  	_ =	shalt  }
0x74: {  	_ =	shalt  }
0x75: {  	_ =	shalt  }
0x76: {  	_ =	shalt  }
0x77: {  	_ =	shalt  }
0x78: {  	_ =	shalt  }
0x79: {  	_ =	shalt  }
0x7a: {  	_ =	shalt  }
0x7b: {  	_ =	shalt  }
0x7c: {  	_ =	shalt  }
0x7d: {  	_ =	shalt  }
0x7e: {  	_ =	shalt  }
0x7f: {  	_ =	shalt  }
0x80: {  	_ =	shalt  }
0x81: {  	_ =	shalt  }
0x82: {  	_ =	shalt  }
0x83: {  	_ =	shalt  }
0x84: {  	_ =	shalt  }
0x85: {  	_ =	shalt  }
0x86: {  	_ =	shalt  }
0x87: {  	_ =	shalt  }
.Lfunc_end0:
.L_simem_size_0:
called_computation.2_lowered:
.L_overlay_start_0:
0x88: {  	s2 =	sld [smem:$0x3FD9]  }
0x89: {  	s3 =	sld [smem:$0x3FFE];
	_ =	sdelay $0x1  }
0x8a: {  	s1 =	srdreg.scid  }
0x8b: {  	s0 =	sand.u32 $0x1, s1  }
0x8c: {  	s16 =	sshll.u32 s0, $0xA;
	s2 =	sadd.s32 s3, s2  }
0x8d: {  	s2 =	sadd.s32 s2, s16  }
0x8e: {  	[smem:$0x3FB6] =	sst s2  }
0x8f: {  	_ = 	snop  }
0x90: {  	(tm) =	ssettm $0x1  }
0x91: {  	s17 =	sld [smem:$0x3FFB];
	_ =	sdelay $0x3  }
0x92: {  	_ =	strace s17  }
0x93: {  	s2 =	sld [smem:$0x3FFC];
	_ =	sdelay $0x3  }
0x94: {  	_ =	strace s2  }
0x95: {  	s2 =	sld [smem:$0x3FFD];
	_ =	sdelay $0x3  }
0x96: {  	_ =	strace s2  }
0x97: {  	_ =	strace $0x8FFFFFFF  }
0x98: {  	s18 =	sld [smem:$0x3FDB];
	_ =	sdelay $0x1  }
0x99: {  	s19 =	simm.s32 $_scs_section_size  }
0x9a: {  	s4 =	simm.s32 $_size__tile_overlayer_lowered;
	s5 =	simm.s32 $_tile_overlayer_lowered  }
0x9b: {  	s22 =	simm.s32 $0x1BFF;
	s21 =	sshll.u32 s5, $0x1;
	s2 =	sadd.s32 s19, s18  }
0x9c: {  	s6 =	simm.s32 $0x0;
	s20 =	sshll.u32 s4, $0x1;
	s4 =	sadd.s32 s21, s2  }
0x9d: {  	[timem:s6], [sflag:s22] =	dma.local [hbm:s4], s20  }
0x9e: {  	_ =	swait.ge [sflag:s22], s20  }
0x9f: {  	s3 =	ssub.s32 $0x0, s20;
	[sflag:s22] =	ssyncset.done $0x0  }
0xa0: {  	[sflag:s22] =	ssyncadd.s32 s3;
	_ =	sdelay $0x1  }
0xa1: {  	s23 =	simm.s32 $0x1B8B  }
0xa2: {  	_ =	swait.ge [sflag:s23], $0x1  }
0xa3: {  	[sflag:s23] =	ssyncset.done $0x0  }
0xa4: {  	s25 =	simm.s32 $0x1B8E;
	s24 =	sld [smem:$0x3FFE];
	[sflag:s23] =	ssyncadd.s32 $0xFFFFFFFF  }
0xa5: {  	s26 =	simm.s32 $execute0_lowered;
	[smem:$0x3FD2] =	sst s25  }
0xa6: {  	s4 =	sshll.u32 s26, $0x1;
	_ =	strace $0x8000004C;
	[dreg:$0x1] =	wrdreg $0xFFFFFFFF  }
0xa7: {  	s28 =	simm.s32 $_size_execute0_lowered;
	s2 =	sadd.s32 s2, s4;
	[dreg:$0x0] =	wrdreg $0x0  }
0xa8: {  	s4 =	sshll.u32 s28, $0x1;
	[dreg:$0x2] =	wrdreg s2  }
0xa9: {  	[dreg:$0x3] =	wrdreg s4  }
0xaa: {  	[dreg:$0x4] =	wrdreg $0xC0  }
0xab: {  	_ =	task [dreg:s6], $0x5FFFF  }
0xac: {  	[dreg:$0x1] =	wrdreg $0xFFFFFFFF  }
0xad: {  	[dreg:$0x0] =	wrdreg $0x60  }
0xae: {  	[dreg:$0x2] =	wrdreg s24  }
0xaf: {  	[dreg:$0x3] =	wrdreg $0x82000  }
0xb0: {  	[dreg:$0x4] =	wrdreg $0x9  }
0xb1: {  	_ =	task.clear_ibuf [dreg:s6], $0x5FFFF;
	_ =	strace $0x9000004C  }
0xb2: {  	s29 =	simm.s32 $0x9;
	_ =	strace $0x8000004E  }
0xb3: {  	_ =	swait.ge [sflag:s29], $0x1  }
0xb4: {  	[sflag:s29] =	ssyncadd.s32 $0xFFFFFFFF  }
0xb5: {  	_ =	strace $0x9000004E  }
0xb6: {  	_ =	sfence  }
0xb7: {  	s30 =	sld [smem:$0x0];
	_ =	sdelay $0x2  }
0xb8: {  	s31 =	sshll.u32 s1, $0xD;
	s1 =	sshrl.u32 s1, $0x2  }
0xb9: {  	s3 =	sand.u32 $0x4000, s31;
	s1 =	sadd.s32 s1, s30  }
0xba: {  	s0 =	sor.u32 s3, s0;
	s1 =	sshll.u32 s1, $0x11  }
0xbb: {  	s0 =	sor.u32 s1, s0  }
0xbc: {  	s0 =	sadd.s32 $0x8F2B, s0  }
0xbd: {  	[sflag:s0] =	ssyncadd.remote.s32 $0x1  }
0xbe: {  	_ =	sfence.sel $0xFFFF  }
0xbf: {  	[dreg:$0x0] =	wrdreg $0xFFFFFFFF;
	(pc) =	sbr.abs _section_cstart, $3  }
0xc0: {  	[dreg:$0x1] =	wrdreg $0xFFFFFFFF  }
0xc1: {  	_ =	task.clear_ibuf [dreg:s6], $0x2FFFF;
	_ =	strace $0x9FFFFFFF  }
0xc2: {  	(tm) =	ssettm $0x7FFFFFFF  }
0xc3: {  	_ =	shalt  }
tec
execute0_lowered:
.L_overlay_start_1:
0x0: {  	(tag) =	ssettag $0x1  }
0x1: {  	s0 =	rddreg [dreg:$0x0]  }
0x2: {  	s2 =	rddreg [dreg:$0x1];
	s3 =	simm.s32 $0x0;
	s1 =	srdreg.scid  }
0x3: {  	s25 =	stileid.u32;
	s21 =	simm.s32 $0x7;
	s22 =	simm.s32 $0x80  }
0x4: {  	s23 =	simm.s32 $0x100;
	s24 =	simm.s32 $0x180;
	s28 =	simm.s32 $0x1  }
0x5: {  	s29 =	simm.s32 $0x4200;
	s30 =	simm.s32 $0x4;
	s31 =	simm.s32 $0x2  }
0x6: {  	[smem:$0x7FF] =	sst s3;
	s1 =	sand.u32 $0x1, s1;
	s5 =	smul.u32 $0x280, s25  }
0x7: {  	s4 =	sadd.s32 $0xD200, s0;
	s11 =	sadd.s32 $0x8200, s0;
	s6 =	smul.u32 $0x50000, s25  }
0x8: {  	s19 =	sadd.s32 $0x3200, s0;
	s20 =	sshll.u32 s25, $0x4;
	p0 =	sgt.u32 s25, $0x1  }
0x9: {  	s25 =	simm.s32 $0x3;
	_ =	strace $0x8000004D;
	s10 =	smul.u32 $0x2800, s1  }
0xa: {  	s1 =	ssub.s32 $0x2, s1;
	s12 =	sor.u32 $0x4E00, s20;
	s18 =	sadd.s32 s20, s11  }
0xb: {  	s7 =	sshrl.u32 s1, $0x1;
	s6 =	sshrl.u32 s6, $0x2;
	s13 =	sadd.s32 s11, s12  }
0xc: {  	s12 =	sadd.s32 s19, s12;
	s19 =	sadd.s32 s20, s19;
	s20 =	simm.s32 $0x200  }
0xd: {  	s5 =	sadd.s32 s5, s10;
	s1 =	ssub.s32 s1, s7;
	[dreg:$0x3] =	wrdreg s13  }
0xe: {  	[dreg:$0x4] =	wrdreg s12;
	s5 =	sshll.u32 s5, $0x4;
	s17 =	smax.u32 s1, $0x1  }
0xf: {  	s1 =	simm.s32 $0x0;
	s0 =	sadd.s32 s5, s0;
	s5 =	sadd.s32 s6, s2  }
0x10: {  	s6 =	sadd.s32 $0x4000, s5;
	s7 =	sadd.s32 $0x8000, s5;
	s8 =	sadd.s32 $0xC000, s5  }
0x11: {  	s9 =	sadd.s32 $0x10000, s5;
	s26 =	sadd.s32 $0x5D200, s0;
	s13 =	sadd.s32 $0x5DA00, s0  }
0x12: {  	s14 =	sadd.s32 $0x5E200, s0;
	s15 =	sadd.s32 $0x5EA00, s0;
	s16 =	sadd.s32 $0x5F200, s0  }
0x13: {  	v1 =	vimm.f32 $0.0e+00;
	v0 =	vmov s10;
	s0 =	simm.s32 $0x6;
	[dreg:$0x5] =	wrdreg s26;
	s26 =	simm.s32 $0x5  }
.LBB2_1:
0x14: {  	s10 =	simm.s32 $0x0;
	s11 =	simm.s32 $0x200  }
.LBB2_2:
0x15: {  	p1 =	sne.s32 s11, $0xFE00;
	[tilespmem:s10+$0x270] =	vst v1  }
0x16: {  	[tilespmem:s10+$0x200] =	vst v1  }
0x17: {  	[tilespmem:s10+$0x210] =	vst v1  }
.Ltmp0:
0x18: {  	[tilespmem:s10+$0x220] =	vst v1;
	(pc) =	sbr.rel @p1 .LBB2_2-.Ltmp0, $4  }
0x19: {  	[tilespmem:s10+$0x230] =	vst v1  }
0x1a: {  	[tilespmem:s10+$0x240] =	vst v1  }
0x1b: {  	[tilespmem:s10+$0x250] =	vst v1  }
0x1c: {  	[tilespmem:s10+$0x260] =	vst v1;
	s10 =	sshra.s32 s11, $0x2;
	s11 =	sadd.s32 $0x200, s11  }
0x1d: {  	[tilespmem:s10+$0x270] =	vst v1  }
0x1e: {  	[tilespmem:s10+$0x200] =	vst v1  }
0x1f: {  	[tilespmem:s10+$0x210] =	vst v1  }
0x20: {  	[tilespmem:s10+$0x220] =	vst v1  }
0x21: {  	[tilespmem:s10+$0x230] =	vst v1  }
0x22: {  	[tilespmem:s10+$0x240] =	vst v1  }
0x23: {  	[tilespmem:s10+$0x250] =	vst v1  }
0x24: {  	[tilespmem:s10+$0x260] =	vst v1  }
0x25: {  	[spmem:s5] =	stream.linear.scatter [tilespmem:s20], [sflag:$0x7], $0x4000, $0x38;
	[tilespmem:$0x1C200] =	vst v63  }
0x26: {  	_ =	swait.ge [sflag:s21], $0x4000  }
0x27: {  	[sflag:s21] =	ssyncset.done $0x0  }
0x28: {  	[sflag:s21] =	ssyncadd.s32 $0xFFFFC000  }
0x29: {  	[spmem:s6] =	stream.linear.scatter [tilespmem:s20], [sflag:$0x7], $0x4000, $0x38;
	[tilespmem:$0x1C200] =	vst v63  }
0x2a: {  	_ =	swait.ge [sflag:s21], $0x4000  }
0x2b: {  	[sflag:s21] =	ssyncset.done $0x0  }
0x2c: {  	[sflag:s21] =	ssyncadd.s32 $0xFFFFC000  }
0x2d: {  	[spmem:s7] =	stream.linear.scatter [tilespmem:s20], [sflag:$0x7], $0x4000, $0x38;
	[tilespmem:$0x1C200] =	vst v63  }
0x2e: {  	_ =	swait.ge [sflag:s21], $0x4000  }
0x2f: {  	[sflag:s21] =	ssyncset.done $0x0  }
0x30: {  	[sflag:s21] =	ssyncadd.s32 $0xFFFFC000  }
0x31: {  	[spmem:s8] =	stream.linear.scatter [tilespmem:s20], [sflag:$0x7], $0x4000, $0x38;
	[tilespmem:$0x1C200] =	vst v63  }
0x32: {  	_ =	swait.ge [sflag:s21], $0x4000  }
0x33: {  	[sflag:s21] =	ssyncset.done $0x0  }
0x34: {  	[sflag:s21] =	ssyncadd.s32 $0xFFFFC000  }
0x35: {  	[spmem:s9] =	stream.linear.scatter [tilespmem:s20], [sflag:$0x7], $0x4000, $0x38;
	[tilespmem:$0x1C200] =	vst v63  }
0x36: {  	_ =	swait.ge [sflag:s21], $0x4000  }
0x37: {  	[sflag:s21] =	ssyncset.done $0x0  }
0x38: {  	[sflag:s21] =	ssyncadd.s32 $0xFFFFC000  }
0x39: {  	s12 =	sadd.s32 $0x0, s18;
	[bflag:$0x0] =	sbarrier.arrive $0xFFFF  }
0x3a: {  	[tilespmem:s3], [sflag:$0x3] =	stream.linear.gather [hbm4b:s12+s3], $0x80, $0x38;
	[tilespmem:$0x1C200] =	vst v63  }
0x3b: {  	s11 =	sadd.s32 $0x0, s19  }
0x3c: {  	[tilespmem:s22], [sflag:$0x4] =	stream.linear.gather [hbm4b:s11+s3], $0x80, $0x38;
	[tilespmem:$0x1C200] =	vst v63  }
0x3d: {  	s10 =	sadd.s32 $0x100, s12  }
0x3e: {  	[tilespmem:s23], [sflag:$0x5] =	stream.linear.gather [hbm4b:s10+s3], $0x80, $0x38;
	[tilespmem:$0x1C200] =	vst v63  }
0x3f: {  	s12 =	sadd.s32 $0x100, s11  }
0x40: {  	[tilespmem:s24], [sflag:$0x6] =	stream.linear.gather [hbm4b:s12+s3], $0x80, $0x38;
	[tilespmem:$0x1C200] =	vst v63  }
0x41: {  	_ =	swait.ge [sflag:s25], $0x80  }
0x42: {  	[sflag:s25] =	ssyncset.done $0x0  }
0x43: {  	[sflag:s25] =	ssyncadd.s32 $0xFFFFFF80  }
0x44: {  	v2 =	vld [tilespmem:$0x30]  }
0x45: {  	v3 =	vld [tilespmem:$0x10]  }
0x46: {  	v5 =	vld [tilespmem:$0x20]  }
0x47: {  	v7 =	vld [tilespmem:$0x0]  }
0x48: {  	v4 =	vld [tilespmem:$0x40]  }
0x49: {  	v6 =	vld [tilespmem:$0x70];
	v2 =	vadd.s32 v0, v2  }
0x4a: {  	v8 =	vld [tilespmem:$0x50];
	v3 =	vadd.s32 v0, v3;
	[tilespmem:$0x30] =	vst v2  }
0x4b: {  	v62 =	vadd.s32 v0, v5;
	v2 =	vld [tilespmem:$0x60];
	[tilespmem:$0x10] =	vst v3  }
0x4c: {  	v63 =	vadd.s32 v0, v7;
	[tilespmem:$0x20] =	vst v62  }
0x4d: {  	v3 =	vadd.s32 v0, v4;
	[tilespmem:$0x0] =	vst v63  }
0x4e: {  	[tilespmem:$0x40] =	vst v3;
	v3 =	vadd.s32 v0, v6  }
0x4f: {  	[tilespmem:$0x70] =	vst v3;
	v3 =	vadd.s32 v0, v8  }
0x50: {  	[tilespmem:$0x50] =	vst v3;
	v2 =	vadd.s32 v0, v2  }
0x51: {  	[tilespmem:$0x60] =	vst v2  }
0x52: {  	[tilespmem:s20], [sflag:$0x1] =	stream.indirect.gather [hbm4b:s4+s22], $0x80, s3, s22, $0xb8;
	[tilespmem:$0x1C200] =	vst v63  }
0x53: {  	_ =	swait.ge [sflag:s26], $0x80  }
0x54: {  	[sflag:s26] =	ssyncset.done $0x0  }
0x55: {  	s10 =	simm.s32 $0x200;
	[sflag:s26] =	ssyncadd.s32 $0xFFFFFF80  }
.LBB2_4:
0x56: {  	p1 =	sne.s32 s10, $0x4C00;
	v2 =	vld [tilespmem:$0x170];
	s11 =	smov.u32 s10;
	s10 =	sadd.s32 $0x200, s10  }
0x57: {  	v3 =	vld [tilespmem:$0x160]  }
0x58: {  	v4 =	vld [tilespmem:$0x150]  }
0x59: {  	v5 =	vld [tilespmem:$0x140]  }
0x5a: {  	v6 =	vld [tilespmem:$0x130]  }
0x5b: {  	v7 =	vld [tilespmem:$0x120];
	v2 =	vadd.s32 v0, v2  }
0x5c: {  	v8 =	vld [tilespmem:$0x110];
	v3 =	vadd.s32 v0, v3;
	[tilespmem:$0x170] =	vst v2  }
0x5d: {  	v2 =	vld [tilespmem:$0x100];
	v4 =	vadd.s32 v0, v4;
	[tilespmem:$0x160] =	vst v3  }
0x5e: {  	v3 =	vadd.s32 v0, v5;
	[tilespmem:$0x150] =	vst v4  }
0x5f: {  	v4 =	vadd.s32 v0, v6;
	[tilespmem:$0x140] =	vst v3  }
0x60: {  	v3 =	vadd.s32 v0, v7;
	[tilespmem:$0x130] =	vst v4  }
0x61: {  	v4 =	vadd.s32 v0, v8;
	[tilespmem:$0x120] =	vst v3  }
0x62: {  	v2 =	vadd.s32 v0, v2;
	[tilespmem:$0x110] =	vst v4  }
0x63: {  	[tilespmem:$0x100] =	vst v2  }
0x64: {  	_ =	swait.ge [sflag:s28], $0x4000  }
0x65: {  	[sflag:s28] =	ssyncset.done $0x0  }
0x66: {  	[sflag:s28] =	ssyncadd.s32 $0xFFFFC000  }
0x67: {  	[tilespmem:s29], [sflag:$0x2] =	stream.indirect.gather [hbm4b:s4+s22], $0x80, s23, s22, $0xb8;
	[tilespmem:$0x1C200] =	vst v63  }
0x68: {  	_ =	swait.ge [sflag:s30], $0x80  }
0x69: {  	[sflag:s30] =	ssyncset.done $0x0  }
0x6a: {  	[sflag:s30] =	ssyncadd.s32 $0xFFFFFF80  }
0x6b: {  	[spmem:s2] =	stream.indirect.scatter.add.f32 [tilespmem:s20], [sflag:$0x7], $0x80, s22, s22, $0xb8;
	[tilespmem:$0x1C200] =	vst v63  }
0x6c: {  	_ =	swait.ge [sflag:s21], $0x4000  }
0x6d: {  	[sflag:s21] =	ssyncset.done $0x0  }
0x6e: {  	[sflag:s21] =	ssyncadd.s32 $0xFFFFC000  }
0x6f: {  	_ =	swait.ge [sflag:s31], $0x4000  }
0x70: {  	[sflag:s31] =	ssyncset.done $0x0  }
0x71: {  	[sflag:s31] =	ssyncadd.s32 $0xFFFFC000  }
0x72: {  	_ =	swait.ge [sflag:s0], $0x80  }
0x73: {  	[sflag:s0] =	ssyncset.done $0x0  }
0x74: {  	[sflag:s0] =	ssyncadd.s32 $0xFFFFFF80  }
0x75: {  	[spmem:s2] =	stream.indirect.scatter.add.f32 [tilespmem:s29], [sflag:$0x7], $0x80, s24, s22, $0xb8;
	[tilespmem:$0x1C200] =	vst v63  }
0x76: {  	_ =	swait.ge [sflag:s21], $0x4000  }
0x77: {  	[sflag:s21] =	ssyncset.done $0x0  }
0x78: {  	s12 =	sadd.s32 s11, s18;
	[sflag:s21] =	ssyncadd.s32 $0xFFFFC000  }
0x79: {  	[tilespmem:s3], [sflag:$0x3] =	stream.linear.gather [hbm4b:s12+s3], $0x80, $0x38;
	[tilespmem:$0x1C200] =	vst v63  }
0x7a: {  	s11 =	sadd.s32 s11, s19  }
0x7b: {  	[tilespmem:s22], [sflag:$0x4] =	stream.linear.gather [hbm4b:s11+s3], $0x80, $0x38;
	[tilespmem:$0x1C200] =	vst v63  }
0x7c: {  	s12 =	sadd.s32 $0x100, s12  }
0x7d: {  	[tilespmem:s23], [sflag:$0x5] =	stream.linear.gather [hbm4b:s12+s3], $0x80, $0x38;
	[tilespmem:$0x1C200] =	vst v63  }
0x7e: {  	s11 =	sadd.s32 $0x100, s11  }
0x7f: {  	[tilespmem:s24], [sflag:$0x6] =	stream.linear.gather [hbm4b:s11+s3], $0x80, $0x38;
	[tilespmem:$0x1C200] =	vst v63  }
0x80: {  	_ =	swait.ge [sflag:s25], $0x80  }
0x81: {  	[sflag:s25] =	ssyncset.done $0x0  }
0x82: {  	[sflag:s25] =	ssyncadd.s32 $0xFFFFFF80  }
0x83: {  	v2 =	vld [tilespmem:$0x50]  }
0x84: {  	v3 =	vld [tilespmem:$0x30]  }
0x85: {  	v4 =	vld [tilespmem:$0x10]  }
0x86: {  	v5 =	vld [tilespmem:$0x40]  }
0x87: {  	v6 =	vld [tilespmem:$0x20]  }
0x88: {  	v7 =	vld [tilespmem:$0x70]  }
0x89: {  	v8 =	vld [tilespmem:$0x0];
	v3 =	vadd.s32 v0, v3  }
0x8a: {  	v4 =	vadd.s32 v0, v4;
	[tilespmem:$0x30] =	vst v3;
	v3 =	vld [tilespmem:$0x60]  }
0x8b: {  	v2 =	vadd.s32 v0, v2;
	[tilespmem:$0x10] =	vst v4;
	v4 =	vadd.s32 v0, v5  }
0x8c: {  	v5 =	vadd.s32 v0, v6;
	[tilespmem:$0x40] =	vst v4  }
0x8d: {  	[tilespmem:$0x20] =	vst v5;
	v4 =	vadd.s32 v0, v7  }
0x8e: {  	v5 =	vadd.s32 v0, v8;
	[tilespmem:$0x70] =	vst v4  }
0x8f: {  	[tilespmem:$0x0] =	vst v5;
	v3 =	vadd.s32 v0, v3  }
0x90: {  	[tilespmem:$0x60] =	vst v3  }
.Ltmp1:
0x91: {  	[tilespmem:$0x50] =	vst v2;
	(pc) =	sbr.rel @p1 .LBB2_4-.Ltmp1, $4  }
0x92: {  	[tilespmem:s20], [sflag:$0x1] =	stream.indirect.gather [hbm4b:s4+s22], $0x80, s3, s22, $0xb8;
	[tilespmem:$0x1C200] =	vst v63  }
0x93: {  	_ =	swait.ge [sflag:s26], $0x80  }
0x94: {  	[sflag:s26] =	ssyncset.done $0x0  }
0x95: {  	[sflag:s26] =	ssyncadd.s32 $0xFFFFFF80  }
0x96: {  	v2 =	vld [tilespmem:$0x170]  }
0x97: {  	v3 =	vld [tilespmem:$0x160]  }
0x98: {  	v4 =	vld [tilespmem:$0x150]  }
0x99: {  	v6 =	vld [tilespmem:$0x130]  }
0x9a: {  	v8 =	vld [tilespmem:$0x110]  }
0x9b: {  	v5 =	vld [tilespmem:$0x140];
	v2 =	vadd.s32 v0, v2  }
0x9c: {  	v7 =	vld [tilespmem:$0x120];
	v3 =	vadd.s32 v0, v3;
	[tilespmem:$0x170] =	vst v2  }
0x9d: {  	v4 =	vadd.s32 v0, v4;
	v2 =	vld [tilespmem:$0x100];
	[tilespmem:$0x160] =	vst v3  }
0x9e: {  	v62 =	vadd.s32 v0, v6;
	[tilespmem:$0x150] =	vst v4  }
0x9f: {  	v63 =	vadd.s32 v0, v8;
	[tilespmem:$0x130] =	vst v62  }
0xa0: {  	v3 =	vadd.s32 v0, v5;
	[tilespmem:$0x110] =	vst v63  }
0xa1: {  	[tilespmem:$0x140] =	vst v3;
	v3 =	vadd.s32 v0, v7  }
0xa2: {  	[tilespmem:$0x120] =	vst v3;
	v2 =	vadd.s32 v0, v2  }
0xa3: {  	[tilespmem:$0x100] =	vst v2  }
0xa4: {  	_ =	swait.ge [sflag:s28], $0x4000  }
0xa5: {  	[sflag:s28] =	ssyncset.done $0x0  }
0xa6: {  	[sflag:s28] =	ssyncadd.s32 $0xFFFFC000  }
0xa7: {  	[tilespmem:s29], [sflag:$0x2] =	stream.indirect.gather [hbm4b:s4+s22], $0x80, s23, s22, $0xb8;
	[tilespmem:$0x1C200] =	vst v63  }
0xa8: {  	_ =	swait.ge [sflag:s30], $0x80  }
0xa9: {  	[sflag:s30] =	ssyncset.done $0x0  }
0xaa: {  	[sflag:s30] =	ssyncadd.s32 $0xFFFFFF80  }
0xab: {  	[spmem:s2] =	stream.indirect.scatter.add.f32 [tilespmem:s20], [sflag:$0x7], $0x80, s22, s22, $0xb8;
	[tilespmem:$0x1C200] =	vst v63  }
0xac: {  	_ =	swait.ge [sflag:s21], $0x4000  }
0xad: {  	[sflag:s21] =	ssyncset.done $0x0  }
0xae: {  	[sflag:s21] =	ssyncadd.s32 $0xFFFFC000  }
0xaf: {  	_ =	swait.ge [sflag:s31], $0x4000  }
0xb0: {  	[sflag:s31] =	ssyncset.done $0x0  }
0xb1: {  	[sflag:s31] =	ssyncadd.s32 $0xFFFFC000  }
0xb2: {  	_ =	swait.ge [sflag:s0], $0x80  }
0xb3: {  	[sflag:s0] =	ssyncset.done $0x0  }
0xb4: {  	[sflag:s0] =	ssyncadd.s32 $0xFFFFFF80  }
0xb5: {  	[spmem:s2] =	stream.indirect.scatter.add.f32 [tilespmem:s29], [sflag:$0x7], $0x80, s24, s22, $0xb8;
	[tilespmem:$0x1C200] =	vst v63  }
0xb6: {  	_ =	swait.ge [sflag:s21], $0x4000  }
0xb7: {  	[sflag:s21] =	ssyncset.done $0x0  }
0xb8: {  	s10 =	simm.s32 @!p0 $0x0;
	s11 =	rddreg [dreg:$0x3];
	[sflag:s21] =	ssyncadd.s32 $0xFFFFC000  }
0xb9: {  	[tilespmem:s10], [sflag:$0x3] =	stream.linear.gather @!p0 [hbm4b:s11+s10], $0x80, $0x38;
	[tilespmem:$0x1C200] =	vst v63  }
0xba: {  	s12 =	rddreg [dreg:$0x4];
	s11 =	simm.s32 @!p0 $0x80  }
0xbb: {  	[tilespmem:s11], [sflag:$0x4] =	stream.linear.gather @!p0 [hbm4b:s12+s10], $0x80, $0x38;
	[tilespmem:$0x1C200] =	vst v63  }
0xbc: {  	s12 =	simm.s32 @!p0 $0x3  }
0xbd: {  	_ =	swait.ge @!p0 [sflag:s12], $0x80  }
0xbe: {  	[sflag:s12] =	ssyncset.done @!p0 $0x0  }
0xbf: {  	[sflag:s12] =	ssyncadd.s32 @!p0 $0xFFFFFF80;
	s12 =	simm.s32 @!p0 $0x4  }
0xc0: {  	_ =	swait.ge @!p0 [sflag:s12], $0x80  }
0xc1: {  	[sflag:s12] =	ssyncset.done @!p0 $0x0  }
0xc2: {  	[sflag:s12] =	ssyncadd.s32 @!p0 $0xFFFFFF80  }
0xc3: {  	v2 =	vld @!p0 [tilespmem:$0x0]  }
0xc4: {  	v3 =	vld @!p0 [tilespmem:$0x10]  }
0xc5: {  	v4 =	vld @!p0 [tilespmem:$0x20]  }
0xc6: {  	v5 =	vld @!p0 [tilespmem:$0x30]  }
0xc7: {  	v6 =	vld @!p0 [tilespmem:$0x40]  }
0xc8: {  	v7 =	vld @!p0 [tilespmem:$0x50];
	v2 =	vadd.s32 @!p0 v0, v2  }
0xc9: {  	[tilespmem:$0x0] =	vst @!p0 v2;
	v2 =	vadd.s32 @!p0 v0, v3;
	v3 =	vld @!p0 [tilespmem:$0x60]  }
0xca: {  	[tilespmem:$0x10] =	vst @!p0 v2;
	v2 =	vadd.s32 @!p0 v0, v4;
	v4 =	vld @!p0 [tilespmem:$0x70]  }
0xcb: {  	[tilespmem:$0x20] =	vst @!p0 v2;
	v2 =	vadd.s32 @!p0 v0, v5  }
0xcc: {  	[tilespmem:$0x30] =	vst @!p0 v2;
	v2 =	vadd.s32 @!p0 v0, v6  }
0xcd: {  	[tilespmem:$0x40] =	vst @!p0 v2;
	v2 =	vadd.s32 @!p0 v0, v7  }
0xce: {  	[tilespmem:$0x50] =	vst @!p0 v2;
	v2 =	vadd.s32 @!p0 v0, v3  }
0xcf: {  	[tilespmem:$0x60] =	vst @!p0 v2;
	v2 =	vadd.s32 @!p0 v0, v4  }
0xd0: {  	s12 =	simm.s32 @!p0 $0x200;
	[tilespmem:$0x70] =	vst @!p0 v2  }
0xd1: {  	[tilespmem:s12], [sflag:$0x1] =	stream.indirect.gather @!p0 [hbm4b:s4+s11], $0x80, s10, s11, $0xb8;
	[tilespmem:$0x1C200] =	vst v63  }
0xd2: {  	s10 =	simm.s32 @!p0 $0x1  }
0xd3: {  	_ =	swait.ge @!p0 [sflag:s10], $0x4000  }
0xd4: {  	[sflag:s10] =	ssyncset.done @!p0 $0x0  }
0xd5: {  	[sflag:s10] =	ssyncadd.s32 @!p0 $0xFFFFC000;
	s10 =	simm.s32 @!p0 $0x7  }
0xd6: {  	[spmem:s2] =	stream.indirect.scatter.add.f32 @!p0 [tilespmem:s12], [sflag:$0x7], $0x80, s11, s11, $0xb8;
	[tilespmem:$0x1C200] =	vst v63  }
0xd7: {  	_ =	swait.ge @!p0 [sflag:s10], $0x4000  }
0xd8: {  	[sflag:s10] =	ssyncset.done @!p0 $0x0  }
0xd9: {  	s11 =	stileid.u32;
	[sflag:s10] =	ssyncadd.s32 @!p0 $0xFFFFC000  }
0xda: {  	s10 =	sshll.u32 s11, $0x6;
	[bflag:$0x0] =	sbarrier.arrive $0xFFFF  }
0xdb: {  	s11 =	sshrl.u32 s5, $0x3;
	s10 =	sor.u32 $0x1C07, s10;
	s12 =	rddreg [dreg:$0x5]  }
0xdc: {  	[hbm:s12], [sflag:s10] =	dma.local [spmem:s11], $0x800  }
0xdd: {  	_ =	swait.ge [sflag:s21], $0x800  }
0xde: {  	[sflag:s21] =	ssyncset.done $0x0  }
0xdf: {  	s12 =	sshrl.u32 s6, $0x3;
	[sflag:s21] =	ssyncadd.s32 $0xFFFFF800  }
0xe0: {  	[hbm:s13], [sflag:s10] =	dma.local [spmem:s12], $0x800  }
0xe1: {  	_ =	swait.ge [sflag:s21], $0x800  }
0xe2: {  	[sflag:s21] =	ssyncset.done $0x0  }
0xe3: {  	s12 =	sshrl.u32 s7, $0x3;
	[sflag:s21] =	ssyncadd.s32 $0xFFFFF800  }
0xe4: {  	[hbm:s14], [sflag:s10] =	dma.local [spmem:s12], $0x800  }
0xe5: {  	_ =	swait.ge [sflag:s21], $0x800  }
0xe6: {  	[sflag:s21] =	ssyncset.done $0x0  }
0xe7: {  	s12 =	sshrl.u32 s8, $0x3;
	[sflag:s21] =	ssyncadd.s32 $0xFFFFF800  }
0xe8: {  	[hbm:s15], [sflag:s10] =	dma.local [spmem:s12], $0x800  }
0xe9: {  	s1 =	sadd.s32 $0x1, s1;
	_ =	swait.ge [sflag:s21], $0x800  }
0xea: {  	p1 =	sne.s32 s1, s17;
	[sflag:s21] =	ssyncset.done $0x0  }
.Ltmp2:
0xeb: {  	s12 =	sshrl.u32 s9, $0x3;
	[sflag:s21] =	ssyncadd.s32 $0xFFFFF800;
	(pc) =	sbr.rel @p1 .LBB2_1-.Ltmp2, $4  }
0xec: {  	[hbm:s16], [sflag:s10] =	dma.local [spmem:s12], $0x800  }
0xed: {  	_ =	swait.ge [sflag:s21], $0x800  }
0xee: {  	[sflag:s21] =	ssyncset.done $0x0  }
0xef: {  	[sflag:s21] =	ssyncadd.s32 $0xFFFFF800  }
0xf0: {  	_ =	sfence.sel $0x180000  }
0xf1: {  	[bflag:$0x0] =	sbarrier.arrive $0xFFFF  }
0xf2: {  	_ =	strace $0x9000004D  }
0xf3: {  	s0 =	stileid.u32;
	[bflag:$0x2] =	sbarrier.arrive $0xFFFF  }
0xf4: {  	p0 =	sne.s32 s0, $0x0;
	s0 =	rddreg [dreg:$0x2]  }
0xf5: {  	s0 =	sadd.s32 @!p0 $0x100000, s0  }
0xf6: {  	[sflag:s0] =	ssyncadd.tile.s32 @!p0 $0x1;
	_ =	shalt  }
.Lfunc_end2:
_tile_overlayer_lowered:
.L_overlay_start_2:
0xf7: {  	(tag) =	ssettag $0x2  }
0xf8: {  	s0 =	rddreg [dreg:$0x0];
	s2 =	stileid.u32  }
0xf9: {  	s1 =	rddreg [dreg:$0x1];
	p0 =	sne.s32 s2, $0x0  }
0xfa: {  	s3 =	rddreg [dreg:$0x2];
	[bflag:$0x3] =	sbarrier.arrive $0xFFFF;
	s2 =	simm.s32 @!p0 $0x1C07  }
0xfb: {  	[timem:s3], [sflag:s2] =	dma.local @!p0 [hbm:s0], s1  }
0xfc: {  	s0 =	simm.s32 @!p0 $0x7  }
0xfd: {  	_ =	swait.ge @!p0 [sflag:s0], s1  }
0xfe: {  	s1 =	ssub.s32 @!p0 $0x0, s1;
	[sflag:s0] =	ssyncset.done @!p0 $0x0  }
0xff: {  	[sflag:s0] =	ssyncadd.s32 @!p0 s1  }
0x100: {  	[bflag:$0x3] =	sbarrier.arrive $0xFFFF  }
0x101: {  	_ =	shalt  }

// kernel: kernel.19.cloned.1.call-start
scs
__scs_entry_jumppad:
0x0: {  	(pc) =	sbr.rel $0x88, $3  }
0x1: {  	(tag) =	ssettag $0x0;
	lr =	simm.s32 $0x1  }
0x2: {  	[smem:$0x3F8F] =	sst lr;
	_ =	strace $0xD0000000  }
0x3: {  	_ = 	snop  }
0x4: {  	_ = 	snop  }
0x5: {  	_ = 	snop  }
0x6: {  	_ = 	snop  }
0x7: {  	_ = 	snop  }
__scs_overlays_trampoline_lowered:
0x8: {  	[smem:$0x3F9E] =	sst s0  }
0x9: {  	[smem:$0x3F9F] =	sst s1  }
0xa: {  	[smem:$0x3FA0] =	sst s2  }
0xb: {  	[smem:$0x3FA1] =	sst s3  }
0xc: {  	[smem:$0x3FA2] =	sst s4  }
0xd: {  	[smem:$0x3FA3] =	sst s5  }
0xe: {  	[smem:$0x3FA4] =	sst s6  }
0xf: {  	[smem:$0x3FA5] =	sst s7  }
0x10: {  	[smem:$0x3FA6] =	sst s8  }
0x11: {  	[smem:$0x3FA7] =	sst s9;
	s0 =	simm.s32 @!p0 $0x0  }
0x12: {  	s1 =	sld [smem:$0x3F8D];
	s0 =	simm.s32 @p0 $0x1  }
0x13: {  	[smem:$0x3FA8] =	sst s0;
	s0 =	simm.s32 @!p1 $0x0  }
0x14: {  	s2 =	sld [smem:$0x3F8C];
	s0 =	simm.s32 @p1 $0x1  }
0x15: {  	[smem:$0x3FA9] =	sst s0;
	s0 =	simm.s32 @!p2 $0x0  }
0x16: {  	s3 =	sld [smem:$0x3FDB];
	s0 =	simm.s32 @p2 $0x1  }
0x17: {  	s4 =	simm.s32 $0x1BF5;
	[smem:$0x3FAB] =	sst s0  }
0x18: {  	s0 =	sld [smem:$0x3F8E];
	_ =	swait.ge [sflag:s4], $0x0  }
0x19: {  	s7 =	sld [smem:$0x3F8F]  }
0x1a: {  	s8 =	sadd.s32 $0xFFFFE003, lr  }
0x1b: {  	s9 =	sadd.s32 $0xFFFFFEF7, lr;
	s5 =	simm.s32 $0xFFFFFFFF;
	p2 =	slt.u32 s8, $0xFFFFF086  }
0x1c: {  	p1 =	slt.u32 s9, $0xF7A;
	s5 =	simm.s32 @!p2 $0x0  }
0x1d: {  	s5 =	simm.s32 @p1 $0x1;
	p0 =	seq.s32 s7, s2  }
0x1e: {  	s7 =	smul.u32 @!p0 $0xF7A, s2;
	p2 =	seq.s32 @!p0 s5, $0x0  }
0x1f: {  	s9 =	smul.u32 $0xF7A, s1;
	s8 =	simm.s32 @!p0 $0x1BF5;
	p2 =	por !p2, p0  }
0x20: {  	[sflag:s8] =	ssyncset.s32 @!p0 $0xFFFFF086;
	s6 =	sadd.s32 @!p0 s3, s7;
	s7 =	simm.s32 @!p0 $0x108  }
0x21: {  	s3 =	sadd.s32 s3, s9;
	s6 =	sadd.s32 @!p0 $0x88, s6;
	s7 =	simm.s32 @p2 $0x1082  }
0x22: {  	[simem:s7], [sflag:s8] =	dma.local @!p0 [hbm:s6], $0xF7A  }
0x23: {  	s9 =	sor.u32 $0xD0000000, s2;
	s6 =	simm.s32 $0x108;
	_ =	swait.ge @!p0 [sflag:s8], $0x0  }
0x24: {  	s3 =	sadd.s32 $0x88, s3;
	s6 =	simm.s32 @!p1 $0x1082;
	[sflag:s4] =	ssyncset.s32 $0xFFFFF086  }
0x25: {  	[simem:s6], [sflag:s4] =	dma.local [hbm:s3], $0xF7A  }
0x26: {  	[smem:$0x3F8F] =	sst s1;
	(tag) =	ssettag s2;
	_ =	strace s9  }
0x27: {  	s1 =	sld [smem:$0x3F9F]  }
0x28: {  	s2 =	sld [smem:$0x3FA0]  }
0x29: {  	s4 =	sld [smem:$0x3FA2]  }
0x2a: {  	p0 =	seq.s32 s5, $0x0;
	s5 =	sld [smem:$0x3FA3]  }
0x2b: {  	s6 =	sld [smem:$0x3FA4]  }
0x2c: {  	s7 =	sld [smem:$0x3FA5]  }
0x2d: {  	s3 =	simm.s32 $0x108;
	s8 =	sld [smem:$0x3FA6]  }
0x2e: {  	s3 =	simm.s32 @!p0 $0x1082;
	s9 =	sld [smem:$0x3FA7]  }
0x2f: {  	lr =	sadd.s32 s0, s3;
	s0 =	sld [smem:$0x3F9E]  }
0x30: {  	s3 =	sld [smem:$0x3FA1]  }
0x31: {  	[smem:$0x3FAA] =	sst s10  }
0x32: {  	s10 =	sld [smem:$0x3FA8];
	_ =	sdelay $0x3  }
0x33: {  	p0 =	seq.s32 s10, $0x1;
	s10 =	sld [smem:$0x3FAA];
	_ =	sdelay $0x3  }
0x34: {  	[smem:$0x3FAA] =	sst s10  }
0x35: {  	s10 =	sld [smem:$0x3FA9];
	_ =	sdelay $0x3  }
0x36: {  	p1 =	seq.s32 s10, $0x1;
	s10 =	sld [smem:$0x3FAA];
	_ =	sdelay $0x3  }
0x37: {  	[smem:$0x3FAA] =	sst s10  }
0x38: {  	s10 =	sld [smem:$0x3FAB]  }
0x39: {  	_ = 	snop;
	(pc) =	sbr.ind lr, $3  }
0x3a: {  	_ = 	snop  }
0x3b: {  	_ = 	snop  }
0x3c: {  	p2 =	seq.s32 s10, $0x1;
	s10 =	sld [smem:$0x3FAA]  }
0x3d: {  	_ =	shalt  }
0x3e: {  	_ =	shalt  }
0x3f: {  	_ =	shalt  }
0x40: {  	_ =	shalt  }
0x41: {  	_ =	shalt  }
0x42: {  	_ =	shalt  }
0x43: {  	_ =	shalt  }
0x44: {  	_ =	shalt  }
0x45: {  	_ =	shalt  }
0x46: {  	_ =	shalt  }
0x47: {  	_ =	shalt  }
0x48: {  	_ =	shalt  }
0x49: {  	_ =	shalt  }
0x4a: {  	_ =	shalt  }
0x4b: {  	_ =	shalt  }
0x4c: {  	_ =	shalt  }
0x4d: {  	_ =	shalt  }
0x4e: {  	_ =	shalt  }
0x4f: {  	_ =	shalt  }
0x50: {  	_ =	shalt  }
0x51: {  	_ =	shalt  }
0x52: {  	_ =	shalt  }
0x53: {  	_ =	shalt  }
0x54: {  	_ =	shalt  }
0x55: {  	_ =	shalt  }
0x56: {  	_ =	shalt  }
0x57: {  	_ =	shalt  }
0x58: {  	_ =	shalt  }
0x59: {  	_ =	shalt  }
0x5a: {  	_ =	shalt  }
0x5b: {  	_ =	shalt  }
0x5c: {  	_ =	shalt  }
0x5d: {  	_ =	shalt  }
0x5e: {  	_ =	shalt  }
0x5f: {  	_ =	shalt  }
0x60: {  	_ =	shalt  }
0x61: {  	_ =	shalt  }
0x62: {  	_ =	shalt  }
0x63: {  	_ =	shalt  }
0x64: {  	_ =	shalt  }
0x65: {  	_ =	shalt  }
0x66: {  	_ =	shalt  }
0x67: {  	_ =	shalt  }
0x68: {  	_ =	shalt  }
0x69: {  	_ =	shalt  }
0x6a: {  	_ =	shalt  }
0x6b: {  	_ =	shalt  }
0x6c: {  	_ =	shalt  }
0x6d: {  	_ =	shalt  }
0x6e: {  	_ =	shalt  }
0x6f: {  	_ =	shalt  }
0x70: {  	_ =	shalt  }
0x71: {  	_ =	shalt  }
0x72: {  	_ =	shalt  }
0x73: {  	_ =	shalt  }
0x74: {  	_ =	shalt  }
0x75: {  	_ =	shalt  }
0x76: {  	_ =	shalt  }
0x77: {  	_ =	shalt  }
0x78: {  	_ =	shalt  }
0x79: {  	_ =	shalt  }
0x7a: {  	_ =	shalt  }
0x7b: {  	_ =	shalt  }
0x7c: {  	_ =	shalt  }
0x7d: {  	_ =	shalt  }
0x7e: {  	_ =	shalt  }
0x7f: {  	_ =	shalt  }
0x80: {  	_ =	shalt  }
0x81: {  	_ =	shalt  }
0x82: {  	_ =	shalt  }
0x83: {  	_ =	shalt  }
0x84: {  	_ =	shalt  }
0x85: {  	_ =	shalt  }
0x86: {  	_ =	shalt  }
0x87: {  	_ =	shalt  }
.Lfunc_end0:
.L_simem_size_0:
called_computation.3_lowered:
.L_overlay_start_0:
0x88: {  	s2 =	sld [smem:$0x3FD9]  }
0x89: {  	s3 =	sld [smem:$0x3FFE];
	_ =	sdelay $0x1  }
0x8a: {  	s1 =	srdreg.scid  }
0x8b: {  	s0 =	sand.u32 $0x1, s1  }
0x8c: {  	s16 =	sshll.u32 s0, $0xA;
	s2 =	sadd.s32 s3, s2  }
0x8d: {  	s2 =	sadd.s32 s2, s16  }
0x8e: {  	[smem:$0x3FB6] =	sst s2  }
0x8f: {  	_ = 	snop  }
0x90: {  	(tm) =	ssettm $0x1  }
0x91: {  	s17 =	sld [smem:$0x3FFB];
	_ =	sdelay $0x3  }
0x92: {  	_ =	strace s17  }
0x93: {  	s2 =	sld [smem:$0x3FFC];
	_ =	sdelay $0x3  }
0x94: {  	_ =	strace s2  }
0x95: {  	s2 =	sld [smem:$0x3FFD];
	_ =	sdelay $0x3  }
0x96: {  	_ =	strace s2  }
0x97: {  	_ =	strace $0x8FFFFFFF  }
0x98: {  	s18 =	sld [smem:$0x3FDB];
	_ =	sdelay $0x1  }
0x99: {  	s19 =	simm.s32 $_scs_section_size  }
0x9a: {  	s4 =	simm.s32 $_size__tile_overlayer_lowered;
	s5 =	simm.s32 $_tile_overlayer_lowered  }
0x9b: {  	s22 =	simm.s32 $0x1BFF;
	s21 =	sshll.u32 s5, $0x1;
	s2 =	sadd.s32 s19, s18  }
0x9c: {  	s6 =	simm.s32 $0x0;
	s20 =	sshll.u32 s4, $0x1;
	s4 =	sadd.s32 s21, s2  }
0x9d: {  	[timem:s6], [sflag:s22] =	dma.local [hbm:s4], s20  }
0x9e: {  	_ =	swait.ge [sflag:s22], s20  }
0x9f: {  	s3 =	ssub.s32 $0x0, s20;
	[sflag:s22] =	ssyncset.done $0x0  }
0xa0: {  	[sflag:s22] =	ssyncadd.s32 s3;
	_ =	sdelay $0x1  }
0xa1: {  	s23 =	simm.s32 $0x1B8B  }
0xa2: {  	_ =	swait.ge [sflag:s23], $0x1  }
0xa3: {  	[sflag:s23] =	ssyncset.done $0x0  }
0xa4: {  	s25 =	simm.s32 $0x1B8E;
	s24 =	sld [smem:$0x3FFE];
	[sflag:s23] =	ssyncadd.s32 $0xFFFFFFFF  }
0xa5: {  	s26 =	simm.s32 $execute0_lowered;
	[smem:$0x3FD2] =	sst s25  }
0xa6: {  	s4 =	sshll.u32 s26, $0x1;
	_ =	strace $0x8000004F;
	[dreg:$0x1] =	wrdreg $0xFFFFFFFF  }
0xa7: {  	s28 =	simm.s32 $_size_execute0_lowered;
	s2 =	sadd.s32 s2, s4;
	[dreg:$0x0] =	wrdreg $0x0  }
0xa8: {  	s4 =	sshll.u32 s28, $0x1;
	[dreg:$0x2] =	wrdreg s2  }
0xa9: {  	[dreg:$0x3] =	wrdreg s4  }
0xaa: {  	[dreg:$0x4] =	wrdreg $0xC0  }
0xab: {  	_ =	task [dreg:s6], $0x5FFFF  }
0xac: {  	[dreg:$0x1] =	wrdreg $0xFFFFFFFF  }
0xad: {  	[dreg:$0x0] =	wrdreg $0x60  }
0xae: {  	[dreg:$0x2] =	wrdreg s24  }
0xaf: {  	[dreg:$0x3] =	wrdreg $0x82000  }
0xb0: {  	[dreg:$0x4] =	wrdreg $0x9  }
0xb1: {  	_ =	task.clear_ibuf [dreg:s6], $0x5FFFF;
	_ =	strace $0x9000004F  }
0xb2: {  	s29 =	simm.s32 $0x9;
	_ =	strace $0x80000051  }
0xb3: {  	_ =	swait.ge [sflag:s29], $0x1  }
0xb4: {  	[sflag:s29] =	ssyncadd.s32 $0xFFFFFFFF  }
0xb5: {  	_ =	strace $0x90000051  }
0xb6: {  	_ =	sfence  }
0xb7: {  	s30 =	sld [smem:$0x0];
	_ =	sdelay $0x2  }
0xb8: {  	s31 =	sshll.u32 s1, $0xD;
	s1 =	sshrl.u32 s1, $0x2  }
0xb9: {  	s3 =	sand.u32 $0x4000, s31;
	s1 =	sadd.s32 s1, s30  }
0xba: {  	s0 =	sor.u32 s3, s0;
	s1 =	sshll.u32 s1, $0x11  }
0xbb: {  	s0 =	sor.u32 s1, s0  }
0xbc: {  	s0 =	sadd.s32 $0x8F2B, s0  }
0xbd: {  	[sflag:s0] =	ssyncadd.remote.s32 $0x1  }
0xbe: {  	_ =	sfence.sel $0xFFFF  }
0xbf: {  	[dreg:$0x0] =	wrdreg $0xFFFFFFFF;
	(pc) =	sbr.abs _section_cstart, $3  }
0xc0: {  	[dreg:$0x1] =	wrdreg $0xFFFFFFFF  }
0xc1: {  	_ =	task.clear_ibuf [dreg:s6], $0x2FFFF;
	_ =	strace $0x9FFFFFFF  }
0xc2: {  	(tm) =	ssettm $0x7FFFFFFF  }
0xc3: {  	_ =	shalt  }
tec
execute0_lowered:
.L_overlay_start_1:
0x0: {  	(tag) =	ssettag $0x1  }
0x1: {  	s0 =	rddreg [dreg:$0x0]  }
0x2: {  	s2 =	rddreg [dreg:$0x1];
	s3 =	simm.s32 $0x0;
	s1 =	srdreg.scid  }
0x3: {  	s25 =	stileid.u32;
	s21 =	simm.s32 $0x7;
	s22 =	simm.s32 $0x80  }
0x4: {  	s23 =	simm.s32 $0x100;
	s24 =	simm.s32 $0x180;
	s28 =	simm.s32 $0x1  }
0x5: {  	s29 =	simm.s32 $0x4200;
	s30 =	simm.s32 $0x4;
	s31 =	simm.s32 $0x2  }
0x6: {  	[smem:$0x7FF] =	sst s3;
	s1 =	sand.u32 $0x1, s1;
	s5 =	smul.u32 $0x280, s25  }
0x7: {  	s4 =	sadd.s32 $0xD200, s0;
	s11 =	sadd.s32 $0x8200, s0;
	s6 =	smul.u32 $0x50000, s25  }
0x8: {  	s19 =	sadd.s32 $0x3200, s0;
	s20 =	sshll.u32 s25, $0x4;
	p0 =	sgt.u32 s25, $0x1  }
0x9: {  	s25 =	simm.s32 $0x3;
	_ =	strace $0x80000050;
	s10 =	smul.u32 $0x2800, s1  }
0xa: {  	s1 =	ssub.s32 $0x2, s1;
	s12 =	sor.u32 $0x4E00, s20;
	s18 =	sadd.s32 s20, s11  }
0xb: {  	s7 =	sshrl.u32 s1, $0x1;
	s6 =	sshrl.u32 s6, $0x2;
	s13 =	sadd.s32 s11, s12  }
0xc: {  	s12 =	sadd.s32 s19, s12;
	s19 =	sadd.s32 s20, s19;
	s20 =	simm.s32 $0x200  }
0xd: {  	s5 =	sadd.s32 s5, s10;
	s1 =	ssub.s32 s1, s7;
	[dreg:$0x3] =	wrdreg s13  }
0xe: {  	[dreg:$0x4] =	wrdreg s12;
	s5 =	sshll.u32 s5, $0x4;
	s17 =	smax.u32 s1, $0x1  }
0xf: {  	s1 =	simm.s32 $0x0;
	s0 =	sadd.s32 s5, s0;
	s5 =	sadd.s32 s6, s2  }
0x10: {  	s6 =	sadd.s32 $0x4000, s5;
	s7 =	sadd.s32 $0x8000, s5;
	s8 =	sadd.s32 $0xC000, s5  }
0x11: {  	s9 =	sadd.s32 $0x10000, s5;
	s26 =	sadd.s32 $0x5D200, s0;
	s13 =	sadd.s32 $0x5DA00, s0  }
0x12: {  	s14 =	sadd.s32 $0x5E200, s0;
	s15 =	sadd.s32 $0x5EA00, s0;
	s16 =	sadd.s32 $0x5F200, s0  }
0x13: {  	v1 =	vimm.f32 $0.0e+00;
	v0 =	vmov s10;
	s0 =	simm.s32 $0x6;
	[dreg:$0x5] =	wrdreg s26;
	s26 =	simm.s32 $0x5  }
.LBB2_1:
0x14: {  	s10 =	simm.s32 $0x0;
	s11 =	simm.s32 $0x200  }
.LBB2_2:
0x15: {  	p1 =	sne.s32 s11, $0xFE00;
	[tilespmem:s10+$0x270] =	vst v1  }
0x16: {  	[tilespmem:s10+$0x200] =	vst v1  }
0x17: {  	[tilespmem:s10+$0x210] =	vst v1  }
.Ltmp0:
0x18: {  	[tilespmem:s10+$0x220] =	vst v1;
	(pc) =	sbr.rel @p1 .LBB2_2-.Ltmp0, $4  }
0x19: {  	[tilespmem:s10+$0x230] =	vst v1  }
0x1a: {  	[tilespmem:s10+$0x240] =	vst v1  }
0x1b: {  	[tilespmem:s10+$0x250] =	vst v1  }
0x1c: {  	[tilespmem:s10+$0x260] =	vst v1;
	s10 =	sshra.s32 s11, $0x2;
	s11 =	sadd.s32 $0x200, s11  }
0x1d: {  	[tilespmem:s10+$0x270] =	vst v1  }
0x1e: {  	[tilespmem:s10+$0x200] =	vst v1  }
0x1f: {  	[tilespmem:s10+$0x210] =	vst v1  }
0x20: {  	[tilespmem:s10+$0x220] =	vst v1  }
0x21: {  	[tilespmem:s10+$0x230] =	vst v1  }
0x22: {  	[tilespmem:s10+$0x240] =	vst v1  }
0x23: {  	[tilespmem:s10+$0x250] =	vst v1  }
0x24: {  	[tilespmem:s10+$0x260] =	vst v1  }
0x25: {  	[spmem:s5] =	stream.linear.scatter [tilespmem:s20], [sflag:$0x7], $0x4000, $0x38;
	[tilespmem:$0x1C200] =	vst v63  }
0x26: {  	_ =	swait.ge [sflag:s21], $0x4000  }
0x27: {  	[sflag:s21] =	ssyncset.done $0x0  }
0x28: {  	[sflag:s21] =	ssyncadd.s32 $0xFFFFC000  }
0x29: {  	[spmem:s6] =	stream.linear.scatter [tilespmem:s20], [sflag:$0x7], $0x4000, $0x38;
	[tilespmem:$0x1C200] =	vst v63  }
0x2a: {  	_ =	swait.ge [sflag:s21], $0x4000  }
0x2b: {  	[sflag:s21] =	ssyncset.done $0x0  }
0x2c: {  	[sflag:s21] =	ssyncadd.s32 $0xFFFFC000  }
0x2d: {  	[spmem:s7] =	stream.linear.scatter [tilespmem:s20], [sflag:$0x7], $0x4000, $0x38;
	[tilespmem:$0x1C200] =	vst v63  }
0x2e: {  	_ =	swait.ge [sflag:s21], $0x4000  }
0x2f: {  	[sflag:s21] =	ssyncset.done $0x0  }
0x30: {  	[sflag:s21] =	ssyncadd.s32 $0xFFFFC000  }
0x31: {  	[spmem:s8] =	stream.linear.scatter [tilespmem:s20], [sflag:$0x7], $0x4000, $0x38;
	[tilespmem:$0x1C200] =	vst v63  }
0x32: {  	_ =	swait.ge [sflag:s21], $0x4000  }
0x33: {  	[sflag:s21] =	ssyncset.done $0x0  }
0x34: {  	[sflag:s21] =	ssyncadd.s32 $0xFFFFC000  }
0x35: {  	[spmem:s9] =	stream.linear.scatter [tilespmem:s20], [sflag:$0x7], $0x4000, $0x38;
	[tilespmem:$0x1C200] =	vst v63  }
0x36: {  	_ =	swait.ge [sflag:s21], $0x4000  }
0x37: {  	[sflag:s21] =	ssyncset.done $0x0  }
0x38: {  	[sflag:s21] =	ssyncadd.s32 $0xFFFFC000  }
0x39: {  	s12 =	sadd.s32 $0x0, s18;
	[bflag:$0x0] =	sbarrier.arrive $0xFFFF  }
0x3a: {  	[tilespmem:s3], [sflag:$0x3] =	stream.linear.gather [hbm4b:s12+s3], $0x80, $0x38;
	[tilespmem:$0x1C200] =	vst v63  }
0x3b: {  	s11 =	sadd.s32 $0x0, s19  }
0x3c: {  	[tilespmem:s22], [sflag:$0x4] =	stream.linear.gather [hbm4b:s11+s3], $0x80, $0x38;
	[tilespmem:$0x1C200] =	vst v63  }
0x3d: {  	s10 =	sadd.s32 $0x100, s12  }
0x3e: {  	[tilespmem:s23], [sflag:$0x5] =	stream.linear.gather [hbm4b:s10+s3], $0x80, $0x38;
	[tilespmem:$0x1C200] =	vst v63  }
0x3f: {  	s12 =	sadd.s32 $0x100, s11  }
0x40: {  	[tilespmem:s24], [sflag:$0x6] =	stream.linear.gather [hbm4b:s12+s3], $0x80, $0x38;
	[tilespmem:$0x1C200] =	vst v63  }
0x41: {  	_ =	swait.ge [sflag:s25], $0x80  }
0x42: {  	[sflag:s25] =	ssyncset.done $0x0  }
0x43: {  	[sflag:s25] =	ssyncadd.s32 $0xFFFFFF80  }
0x44: {  	v2 =	vld [tilespmem:$0x30]  }
0x45: {  	v3 =	vld [tilespmem:$0x10]  }
0x46: {  	v5 =	vld [tilespmem:$0x20]  }
0x47: {  	v7 =	vld [tilespmem:$0x0]  }
0x48: {  	v4 =	vld [tilespmem:$0x40]  }
0x49: {  	v6 =	vld [tilespmem:$0x70];
	v2 =	vadd.s32 v0, v2  }
0x4a: {  	v8 =	vld [tilespmem:$0x50];
	v3 =	vadd.s32 v0, v3;
	[tilespmem:$0x30] =	vst v2  }
0x4b: {  	v62 =	vadd.s32 v0, v5;
	v2 =	vld [tilespmem:$0x60];
	[tilespmem:$0x10] =	vst v3  }
0x4c: {  	v63 =	vadd.s32 v0, v7;
	[tilespmem:$0x20] =	vst v62  }
0x4d: {  	v3 =	vadd.s32 v0, v4;
	[tilespmem:$0x0] =	vst v63  }
0x4e: {  	[tilespmem:$0x40] =	vst v3;
	v3 =	vadd.s32 v0, v6  }
0x4f: {  	[tilespmem:$0x70] =	vst v3;
	v3 =	vadd.s32 v0, v8  }
0x50: {  	[tilespmem:$0x50] =	vst v3;
	v2 =	vadd.s32 v0, v2  }
0x51: {  	[tilespmem:$0x60] =	vst v2  }
0x52: {  	[tilespmem:s20], [sflag:$0x1] =	stream.indirect.gather [hbm4b:s4+s22], $0x80, s3, s22, $0xb8;
	[tilespmem:$0x1C200] =	vst v63  }
0x53: {  	_ =	swait.ge [sflag:s26], $0x80  }
0x54: {  	[sflag:s26] =	ssyncset.done $0x0  }
0x55: {  	s10 =	simm.s32 $0x200;
	[sflag:s26] =	ssyncadd.s32 $0xFFFFFF80  }
.LBB2_4:
0x56: {  	p1 =	sne.s32 s10, $0x4C00;
	v2 =	vld [tilespmem:$0x170];
	s11 =	smov.u32 s10;
	s10 =	sadd.s32 $0x200, s10  }
0x57: {  	v3 =	vld [tilespmem:$0x160]  }
0x58: {  	v4 =	vld [tilespmem:$0x150]  }
0x59: {  	v5 =	vld [tilespmem:$0x140]  }
0x5a: {  	v6 =	vld [tilespmem:$0x130]  }
0x5b: {  	v7 =	vld [tilespmem:$0x120];
	v2 =	vadd.s32 v0, v2  }
0x5c: {  	v8 =	vld [tilespmem:$0x110];
	v3 =	vadd.s32 v0, v3;
	[tilespmem:$0x170] =	vst v2  }
0x5d: {  	v2 =	vld [tilespmem:$0x100];
	v4 =	vadd.s32 v0, v4;
	[tilespmem:$0x160] =	vst v3  }
0x5e: {  	v3 =	vadd.s32 v0, v5;
	[tilespmem:$0x150] =	vst v4  }
0x5f: {  	v4 =	vadd.s32 v0, v6;
	[tilespmem:$0x140] =	vst v3  }
0x60: {  	v3 =	vadd.s32 v0, v7;
	[tilespmem:$0x130] =	vst v4  }
0x61: {  	v4 =	vadd.s32 v0, v8;
	[tilespmem:$0x120] =	vst v3  }
0x62: {  	v2 =	vadd.s32 v0, v2;
	[tilespmem:$0x110] =	vst v4  }
0x63: {  	[tilespmem:$0x100] =	vst v2  }
0x64: {  	_ =	swait.ge [sflag:s28], $0x4000  }
0x65: {  	[sflag:s28] =	ssyncset.done $0x0  }
0x66: {  	[sflag:s28] =	ssyncadd.s32 $0xFFFFC000  }
0x67: {  	[tilespmem:s29], [sflag:$0x2] =	stream.indirect.gather [hbm4b:s4+s22], $0x80, s23, s22, $0xb8;
	[tilespmem:$0x1C200] =	vst v63  }
0x68: {  	_ =	swait.ge [sflag:s30], $0x80  }
0x69: {  	[sflag:s30] =	ssyncset.done $0x0  }
0x6a: {  	[sflag:s30] =	ssyncadd.s32 $0xFFFFFF80  }
0x6b: {  	[spmem:s2] =	stream.indirect.scatter.add.f32 [tilespmem:s20], [sflag:$0x7], $0x80, s22, s22, $0xb8;
	[tilespmem:$0x1C200] =	vst v63  }
0x6c: {  	_ =	swait.ge [sflag:s21], $0x4000  }
0x6d: {  	[sflag:s21] =	ssyncset.done $0x0  }
0x6e: {  	[sflag:s21] =	ssyncadd.s32 $0xFFFFC000  }
0x6f: {  	_ =	swait.ge [sflag:s31], $0x4000  }
0x70: {  	[sflag:s31] =	ssyncset.done $0x0  }
0x71: {  	[sflag:s31] =	ssyncadd.s32 $0xFFFFC000  }
0x72: {  	_ =	swait.ge [sflag:s0], $0x80  }
0x73: {  	[sflag:s0] =	ssyncset.done $0x0  }
0x74: {  	[sflag:s0] =	ssyncadd.s32 $0xFFFFFF80  }
0x75: {  	[spmem:s2] =	stream.indirect.scatter.add.f32 [tilespmem:s29], [sflag:$0x7], $0x80, s24, s22, $0xb8;
	[tilespmem:$0x1C200] =	vst v63  }
0x76: {  	_ =	swait.ge [sflag:s21], $0x4000  }
0x77: {  	[sflag:s21] =	ssyncset.done $0x0  }
0x78: {  	s12 =	sadd.s32 s11, s18;
	[sflag:s21] =	ssyncadd.s32 $0xFFFFC000  }
0x79: {  	[tilespmem:s3], [sflag:$0x3] =	stream.linear.gather [hbm4b:s12+s3], $0x80, $0x38;
	[tilespmem:$0x1C200] =	vst v63  }
0x7a: {  	s11 =	sadd.s32 s11, s19  }
0x7b: {  	[tilespmem:s22], [sflag:$0x4] =	stream.linear.gather [hbm4b:s11+s3], $0x80, $0x38;
	[tilespmem:$0x1C200] =	vst v63  }
0x7c: {  	s12 =	sadd.s32 $0x100, s12  }
0x7d: {  	[tilespmem:s23], [sflag:$0x5] =	stream.linear.gather [hbm4b:s12+s3], $0x80, $0x38;
	[tilespmem:$0x1C200] =	vst v63  }
0x7e: {  	s11 =	sadd.s32 $0x100, s11  }
0x7f: {  	[tilespmem:s24], [sflag:$0x6] =	stream.linear.gather [hbm4b:s11+s3], $0x80, $0x38;
	[tilespmem:$0x1C200] =	vst v63  }
0x80: {  	_ =	swait.ge [sflag:s25], $0x80  }
0x81: {  	[sflag:s25] =	ssyncset.done $0x0  }
0x82: {  	[sflag:s25] =	ssyncadd.s32 $0xFFFFFF80  }
0x83: {  	v2 =	vld [tilespmem:$0x50]  }
0x84: {  	v3 =	vld [tilespmem:$0x30]  }
0x85: {  	v4 =	vld [tilespmem:$0x10]  }
0x86: {  	v5 =	vld [tilespmem:$0x40]  }
0x87: {  	v6 =	vld [tilespmem:$0x20]  }
0x88: {  	v7 =	vld [tilespmem:$0x70]  }
0x89: {  	v8 =	vld [tilespmem:$0x0];
	v3 =	vadd.s32 v0, v3  }
0x8a: {  	v4 =	vadd.s32 v0, v4;
	[tilespmem:$0x30] =	vst v3;
	v3 =	vld [tilespmem:$0x60]  }
0x8b: {  	v2 =	vadd.s32 v0, v2;
	[tilespmem:$0x10] =	vst v4;
	v4 =	vadd.s32 v0, v5  }
0x8c: {  	v5 =	vadd.s32 v0, v6;
	[tilespmem:$0x40] =	vst v4  }
0x8d: {  	[tilespmem:$0x20] =	vst v5;
	v4 =	vadd.s32 v0, v7  }
0x8e: {  	v5 =	vadd.s32 v0, v8;
	[tilespmem:$0x70] =	vst v4  }
0x8f: {  	[tilespmem:$0x0] =	vst v5;
	v3 =	vadd.s32 v0, v3  }
0x90: {  	[tilespmem:$0x60] =	vst v3  }
.Ltmp1:
0x91: {  	[tilespmem:$0x50] =	vst v2;
	(pc) =	sbr.rel @p1 .LBB2_4-.Ltmp1, $4  }
0x92: {  	[tilespmem:s20], [sflag:$0x1] =	stream.indirect.gather [hbm4b:s4+s22], $0x80, s3, s22, $0xb8;
	[tilespmem:$0x1C200] =	vst v63  }
0x93: {  	_ =	swait.ge [sflag:s26], $0x80  }
0x94: {  	[sflag:s26] =	ssyncset.done $0x0  }
0x95: {  	[sflag:s26] =	ssyncadd.s32 $0xFFFFFF80  }
0x96: {  	v2 =	vld [tilespmem:$0x170]  }
0x97: {  	v3 =	vld [tilespmem:$0x160]  }
0x98: {  	v4 =	vld [tilespmem:$0x150]  }
0x99: {  	v6 =	vld [tilespmem:$0x130]  }
0x9a: {  	v8 =	vld [tilespmem:$0x110]  }
0x9b: {  	v5 =	vld [tilespmem:$0x140];
	v2 =	vadd.s32 v0, v2  }
0x9c: {  	v7 =	vld [tilespmem:$0x120];
	v3 =	vadd.s32 v0, v3;
	[tilespmem:$0x170] =	vst v2  }
0x9d: {  	v4 =	vadd.s32 v0, v4;
	v2 =	vld [tilespmem:$0x100];
	[tilespmem:$0x160] =	vst v3  }
0x9e: {  	v62 =	vadd.s32 v0, v6;
	[tilespmem:$0x150] =	vst v4  }
0x9f: {  	v63 =	vadd.s32 v0, v8;
	[tilespmem:$0x130] =	vst v62  }
0xa0: {  	v3 =	vadd.s32 v0, v5;
	[tilespmem:$0x110] =	vst v63  }
0xa1: {  	[tilespmem:$0x140] =	vst v3;
	v3 =	vadd.s32 v0, v7  }
0xa2: {  	[tilespmem:$0x120] =	vst v3;
	v2 =	vadd.s32 v0, v2  }
0xa3: {  	[tilespmem:$0x100] =	vst v2  }
0xa4: {  	_ =	swait.ge [sflag:s28], $0x4000  }
0xa5: {  	[sflag:s28] =	ssyncset.done $0x0  }
0xa6: {  	[sflag:s28] =	ssyncadd.s32 $0xFFFFC000  }
0xa7: {  	[tilespmem:s29], [sflag:$0x2] =	stream.indirect.gather [hbm4b:s4+s22], $0x80, s23, s22, $0xb8;
	[tilespmem:$0x1C200] =	vst v63  }
0xa8: {  	_ =	swait.ge [sflag:s30], $0x80  }
0xa9: {  	[sflag:s30] =	ssyncset.done $0x0  }
0xaa: {  	[sflag:s30] =	ssyncadd.s32 $0xFFFFFF80  }
0xab: {  	[spmem:s2] =	stream.indirect.scatter.add.f32 [tilespmem:s20], [sflag:$0x7], $0x80, s22, s22, $0xb8;
	[tilespmem:$0x1C200] =	vst v63  }
0xac: {  	_ =	swait.ge [sflag:s21], $0x4000  }
0xad: {  	[sflag:s21] =	ssyncset.done $0x0  }
0xae: {  	[sflag:s21] =	ssyncadd.s32 $0xFFFFC000  }
0xaf: {  	_ =	swait.ge [sflag:s31], $0x4000  }
0xb0: {  	[sflag:s31] =	ssyncset.done $0x0  }
0xb1: {  	[sflag:s31] =	ssyncadd.s32 $0xFFFFC000  }
0xb2: {  	_ =	swait.ge [sflag:s0], $0x80  }
0xb3: {  	[sflag:s0] =	ssyncset.done $0x0  }
0xb4: {  	[sflag:s0] =	ssyncadd.s32 $0xFFFFFF80  }
0xb5: {  	[spmem:s2] =	stream.indirect.scatter.add.f32 [tilespmem:s29], [sflag:$0x7], $0x80, s24, s22, $0xb8;
	[tilespmem:$0x1C200] =	vst v63  }
0xb6: {  	_ =	swait.ge [sflag:s21], $0x4000  }
0xb7: {  	[sflag:s21] =	ssyncset.done $0x0  }
0xb8: {  	s10 =	simm.s32 @!p0 $0x0;
	s11 =	rddreg [dreg:$0x3];
	[sflag:s21] =	ssyncadd.s32 $0xFFFFC000  }
0xb9: {  	[tilespmem:s10], [sflag:$0x3] =	stream.linear.gather @!p0 [hbm4b:s11+s10], $0x80, $0x38;
	[tilespmem:$0x1C200] =	vst v63  }
0xba: {  	s12 =	rddreg [dreg:$0x4];
	s11 =	simm.s32 @!p0 $0x80  }
0xbb: {  	[tilespmem:s11], [sflag:$0x4] =	stream.linear.gather @!p0 [hbm4b:s12+s10], $0x80, $0x38;
	[tilespmem:$0x1C200] =	vst v63  }
0xbc: {  	s12 =	simm.s32 @!p0 $0x3  }
0xbd: {  	_ =	swait.ge @!p0 [sflag:s12], $0x80  }
0xbe: {  	[sflag:s12] =	ssyncset.done @!p0 $0x0  }
0xbf: {  	[sflag:s12] =	ssyncadd.s32 @!p0 $0xFFFFFF80;
	s12 =	simm.s32 @!p0 $0x4  }
0xc0: {  	_ =	swait.ge @!p0 [sflag:s12], $0x80  }
0xc1: {  	[sflag:s12] =	ssyncset.done @!p0 $0x0  }
0xc2: {  	[sflag:s12] =	ssyncadd.s32 @!p0 $0xFFFFFF80  }
0xc3: {  	v2 =	vld @!p0 [tilespmem:$0x0]  }
0xc4: {  	v3 =	vld @!p0 [tilespmem:$0x10]  }
0xc5: {  	v4 =	vld @!p0 [tilespmem:$0x20]  }
0xc6: {  	v5 =	vld @!p0 [tilespmem:$0x30]  }
0xc7: {  	v6 =	vld @!p0 [tilespmem:$0x40]  }
0xc8: {  	v7 =	vld @!p0 [tilespmem:$0x50];
	v2 =	vadd.s32 @!p0 v0, v2  }
0xc9: {  	[tilespmem:$0x0] =	vst @!p0 v2;
	v2 =	vadd.s32 @!p0 v0, v3;
	v3 =	vld @!p0 [tilespmem:$0x60]  }
0xca: {  	[tilespmem:$0x10] =	vst @!p0 v2;
	v2 =	vadd.s32 @!p0 v0, v4;
	v4 =	vld @!p0 [tilespmem:$0x70]  }
0xcb: {  	[tilespmem:$0x20] =	vst @!p0 v2;
	v2 =	vadd.s32 @!p0 v0, v5  }
0xcc: {  	[tilespmem:$0x30] =	vst @!p0 v2;
	v2 =	vadd.s32 @!p0 v0, v6  }
0xcd: {  	[tilespmem:$0x40] =	vst @!p0 v2;
	v2 =	vadd.s32 @!p0 v0, v7  }
0xce: {  	[tilespmem:$0x50] =	vst @!p0 v2;
	v2 =	vadd.s32 @!p0 v0, v3  }
0xcf: {  	[tilespmem:$0x60] =	vst @!p0 v2;
	v2 =	vadd.s32 @!p0 v0, v4  }
0xd0: {  	s12 =	simm.s32 @!p0 $0x200;
	[tilespmem:$0x70] =	vst @!p0 v2  }
0xd1: {  	[tilespmem:s12], [sflag:$0x1] =	stream.indirect.gather @!p0 [hbm4b:s4+s11], $0x80, s10, s11, $0xb8;
	[tilespmem:$0x1C200] =	vst v63  }
0xd2: {  	s10 =	simm.s32 @!p0 $0x1  }
0xd3: {  	_ =	swait.ge @!p0 [sflag:s10], $0x4000  }
0xd4: {  	[sflag:s10] =	ssyncset.done @!p0 $0x0  }
0xd5: {  	[sflag:s10] =	ssyncadd.s32 @!p0 $0xFFFFC000;
	s10 =	simm.s32 @!p0 $0x7  }
0xd6: {  	[spmem:s2] =	stream.indirect.scatter.add.f32 @!p0 [tilespmem:s12], [sflag:$0x7], $0x80, s11, s11, $0xb8;
	[tilespmem:$0x1C200] =	vst v63  }
0xd7: {  	_ =	swait.ge @!p0 [sflag:s10], $0x4000  }
0xd8: {  	[sflag:s10] =	ssyncset.done @!p0 $0x0  }
0xd9: {  	s11 =	stileid.u32;
	[sflag:s10] =	ssyncadd.s32 @!p0 $0xFFFFC000  }
0xda: {  	s10 =	sshll.u32 s11, $0x6;
	[bflag:$0x0] =	sbarrier.arrive $0xFFFF  }
0xdb: {  	s11 =	sshrl.u32 s5, $0x3;
	s10 =	sor.u32 $0x1C07, s10;
	s12 =	rddreg [dreg:$0x5]  }
0xdc: {  	[hbm:s12], [sflag:s10] =	dma.local [spmem:s11], $0x800  }
0xdd: {  	_ =	swait.ge [sflag:s21], $0x800  }
0xde: {  	[sflag:s21] =	ssyncset.done $0x0  }
0xdf: {  	s12 =	sshrl.u32 s6, $0x3;
	[sflag:s21] =	ssyncadd.s32 $0xFFFFF800  }
0xe0: {  	[hbm:s13], [sflag:s10] =	dma.local [spmem:s12], $0x800  }
0xe1: {  	_ =	swait.ge [sflag:s21], $0x800  }
0xe2: {  	[sflag:s21] =	ssyncset.done $0x0  }
0xe3: {  	s12 =	sshrl.u32 s7, $0x3;
	[sflag:s21] =	ssyncadd.s32 $0xFFFFF800  }
0xe4: {  	[hbm:s14], [sflag:s10] =	dma.local [spmem:s12], $0x800  }
0xe5: {  	_ =	swait.ge [sflag:s21], $0x800  }
0xe6: {  	[sflag:s21] =	ssyncset.done $0x0  }
0xe7: {  	s12 =	sshrl.u32 s8, $0x3;
	[sflag:s21] =	ssyncadd.s32 $0xFFFFF800  }
0xe8: {  	[hbm:s15], [sflag:s10] =	dma.local [spmem:s12], $0x800  }
0xe9: {  	s1 =	sadd.s32 $0x1, s1;
	_ =	swait.ge [sflag:s21], $0x800  }
0xea: {  	p1 =	sne.s32 s1, s17;
	[sflag:s21] =	ssyncset.done $0x0  }
.Ltmp2:
0xeb: {  	s12 =	sshrl.u32 s9, $0x3;
	[sflag:s21] =	ssyncadd.s32 $0xFFFFF800;
	(pc) =	sbr.rel @p1 .LBB2_1-.Ltmp2, $4  }
0xec: {  	[hbm:s16], [sflag:s10] =	dma.local [spmem:s12], $0x800  }
0xed: {  	_ =	swait.ge [sflag:s21], $0x800  }
0xee: {  	[sflag:s21] =	ssyncset.done $0x0  }
0xef: {  	[sflag:s21] =	ssyncadd.s32 $0xFFFFF800  }
0xf0: {  	_ =	sfence.sel $0x180000  }
0xf1: {  	[bflag:$0x0] =	sbarrier.arrive $0xFFFF  }
0xf2: {  	_ =	strace $0x90000050  }
0xf3: {  	s0 =	stileid.u32;
	[bflag:$0x2] =	sbarrier.arrive $0xFFFF  }
0xf4: {  	p0 =	sne.s32 s0, $0x0;
	s0 =	rddreg [dreg:$0x2]  }
0xf5: {  	s0 =	sadd.s32 @!p0 $0x100000, s0  }
0xf6: {  	[sflag:s0] =	ssyncadd.tile.s32 @!p0 $0x1;
	_ =	shalt  }
.Lfunc_end2:
_tile_overlayer_lowered:
.L_overlay_start_2:
0xf7: {  	(tag) =	ssettag $0x2  }
0xf8: {  	s0 =	rddreg [dreg:$0x0];
	s2 =	stileid.u32  }
0xf9: {  	s1 =	rddreg [dreg:$0x1];
	p0 =	sne.s32 s2, $0x0  }
0xfa: {  	s3 =	rddreg [dreg:$0x2];
	[bflag:$0x3] =	sbarrier.arrive $0xFFFF;
	s2 =	simm.s32 @!p0 $0x1C07  }
0xfb: {  	[timem:s3], [sflag:s2] =	dma.local @!p0 [hbm:s0], s1  }
0xfc: {  	s0 =	simm.s32 @!p0 $0x7  }
0xfd: {  	_ =	swait.ge @!p0 [sflag:s0], s1  }
0xfe: {  	s1 =	ssub.s32 @!p0 $0x0, s1;
	[sflag:s0] =	ssyncset.done @!p0 $0x0  }
0xff: {  	[sflag:s0] =	ssyncadd.s32 @!p0 s1  }
0x100: {  	[bflag:$0x3] =	sbarrier.arrive $0xFFFF  }
0x101: {  	_ =	shalt  }

</sc_bundles>
